<compile_context>
chip_gen: v7x
topology: tpu7x:2x2x1
jax: 0.10.2.dev20260603
libtpu: 0.0.44.dev20260713+nightly
codegen_flags: <defaults>
</compile_context>

<pallas_src>
import functools

import jax
import jax.numpy as jnp
from jax import lax
from jax.experimental import pallas as pl
from jax.experimental.pallas import tpu as pltpu
from jax.experimental.pallas import tpu_sc as plsc

VOCAB = 30522
HIDDEN = 768
BATCH = 4
SEQ = 2048
EPS = 1e-12

L = 16
NW = 32
SPW = SEQ // NW
CH = 32
NCH = SPW // CH
NJ = HIDDEN // L
NSTEP = NCH * BATCH


def _row_layernorm(rowbuf, posbuf, gbuf, bbuf, r):
    acc_s = [jnp.zeros((L,), jnp.float32) for _ in range(4)]
    acc_q = [jnp.zeros((L,), jnp.float32) for _ in range(4)]
    for j in range(NJ):
        sl = pl.ds(j * L, L)
        x = rowbuf[r, sl] + posbuf[r, sl]
        rowbuf[r, sl] = x
        acc_s[j % 4] = acc_s[j % 4] + x
        acc_q[j % 4] = acc_q[j % 4] + x * x
    s_tot = (acc_s[0] + acc_s[1]) + (acc_s[2] + acc_s[3])
    q_tot = (acc_q[0] + acc_q[1]) + (acc_q[2] + acc_q[3])
    inv_h = jnp.float32(1.0 / HIDDEN)
    mean_v = jnp.broadcast_to(jnp.sum(s_tot), (L,)) * inv_h
    ex2_v = jnp.broadcast_to(jnp.sum(q_tot), (L,)) * inv_h
    var_v = ex2_v - mean_v * mean_v + jnp.float32(EPS)
    iv = lax.bitcast_convert_type(var_v, jnp.int32)
    iv = jnp.int32(0x5F3759DF) - lax.shift_right_arithmetic(iv, jnp.int32(1))
    y = lax.bitcast_convert_type(iv, jnp.float32)
    half_v = var_v * jnp.float32(0.5)
    for _ in range(3):
        y = y * (jnp.float32(1.5) - half_v * y * y)
    a_v = y
    b_v = -(mean_v * y)
    for j in range(NJ):
        sl = pl.ds(j * L, L)
        t = rowbuf[r, sl] * a_v + b_v
        rowbuf[r, sl] = t * gbuf[sl] + bbuf[sl]


def _sc_body(ids_ref, tab_ref, pos_ref, g_ref, b_ref, out_ref,
             idxbuf, rowbuf, posbuf, gbuf, bbuf, gsem):
    w = lax.axis_index("s") * 2 + lax.axis_index("c")
    pltpu.sync_copy(ids_ref.at[w], idxbuf)
    pltpu.sync_copy(g_ref, gbuf)
    pltpu.sync_copy(b_ref, bbuf)
    for sc in range(NCH):
        s0 = w * SPW + sc * CH
        pltpu.sync_copy(pos_ref.at[pl.ds(s0, CH)], posbuf)

        def step(b, _, sc=sc, s0=s0):
            pltpu.async_copy(tab_ref.at[idxbuf.at[sc * BATCH + b]],
                             rowbuf, gsem).wait()

            def row(r, _):
                _row_layernorm(rowbuf, posbuf, gbuf, bbuf, r)
                return 0

            lax.fori_loop(0, CH, row, 0)
            pltpu.sync_copy(rowbuf, out_ref.at[b, pl.ds(s0, CH)])
            return 0

        lax.fori_loop(0, BATCH, step, 0)


@functools.partial(jax.jit, static_argnums=())
def _run(ids_arr, word_embeddings, position_embeddings, gamma, beta):
    mesh = plsc.VectorSubcoreMesh(core_axis_name="c", subcore_axis_name="s")
    f = functools.partial(
        pl.kernel,
        mesh=mesh,
        compiler_params=pltpu.CompilerParams(needs_layout_passes=False),
        out_type=jax.ShapeDtypeStruct((BATCH, SEQ, HIDDEN), jnp.float32),
        scratch_types=[
            pltpu.VMEM((NSTEP, CH), jnp.int32),
            pltpu.VMEM((CH, HIDDEN), jnp.float32),
            pltpu.VMEM((CH, HIDDEN), jnp.float32),
            pltpu.VMEM((HIDDEN,), jnp.float32),
            pltpu.VMEM((HIDDEN,), jnp.float32),
            pltpu.SemaphoreType.DMA,
        ],
    )(_sc_body)
    return f(ids_arr, word_embeddings, position_embeddings, gamma, beta)


def kernel(input_ids, word_embeddings, position_embeddings, gamma, beta):
    ids_arr = (input_ids.astype(jnp.int32)
               .reshape(BATCH, NW, NCH, CH)
               .transpose(1, 2, 0, 3)
               .reshape(NW, NSTEP, CH))
    return _run(ids_arr, word_embeddings, position_embeddings, gamma, beta)

# --- scband reference (transcript-rebuilt; emitter-appended) ---
"""Pipeline reference for scband-git-embeddings-5102421147648 (READ-ONLY COPY).

The authoritative reference and input builder live on the scoring server;
editing this copy changes nothing except your own understanding.
"""

import jax, jax.numpy as jnp
import numpy as np

VOCAB = 30522
HIDDEN = 768
MAX_POS = 2048
BATCH = 4
SEQ = 2048
EPS = 1e-12


def setup_inputs(seed: int = 0) -> dict:
    key = jax.random.key(seed)
    k1, k2, k3 = jax.random.split(key, 3)
    input_ids = jax.random.randint(k1, (BATCH, SEQ), 0, VOCAB, dtype=jnp.int64 if jax.config.jax_enable_x64 else jnp.int32).astype(jnp.int32)
    word_embeddings = jax.random.normal(k2, (VOCAB, HIDDEN), dtype=jnp.float32) * 0.02
    # padding_idx=0 -> that row is initialized to zeros in nn.Embedding
    word_embeddings = word_embeddings.at[0].set(0.0)
    position_embeddings = jax.random.normal(k3, (MAX_POS, HIDDEN), dtype=jnp.float32) * 0.02
    gamma = jnp.ones((HIDDEN,), dtype=jnp.float32)
    beta = jnp.zeros((HIDDEN,), dtype=jnp.float32)
    return {
        "input_ids": input_ids,
        "word_embeddings": word_embeddings,
        "position_embeddings": position_embeddings,
        "gamma": gamma,
        "beta": beta,
    }


def reference(input_ids, word_embeddings, position_embeddings, gamma, beta):
    seq_length = input_ids.shape[1]
    # past_key_values_length = 0 -> position_ids = arange(seq_length)
    position_ids = jnp.arange(seq_length)[None, :]  # [1, S]
    emb = jnp.take(word_embeddings, input_ids, axis=0)            # [B, S, H]
    pos_emb = jnp.take(position_embeddings, position_ids, axis=0)  # [1, S, H]
    emb = emb + pos_emb
    mean = jnp.mean(emb, axis=-1, keepdims=True)
    var = jnp.mean((emb - mean) ** 2, axis=-1, keepdims=True)
    out = (emb - mean) / jnp.sqrt(var + EPS) * gamma + beta
    # dropout is identity in eval mode
    return out

if __name__ == "__main__":
    import jax
    _d = setup_inputs()
    print(jax.jit(kernel)(*tuple(_d.values())))

</pallas_src>

<mosaic_0001>
#map = affine_map<(d0, d1) -> (0, 0, 0)>
#map1 = affine_map<(d0, d1) -> (0, 0)>
#map2 = affine_map<(d0, d1) -> (0)>
module attributes {stable_mosaic.version = 14 : i64} {
  func.func @_sc_body(%arg0: i32, %arg1: i32, %arg2: memref<32x8x32xi32, #tpu.memory_space<hbm>>, %arg3: memref<30522x768xf32, #tpu.memory_space<hbm>>, %arg4: memref<2048x768xf32, #tpu.memory_space<hbm>>, %arg5: memref<768xf32, #tpu.memory_space<hbm>>, %arg6: memref<768xf32, #tpu.memory_space<hbm>>, %arg7: memref<4x2048x768xf32, #tpu.memory_space<hbm>>, %arg8: memref<8x32xi32, #tpu.memory_space<vmem>>, %arg9: memref<32x768xf32, #tpu.memory_space<vmem>>, %arg10: memref<32x768xf32, #tpu.memory_space<vmem>>, %arg11: memref<768xf32, #tpu.memory_space<vmem>>, %arg12: memref<768xf32, #tpu.memory_space<vmem>>, %arg13: memref<!tpu.dma_semaphore, #tpu.memory_space<semaphore_mem>>) attributes {dimension_semantics = [#tpu.dimension_semantics<core_parallel>, #tpu.dimension_semantics<subcore_parallel>], iteration_bounds = array<i64: 2, 16>, scalar_prefetch = 0 : i64, scratch_operands = 6 : i64, tpu.core_type = #tpu.core_type<sc_vector_subcore>, window_params = [{transform_indices = #map}, {transform_indices = #map1}, {transform_indices = #map1}, {transform_indices = #map2}, {transform_indices = #map2}, {transform_indices = #map}]} {
    %mul3A = arith.constant 2 : i32
    %mul3A_0 = arith.muli %arg1, %mul3A : i32
    %add3A = arith.addi %mul3A_0, %arg0 : i32
    "tpu.region"() ({
      %run_scoped3A = tpu.sem_alloc : memref<!tpu.dma_semaphore, #tpu.memory_space<semaphore_mem>>
      %dma_start3A = arith.constant 0 : i32
      %dma_start3A_22 = arith.constant 0 : i32
      %dma_start3A_23 = tpu.memref_slice %arg2[%add3A, %dma_start3A, %dma_start3A_22] : memref<32x8x32xi32, #tpu.memory_space<hbm>> -> memref<1x8x32xi32, #tpu.memory_space<hbm>>
      %dma_start3A_24 = tpu.memref_squeeze %dma_start3A_23 : memref<1x8x32xi32, #tpu.memory_space<hbm>> -> memref<8x32xi32, #tpu.memory_space<hbm>>
      %dma_start3A_25 = arith.constant 0 : i32
      %dma_start3A_26 = arith.constant 0 : i32
      %dma_start3A_27 = tpu.memref_slice %arg2[%add3A, %dma_start3A_25, %dma_start3A_26] : memref<32x8x32xi32, #tpu.memory_space<hbm>> -> memref<1x8x32xi32, #tpu.memory_space<hbm>>
      %dma_start3A_28 = tpu.memref_squeeze %dma_start3A_27 : memref<1x8x32xi32, #tpu.memory_space<hbm>> -> memref<8x32xi32, #tpu.memory_space<hbm>>
      tpu.enqueue_dma source(%dma_start3A_28 : memref<8x32xi32, #tpu.memory_space<hbm>>) target(%arg8 : memref<8x32xi32, #tpu.memory_space<vmem>>) target_semaphore(%run_scoped3A : memref<!tpu.dma_semaphore, #tpu.memory_space<semaphore_mem>>)
      %dma_wait3A = arith.constant 0 : i32
      %dma_wait3A_29 = arith.constant 0 : i32
      %dma_wait3A_30 = tpu.memref_slice %arg2[%add3A, %dma_wait3A, %dma_wait3A_29] : memref<32x8x32xi32, #tpu.memory_space<hbm>> -> memref<1x8x32xi32, #tpu.memory_space<hbm>>
      %dma_wait3A_31 = tpu.memref_squeeze %dma_wait3A_30 : memref<1x8x32xi32, #tpu.memory_space<hbm>> -> memref<8x32xi32, #tpu.memory_space<hbm>>
      %dma_wait3A_32 = arith.constant 0 : i32
      %dma_wait3A_33 = arith.constant 0 : i32
      %dma_wait3A_34 = tpu.memref_slice %arg2[%add3A, %dma_wait3A_32, %dma_wait3A_33] : memref<32x8x32xi32, #tpu.memory_space<hbm>> -> memref<1x8x32xi32, #tpu.memory_space<hbm>>
      %dma_wait3A_35 = tpu.memref_squeeze %dma_wait3A_34 : memref<1x8x32xi32, #tpu.memory_space<hbm>> -> memref<8x32xi32, #tpu.memory_space<hbm>>
      tpu.wait_dma2 semaphore(%run_scoped3A : memref<!tpu.dma_semaphore, #tpu.memory_space<semaphore_mem>>) src(%dma_wait3A_35 : memref<8x32xi32, #tpu.memory_space<hbm>>) dst(%arg8 : memref<8x32xi32, #tpu.memory_space<vmem>>)
      tpu.yield
    }) : () -> ()
    "tpu.region"() ({
      %run_scoped3A = tpu.sem_alloc : memref<!tpu.dma_semaphore, #tpu.memory_space<semaphore_mem>>
      tpu.enqueue_dma source(%arg5 : memref<768xf32, #tpu.memory_space<hbm>>) target(%arg11 : memref<768xf32, #tpu.memory_space<vmem>>) target_semaphore(%run_scoped3A : memref<!tpu.dma_semaphore, #tpu.memory_space<semaphore_mem>>)
      tpu.wait_dma2 semaphore(%run_scoped3A : memref<!tpu.dma_semaphore, #tpu.memory_space<semaphore_mem>>) src(%arg5 : memref<768xf32, #tpu.memory_space<hbm>>) dst(%arg11 : memref<768xf32, #tpu.memory_space<vmem>>)
      tpu.yield
    }) : () -> ()
    "tpu.region"() ({
      %run_scoped3A = tpu.sem_alloc : memref<!tpu.dma_semaphore, #tpu.memory_space<semaphore_mem>>
      tpu.enqueue_dma source(%arg6 : memref<768xf32, #tpu.memory_space<hbm>>) target(%arg12 : memref<768xf32, #tpu.memory_space<vmem>>) target_semaphore(%run_scoped3A : memref<!tpu.dma_semaphore, #tpu.memory_space<semaphore_mem>>)
      tpu.wait_dma2 semaphore(%run_scoped3A : memref<!tpu.dma_semaphore, #tpu.memory_space<semaphore_mem>>) src(%arg6 : memref<768xf32, #tpu.memory_space<hbm>>) dst(%arg12 : memref<768xf32, #tpu.memory_space<vmem>>)
      tpu.yield
    }) : () -> ()
    %mul3A_1 = arith.constant 64 : i32
    %mul3A_2 = arith.muli %add3A, %mul3A_1 : i32
    %add3A_3 = arith.constant 0 : i32
    %add3A_4 = arith.addi %mul3A_2, %add3A_3 : i32
    "tpu.region"() ({
      %run_scoped3A = tpu.sem_alloc : memref<!tpu.dma_semaphore, #tpu.memory_space<semaphore_mem>>
      %dma_start3A = arith.constant 0 : i32
      %dma_start3A_22 = tpu.memref_slice %arg4[%add3A_4, %dma_start3A] : memref<2048x768xf32, #tpu.memory_space<hbm>> -> memref<32x768xf32, #tpu.memory_space<hbm>>
      %dma_start3A_23 = arith.constant 0 : i32
      %dma_start3A_24 = tpu.memref_slice %arg4[%add3A_4, %dma_start3A_23] : memref<2048x768xf32, #tpu.memory_space<hbm>> -> memref<32x768xf32, #tpu.memory_space<hbm>>
      tpu.enqueue_dma source(%dma_start3A_24 : memref<32x768xf32, #tpu.memory_space<hbm>>) target(%arg10 : memref<32x768xf32, #tpu.memory_space<vmem>>) target_semaphore(%run_scoped3A : memref<!tpu.dma_semaphore, #tpu.memory_space<semaphore_mem>>)
      %dma_wait3A = arith.constant 0 : i32
      %dma_wait3A_25 = tpu.memref_slice %arg4[%add3A_4, %dma_wait3A] : memref<2048x768xf32, #tpu.memory_space<hbm>> -> memref<32x768xf32, #tpu.memory_space<hbm>>
      %dma_wait3A_26 = arith.constant 0 : i32
      %dma_wait3A_27 = tpu.memref_slice %arg4[%add3A_4, %dma_wait3A_26] : memref<2048x768xf32, #tpu.memory_space<hbm>> -> memref<32x768xf32, #tpu.memory_space<hbm>>
      tpu.wait_dma2 semaphore(%run_scoped3A : memref<!tpu.dma_semaphore, #tpu.memory_space<semaphore_mem>>) src(%dma_wait3A_27 : memref<32x768xf32, #tpu.memory_space<hbm>>) dst(%arg10 : memref<32x768xf32, #tpu.memory_space<vmem>>)
      tpu.yield
    }) : () -> ()
    %scan3A = arith.constant 0 : i32
    %scan3A_5 = arith.constant 0 : i32
    %scan3A_6 = arith.constant 4 : i32
    %scan3A_7 = arith.addi %scan3A_5, %scan3A_6 : i32
    %scan3A_8 = arith.constant 1 : i32
    %scan3A_9 = scf.for %scan3A_22 = %scan3A_5 to %scan3A_7 step %scan3A_8 iter_args(%scan3A_23 = %scan3A) -> (i32)  : i32 {
      %add3A_24 = arith.constant 0 : i32
      %add3A_25 = arith.addi %add3A_24, %scan3A_22 : i32
      %dma_start3A = arith.constant 0 : i32
      %dma_start3A_26 = tpu.memref_slice %arg8[%add3A_25, %dma_start3A] : memref<8x32xi32, #tpu.memory_space<vmem>> -> memref<1x32xi32, #tpu.memory_space<vmem>>
      %dma_start3A_27 = tpu.memref_squeeze %dma_start3A_26 : memref<1x32xi32, #tpu.memory_space<vmem>> -> memref<32xi32, #tpu.memory_space<vmem>>
      %dma_start3A_28 = arith.constant 0 : i32
      %dma_start3A_29 = arith.constant 0 : i32
      %dma_start3A_30 = tpu.memref_slice %arg3[%dma_start3A_28, %dma_start3A_29] : memref<30522x768xf32, #tpu.memory_space<hbm>> -> memref<30522x768xf32, #tpu.memory_space<hbm>>
      tpu.enqueue_indirect_dma source(%dma_start3A_30 : memref<30522x768xf32, #tpu.memory_space<hbm>>) target(%arg9 : memref<32x768xf32, #tpu.memory_space<vmem>>) offsets(%dma_start3A_27 : memref<32xi32, #tpu.memory_space<vmem>>) semaphore(%arg13 : memref<!tpu.dma_semaphore, #tpu.memory_space<semaphore_mem>>)
      %dma_wait3A = arith.constant 0 : i32
      %dma_wait3A_31 = tpu.memref_slice %arg8[%add3A_25, %dma_wait3A] : memref<8x32xi32, #tpu.memory_space<vmem>> -> memref<1x32xi32, #tpu.memory_space<vmem>>
      %dma_wait3A_32 = tpu.memref_squeeze %dma_wait3A_31 : memref<1x32xi32, #tpu.memory_space<vmem>> -> memref<32xi32, #tpu.memory_space<vmem>>
      %dma_wait3A_33 = arith.constant 0 : i32
      %dma_wait3A_34 = arith.constant 0 : i32
      %dma_wait3A_35 = tpu.memref_slice %arg3[%dma_wait3A_33, %dma_wait3A_34] : memref<30522x768xf32, #tpu.memory_space<hbm>> -> memref<30522x768xf32, #tpu.memory_space<hbm>>
      tpu.wait_indirect_dma semaphore(%arg13 : memref<!tpu.dma_semaphore, #tpu.memory_space<semaphore_mem>>) src(%dma_wait3A_35 : memref<30522x768xf32, #tpu.memory_space<hbm>>) dst(%arg9 : memref<32x768xf32, #tpu.memory_space<vmem>>)
      %scan3A_36 = arith.constant 0 : i32
      %scan3A_37 = arith.constant 0 : i32
      %scan3A_38 = arith.constant 32 : i32
      %scan3A_39 = arith.addi %scan3A_37, %scan3A_38 : i32
      %scan3A_40 = arith.constant 1 : i32
      %scan3A_41 = scf.for %scan3A_44 = %scan3A_37 to %scan3A_39 step %scan3A_40 iter_args(%scan3A_45 = %scan3A_36) -> (i32)  : i32 {
        %broadcast_in_dim3A = arith.constant 0.000000e+00 : f32
        %broadcast_in_dim3A_46 = vector.broadcast %broadcast_in_dim3A : f32 to vector<16xf32>
        %broadcast_in_dim3A_47 = arith.constant 0.000000e+00 : f32
        %broadcast_in_dim3A_48 = vector.broadcast %broadcast_in_dim3A_47 : f32 to vector<16xf32>
        %broadcast_in_dim3A_49 = arith.constant 0.000000e+00 : f32
        %broadcast_in_dim3A_50 = vector.broadcast %broadcast_in_dim3A_49 : f32 to vector<16xf32>
        %broadcast_in_dim3A_51 = arith.constant 0.000000e+00 : f32
        %broadcast_in_dim3A_52 = vector.broadcast %broadcast_in_dim3A_51 : f32 to vector<16xf32>
        %broadcast_in_dim3A_53 = arith.constant 0.000000e+00 : f32
        %broadcast_in_dim3A_54 = vector.broadcast %broadcast_in_dim3A_53 : f32 to vector<16xf32>
        %broadcast_in_dim3A_55 = arith.constant 0.000000e+00 : f32
        %broadcast_in_dim3A_56 = vector.broadcast %broadcast_in_dim3A_55 : f32 to vector<16xf32>
        %broadcast_in_dim3A_57 = arith.constant 0.000000e+00 : f32
        %broadcast_in_dim3A_58 = vector.broadcast %broadcast_in_dim3A_57 : f32 to vector<16xf32>
        %broadcast_in_dim3A_59 = arith.constant 0.000000e+00 : f32
        %broadcast_in_dim3A_60 = vector.broadcast %broadcast_in_dim3A_59 : f32 to vector<16xf32>
        %get3A = arith.index_cast %scan3A_44 : i32 to index
        %get3A_61 = arith.constant 0 : index
        %get3A_62 = tpu.vector_load %arg9[%get3A, %get3A_61] {strides = array<i32>} : memref<32x768xf32, #tpu.memory_space<vmem>>, vector<16xf32>,
        %get3A_63 = arith.index_cast %scan3A_44 : i32 to index
        %get3A_64 = arith.constant 0 : index
        %get3A_65 = tpu.vector_load %arg10[%get3A_63, %get3A_64] {strides = array<i32>} : memref<32x768xf32, #tpu.memory_space<vmem>>, vector<16xf32>,
        %add3A_66 = arith.addf %get3A_62, %get3A_65 : vector<16xf32>
        %swap3A = arith.index_cast %scan3A_44 : i32 to index
        %swap3A_67 = arith.constant 0 : index
        %swap3A_68 = tpu.vector_load %arg9[%swap3A, %swap3A_67] {strides = array<i32>} : memref<32x768xf32, #tpu.memory_space<vmem>>, vector<16xf32>,
        tpu.vector_store %arg9[%swap3A, %swap3A_67], %add3A_66 {strides = array<i32>} : memref<32x768xf32, #tpu.memory_space<vmem>>, vector<16xf32>,
        %add3A_69 = arith.addf %broadcast_in_dim3A_46, %add3A_66 : vector<16xf32>
        %mul3A_70 = arith.mulf %add3A_66, %add3A_66 : vector<16xf32>
        %add3A_71 = arith.addf %broadcast_in_dim3A_54, %mul3A_70 : vector<16xf32>
        %get3A_72 = arith.index_cast %scan3A_44 : i32 to index
        %get3A_73 = arith.constant 16 : index
        %get3A_74 = tpu.vector_load %arg9[%get3A_72, %get3A_73] {strides = array<i32>} : memref<32x768xf32, #tpu.memory_space<vmem>>, vector<16xf32>,
        %get3A_75 = arith.index_cast %scan3A_44 : i32 to index
        %get3A_76 = arith.constant 16 : index
        %get3A_77 = tpu.vector_load %arg10[%get3A_75, %get3A_76] {strides = array<i32>} : memref<32x768xf32, #tpu.memory_space<vmem>>, vector<16xf32>,
        %add3A_78 = arith.addf %get3A_74, %get3A_77 : vector<16xf32>
        %swap3A_79 = arith.index_cast %scan3A_44 : i32 to index
        %swap3A_80 = arith.constant 16 : index
        %swap3A_81 = tpu.vector_load %arg9[%swap3A_79, %swap3A_80] {strides = array<i32>} : memref<32x768xf32, #tpu.memory_space<vmem>>, vector<16xf32>,
        tpu.vector_store %arg9[%swap3A_79, %swap3A_80], %add3A_78 {strides = array<i32>} : memref<32x768xf32, #tpu.memory_space<vmem>>, vector<16xf32>,
        %add3A_82 = arith.addf %broadcast_in_dim3A_48, %add3A_78 : vector<16xf32>
        %mul3A_83 = arith.mulf %add3A_78, %add3A_78 : vector<16xf32>
        %add3A_84 = arith.addf %broadcast_in_dim3A_56, %mul3A_83 : vector<16xf32>
        %get3A_85 = arith.index_cast %scan3A_44 : i32 to index
        %get3A_86 = arith.constant 32 : index
        %get3A_87 = tpu.vector_load %arg9[%get3A_85, %get3A_86] {strides = array<i32>} : memref<32x768xf32, #tpu.memory_space<vmem>>, vector<16xf32>,
        %get3A_88 = arith.index_cast %scan3A_44 : i32 to index
        %get3A_89 = arith.constant 32 : index
        %get3A_90 = tpu.vector_load %arg10[%get3A_88, %get3A_89] {strides = array<i32>} : memref<32x768xf32, #tpu.memory_space<vmem>>, vector<16xf32>,
        %add3A_91 = arith.addf %get3A_87, %get3A_90 : vector<16xf32>
        %swap3A_92 = arith.index_cast %scan3A_44 : i32 to index
        %swap3A_93 = arith.constant 32 : index
        %swap3A_94 = tpu.vector_load %arg9[%swap3A_92, %swap3A_93] {strides = array<i32>} : memref<32x768xf32, #tpu.memory_space<vmem>>, vector<16xf32>,
        tpu.vector_store %arg9[%swap3A_92, %swap3A_93], %add3A_91 {strides = array<i32>} : memref<32x768xf32, #tpu.memory_space<vmem>>, vector<16xf32>,
        %add3A_95 = arith.addf %broadcast_in_dim3A_50, %add3A_91 : vector<16xf32>
        %mul3A_96 = arith.mulf %add3A_91, %add3A_91 : vector<16xf32>
        %add3A_97 = arith.addf %broadcast_in_dim3A_58, %mul3A_96 : vector<16xf32>
        %get3A_98 = arith.index_cast %scan3A_44 : i32 to index
        %get3A_99 = arith.constant 48 : index
        %get3A_100 = tpu.vector_load %arg9[%get3A_98, %get3A_99] {strides = array<i32>} : memref<32x768xf32, #tpu.memory_space<vmem>>, vector<16xf32>,
        %get3A_101 = arith.index_cast %scan3A_44 : i32 to index
        %get3A_102 = arith.constant 48 : index
        %get3A_103 = tpu.vector_load %arg10[%get3A_101, %get3A_102] {strides = array<i32>} : memref<32x768xf32, #tpu.memory_space<vmem>>, vector<16xf32>,
        %add3A_104 = arith.addf %get3A_100, %get3A_103 : vector<16xf32>
        %swap3A_105 = arith.index_cast %scan3A_44 : i32 to index
        %swap3A_106 = arith.constant 48 : index
        %swap3A_107 = tpu.vector_load %arg9[%swap3A_105, %swap3A_106] {strides = array<i32>} : memref<32x768xf32, #tpu.memory_space<vmem>>, vector<16xf32>,
        tpu.vector_store %arg9[%swap3A_105, %swap3A_106], %add3A_104 {strides = array<i32>} : memref<32x768xf32, #tpu.memory_space<vmem>>, vector<16xf32>,
        %add3A_108 = arith.addf %broadcast_in_dim3A_52, %add3A_104 : vector<16xf32>
        %mul3A_109 = arith.mulf %add3A_104, %add3A_104 : vector<16xf32>
        %add3A_110 = arith.addf %broadcast_in_dim3A_60, %mul3A_109 : vector<16xf32>
        %get3A_111 = arith.index_cast %scan3A_44 : i32 to index
        %get3A_112 = arith.constant 64 : index
        %get3A_113 = tpu.vector_load %arg9[%get3A_111, %get3A_112] {strides = array<i32>} : memref<32x768xf32, #tpu.memory_space<vmem>>, vector<16xf32>,
        %get3A_114 = arith.index_cast %scan3A_44 : i32 to index
        %get3A_115 = arith.constant 64 : index
        %get3A_116 = tpu.vector_load %arg10[%get3A_114, %get3A_115] {strides = array<i32>} : memref<32x768xf32, #tpu.memory_space<vmem>>, vector<16xf32>,
        %add3A_117 = arith.addf %get3A_113, %get3A_116 : vector<16xf32>
        %swap3A_118 = arith.index_cast %scan3A_44 : i32 to index
        %swap3A_119 = arith.constant 64 : index
        %swap3A_120 = tpu.vector_load %arg9[%swap3A_118, %swap3A_119] {strides = array<i32>} : memref<32x768xf32, #tpu.memory_space<vmem>>, vector<16xf32>,
        tpu.vector_store %arg9[%swap3A_118, %swap3A_119], %add3A_117 {strides = array<i32>} : memref<32x768xf32, #tpu.memory_space<vmem>>, vector<16xf32>,
        %add3A_121 = arith.addf %add3A_69, %add3A_117 : vector<16xf32>
        %mul3A_122 = arith.mulf %add3A_117, %add3A_117 : vector<16xf32>
        %add3A_123 = arith.addf %add3A_71, %mul3A_122 : vector<16xf32>
        %get3A_124 = arith.index_cast %scan3A_44 : i32 to index
        %get3A_125 = arith.constant 80 : index
        %get3A_126 = tpu.vector_load %arg9[%get3A_124, %get3A_125] {strides = array<i32>} : memref<32x768xf32, #tpu.memory_space<vmem>>, vector<16xf32>,
        %get3A_127 = arith.index_cast %scan3A_44 : i32 to index
        %get3A_128 = arith.constant 80 : index
        %get3A_129 = tpu.vector_load %arg10[%get3A_127, %get3A_128] {strides = array<i32>} : memref<32x768xf32, #tpu.memory_space<vmem>>, vector<16xf32>,
        %add3A_130 = arith.addf %get3A_126, %get3A_129 : vector<16xf32>
        %swap3A_131 = arith.index_cast %scan3A_44 : i32 to index
        %swap3A_132 = arith.constant 80 : index
        %swap3A_133 = tpu.vector_load %arg9[%swap3A_131, %swap3A_132] {strides = array<i32>} : memref<32x768xf32, #tpu.memory_space<vmem>>, vector<16xf32>,
        tpu.vector_store %arg9[%swap3A_131, %swap3A_132], %add3A_130 {strides = array<i32>} : memref<32x768xf32, #tpu.memory_space<vmem>>, vector<16xf32>,
        %add3A_134 = arith.addf %add3A_82, %add3A_130 : vector<16xf32>
        %mul3A_135 = arith.mulf %add3A_130, %add3A_130 : vector<16xf32>
        %add3A_136 = arith.addf %add3A_84, %mul3A_135 : vector<16xf32>
        %get3A_137 = arith.index_cast %scan3A_44 : i32 to index
        %get3A_138 = arith.constant 96 : index
        %get3A_139 = tpu.vector_load %arg9[%get3A_137, %get3A_138] {strides = array<i32>} : memref<32x768xf32, #tpu.memory_space<vmem>>, vector<16xf32>,
        %get3A_140 = arith.index_cast %scan3A_44 : i32 to index
        %get3A_141 = arith.constant 96 : index
        %get3A_142 = tpu.vector_load %arg10[%get3A_140, %get3A_141] {strides = array<i32>} : memref<32x768xf32, #tpu.memory_space<vmem>>, vector<16xf32>,
        %add3A_143 = arith.addf %get3A_139, %get3A_142 : vector<16xf32>
        %swap3A_144 = arith.index_cast %scan3A_44 : i32 to index
        %swap3A_145 = arith.constant 96 : index
        %swap3A_146 = tpu.vector_load %arg9[%swap3A_144, %swap3A_145] {strides = array<i32>} : memref<32x768xf32, #tpu.memory_space<vmem>>, vector<16xf32>,
        tpu.vector_store %arg9[%swap3A_144, %swap3A_145], %add3A_143 {strides = array<i32>} : memref<32x768xf32, #tpu.memory_space<vmem>>, vector<16xf32>,
        %add3A_147 = arith.addf %add3A_95, %add3A_143 : vector<16xf32>
        %mul3A_148 = arith.mulf %add3A_143, %add3A_143 : vector<16xf32>
        %add3A_149 = arith.addf %add3A_97, %mul3A_148 : vector<16xf32>
        %get3A_150 = arith.index_cast %scan3A_44 : i32 to index
        %get3A_151 = arith.constant 112 : index
        %get3A_152 = tpu.vector_load %arg9[%get3A_150, %get3A_151] {strides = array<i32>} : memref<32x768xf32, #tpu.memory_space<vmem>>, vector<16xf32>,
        %get3A_153 = arith.index_cast %scan3A_44 : i32 to index
        %get3A_154 = arith.constant 112 : index
        %get3A_155 = tpu.vector_load %arg10[%get3A_153, %get3A_154] {strides = array<i32>} : memref<32x768xf32, #tpu.memory_space<vmem>>, vector<16xf32>,
        %add3A_156 = arith.addf %get3A_152, %get3A_155 : vector<16xf32>
        %swap3A_157 = arith.index_cast %scan3A_44 : i32 to index
        %swap3A_158 = arith.constant 112 : index
        %swap3A_159 = tpu.vector_load %arg9[%swap3A_157, %swap3A_158] {strides = array<i32>} : memref<32x768xf32, #tpu.memory_space<vmem>>, vector<16xf32>,
        tpu.vector_store %arg9[%swap3A_157, %swap3A_158], %add3A_156 {strides = array<i32>} : memref<32x768xf32, #tpu.memory_space<vmem>>, vector<16xf32>,
        %add3A_160 = arith.addf %add3A_108, %add3A_156 : vector<16xf32>
        %mul3A_161 = arith.mulf %add3A_156, %add3A_156 : vector<16xf32>
        %add3A_162 = arith.addf %add3A_110, %mul3A_161 : vector<16xf32>
        %get3A_163 = arith.index_cast %scan3A_44 : i32 to index
        %get3A_164 = arith.constant 128 : index
        %get3A_165 = tpu.vector_load %arg9[%get3A_163, %get3A_164] {strides = array<i32>} : memref<32x768xf32, #tpu.memory_space<vmem>>, vector<16xf32>,
        %get3A_166 = arith.index_cast %scan3A_44 : i32 to index
        %get3A_167 = arith.constant 128 : index
        %get3A_168 = tpu.vector_load %arg10[%get3A_166, %get3A_167] {strides = array<i32>} : memref<32x768xf32, #tpu.memory_space<vmem>>, vector<16xf32>,
        %add3A_169 = arith.addf %get3A_165, %get3A_168 : vector<16xf32>
        %swap3A_170 = arith.index_cast %scan3A_44 : i32 to index
        %swap3A_171 = arith.constant 128 : index
        %swap3A_172 = tpu.vector_load %arg9[%swap3A_170, %swap3A_171] {strides = array<i32>} : memref<32x768xf32, #tpu.memory_space<vmem>>, vector<16xf32>,
        tpu.vector_store %arg9[%swap3A_170, %swap3A_171], %add3A_169 {strides = array<i32>} : memref<32x768xf32, #tpu.memory_space<vmem>>, vector<16xf32>,
        %add3A_173 = arith.addf %add3A_121, %add3A_169 : vector<16xf32>
        %mul3A_174 = arith.mulf %add3A_169, %add3A_169 : vector<16xf32>
        %add3A_175 = arith.addf %add3A_123, %mul3A_174 : vector<16xf32>
        %get3A_176 = arith.index_cast %scan3A_44 : i32 to index
        %get3A_177 = arith.constant 144 : index
        %get3A_178 = tpu.vector_load %arg9[%get3A_176, %get3A_177] {strides = array<i32>} : memref<32x768xf32, #tpu.memory_space<vmem>>, vector<16xf32>,
        %get3A_179 = arith.index_cast %scan3A_44 : i32 to index
        %get3A_180 = arith.constant 144 : index
        %get3A_181 = tpu.vector_load %arg10[%get3A_179, %get3A_180] {strides = array<i32>} : memref<32x768xf32, #tpu.memory_space<vmem>>, vector<16xf32>,
        %add3A_182 = arith.addf %get3A_178, %get3A_181 : vector<16xf32>
        %swap3A_183 = arith.index_cast %scan3A_44 : i32 to index
        %swap3A_184 = arith.constant 144 : index
        %swap3A_185 = tpu.vector_load %arg9[%swap3A_183, %swap3A_184] {strides = array<i32>} : memref<32x768xf32, #tpu.memory_space<vmem>>, vector<16xf32>,
        tpu.vector_store %arg9[%swap3A_183, %swap3A_184], %add3A_182 {strides = array<i32>} : memref<32x768xf32, #tpu.memory_space<vmem>>, vector<16xf32>,
        %add3A_186 = arith.addf %add3A_134, %add3A_182 : vector<16xf32>
        %mul3A_187 = arith.mulf %add3A_182, %add3A_182 : vector<16xf32>
        %add3A_188 = arith.addf %add3A_136, %mul3A_187 : vector<16xf32>
        %get3A_189 = arith.index_cast %scan3A_44 : i32 to index
        %get3A_190 = arith.constant 160 : index
        %get3A_191 = tpu.vector_load %arg9[%get3A_189, %get3A_190] {strides = array<i32>} : memref<32x768xf32, #tpu.memory_space<vmem>>, vector<16xf32>,
        %get3A_192 = arith.index_cast %scan3A_44 : i32 to index
        %get3A_193 = arith.constant 160 : index
        %get3A_194 = tpu.vector_load %arg10[%get3A_192, %get3A_193] {strides = array<i32>} : memref<32x768xf32, #tpu.memory_space<vmem>>, vector<16xf32>,
        %add3A_195 = arith.addf %get3A_191, %get3A_194 : vector<16xf32>
        %swap3A_196 = arith.index_cast %scan3A_44 : i32 to index
        %swap3A_197 = arith.constant 160 : index
        %swap3A_198 = tpu.vector_load %arg9[%swap3A_196, %swap3A_197] {strides = array<i32>} : memref<32x768xf32, #tpu.memory_space<vmem>>, vector<16xf32>,
        tpu.vector_store %arg9[%swap3A_196, %swap3A_197], %add3A_195 {strides = array<i32>} : memref<32x768xf32, #tpu.memory_space<vmem>>, vector<16xf32>,
        %add3A_199 = arith.addf %add3A_147, %add3A_195 : vector<16xf32>
        %mul3A_200 = arith.mulf %add3A_195, %add3A_195 : vector<16xf32>
        %add3A_201 = arith.addf %add3A_149, %mul3A_200 : vector<16xf32>
        %get3A_202 = arith.index_cast %scan3A_44 : i32 to index
        %get3A_203 = arith.constant 176 : index
        %get3A_204 = tpu.vector_load %arg9[%get3A_202, %get3A_203] {strides = array<i32>} : memref<32x768xf32, #tpu.memory_space<vmem>>, vector<16xf32>,
        %get3A_205 = arith.index_cast %scan3A_44 : i32 to index
        %get3A_206 = arith.constant 176 : index
        %get3A_207 = tpu.vector_load %arg10[%get3A_205, %get3A_206] {strides = array<i32>} : memref<32x768xf32, #tpu.memory_space<vmem>>, vector<16xf32>,
        %add3A_208 = arith.addf %get3A_204, %get3A_207 : vector<16xf32>
        %swap3A_209 = arith.index_cast %scan3A_44 : i32 to index
        %swap3A_210 = arith.constant 176 : index
        %swap3A_211 = tpu.vector_load %arg9[%swap3A_209, %swap3A_210] {strides = array<i32>} : memref<32x768xf32, #tpu.memory_space<vmem>>, vector<16xf32>,
        tpu.vector_store %arg9[%swap3A_209, %swap3A_210], %add3A_208 {strides = array<i32>} : memref<32x768xf32, #tpu.memory_space<vmem>>, vector<16xf32>,
        %add3A_212 = arith.addf %add3A_160, %add3A_208 : vector<16xf32>
        %mul3A_213 = arith.mulf %add3A_208, %add3A_208 : vector<16xf32>
        %add3A_214 = arith.addf %add3A_162, %mul3A_213 : vector<16xf32>
        %get3A_215 = arith.index_cast %scan3A_44 : i32 to index
        %get3A_216 = arith.constant 192 : index
        %get3A_217 = tpu.vector_load %arg9[%get3A_215, %get3A_216] {strides = array<i32>} : memref<32x768xf32, #tpu.memory_space<vmem>>, vector<16xf32>,
        %get3A_218 = arith.index_cast %scan3A_44 : i32 to index
        %get3A_219 = arith.constant 192 : index
        %get3A_220 = tpu.vector_load %arg10[%get3A_218, %get3A_219] {strides = array<i32>} : memref<32x768xf32, #tpu.memory_space<vmem>>, vector<16xf32>,
        %add3A_221 = arith.addf %get3A_217, %get3A_220 : vector<16xf32>
        %swap3A_222 = arith.index_cast %scan3A_44 : i32 to index
        %swap3A_223 = arith.constant 192 : index
        %swap3A_224 = tpu.vector_load %arg9[%swap3A_222, %swap3A_223] {strides = array<i32>} : memref<32x768xf32, #tpu.memory_space<vmem>>, vector<16xf32>,
        tpu.vector_store %arg9[%swap3A_222, %swap3A_223], %add3A_221 {strides = array<i32>} : memref<32x768xf32, #tpu.memory_space<vmem>>, vector<16xf32>,
        %add3A_225 = arith.addf %add3A_173, %add3A_221 : vector<16xf32>
        %mul3A_226 = arith.mulf %add3A_221, %add3A_221 : vector<16xf32>
        %add3A_227 = arith.addf %add3A_175, %mul3A_226 : vector<16xf32>
        %get3A_228 = arith.index_cast %scan3A_44 : i32 to index
        %get3A_229 = arith.constant 208 : index
        %get3A_230 = tpu.vector_load %arg9[%get3A_228, %get3A_229] {strides = array<i32>} : memref<32x768xf32, #tpu.memory_space<vmem>>, vector<16xf32>,
        %get3A_231 = arith.index_cast %scan3A_44 : i32 to index
        %get3A_232 = arith.constant 208 : index
        %get3A_233 = tpu.vector_load %arg10[%get3A_231, %get3A_232] {strides = array<i32>} : memref<32x768xf32, #tpu.memory_space<vmem>>, vector<16xf32>,
        %add3A_234 = arith.addf %get3A_230, %get3A_233 : vector<16xf32>
        %swap3A_235 = arith.index_cast %scan3A_44 : i32 to index
        %swap3A_236 = arith.constant 208 : index
        %swap3A_237 = tpu.vector_load %arg9[%swap3A_235, %swap3A_236] {strides = array<i32>} : memref<32x768xf32, #tpu.memory_space<vmem>>, vector<16xf32>,
        tpu.vector_store %arg9[%swap3A_235, %swap3A_236], %add3A_234 {strides = array<i32>} : memref<32x768xf32, #tpu.memory_space<vmem>>, vector<16xf32>,
        %add3A_238 = arith.addf %add3A_186, %add3A_234 : vector<16xf32>
        %mul3A_239 = arith.mulf %add3A_234, %add3A_234 : vector<16xf32>
        %add3A_240 = arith.addf %add3A_188, %mul3A_239 : vector<16xf32>
        %get3A_241 = arith.index_cast %scan3A_44 : i32 to index
        %get3A_242 = arith.constant 224 : index
        %get3A_243 = tpu.vector_load %arg9[%get3A_241, %get3A_242] {strides = array<i32>} : memref<32x768xf32, #tpu.memory_space<vmem>>, vector<16xf32>,
        %get3A_244 = arith.index_cast %scan3A_44 : i32 to index
        %get3A_245 = arith.constant 224 : index
        %get3A_246 = tpu.vector_load %arg10[%get3A_244, %get3A_245] {strides = array<i32>} : memref<32x768xf32, #tpu.memory_space<vmem>>, vector<16xf32>,
        %add3A_247 = arith.addf %get3A_243, %get3A_246 : vector<16xf32>
        %swap3A_248 = arith.index_cast %scan3A_44 : i32 to index
        %swap3A_249 = arith.constant 224 : index
        %swap3A_250 = tpu.vector_load %arg9[%swap3A_248, %swap3A_249] {strides = array<i32>} : memref<32x768xf32, #tpu.memory_space<vmem>>, vector<16xf32>,
        tpu.vector_store %arg9[%swap3A_248, %swap3A_249], %add3A_247 {strides = array<i32>} : memref<32x768xf32, #tpu.memory_space<vmem>>, vector<16xf32>,
        %add3A_251 = arith.addf %add3A_199, %add3A_247 : vector<16xf32>
        %mul3A_252 = arith.mulf %add3A_247, %add3A_247 : vector<16xf32>
        %add3A_253 = arith.addf %add3A_201, %mul3A_252 : vector<16xf32>
        %get3A_254 = arith.index_cast %scan3A_44 : i32 to index
        %get3A_255 = arith.constant 240 : index
        %get3A_256 = tpu.vector_load %arg9[%get3A_254, %get3A_255] {strides = array<i32>} : memref<32x768xf32, #tpu.memory_space<vmem>>, vector<16xf32>,
        %get3A_257 = arith.index_cast %scan3A_44 : i32 to index
        %get3A_258 = arith.constant 240 : index
        %get3A_259 = tpu.vector_load %arg10[%get3A_257, %get3A_258] {strides = array<i32>} : memref<32x768xf32, #tpu.memory_space<vmem>>, vector<16xf32>,
        %add3A_260 = arith.addf %get3A_256, %get3A_259 : vector<16xf32>
        %swap3A_261 = arith.index_cast %scan3A_44 : i32 to index
        %swap3A_262 = arith.constant 240 : index
        %swap3A_263 = tpu.vector_load %arg9[%swap3A_261, %swap3A_262] {strides = array<i32>} : memref<32x768xf32, #tpu.memory_space<vmem>>, vector<16xf32>,
        tpu.vector_store %arg9[%swap3A_261, %swap3A_262], %add3A_260 {strides = array<i32>} : memref<32x768xf32, #tpu.memory_space<vmem>>, vector<16xf32>,
        %add3A_264 = arith.addf %add3A_212, %add3A_260 : vector<16xf32>
        %mul3A_265 = arith.mulf %add3A_260, %add3A_260 : vector<16xf32>
        %add3A_266 = arith.addf %add3A_214, %mul3A_265 : vector<16xf32>
        %get3A_267 = arith.index_cast %scan3A_44 : i32 to index
        %get3A_268 = arith.constant 256 : index
        %get3A_269 = tpu.vector_load %arg9[%get3A_267, %get3A_268] {strides = array<i32>} : memref<32x768xf32, #tpu.memory_space<vmem>>, vector<16xf32>,
        %get3A_270 = arith.index_cast %scan3A_44 : i32 to index
        %get3A_271 = arith.constant 256 : index
        %get3A_272 = tpu.vector_load %arg10[%get3A_270, %get3A_271] {strides = array<i32>} : memref<32x768xf32, #tpu.memory_space<vmem>>, vector<16xf32>,
        %add3A_273 = arith.addf %get3A_269, %get3A_272 : vector<16xf32>
        %swap3A_274 = arith.index_cast %scan3A_44 : i32 to index
        %swap3A_275 = arith.constant 256 : index
        %swap3A_276 = tpu.vector_load %arg9[%swap3A_274, %swap3A_275] {strides = array<i32>} : memref<32x768xf32, #tpu.memory_space<vmem>>, vector<16xf32>,
        tpu.vector_store %arg9[%swap3A_274, %swap3A_275], %add3A_273 {strides = array<i32>} : memref<32x768xf32, #tpu.memory_space<vmem>>, vector<16xf32>,
        %add3A_277 = arith.addf %add3A_225, %add3A_273 : vector<16xf32>
        %mul3A_278 = arith.mulf %add3A_273, %add3A_273 : vector<16xf32>
        %add3A_279 = arith.addf %add3A_227, %mul3A_278 : vector<16xf32>
        %get3A_280 = arith.index_cast %scan3A_44 : i32 to index
        %get3A_281 = arith.constant 272 : index
        %get3A_282 = tpu.vector_load %arg9[%get3A_280, %get3A_281] {strides = array<i32>} : memref<32x768xf32, #tpu.memory_space<vmem>>, vector<16xf32>,
        %get3A_283 = arith.index_cast %scan3A_44 : i32 to index
        %get3A_284 = arith.constant 272 : index
        %get3A_285 = tpu.vector_load %arg10[%get3A_283, %get3A_284] {strides = array<i32>} : memref<32x768xf32, #tpu.memory_space<vmem>>, vector<16xf32>,
        %add3A_286 = arith.addf %get3A_282, %get3A_285 : vector<16xf32>
        %swap3A_287 = arith.index_cast %scan3A_44 : i32 to index
        %swap3A_288 = arith.constant 272 : index
        %swap3A_289 = tpu.vector_load %arg9[%swap3A_287, %swap3A_288] {strides = array<i32>} : memref<32x768xf32, #tpu.memory_space<vmem>>, vector<16xf32>,
        tpu.vector_store %arg9[%swap3A_287, %swap3A_288], %add3A_286 {strides = array<i32>} : memref<32x768xf32, #tpu.memory_space<vmem>>, vector<16xf32>,
        %add3A_290 = arith.addf %add3A_238, %add3A_286 : vector<16xf32>
        %mul3A_291 = arith.mulf %add3A_286, %add3A_286 : vector<16xf32>
        %add3A_292 = arith.addf %add3A_240, %mul3A_291 : vector<16xf32>
        %get3A_293 = arith.index_cast %scan3A_44 : i32 to index
        %get3A_294 = arith.constant 288 : index
        %get3A_295 = tpu.vector_load %arg9[%get3A_293, %get3A_294] {strides = array<i32>} : memref<32x768xf32, #tpu.memory_space<vmem>>, vector<16xf32>,
        %get3A_296 = arith.index_cast %scan3A_44 : i32 to index
        %get3A_297 = arith.constant 288 : index
        %get3A_298 = tpu.vector_load %arg10[%get3A_296, %get3A_297] {strides = array<i32>} : memref<32x768xf32, #tpu.memory_space<vmem>>, vector<16xf32>,
        %add3A_299 = arith.addf %get3A_295, %get3A_298 : vector<16xf32>
        %swap3A_300 = arith.index_cast %scan3A_44 : i32 to index
        %swap3A_301 = arith.constant 288 : index
        %swap3A_302 = tpu.vector_load %arg9[%swap3A_300, %swap3A_301] {strides = array<i32>} : memref<32x768xf32, #tpu.memory_space<vmem>>, vector<16xf32>,
        tpu.vector_store %arg9[%swap3A_300, %swap3A_301], %add3A_299 {strides = array<i32>} : memref<32x768xf32, #tpu.memory_space<vmem>>, vector<16xf32>,
        %add3A_303 = arith.addf %add3A_251, %add3A_299 : vector<16xf32>
        %mul3A_304 = arith.mulf %add3A_299, %add3A_299 : vector<16xf32>
        %add3A_305 = arith.addf %add3A_253, %mul3A_304 : vector<16xf32>
        %get3A_306 = arith.index_cast %scan3A_44 : i32 to index
        %get3A_307 = arith.constant 304 : index
        %get3A_308 = tpu.vector_load %arg9[%get3A_306, %get3A_307] {strides = array<i32>} : memref<32x768xf32, #tpu.memory_space<vmem>>, vector<16xf32>,
        %get3A_309 = arith.index_cast %scan3A_44 : i32 to index
        %get3A_310 = arith.constant 304 : index
        %get3A_311 = tpu.vector_load %arg10[%get3A_309, %get3A_310] {strides = array<i32>} : memref<32x768xf32, #tpu.memory_space<vmem>>, vector<16xf32>,
        %add3A_312 = arith.addf %get3A_308, %get3A_311 : vector<16xf32>
        %swap3A_313 = arith.index_cast %scan3A_44 : i32 to index
        %swap3A_314 = arith.constant 304 : index
        %swap3A_315 = tpu.vector_load %arg9[%swap3A_313, %swap3A_314] {strides = array<i32>} : memref<32x768xf32, #tpu.memory_space<vmem>>, vector<16xf32>,
        tpu.vector_store %arg9[%swap3A_313, %swap3A_314], %add3A_312 {strides = array<i32>} : memref<32x768xf32, #tpu.memory_space<vmem>>, vector<16xf32>,
        %add3A_316 = arith.addf %add3A_264, %add3A_312 : vector<16xf32>
        %mul3A_317 = arith.mulf %add3A_312, %add3A_312 : vector<16xf32>
        %add3A_318 = arith.addf %add3A_266, %mul3A_317 : vector<16xf32>
        %get3A_319 = arith.index_cast %scan3A_44 : i32 to index
        %get3A_320 = arith.constant 320 : index
        %get3A_321 = tpu.vector_load %arg9[%get3A_319, %get3A_320] {strides = array<i32>} : memref<32x768xf32, #tpu.memory_space<vmem>>, vector<16xf32>,
        %get3A_322 = arith.index_cast %scan3A_44 : i32 to index
        %get3A_323 = arith.constant 320 : index
        %get3A_324 = tpu.vector_load %arg10[%get3A_322, %get3A_323] {strides = array<i32>} : memref<32x768xf32, #tpu.memory_space<vmem>>, vector<16xf32>,
        %add3A_325 = arith.addf %get3A_321, %get3A_324 : vector<16xf32>
        %swap3A_326 = arith.index_cast %scan3A_44 : i32 to index
        %swap3A_327 = arith.constant 320 : index
        %swap3A_328 = tpu.vector_load %arg9[%swap3A_326, %swap3A_327] {strides = array<i32>} : memref<32x768xf32, #tpu.memory_space<vmem>>, vector<16xf32>,
        tpu.vector_store %arg9[%swap3A_326, %swap3A_327], %add3A_325 {strides = array<i32>} : memref<32x768xf32, #tpu.memory_space<vmem>>, vector<16xf32>,
        %add3A_329 = arith.addf %add3A_277, %add3A_325 : vector<16xf32>
        %mul3A_330 = arith.mulf %add3A_325, %add3A_325 : vector<16xf32>
        %add3A_331 = arith.addf %add3A_279, %mul3A_330 : vector<16xf32>
        %get3A_332 = arith.index_cast %scan3A_44 : i32 to index
        %get3A_333 = arith.constant 336 : index
        %get3A_334 = tpu.vector_load %arg9[%get3A_332, %get3A_333] {strides = array<i32>} : memref<32x768xf32, #tpu.memory_space<vmem>>, vector<16xf32>,
        %get3A_335 = arith.index_cast %scan3A_44 : i32 to index
        %get3A_336 = arith.constant 336 : index
        %get3A_337 = tpu.vector_load %arg10[%get3A_335, %get3A_336] {strides = array<i32>} : memref<32x768xf32, #tpu.memory_space<vmem>>, vector<16xf32>,
        %add3A_338 = arith.addf %get3A_334, %get3A_337 : vector<16xf32>
        %swap3A_339 = arith.index_cast %scan3A_44 : i32 to index
        %swap3A_340 = arith.constant 336 : index
        %swap3A_341 = tpu.vector_load %arg9[%swap3A_339, %swap3A_340] {strides = array<i32>} : memref<32x768xf32, #tpu.memory_space<vmem>>, vector<16xf32>,
        tpu.vector_store %arg9[%swap3A_339, %swap3A_340], %add3A_338 {strides = array<i32>} : memref<32x768xf32, #tpu.memory_space<vmem>>, vector<16xf32>,
        %add3A_342 = arith.addf %add3A_290, %add3A_338 : vector<16xf32>
        %mul3A_343 = arith.mulf %add3A_338, %add3A_338 : vector<16xf32>
        %add3A_344 = arith.addf %add3A_292, %mul3A_343 : vector<16xf32>
        %get3A_345 = arith.index_cast %scan3A_44 : i32 to index
        %get3A_346 = arith.constant 352 : index
        %get3A_347 = tpu.vector_load %arg9[%get3A_345, %get3A_346] {strides = array<i32>} : memref<32x768xf32, #tpu.memory_space<vmem>>, vector<16xf32>,
        %get3A_348 = arith.index_cast %scan3A_44 : i32 to index
        %get3A_349 = arith.constant 352 : index
        %get3A_350 = tpu.vector_load %arg10[%get3A_348, %get3A_349] {strides = array<i32>} : memref<32x768xf32, #tpu.memory_space<vmem>>, vector<16xf32>,
        %add3A_351 = arith.addf %get3A_347, %get3A_350 : vector<16xf32>
        %swap3A_352 = arith.index_cast %scan3A_44 : i32 to index
        %swap3A_353 = arith.constant 352 : index
        %swap3A_354 = tpu.vector_load %arg9[%swap3A_352, %swap3A_353] {strides = array<i32>} : memref<32x768xf32, #tpu.memory_space<vmem>>, vector<16xf32>,
        tpu.vector_store %arg9[%swap3A_352, %swap3A_353], %add3A_351 {strides = array<i32>} : memref<32x768xf32, #tpu.memory_space<vmem>>, vector<16xf32>,
        %add3A_355 = arith.addf %add3A_303, %add3A_351 : vector<16xf32>
        %mul3A_356 = arith.mulf %add3A_351, %add3A_351 : vector<16xf32>
        %add3A_357 = arith.addf %add3A_305, %mul3A_356 : vector<16xf32>
        %get3A_358 = arith.index_cast %scan3A_44 : i32 to index
        %get3A_359 = arith.constant 368 : index
        %get3A_360 = tpu.vector_load %arg9[%get3A_358, %get3A_359] {strides = array<i32>} : memref<32x768xf32, #tpu.memory_space<vmem>>, vector<16xf32>,
        %get3A_361 = arith.index_cast %scan3A_44 : i32 to index
        %get3A_362 = arith.constant 368 : index
        %get3A_363 = tpu.vector_load %arg10[%get3A_361, %get3A_362] {strides = array<i32>} : memref<32x768xf32, #tpu.memory_space<vmem>>, vector<16xf32>,
        %add3A_364 = arith.addf %get3A_360, %get3A_363 : vector<16xf32>
        %swap3A_365 = arith.index_cast %scan3A_44 : i32 to index
        %swap3A_366 = arith.constant 368 : index
        %swap3A_367 = tpu.vector_load %arg9[%swap3A_365, %swap3A_366] {strides = array<i32>} : memref<32x768xf32, #tpu.memory_space<vmem>>, vector<16xf32>,
        tpu.vector_store %arg9[%swap3A_365, %swap3A_366], %add3A_364 {strides = array<i32>} : memref<32x768xf32, #tpu.memory_space<vmem>>, vector<16xf32>,
        %add3A_368 = arith.addf %add3A_316, %add3A_364 : vector<16xf32>
        %mul3A_369 = arith.mulf %add3A_364, %add3A_364 : vector<16xf32>
        %add3A_370 = arith.addf %add3A_318, %mul3A_369 : vector<16xf32>
        %get3A_371 = arith.index_cast %scan3A_44 : i32 to index
        %get3A_372 = arith.constant 384 : index
        %get3A_373 = tpu.vector_load %arg9[%get3A_371, %get3A_372] {strides = array<i32>} : memref<32x768xf32, #tpu.memory_space<vmem>>, vector<16xf32>,
        %get3A_374 = arith.index_cast %scan3A_44 : i32 to index
        %get3A_375 = arith.constant 384 : index
        %get3A_376 = tpu.vector_load %arg10[%get3A_374, %get3A_375] {strides = array<i32>} : memref<32x768xf32, #tpu.memory_space<vmem>>, vector<16xf32>,
        %add3A_377 = arith.addf %get3A_373, %get3A_376 : vector<16xf32>
        %swap3A_378 = arith.index_cast %scan3A_44 : i32 to index
        %swap3A_379 = arith.constant 384 : index
        %swap3A_380 = tpu.vector_load %arg9[%swap3A_378, %swap3A_379] {strides = array<i32>} : memref<32x768xf32, #tpu.memory_space<vmem>>, vector<16xf32>,
        tpu.vector_store %arg9[%swap3A_378, %swap3A_379], %add3A_377 {strides = array<i32>} : memref<32x768xf32, #tpu.memory_space<vmem>>, vector<16xf32>,
        %add3A_381 = arith.addf %add3A_329, %add3A_377 : vector<16xf32>
        %mul3A_382 = arith.mulf %add3A_377, %add3A_377 : vector<16xf32>
        %add3A_383 = arith.addf %add3A_331, %mul3A_382 : vector<16xf32>
        %get3A_384 = arith.index_cast %scan3A_44 : i32 to index
        %get3A_385 = arith.constant 400 : index
        %get3A_386 = tpu.vector_load %arg9[%get3A_384, %get3A_385] {strides = array<i32>} : memref<32x768xf32, #tpu.memory_space<vmem>>, vector<16xf32>,
        %get3A_387 = arith.index_cast %scan3A_44 : i32 to index
        %get3A_388 = arith.constant 400 : index
        %get3A_389 = tpu.vector_load %arg10[%get3A_387, %get3A_388] {strides = array<i32>} : memref<32x768xf32, #tpu.memory_space<vmem>>, vector<16xf32>,
        %add3A_390 = arith.addf %get3A_386, %get3A_389 : vector<16xf32>
        %swap3A_391 = arith.index_cast %scan3A_44 : i32 to index
        %swap3A_392 = arith.constant 400 : index
        %swap3A_393 = tpu.vector_load %arg9[%swap3A_391, %swap3A_392] {strides = array<i32>} : memref<32x768xf32, #tpu.memory_space<vmem>>, vector<16xf32>,
        tpu.vector_store %arg9[%swap3A_391, %swap3A_392], %add3A_390 {strides = array<i32>} : memref<32x768xf32, #tpu.memory_space<vmem>>, vector<16xf32>,
        %add3A_394 = arith.addf %add3A_342, %add3A_390 : vector<16xf32>
        %mul3A_395 = arith.mulf %add3A_390, %add3A_390 : vector<16xf32>
        %add3A_396 = arith.addf %add3A_344, %mul3A_395 : vector<16xf32>
        %get3A_397 = arith.index_cast %scan3A_44 : i32 to index
        %get3A_398 = arith.constant 416 : index
        %get3A_399 = tpu.vector_load %arg9[%get3A_397, %get3A_398] {strides = array<i32>} : memref<32x768xf32, #tpu.memory_space<vmem>>, vector<16xf32>,
        %get3A_400 = arith.index_cast %scan3A_44 : i32 to index
        %get3A_401 = arith.constant 416 : index
        %get3A_402 = tpu.vector_load %arg10[%get3A_400, %get3A_401] {strides = array<i32>} : memref<32x768xf32, #tpu.memory_space<vmem>>, vector<16xf32>,
        %add3A_403 = arith.addf %get3A_399, %get3A_402 : vector<16xf32>
        %swap3A_404 = arith.index_cast %scan3A_44 : i32 to index
        %swap3A_405 = arith.constant 416 : index
        %swap3A_406 = tpu.vector_load %arg9[%swap3A_404, %swap3A_405] {strides = array<i32>} : memref<32x768xf32, #tpu.memory_space<vmem>>, vector<16xf32>,
        tpu.vector_store %arg9[%swap3A_404, %swap3A_405], %add3A_403 {strides = array<i32>} : memref<32x768xf32, #tpu.memory_space<vmem>>, vector<16xf32>,
        %add3A_407 = arith.addf %add3A_355, %add3A_403 : vector<16xf32>
        %mul3A_408 = arith.mulf %add3A_403, %add3A_403 : vector<16xf32>
        %add3A_409 = arith.addf %add3A_357, %mul3A_408 : vector<16xf32>
        %get3A_410 = arith.index_cast %scan3A_44 : i32 to index
        %get3A_411 = arith.constant 432 : index
        %get3A_412 = tpu.vector_load %arg9[%get3A_410, %get3A_411] {strides = array<i32>} : memref<32x768xf32, #tpu.memory_space<vmem>>, vector<16xf32>,
        %get3A_413 = arith.index_cast %scan3A_44 : i32 to index
        %get3A_414 = arith.constant 432 : index
        %get3A_415 = tpu.vector_load %arg10[%get3A_413, %get3A_414] {strides = array<i32>} : memref<32x768xf32, #tpu.memory_space<vmem>>, vector<16xf32>,
        %add3A_416 = arith.addf %get3A_412, %get3A_415 : vector<16xf32>
        %swap3A_417 = arith.index_cast %scan3A_44 : i32 to index
        %swap3A_418 = arith.constant 432 : index
        %swap3A_419 = tpu.vector_load %arg9[%swap3A_417, %swap3A_418] {strides = array<i32>} : memref<32x768xf32, #tpu.memory_space<vmem>>, vector<16xf32>,
        tpu.vector_store %arg9[%swap3A_417, %swap3A_418], %add3A_416 {strides = array<i32>} : memref<32x768xf32, #tpu.memory_space<vmem>>, vector<16xf32>,
        %add3A_420 = arith.addf %add3A_368, %add3A_416 : vector<16xf32>
        %mul3A_421 = arith.mulf %add3A_416, %add3A_416 : vector<16xf32>
        %add3A_422 = arith.addf %add3A_370, %mul3A_421 : vector<16xf32>
        %get3A_423 = arith.index_cast %scan3A_44 : i32 to index
        %get3A_424 = arith.constant 448 : index
        %get3A_425 = tpu.vector_load %arg9[%get3A_423, %get3A_424] {strides = array<i32>} : memref<32x768xf32, #tpu.memory_space<vmem>>, vector<16xf32>,
        %get3A_426 = arith.index_cast %scan3A_44 : i32 to index
        %get3A_427 = arith.constant 448 : index
        %get3A_428 = tpu.vector_load %arg10[%get3A_426, %get3A_427] {strides = array<i32>} : memref<32x768xf32, #tpu.memory_space<vmem>>, vector<16xf32>,
        %add3A_429 = arith.addf %get3A_425, %get3A_428 : vector<16xf32>
        %swap3A_430 = arith.index_cast %scan3A_44 : i32 to index
        %swap3A_431 = arith.constant 448 : index
        %swap3A_432 = tpu.vector_load %arg9[%swap3A_430, %swap3A_431] {strides = array<i32>} : memref<32x768xf32, #tpu.memory_space<vmem>>, vector<16xf32>,
        tpu.vector_store %arg9[%swap3A_430, %swap3A_431], %add3A_429 {strides = array<i32>} : memref<32x768xf32, #tpu.memory_space<vmem>>, vector<16xf32>,
        %add3A_433 = arith.addf %add3A_381, %add3A_429 : vector<16xf32>
        %mul3A_434 = arith.mulf %add3A_429, %add3A_429 : vector<16xf32>
        %add3A_435 = arith.addf %add3A_383, %mul3A_434 : vector<16xf32>
        %get3A_436 = arith.index_cast %scan3A_44 : i32 to index
        %get3A_437 = arith.constant 464 : index
        %get3A_438 = tpu.vector_load %arg9[%get3A_436, %get3A_437] {strides = array<i32>} : memref<32x768xf32, #tpu.memory_space<vmem>>, vector<16xf32>,
        %get3A_439 = arith.index_cast %scan3A_44 : i32 to index
        %get3A_440 = arith.constant 464 : index
        %get3A_441 = tpu.vector_load %arg10[%get3A_439, %get3A_440] {strides = array<i32>} : memref<32x768xf32, #tpu.memory_space<vmem>>, vector<16xf32>,
        %add3A_442 = arith.addf %get3A_438, %get3A_441 : vector<16xf32>
        %swap3A_443 = arith.index_cast %scan3A_44 : i32 to index
        %swap3A_444 = arith.constant 464 : index
        %swap3A_445 = tpu.vector_load %arg9[%swap3A_443, %swap3A_444] {strides = array<i32>} : memref<32x768xf32, #tpu.memory_space<vmem>>, vector<16xf32>,
        tpu.vector_store %arg9[%swap3A_443, %swap3A_444], %add3A_442 {strides = array<i32>} : memref<32x768xf32, #tpu.memory_space<vmem>>, vector<16xf32>,
        %add3A_446 = arith.addf %add3A_394, %add3A_442 : vector<16xf32>
        %mul3A_447 = arith.mulf %add3A_442, %add3A_442 : vector<16xf32>
        %add3A_448 = arith.addf %add3A_396, %mul3A_447 : vector<16xf32>
        %get3A_449 = arith.index_cast %scan3A_44 : i32 to index
        %get3A_450 = arith.constant 480 : index
        %get3A_451 = tpu.vector_load %arg9[%get3A_449, %get3A_450] {strides = array<i32>} : memref<32x768xf32, #tpu.memory_space<vmem>>, vector<16xf32>,
        %get3A_452 = arith.index_cast %scan3A_44 : i32 to index
        %get3A_453 = arith.constant 480 : index
        %get3A_454 = tpu.vector_load %arg10[%get3A_452, %get3A_453] {strides = array<i32>} : memref<32x768xf32, #tpu.memory_space<vmem>>, vector<16xf32>,
        %add3A_455 = arith.addf %get3A_451, %get3A_454 : vector<16xf32>
        %swap3A_456 = arith.index_cast %scan3A_44 : i32 to index
        %swap3A_457 = arith.constant 480 : index
        %swap3A_458 = tpu.vector_load %arg9[%swap3A_456, %swap3A_457] {strides = array<i32>} : memref<32x768xf32, #tpu.memory_space<vmem>>, vector<16xf32>,
        tpu.vector_store %arg9[%swap3A_456, %swap3A_457], %add3A_455 {strides = array<i32>} : memref<32x768xf32, #tpu.memory_space<vmem>>, vector<16xf32>,
        %add3A_459 = arith.addf %add3A_407, %add3A_455 : vector<16xf32>
        %mul3A_460 = arith.mulf %add3A_455, %add3A_455 : vector<16xf32>
        %add3A_461 = arith.addf %add3A_409, %mul3A_460 : vector<16xf32>
        %get3A_462 = arith.index_cast %scan3A_44 : i32 to index
        %get3A_463 = arith.constant 496 : index
        %get3A_464 = tpu.vector_load %arg9[%get3A_462, %get3A_463] {strides = array<i32>} : memref<32x768xf32, #tpu.memory_space<vmem>>, vector<16xf32>,
        %get3A_465 = arith.index_cast %scan3A_44 : i32 to index
        %get3A_466 = arith.constant 496 : index
        %get3A_467 = tpu.vector_load %arg10[%get3A_465, %get3A_466] {strides = array<i32>} : memref<32x768xf32, #tpu.memory_space<vmem>>, vector<16xf32>,
        %add3A_468 = arith.addf %get3A_464, %get3A_467 : vector<16xf32>
        %swap3A_469 = arith.index_cast %scan3A_44 : i32 to index
        %swap3A_470 = arith.constant 496 : index
        %swap3A_471 = tpu.vector_load %arg9[%swap3A_469, %swap3A_470] {strides = array<i32>} : memref<32x768xf32, #tpu.memory_space<vmem>>, vector<16xf32>,
        tpu.vector_store %arg9[%swap3A_469, %swap3A_470], %add3A_468 {strides = array<i32>} : memref<32x768xf32, #tpu.memory_space<vmem>>, vector<16xf32>,
        %add3A_472 = arith.addf %add3A_420, %add3A_468 : vector<16xf32>
        %mul3A_473 = arith.mulf %add3A_468, %add3A_468 : vector<16xf32>
        %add3A_474 = arith.addf %add3A_422, %mul3A_473 : vector<16xf32>
        %get3A_475 = arith.index_cast %scan3A_44 : i32 to index
        %get3A_476 = arith.constant 512 : index
        %get3A_477 = tpu.vector_load %arg9[%get3A_475, %get3A_476] {strides = array<i32>} : memref<32x768xf32, #tpu.memory_space<vmem>>, vector<16xf32>,
        %get3A_478 = arith.index_cast %scan3A_44 : i32 to index
        %get3A_479 = arith.constant 512 : index
        %get3A_480 = tpu.vector_load %arg10[%get3A_478, %get3A_479] {strides = array<i32>} : memref<32x768xf32, #tpu.memory_space<vmem>>, vector<16xf32>,
        %add3A_481 = arith.addf %get3A_477, %get3A_480 : vector<16xf32>
        %swap3A_482 = arith.index_cast %scan3A_44 : i32 to index
        %swap3A_483 = arith.constant 512 : index
        %swap3A_484 = tpu.vector_load %arg9[%swap3A_482, %swap3A_483] {strides = array<i32>} : memref<32x768xf32, #tpu.memory_space<vmem>>, vector<16xf32>,
        tpu.vector_store %arg9[%swap3A_482, %swap3A_483], %add3A_481 {strides = array<i32>} : memref<32x768xf32, #tpu.memory_space<vmem>>, vector<16xf32>,
        %add3A_485 = arith.addf %add3A_433, %add3A_481 : vector<16xf32>
        %mul3A_486 = arith.mulf %add3A_481, %add3A_481 : vector<16xf32>
        %add3A_487 = arith.addf %add3A_435, %mul3A_486 : vector<16xf32>
        %get3A_488 = arith.index_cast %scan3A_44 : i32 to index
        %get3A_489 = arith.constant 528 : index
        %get3A_490 = tpu.vector_load %arg9[%get3A_488, %get3A_489] {strides = array<i32>} : memref<32x768xf32, #tpu.memory_space<vmem>>, vector<16xf32>,
        %get3A_491 = arith.index_cast %scan3A_44 : i32 to index
        %get3A_492 = arith.constant 528 : index
        %get3A_493 = tpu.vector_load %arg10[%get3A_491, %get3A_492] {strides = array<i32>} : memref<32x768xf32, #tpu.memory_space<vmem>>, vector<16xf32>,
        %add3A_494 = arith.addf %get3A_490, %get3A_493 : vector<16xf32>
        %swap3A_495 = arith.index_cast %scan3A_44 : i32 to index
        %swap3A_496 = arith.constant 528 : index
        %swap3A_497 = tpu.vector_load %arg9[%swap3A_495, %swap3A_496] {strides = array<i32>} : memref<32x768xf32, #tpu.memory_space<vmem>>, vector<16xf32>,
        tpu.vector_store %arg9[%swap3A_495, %swap3A_496], %add3A_494 {strides = array<i32>} : memref<32x768xf32, #tpu.memory_space<vmem>>, vector<16xf32>,
        %add3A_498 = arith.addf %add3A_446, %add3A_494 : vector<16xf32>
        %mul3A_499 = arith.mulf %add3A_494, %add3A_494 : vector<16xf32>
        %add3A_500 = arith.addf %add3A_448, %mul3A_499 : vector<16xf32>
        %get3A_501 = arith.index_cast %scan3A_44 : i32 to index
        %get3A_502 = arith.constant 544 : index
        %get3A_503 = tpu.vector_load %arg9[%get3A_501, %get3A_502] {strides = array<i32>} : memref<32x768xf32, #tpu.memory_space<vmem>>, vector<16xf32>,
        %get3A_504 = arith.index_cast %scan3A_44 : i32 to index
        %get3A_505 = arith.constant 544 : index
        %get3A_506 = tpu.vector_load %arg10[%get3A_504, %get3A_505] {strides = array<i32>} : memref<32x768xf32, #tpu.memory_space<vmem>>, vector<16xf32>,
        %add3A_507 = arith.addf %get3A_503, %get3A_506 : vector<16xf32>
        %swap3A_508 = arith.index_cast %scan3A_44 : i32 to index
        %swap3A_509 = arith.constant 544 : index
        %swap3A_510 = tpu.vector_load %arg9[%swap3A_508, %swap3A_509] {strides = array<i32>} : memref<32x768xf32, #tpu.memory_space<vmem>>, vector<16xf32>,
        tpu.vector_store %arg9[%swap3A_508, %swap3A_509], %add3A_507 {strides = array<i32>} : memref<32x768xf32, #tpu.memory_space<vmem>>, vector<16xf32>,
        %add3A_511 = arith.addf %add3A_459, %add3A_507 : vector<16xf32>
        %mul3A_512 = arith.mulf %add3A_507, %add3A_507 : vector<16xf32>
        %add3A_513 = arith.addf %add3A_461, %mul3A_512 : vector<16xf32>
        %get3A_514 = arith.index_cast %scan3A_44 : i32 to index
        %get3A_515 = arith.constant 560 : index
        %get3A_516 = tpu.vector_load %arg9[%get3A_514, %get3A_515] {strides = array<i32>} : memref<32x768xf32, #tpu.memory_space<vmem>>, vector<16xf32>,
        %get3A_517 = arith.index_cast %scan3A_44 : i32 to index
        %get3A_518 = arith.constant 560 : index
        %get3A_519 = tpu.vector_load %arg10[%get3A_517, %get3A_518] {strides = array<i32>} : memref<32x768xf32, #tpu.memory_space<vmem>>, vector<16xf32>,
        %add3A_520 = arith.addf %get3A_516, %get3A_519 : vector<16xf32>
        %swap3A_521 = arith.index_cast %scan3A_44 : i32 to index
        %swap3A_522 = arith.constant 560 : index
        %swap3A_523 = tpu.vector_load %arg9[%swap3A_521, %swap3A_522] {strides = array<i32>} : memref<32x768xf32, #tpu.memory_space<vmem>>, vector<16xf32>,
        tpu.vector_store %arg9[%swap3A_521, %swap3A_522], %add3A_520 {strides = array<i32>} : memref<32x768xf32, #tpu.memory_space<vmem>>, vector<16xf32>,
        %add3A_524 = arith.addf %add3A_472, %add3A_520 : vector<16xf32>
        %mul3A_525 = arith.mulf %add3A_520, %add3A_520 : vector<16xf32>
        %add3A_526 = arith.addf %add3A_474, %mul3A_525 : vector<16xf32>
        %get3A_527 = arith.index_cast %scan3A_44 : i32 to index
        %get3A_528 = arith.constant 576 : index
        %get3A_529 = tpu.vector_load %arg9[%get3A_527, %get3A_528] {strides = array<i32>} : memref<32x768xf32, #tpu.memory_space<vmem>>, vector<16xf32>,
        %get3A_530 = arith.index_cast %scan3A_44 : i32 to index
        %get3A_531 = arith.constant 576 : index
        %get3A_532 = tpu.vector_load %arg10[%get3A_530, %get3A_531] {strides = array<i32>} : memref<32x768xf32, #tpu.memory_space<vmem>>, vector<16xf32>,
        %add3A_533 = arith.addf %get3A_529, %get3A_532 : vector<16xf32>
        %swap3A_534 = arith.index_cast %scan3A_44 : i32 to index
        %swap3A_535 = arith.constant 576 : index
        %swap3A_536 = tpu.vector_load %arg9[%swap3A_534, %swap3A_535] {strides = array<i32>} : memref<32x768xf32, #tpu.memory_space<vmem>>, vector<16xf32>,
        tpu.vector_store %arg9[%swap3A_534, %swap3A_535], %add3A_533 {strides = array<i32>} : memref<32x768xf32, #tpu.memory_space<vmem>>, vector<16xf32>,
        %add3A_537 = arith.addf %add3A_485, %add3A_533 : vector<16xf32>
        %mul3A_538 = arith.mulf %add3A_533, %add3A_533 : vector<16xf32>
        %add3A_539 = arith.addf %add3A_487, %mul3A_538 : vector<16xf32>
        %get3A_540 = arith.index_cast %scan3A_44 : i32 to index
        %get3A_541 = arith.constant 592 : index
        %get3A_542 = tpu.vector_load %arg9[%get3A_540, %get3A_541] {strides = array<i32>} : memref<32x768xf32, #tpu.memory_space<vmem>>, vector<16xf32>,
        %get3A_543 = arith.index_cast %scan3A_44 : i32 to index
        %get3A_544 = arith.constant 592 : index
        %get3A_545 = tpu.vector_load %arg10[%get3A_543, %get3A_544] {strides = array<i32>} : memref<32x768xf32, #tpu.memory_space<vmem>>, vector<16xf32>,
        %add3A_546 = arith.addf %get3A_542, %get3A_545 : vector<16xf32>
        %swap3A_547 = arith.index_cast %scan3A_44 : i32 to index
        %swap3A_548 = arith.constant 592 : index
        %swap3A_549 = tpu.vector_load %arg9[%swap3A_547, %swap3A_548] {strides = array<i32>} : memref<32x768xf32, #tpu.memory_space<vmem>>, vector<16xf32>,
        tpu.vector_store %arg9[%swap3A_547, %swap3A_548], %add3A_546 {strides = array<i32>} : memref<32x768xf32, #tpu.memory_space<vmem>>, vector<16xf32>,
        %add3A_550 = arith.addf %add3A_498, %add3A_546 : vector<16xf32>
        %mul3A_551 = arith.mulf %add3A_546, %add3A_546 : vector<16xf32>
        %add3A_552 = arith.addf %add3A_500, %mul3A_551 : vector<16xf32>
        %get3A_553 = arith.index_cast %scan3A_44 : i32 to index
        %get3A_554 = arith.constant 608 : index
        %get3A_555 = tpu.vector_load %arg9[%get3A_553, %get3A_554] {strides = array<i32>} : memref<32x768xf32, #tpu.memory_space<vmem>>, vector<16xf32>,
        %get3A_556 = arith.index_cast %scan3A_44 : i32 to index
        %get3A_557 = arith.constant 608 : index
        %get3A_558 = tpu.vector_load %arg10[%get3A_556, %get3A_557] {strides = array<i32>} : memref<32x768xf32, #tpu.memory_space<vmem>>, vector<16xf32>,
        %add3A_559 = arith.addf %get3A_555, %get3A_558 : vector<16xf32>
        %swap3A_560 = arith.index_cast %scan3A_44 : i32 to index
        %swap3A_561 = arith.constant 608 : index
        %swap3A_562 = tpu.vector_load %arg9[%swap3A_560, %swap3A_561] {strides = array<i32>} : memref<32x768xf32, #tpu.memory_space<vmem>>, vector<16xf32>,
        tpu.vector_store %arg9[%swap3A_560, %swap3A_561], %add3A_559 {strides = array<i32>} : memref<32x768xf32, #tpu.memory_space<vmem>>, vector<16xf32>,
        %add3A_563 = arith.addf %add3A_511, %add3A_559 : vector<16xf32>
        %mul3A_564 = arith.mulf %add3A_559, %add3A_559 : vector<16xf32>
        %add3A_565 = arith.addf %add3A_513, %mul3A_564 : vector<16xf32>
        %get3A_566 = arith.index_cast %scan3A_44 : i32 to index
        %get3A_567 = arith.constant 624 : index
        %get3A_568 = tpu.vector_load %arg9[%get3A_566, %get3A_567] {strides = array<i32>} : memref<32x768xf32, #tpu.memory_space<vmem>>, vector<16xf32>,
        %get3A_569 = arith.index_cast %scan3A_44 : i32 to index
        %get3A_570 = arith.constant 624 : index
        %get3A_571 = tpu.vector_load %arg10[%get3A_569, %get3A_570] {strides = array<i32>} : memref<32x768xf32, #tpu.memory_space<vmem>>, vector<16xf32>,
        %add3A_572 = arith.addf %get3A_568, %get3A_571 : vector<16xf32>
        %swap3A_573 = arith.index_cast %scan3A_44 : i32 to index
        %swap3A_574 = arith.constant 624 : index
        %swap3A_575 = tpu.vector_load %arg9[%swap3A_573, %swap3A_574] {strides = array<i32>} : memref<32x768xf32, #tpu.memory_space<vmem>>, vector<16xf32>,
        tpu.vector_store %arg9[%swap3A_573, %swap3A_574], %add3A_572 {strides = array<i32>} : memref<32x768xf32, #tpu.memory_space<vmem>>, vector<16xf32>,
        %add3A_576 = arith.addf %add3A_524, %add3A_572 : vector<16xf32>
        %mul3A_577 = arith.mulf %add3A_572, %add3A_572 : vector<16xf32>
        %add3A_578 = arith.addf %add3A_526, %mul3A_577 : vector<16xf32>
        %get3A_579 = arith.index_cast %scan3A_44 : i32 to index
        %get3A_580 = arith.constant 640 : index
        %get3A_581 = tpu.vector_load %arg9[%get3A_579, %get3A_580] {strides = array<i32>} : memref<32x768xf32, #tpu.memory_space<vmem>>, vector<16xf32>,
        %get3A_582 = arith.index_cast %scan3A_44 : i32 to index
        %get3A_583 = arith.constant 640 : index
        %get3A_584 = tpu.vector_load %arg10[%get3A_582, %get3A_583] {strides = array<i32>} : memref<32x768xf32, #tpu.memory_space<vmem>>, vector<16xf32>,
        %add3A_585 = arith.addf %get3A_581, %get3A_584 : vector<16xf32>
        %swap3A_586 = arith.index_cast %scan3A_44 : i32 to index
        %swap3A_587 = arith.constant 640 : index
        %swap3A_588 = tpu.vector_load %arg9[%swap3A_586, %swap3A_587] {strides = array<i32>} : memref<32x768xf32, #tpu.memory_space<vmem>>, vector<16xf32>,
        tpu.vector_store %arg9[%swap3A_586, %swap3A_587], %add3A_585 {strides = array<i32>} : memref<32x768xf32, #tpu.memory_space<vmem>>, vector<16xf32>,
        %add3A_589 = arith.addf %add3A_537, %add3A_585 : vector<16xf32>
        %mul3A_590 = arith.mulf %add3A_585, %add3A_585 : vector<16xf32>
        %add3A_591 = arith.addf %add3A_539, %mul3A_590 : vector<16xf32>
        %get3A_592 = arith.index_cast %scan3A_44 : i32 to index
        %get3A_593 = arith.constant 656 : index
        %get3A_594 = tpu.vector_load %arg9[%get3A_592, %get3A_593] {strides = array<i32>} : memref<32x768xf32, #tpu.memory_space<vmem>>, vector<16xf32>,
        %get3A_595 = arith.index_cast %scan3A_44 : i32 to index
        %get3A_596 = arith.constant 656 : index
        %get3A_597 = tpu.vector_load %arg10[%get3A_595, %get3A_596] {strides = array<i32>} : memref<32x768xf32, #tpu.memory_space<vmem>>, vector<16xf32>,
        %add3A_598 = arith.addf %get3A_594, %get3A_597 : vector<16xf32>
        %swap3A_599 = arith.index_cast %scan3A_44 : i32 to index
        %swap3A_600 = arith.constant 656 : index
        %swap3A_601 = tpu.vector_load %arg9[%swap3A_599, %swap3A_600] {strides = array<i32>} : memref<32x768xf32, #tpu.memory_space<vmem>>, vector<16xf32>,
        tpu.vector_store %arg9[%swap3A_599, %swap3A_600], %add3A_598 {strides = array<i32>} : memref<32x768xf32, #tpu.memory_space<vmem>>, vector<16xf32>,
        %add3A_602 = arith.addf %add3A_550, %add3A_598 : vector<16xf32>
        %mul3A_603 = arith.mulf %add3A_598, %add3A_598 : vector<16xf32>
        %add3A_604 = arith.addf %add3A_552, %mul3A_603 : vector<16xf32>
        %get3A_605 = arith.index_cast %scan3A_44 : i32 to index
        %get3A_606 = arith.constant 672 : index
        %get3A_607 = tpu.vector_load %arg9[%get3A_605, %get3A_606] {strides = array<i32>} : memref<32x768xf32, #tpu.memory_space<vmem>>, vector<16xf32>,
        %get3A_608 = arith.index_cast %scan3A_44 : i32 to index
        %get3A_609 = arith.constant 672 : index
        %get3A_610 = tpu.vector_load %arg10[%get3A_608, %get3A_609] {strides = array<i32>} : memref<32x768xf32, #tpu.memory_space<vmem>>, vector<16xf32>,
        %add3A_611 = arith.addf %get3A_607, %get3A_610 : vector<16xf32>
        %swap3A_612 = arith.index_cast %scan3A_44 : i32 to index
        %swap3A_613 = arith.constant 672 : index
        %swap3A_614 = tpu.vector_load %arg9[%swap3A_612, %swap3A_613] {strides = array<i32>} : memref<32x768xf32, #tpu.memory_space<vmem>>, vector<16xf32>,
        tpu.vector_store %arg9[%swap3A_612, %swap3A_613], %add3A_611 {strides = array<i32>} : memref<32x768xf32, #tpu.memory_space<vmem>>, vector<16xf32>,
        %add3A_615 = arith.addf %add3A_563, %add3A_611 : vector<16xf32>
        %mul3A_616 = arith.mulf %add3A_611, %add3A_611 : vector<16xf32>
        %add3A_617 = arith.addf %add3A_565, %mul3A_616 : vector<16xf32>
        %get3A_618 = arith.index_cast %scan3A_44 : i32 to index
        %get3A_619 = arith.constant 688 : index
        %get3A_620 = tpu.vector_load %arg9[%get3A_618, %get3A_619] {strides = array<i32>} : memref<32x768xf32, #tpu.memory_space<vmem>>, vector<16xf32>,
        %get3A_621 = arith.index_cast %scan3A_44 : i32 to index
        %get3A_622 = arith.constant 688 : index
        %get3A_623 = tpu.vector_load %arg10[%get3A_621, %get3A_622] {strides = array<i32>} : memref<32x768xf32, #tpu.memory_space<vmem>>, vector<16xf32>,
        %add3A_624 = arith.addf %get3A_620, %get3A_623 : vector<16xf32>
        %swap3A_625 = arith.index_cast %scan3A_44 : i32 to index
        %swap3A_626 = arith.constant 688 : index
        %swap3A_627 = tpu.vector_load %arg9[%swap3A_625, %swap3A_626] {strides = array<i32>} : memref<32x768xf32, #tpu.memory_space<vmem>>, vector<16xf32>,
        tpu.vector_store %arg9[%swap3A_625, %swap3A_626], %add3A_624 {strides = array<i32>} : memref<32x768xf32, #tpu.memory_space<vmem>>, vector<16xf32>,
        %add3A_628 = arith.addf %add3A_576, %add3A_624 : vector<16xf32>
        %mul3A_629 = arith.mulf %add3A_624, %add3A_624 : vector<16xf32>
        %add3A_630 = arith.addf %add3A_578, %mul3A_629 : vector<16xf32>
        %get3A_631 = arith.index_cast %scan3A_44 : i32 to index
        %get3A_632 = arith.constant 704 : index
        %get3A_633 = tpu.vector_load %arg9[%get3A_631, %get3A_632] {strides = array<i32>} : memref<32x768xf32, #tpu.memory_space<vmem>>, vector<16xf32>,
        %get3A_634 = arith.index_cast %scan3A_44 : i32 to index
        %get3A_635 = arith.constant 704 : index
        %get3A_636 = tpu.vector_load %arg10[%get3A_634, %get3A_635] {strides = array<i32>} : memref<32x768xf32, #tpu.memory_space<vmem>>, vector<16xf32>,
        %add3A_637 = arith.addf %get3A_633, %get3A_636 : vector<16xf32>
        %swap3A_638 = arith.index_cast %scan3A_44 : i32 to index
        %swap3A_639 = arith.constant 704 : index
        %swap3A_640 = tpu.vector_load %arg9[%swap3A_638, %swap3A_639] {strides = array<i32>} : memref<32x768xf32, #tpu.memory_space<vmem>>, vector<16xf32>,
        tpu.vector_store %arg9[%swap3A_638, %swap3A_639], %add3A_637 {strides = array<i32>} : memref<32x768xf32, #tpu.memory_space<vmem>>, vector<16xf32>,
        %add3A_641 = arith.addf %add3A_589, %add3A_637 : vector<16xf32>
        %mul3A_642 = arith.mulf %add3A_637, %add3A_637 : vector<16xf32>
        %add3A_643 = arith.addf %add3A_591, %mul3A_642 : vector<16xf32>
        %get3A_644 = arith.index_cast %scan3A_44 : i32 to index
        %get3A_645 = arith.constant 720 : index
        %get3A_646 = tpu.vector_load %arg9[%get3A_644, %get3A_645] {strides = array<i32>} : memref<32x768xf32, #tpu.memory_space<vmem>>, vector<16xf32>,
        %get3A_647 = arith.index_cast %scan3A_44 : i32 to index
        %get3A_648 = arith.constant 720 : index
        %get3A_649 = tpu.vector_load %arg10[%get3A_647, %get3A_648] {strides = array<i32>} : memref<32x768xf32, #tpu.memory_space<vmem>>, vector<16xf32>,
        %add3A_650 = arith.addf %get3A_646, %get3A_649 : vector<16xf32>
        %swap3A_651 = arith.index_cast %scan3A_44 : i32 to index
        %swap3A_652 = arith.constant 720 : index
        %swap3A_653 = tpu.vector_load %arg9[%swap3A_651, %swap3A_652] {strides = array<i32>} : memref<32x768xf32, #tpu.memory_space<vmem>>, vector<16xf32>,
        tpu.vector_store %arg9[%swap3A_651, %swap3A_652], %add3A_650 {strides = array<i32>} : memref<32x768xf32, #tpu.memory_space<vmem>>, vector<16xf32>,
        %add3A_654 = arith.addf %add3A_602, %add3A_650 : vector<16xf32>
        %mul3A_655 = arith.mulf %add3A_650, %add3A_650 : vector<16xf32>
        %add3A_656 = arith.addf %add3A_604, %mul3A_655 : vector<16xf32>
        %get3A_657 = arith.index_cast %scan3A_44 : i32 to index
        %get3A_658 = arith.constant 736 : index
        %get3A_659 = tpu.vector_load %arg9[%get3A_657, %get3A_658] {strides = array<i32>} : memref<32x768xf32, #tpu.memory_space<vmem>>, vector<16xf32>,
        %get3A_660 = arith.index_cast %scan3A_44 : i32 to index
        %get3A_661 = arith.constant 736 : index
        %get3A_662 = tpu.vector_load %arg10[%get3A_660, %get3A_661] {strides = array<i32>} : memref<32x768xf32, #tpu.memory_space<vmem>>, vector<16xf32>,
        %add3A_663 = arith.addf %get3A_659, %get3A_662 : vector<16xf32>
        %swap3A_664 = arith.index_cast %scan3A_44 : i32 to index
        %swap3A_665 = arith.constant 736 : index
        %swap3A_666 = tpu.vector_load %arg9[%swap3A_664, %swap3A_665] {strides = array<i32>} : memref<32x768xf32, #tpu.memory_space<vmem>>, vector<16xf32>,
        tpu.vector_store %arg9[%swap3A_664, %swap3A_665], %add3A_663 {strides = array<i32>} : memref<32x768xf32, #tpu.memory_space<vmem>>, vector<16xf32>,
        %add3A_667 = arith.addf %add3A_615, %add3A_663 : vector<16xf32>
        %mul3A_668 = arith.mulf %add3A_663, %add3A_663 : vector<16xf32>
        %add3A_669 = arith.addf %add3A_617, %mul3A_668 : vector<16xf32>
        %get3A_670 = arith.index_cast %scan3A_44 : i32 to index
        %get3A_671 = arith.constant 752 : index
        %get3A_672 = tpu.vector_load %arg9[%get3A_670, %get3A_671] {strides = array<i32>} : memref<32x768xf32, #tpu.memory_space<vmem>>, vector<16xf32>,
        %get3A_673 = arith.index_cast %scan3A_44 : i32 to index
        %get3A_674 = arith.constant 752 : index
        %get3A_675 = tpu.vector_load %arg10[%get3A_673, %get3A_674] {strides = array<i32>} : memref<32x768xf32, #tpu.memory_space<vmem>>, vector<16xf32>,
        %add3A_676 = arith.addf %get3A_672, %get3A_675 : vector<16xf32>
        %swap3A_677 = arith.index_cast %scan3A_44 : i32 to index
        %swap3A_678 = arith.constant 752 : index
        %swap3A_679 = tpu.vector_load %arg9[%swap3A_677, %swap3A_678] {strides = array<i32>} : memref<32x768xf32, #tpu.memory_space<vmem>>, vector<16xf32>,
        tpu.vector_store %arg9[%swap3A_677, %swap3A_678], %add3A_676 {strides = array<i32>} : memref<32x768xf32, #tpu.memory_space<vmem>>, vector<16xf32>,
        %add3A_680 = arith.addf %add3A_628, %add3A_676 : vector<16xf32>
        %mul3A_681 = arith.mulf %add3A_676, %add3A_676 : vector<16xf32>
        %add3A_682 = arith.addf %add3A_630, %mul3A_681 : vector<16xf32>
        %add3A_683 = arith.addf %add3A_641, %add3A_654 : vector<16xf32>
        %add3A_684 = arith.addf %add3A_667, %add3A_680 : vector<16xf32>
        %add3A_685 = arith.addf %add3A_683, %add3A_684 : vector<16xf32>
        %add3A_686 = arith.addf %add3A_643, %add3A_656 : vector<16xf32>
        %add3A_687 = arith.addf %add3A_669, %add3A_682 : vector<16xf32>
        %add3A_688 = arith.addf %add3A_686, %add3A_687 : vector<16xf32>
        %reduce_sum3A = arith.constant true
        %reduce_sum3A_689 = vector.broadcast %reduce_sum3A : i1 to vector<16xi1>
        %reduce_sum3A_690 = tpu.scan <sum>, %add3A_685 masked %reduce_sum3A_689 : vector<16xf32>, vector<16xi1> -> vector<16xf32>
        %reduce_sum3A_691 = vector.extract %reduce_sum3A_690[15] : f32 from vector<16xf32>
        %broadcast_in_dim3A_692 = vector.broadcast %reduce_sum3A_691 : f32 to vector<16xf32>
        %mul3A_693 = arith.constant 0.00130208337 : f32
        %mul3A_694 = vector.broadcast %mul3A_693 : f32 to vector<16xf32>
        %mul3A_695 = arith.mulf %broadcast_in_dim3A_692, %mul3A_694 : vector<16xf32>
        %reduce_sum3A_696 = arith.constant true
        %reduce_sum3A_697 = vector.broadcast %reduce_sum3A_696 : i1 to vector<16xi1>
        %reduce_sum3A_698 = tpu.scan <sum>, %add3A_688 masked %reduce_sum3A_697 : vector<16xf32>, vector<16xi1> -> vector<16xf32>
        %reduce_sum3A_699 = vector.extract %reduce_sum3A_698[15] : f32 from vector<16xf32>
        %broadcast_in_dim3A_700 = vector.broadcast %reduce_sum3A_699 : f32 to vector<16xf32>
        %mul3A_701 = arith.constant 0.00130208337 : f32
        %mul3A_702 = vector.broadcast %mul3A_701 : f32 to vector<16xf32>
        %mul3A_703 = arith.mulf %broadcast_in_dim3A_700, %mul3A_702 : vector<16xf32>
        %mul3A_704 = arith.mulf %mul3A_695, %mul3A_695 : vector<16xf32>
        %sub3A = arith.subf %mul3A_703, %mul3A_704 : vector<16xf32>
        %add3A_705 = arith.constant 9.99999996E-13 : f32
        %add3A_706 = vector.broadcast %add3A_705 : f32 to vector<16xf32>
        %add3A_707 = arith.addf %sub3A, %add3A_706 : vector<16xf32>
        %bitcast_convert_type3A = tpu.bitcast %add3A_707 : vector<16xf32> -> vector<16xi32>
        %shift_right_arithmetic3A = arith.constant 1 : i32
        %shift_right_arithmetic3A_708 = vector.broadcast %shift_right_arithmetic3A : i32 to vector<16xi32>
        %shift_right_arithmetic3A_709 = arith.shrsi %bitcast_convert_type3A, %shift_right_arithmetic3A_708 : vector<16xi32>
        %sub3A_710 = arith.constant 1597463007 : i32
        %sub3A_711 = vector.broadcast %sub3A_710 : i32 to vector<16xi32>
        %sub3A_712 = arith.subi %sub3A_711, %shift_right_arithmetic3A_709 : vector<16xi32>
        %bitcast_convert_type3A_713 = tpu.bitcast %sub3A_712 : vector<16xi32> -> vector<16xf32>
        %mul3A_714 = arith.constant 5.000000e-01 : f32
        %mul3A_715 = vector.broadcast %mul3A_714 : f32 to vector<16xf32>
        %mul3A_716 = arith.mulf %add3A_707, %mul3A_715 : vector<16xf32>
        %mul3A_717 = arith.mulf %mul3A_716, %bitcast_convert_type3A_713 : vector<16xf32>
        %mul3A_718 = arith.mulf %mul3A_717, %bitcast_convert_type3A_713 : vector<16xf32>
        %sub3A_719 = arith.constant 1.500000e+00 : f32
        %sub3A_720 = vector.broadcast %sub3A_719 : f32 to vector<16xf32>
        %sub3A_721 = arith.subf %sub3A_720, %mul3A_718 : vector<16xf32>
        %mul3A_722 = arith.mulf %bitcast_convert_type3A_713, %sub3A_721 : vector<16xf32>
        %mul3A_723 = arith.mulf %mul3A_716, %mul3A_722 : vector<16xf32>
        %mul3A_724 = arith.mulf %mul3A_723, %mul3A_722 : vector<16xf32>
        %sub3A_725 = arith.constant 1.500000e+00 : f32
        %sub3A_726 = vector.broadcast %sub3A_725 : f32 to vector<16xf32>
        %sub3A_727 = arith.subf %sub3A_726, %mul3A_724 : vector<16xf32>
        %mul3A_728 = arith.mulf %mul3A_722, %sub3A_727 : vector<16xf32>
        %mul3A_729 = arith.mulf %mul3A_716, %mul3A_728 : vector<16xf32>
        %mul3A_730 = arith.mulf %mul3A_729, %mul3A_728 : vector<16xf32>
        %sub3A_731 = arith.constant 1.500000e+00 : f32
        %sub3A_732 = vector.broadcast %sub3A_731 : f32 to vector<16xf32>
        %sub3A_733 = arith.subf %sub3A_732, %mul3A_730 : vector<16xf32>
        %mul3A_734 = arith.mulf %mul3A_728, %sub3A_733 : vector<16xf32>
        %mul3A_735 = arith.mulf %mul3A_695, %mul3A_734 : vector<16xf32>
        %neg3A = arith.constant 0.000000e+00 : f32
        %neg3A_736 = vector.broadcast %neg3A : f32 to vector<16xf32>
        %neg3A_737 = arith.subf %neg3A_736, %mul3A_735 : vector<16xf32>
        %get3A_738 = arith.index_cast %scan3A_44 : i32 to index
        %get3A_739 = arith.constant 0 : index
        %get3A_740 = tpu.vector_load %arg9[%get3A_738, %get3A_739] {strides = array<i32>} : memref<32x768xf32, #tpu.memory_space<vmem>>, vector<16xf32>,
        %mul3A_741 = arith.mulf %get3A_740, %mul3A_734 : vector<16xf32>
        %add3A_742 = arith.addf %mul3A_741, %neg3A_737 : vector<16xf32>
        %get3A_743 = arith.constant 0 : index
        %get3A_744 = tpu.vector_load %arg11[%get3A_743] {strides = array<i32>} : memref<768xf32, #tpu.memory_space<vmem>>, vector<16xf32>,
        %mul3A_745 = arith.mulf %add3A_742, %get3A_744 : vector<16xf32>
        %get3A_746 = arith.constant 0 : index
        %get3A_747 = tpu.vector_load %arg12[%get3A_746] {strides = array<i32>} : memref<768xf32, #tpu.memory_space<vmem>>, vector<16xf32>,
        %add3A_748 = arith.addf %mul3A_745, %get3A_747 : vector<16xf32>
        %swap3A_749 = arith.index_cast %scan3A_44 : i32 to index
        %swap3A_750 = arith.constant 0 : index
        %swap3A_751 = tpu.vector_load %arg9[%swap3A_749, %swap3A_750] {strides = array<i32>} : memref<32x768xf32, #tpu.memory_space<vmem>>, vector<16xf32>,
        tpu.vector_store %arg9[%swap3A_749, %swap3A_750], %add3A_748 {strides = array<i32>} : memref<32x768xf32, #tpu.memory_space<vmem>>, vector<16xf32>,
        %get3A_752 = arith.index_cast %scan3A_44 : i32 to index
        %get3A_753 = arith.constant 16 : index
        %get3A_754 = tpu.vector_load %arg9[%get3A_752, %get3A_753] {strides = array<i32>} : memref<32x768xf32, #tpu.memory_space<vmem>>, vector<16xf32>,
        %mul3A_755 = arith.mulf %get3A_754, %mul3A_734 : vector<16xf32>
        %add3A_756 = arith.addf %mul3A_755, %neg3A_737 : vector<16xf32>
        %get3A_757 = arith.constant 16 : index
        %get3A_758 = tpu.vector_load %arg11[%get3A_757] {strides = array<i32>} : memref<768xf32, #tpu.memory_space<vmem>>, vector<16xf32>,
        %mul3A_759 = arith.mulf %add3A_756, %get3A_758 : vector<16xf32>
        %get3A_760 = arith.constant 16 : index
        %get3A_761 = tpu.vector_load %arg12[%get3A_760] {strides = array<i32>} : memref<768xf32, #tpu.memory_space<vmem>>, vector<16xf32>,
        %add3A_762 = arith.addf %mul3A_759, %get3A_761 : vector<16xf32>
        %swap3A_763 = arith.index_cast %scan3A_44 : i32 to index
        %swap3A_764 = arith.constant 16 : index
        %swap3A_765 = tpu.vector_load %arg9[%swap3A_763, %swap3A_764] {strides = array<i32>} : memref<32x768xf32, #tpu.memory_space<vmem>>, vector<16xf32>,
        tpu.vector_store %arg9[%swap3A_763, %swap3A_764], %add3A_762 {strides = array<i32>} : memref<32x768xf32, #tpu.memory_space<vmem>>, vector<16xf32>,
        %get3A_766 = arith.index_cast %scan3A_44 : i32 to index
        %get3A_767 = arith.constant 32 : index
        %get3A_768 = tpu.vector_load %arg9[%get3A_766, %get3A_767] {strides = array<i32>} : memref<32x768xf32, #tpu.memory_space<vmem>>, vector<16xf32>,
        %mul3A_769 = arith.mulf %get3A_768, %mul3A_734 : vector<16xf32>
        %add3A_770 = arith.addf %mul3A_769, %neg3A_737 : vector<16xf32>
        %get3A_771 = arith.constant 32 : index
        %get3A_772 = tpu.vector_load %arg11[%get3A_771] {strides = array<i32>} : memref<768xf32, #tpu.memory_space<vmem>>, vector<16xf32>,
        %mul3A_773 = arith.mulf %add3A_770, %get3A_772 : vector<16xf32>
        %get3A_774 = arith.constant 32 : index
        %get3A_775 = tpu.vector_load %arg12[%get3A_774] {strides = array<i32>} : memref<768xf32, #tpu.memory_space<vmem>>, vector<16xf32>,
        %add3A_776 = arith.addf %mul3A_773, %get3A_775 : vector<16xf32>
        %swap3A_777 = arith.index_cast %scan3A_44 : i32 to index
        %swap3A_778 = arith.constant 32 : index
        %swap3A_779 = tpu.vector_load %arg9[%swap3A_777, %swap3A_778] {strides = array<i32>} : memref<32x768xf32, #tpu.memory_space<vmem>>, vector<16xf32>,
        tpu.vector_store %arg9[%swap3A_777, %swap3A_778], %add3A_776 {strides = array<i32>} : memref<32x768xf32, #tpu.memory_space<vmem>>, vector<16xf32>,
        %get3A_780 = arith.index_cast %scan3A_44 : i32 to index
        %get3A_781 = arith.constant 48 : index
        %get3A_782 = tpu.vector_load %arg9[%get3A_780, %get3A_781] {strides = array<i32>} : memref<32x768xf32, #tpu.memory_space<vmem>>, vector<16xf32>,
        %mul3A_783 = arith.mulf %get3A_782, %mul3A_734 : vector<16xf32>
        %add3A_784 = arith.addf %mul3A_783, %neg3A_737 : vector<16xf32>
        %get3A_785 = arith.constant 48 : index
        %get3A_786 = tpu.vector_load %arg11[%get3A_785] {strides = array<i32>} : memref<768xf32, #tpu.memory_space<vmem>>, vector<16xf32>,
        %mul3A_787 = arith.mulf %add3A_784, %get3A_786 : vector<16xf32>
        %get3A_788 = arith.constant 48 : index
        %get3A_789 = tpu.vector_load %arg12[%get3A_788] {strides = array<i32>} : memref<768xf32, #tpu.memory_space<vmem>>, vector<16xf32>,
        %add3A_790 = arith.addf %mul3A_787, %get3A_789 : vector<16xf32>
        %swap3A_791 = arith.index_cast %scan3A_44 : i32 to index
        %swap3A_792 = arith.constant 48 : index
        %swap3A_793 = tpu.vector_load %arg9[%swap3A_791, %swap3A_792] {strides = array<i32>} : memref<32x768xf32, #tpu.memory_space<vmem>>, vector<16xf32>,
        tpu.vector_store %arg9[%swap3A_791, %swap3A_792], %add3A_790 {strides = array<i32>} : memref<32x768xf32, #tpu.memory_space<vmem>>, vector<16xf32>,
        %get3A_794 = arith.index_cast %scan3A_44 : i32 to index
        %get3A_795 = arith.constant 64 : index
        %get3A_796 = tpu.vector_load %arg9[%get3A_794, %get3A_795] {strides = array<i32>} : memref<32x768xf32, #tpu.memory_space<vmem>>, vector<16xf32>,
        %mul3A_797 = arith.mulf %get3A_796, %mul3A_734 : vector<16xf32>
        %add3A_798 = arith.addf %mul3A_797, %neg3A_737 : vector<16xf32>
        %get3A_799 = arith.constant 64 : index
        %get3A_800 = tpu.vector_load %arg11[%get3A_799] {strides = array<i32>} : memref<768xf32, #tpu.memory_space<vmem>>, vector<16xf32>,
        %mul3A_801 = arith.mulf %add3A_798, %get3A_800 : vector<16xf32>
        %get3A_802 = arith.constant 64 : index
        %get3A_803 = tpu.vector_load %arg12[%get3A_802] {strides = array<i32>} : memref<768xf32, #tpu.memory_space<vmem>>, vector<16xf32>,
        %add3A_804 = arith.addf %mul3A_801, %get3A_803 : vector<16xf32>
        %swap3A_805 = arith.index_cast %scan3A_44 : i32 to index
        %swap3A_806 = arith.constant 64 : index
        %swap3A_807 = tpu.vector_load %arg9[%swap3A_805, %swap3A_806] {strides = array<i32>} : memref<32x768xf32, #tpu.memory_space<vmem>>, vector<16xf32>,
        tpu.vector_store %arg9[%swap3A_805, %swap3A_806], %add3A_804 {strides = array<i32>} : memref<32x768xf32, #tpu.memory_space<vmem>>, vector<16xf32>,
        %get3A_808 = arith.index_cast %scan3A_44 : i32 to index
        %get3A_809 = arith.constant 80 : index
        %get3A_810 = tpu.vector_load %arg9[%get3A_808, %get3A_809] {strides = array<i32>} : memref<32x768xf32, #tpu.memory_space<vmem>>, vector<16xf32>,
        %mul3A_811 = arith.mulf %get3A_810, %mul3A_734 : vector<16xf32>
        %add3A_812 = arith.addf %mul3A_811, %neg3A_737 : vector<16xf32>
        %get3A_813 = arith.constant 80 : index
        %get3A_814 = tpu.vector_load %arg11[%get3A_813] {strides = array<i32>} : memref<768xf32, #tpu.memory_space<vmem>>, vector<16xf32>,
        %mul3A_815 = arith.mulf %add3A_812, %get3A_814 : vector<16xf32>
        %get3A_816 = arith.constant 80 : index
        %get3A_817 = tpu.vector_load %arg12[%get3A_816] {strides = array<i32>} : memref<768xf32, #tpu.memory_space<vmem>>, vector<16xf32>,
        %add3A_818 = arith.addf %mul3A_815, %get3A_817 : vector<16xf32>
        %swap3A_819 = arith.index_cast %scan3A_44 : i32 to index
        %swap3A_820 = arith.constant 80 : index
        %swap3A_821 = tpu.vector_load %arg9[%swap3A_819, %swap3A_820] {strides = array<i32>} : memref<32x768xf32, #tpu.memory_space<vmem>>, vector<16xf32>,
        tpu.vector_store %arg9[%swap3A_819, %swap3A_820], %add3A_818 {strides = array<i32>} : memref<32x768xf32, #tpu.memory_space<vmem>>, vector<16xf32>,
        %get3A_822 = arith.index_cast %scan3A_44 : i32 to index
        %get3A_823 = arith.constant 96 : index
        %get3A_824 = tpu.vector_load %arg9[%get3A_822, %get3A_823] {strides = array<i32>} : memref<32x768xf32, #tpu.memory_space<vmem>>, vector<16xf32>,
        %mul3A_825 = arith.mulf %get3A_824, %mul3A_734 : vector<16xf32>
        %add3A_826 = arith.addf %mul3A_825, %neg3A_737 : vector<16xf32>
        %get3A_827 = arith.constant 96 : index
        %get3A_828 = tpu.vector_load %arg11[%get3A_827] {strides = array<i32>} : memref<768xf32, #tpu.memory_space<vmem>>, vector<16xf32>,
        %mul3A_829 = arith.mulf %add3A_826, %get3A_828 : vector<16xf32>
        %get3A_830 = arith.constant 96 : index
        %get3A_831 = tpu.vector_load %arg12[%get3A_830] {strides = array<i32>} : memref<768xf32, #tpu.memory_space<vmem>>, vector<16xf32>,
        %add3A_832 = arith.addf %mul3A_829, %get3A_831 : vector<16xf32>
        %swap3A_833 = arith.index_cast %scan3A_44 : i32 to index
        %swap3A_834 = arith.constant 96 : index
        %swap3A_835 = tpu.vector_load %arg9[%swap3A_833, %swap3A_834] {strides = array<i32>} : memref<32x768xf32, #tpu.memory_space<vmem>>, vector<16xf32>,
        tpu.vector_store %arg9[%swap3A_833, %swap3A_834], %add3A_832 {strides = array<i32>} : memref<32x768xf32, #tpu.memory_space<vmem>>, vector<16xf32>,
        %get3A_836 = arith.index_cast %scan3A_44 : i32 to index
        %get3A_837 = arith.constant 112 : index
        %get3A_838 = tpu.vector_load %arg9[%get3A_836, %get3A_837] {strides = array<i32>} : memref<32x768xf32, #tpu.memory_space<vmem>>, vector<16xf32>,
        %mul3A_839 = arith.mulf %get3A_838, %mul3A_734 : vector<16xf32>
        %add3A_840 = arith.addf %mul3A_839, %neg3A_737 : vector<16xf32>
        %get3A_841 = arith.constant 112 : index
        %get3A_842 = tpu.vector_load %arg11[%get3A_841] {strides = array<i32>} : memref<768xf32, #tpu.memory_space<vmem>>, vector<16xf32>,
        %mul3A_843 = arith.mulf %add3A_840, %get3A_842 : vector<16xf32>
        %get3A_844 = arith.constant 112 : index
        %get3A_845 = tpu.vector_load %arg12[%get3A_844] {strides = array<i32>} : memref<768xf32, #tpu.memory_space<vmem>>, vector<16xf32>,
        %add3A_846 = arith.addf %mul3A_843, %get3A_845 : vector<16xf32>
        %swap3A_847 = arith.index_cast %scan3A_44 : i32 to index
        %swap3A_848 = arith.constant 112 : index
        %swap3A_849 = tpu.vector_load %arg9[%swap3A_847, %swap3A_848] {strides = array<i32>} : memref<32x768xf32, #tpu.memory_space<vmem>>, vector<16xf32>,
        tpu.vector_store %arg9[%swap3A_847, %swap3A_848], %add3A_846 {strides = array<i32>} : memref<32x768xf32, #tpu.memory_space<vmem>>, vector<16xf32>,
        %get3A_850 = arith.index_cast %scan3A_44 : i32 to index
        %get3A_851 = arith.constant 128 : index
        %get3A_852 = tpu.vector_load %arg9[%get3A_850, %get3A_851] {strides = array<i32>} : memref<32x768xf32, #tpu.memory_space<vmem>>, vector<16xf32>,
        %mul3A_853 = arith.mulf %get3A_852, %mul3A_734 : vector<16xf32>
        %add3A_854 = arith.addf %mul3A_853, %neg3A_737 : vector<16xf32>
        %get3A_855 = arith.constant 128 : index
        %get3A_856 = tpu.vector_load %arg11[%get3A_855] {strides = array<i32>} : memref<768xf32, #tpu.memory_space<vmem>>, vector<16xf32>,
        %mul3A_857 = arith.mulf %add3A_854, %get3A_856 : vector<16xf32>
        %get3A_858 = arith.constant 128 : index
        %get3A_859 = tpu.vector_load %arg12[%get3A_858] {strides = array<i32>} : memref<768xf32, #tpu.memory_space<vmem>>, vector<16xf32>,
        %add3A_860 = arith.addf %mul3A_857, %get3A_859 : vector<16xf32>
        %swap3A_861 = arith.index_cast %scan3A_44 : i32 to index
        %swap3A_862 = arith.constant 128 : index
        %swap3A_863 = tpu.vector_load %arg9[%swap3A_861, %swap3A_862] {strides = array<i32>} : memref<32x768xf32, #tpu.memory_space<vmem>>, vector<16xf32>,
        tpu.vector_store %arg9[%swap3A_861, %swap3A_862], %add3A_860 {strides = array<i32>} : memref<32x768xf32, #tpu.memory_space<vmem>>, vector<16xf32>,
        %get3A_864 = arith.index_cast %scan3A_44 : i32 to index
        %get3A_865 = arith.constant 144 : index
        %get3A_866 = tpu.vector_load %arg9[%get3A_864, %get3A_865] {strides = array<i32>} : memref<32x768xf32, #tpu.memory_space<vmem>>, vector<16xf32>,
        %mul3A_867 = arith.mulf %get3A_866, %mul3A_734 : vector<16xf32>
        %add3A_868 = arith.addf %mul3A_867, %neg3A_737 : vector<16xf32>
        %get3A_869 = arith.constant 144 : index
        %get3A_870 = tpu.vector_load %arg11[%get3A_869] {strides = array<i32>} : memref<768xf32, #tpu.memory_space<vmem>>, vector<16xf32>,
        %mul3A_871 = arith.mulf %add3A_868, %get3A_870 : vector<16xf32>
        %get3A_872 = arith.constant 144 : index
        %get3A_873 = tpu.vector_load %arg12[%get3A_872] {strides = array<i32>} : memref<768xf32, #tpu.memory_space<vmem>>, vector<16xf32>,
        %add3A_874 = arith.addf %mul3A_871, %get3A_873 : vector<16xf32>
        %swap3A_875 = arith.index_cast %scan3A_44 : i32 to index
        %swap3A_876 = arith.constant 144 : index
        %swap3A_877 = tpu.vector_load %arg9[%swap3A_875, %swap3A_876] {strides = array<i32>} : memref<32x768xf32, #tpu.memory_space<vmem>>, vector<16xf32>,
        tpu.vector_store %arg9[%swap3A_875, %swap3A_876], %add3A_874 {strides = array<i32>} : memref<32x768xf32, #tpu.memory_space<vmem>>, vector<16xf32>,
        %get3A_878 = arith.index_cast %scan3A_44 : i32 to index
        %get3A_879 = arith.constant 160 : index
        %get3A_880 = tpu.vector_load %arg9[%get3A_878, %get3A_879] {strides = array<i32>} : memref<32x768xf32, #tpu.memory_space<vmem>>, vector<16xf32>,
        %mul3A_881 = arith.mulf %get3A_880, %mul3A_734 : vector<16xf32>
        %add3A_882 = arith.addf %mul3A_881, %neg3A_737 : vector<16xf32>
        %get3A_883 = arith.constant 160 : index
        %get3A_884 = tpu.vector_load %arg11[%get3A_883] {strides = array<i32>} : memref<768xf32, #tpu.memory_space<vmem>>, vector<16xf32>,
        %mul3A_885 = arith.mulf %add3A_882, %get3A_884 : vector<16xf32>
        %get3A_886 = arith.constant 160 : index
        %get3A_887 = tpu.vector_load %arg12[%get3A_886] {strides = array<i32>} : memref<768xf32, #tpu.memory_space<vmem>>, vector<16xf32>,
        %add3A_888 = arith.addf %mul3A_885, %get3A_887 : vector<16xf32>
        %swap3A_889 = arith.index_cast %scan3A_44 : i32 to index
        %swap3A_890 = arith.constant 160 : index
        %swap3A_891 = tpu.vector_load %arg9[%swap3A_889, %swap3A_890] {strides = array<i32>} : memref<32x768xf32, #tpu.memory_space<vmem>>, vector<16xf32>,
        tpu.vector_store %arg9[%swap3A_889, %swap3A_890], %add3A_888 {strides = array<i32>} : memref<32x768xf32, #tpu.memory_space<vmem>>, vector<16xf32>,
        %get3A_892 = arith.index_cast %scan3A_44 : i32 to index
        %get3A_893 = arith.constant 176 : index
        %get3A_894 = tpu.vector_load %arg9[%get3A_892, %get3A_893] {strides = array<i32>} : memref<32x768xf32, #tpu.memory_space<vmem>>, vector<16xf32>,
        %mul3A_895 = arith.mulf %get3A_894, %mul3A_734 : vector<16xf32>
        %add3A_896 = arith.addf %mul3A_895, %neg3A_737 : vector<16xf32>
        %get3A_897 = arith.constant 176 : index
        %get3A_898 = tpu.vector_load %arg11[%get3A_897] {strides = array<i32>} : memref<768xf32, #tpu.memory_space<vmem>>, vector<16xf32>,
        %mul3A_899 = arith.mulf %add3A_896, %get3A_898 : vector<16xf32>
        %get3A_900 = arith.constant 176 : index
        %get3A_901 = tpu.vector_load %arg12[%get3A_900] {strides = array<i32>} : memref<768xf32, #tpu.memory_space<vmem>>, vector<16xf32>,
        %add3A_902 = arith.addf %mul3A_899, %get3A_901 : vector<16xf32>
        %swap3A_903 = arith.index_cast %scan3A_44 : i32 to index
        %swap3A_904 = arith.constant 176 : index
        %swap3A_905 = tpu.vector_load %arg9[%swap3A_903, %swap3A_904] {strides = array<i32>} : memref<32x768xf32, #tpu.memory_space<vmem>>, vector<16xf32>,
        tpu.vector_store %arg9[%swap3A_903, %swap3A_904], %add3A_902 {strides = array<i32>} : memref<32x768xf32, #tpu.memory_space<vmem>>, vector<16xf32>,
        %get3A_906 = arith.index_cast %scan3A_44 : i32 to index
        %get3A_907 = arith.constant 192 : index
        %get3A_908 = tpu.vector_load %arg9[%get3A_906, %get3A_907] {strides = array<i32>} : memref<32x768xf32, #tpu.memory_space<vmem>>, vector<16xf32>,
        %mul3A_909 = arith.mulf %get3A_908, %mul3A_734 : vector<16xf32>
        %add3A_910 = arith.addf %mul3A_909, %neg3A_737 : vector<16xf32>
        %get3A_911 = arith.constant 192 : index
        %get3A_912 = tpu.vector_load %arg11[%get3A_911] {strides = array<i32>} : memref<768xf32, #tpu.memory_space<vmem>>, vector<16xf32>,
        %mul3A_913 = arith.mulf %add3A_910, %get3A_912 : vector<16xf32>
        %get3A_914 = arith.constant 192 : index
        %get3A_915 = tpu.vector_load %arg12[%get3A_914] {strides = array<i32>} : memref<768xf32, #tpu.memory_space<vmem>>, vector<16xf32>,
        %add3A_916 = arith.addf %mul3A_913, %get3A_915 : vector<16xf32>
        %swap3A_917 = arith.index_cast %scan3A_44 : i32 to index
        %swap3A_918 = arith.constant 192 : index
        %swap3A_919 = tpu.vector_load %arg9[%swap3A_917, %swap3A_918] {strides = array<i32>} : memref<32x768xf32, #tpu.memory_space<vmem>>, vector<16xf32>,
        tpu.vector_store %arg9[%swap3A_917, %swap3A_918], %add3A_916 {strides = array<i32>} : memref<32x768xf32, #tpu.memory_space<vmem>>, vector<16xf32>,
        %get3A_920 = arith.index_cast %scan3A_44 : i32 to index
        %get3A_921 = arith.constant 208 : index
        %get3A_922 = tpu.vector_load %arg9[%get3A_920, %get3A_921] {strides = array<i32>} : memref<32x768xf32, #tpu.memory_space<vmem>>, vector<16xf32>,
        %mul3A_923 = arith.mulf %get3A_922, %mul3A_734 : vector<16xf32>
        %add3A_924 = arith.addf %mul3A_923, %neg3A_737 : vector<16xf32>
        %get3A_925 = arith.constant 208 : index
        %get3A_926 = tpu.vector_load %arg11[%get3A_925] {strides = array<i32>} : memref<768xf32, #tpu.memory_space<vmem>>, vector<16xf32>,
        %mul3A_927 = arith.mulf %add3A_924, %get3A_926 : vector<16xf32>
        %get3A_928 = arith.constant 208 : index
        %get3A_929 = tpu.vector_load %arg12[%get3A_928] {strides = array<i32>} : memref<768xf32, #tpu.memory_space<vmem>>, vector<16xf32>,
        %add3A_930 = arith.addf %mul3A_927, %get3A_929 : vector<16xf32>
        %swap3A_931 = arith.index_cast %scan3A_44 : i32 to index
        %swap3A_932 = arith.constant 208 : index
        %swap3A_933 = tpu.vector_load %arg9[%swap3A_931, %swap3A_932] {strides = array<i32>} : memref<32x768xf32, #tpu.memory_space<vmem>>, vector<16xf32>,
        tpu.vector_store %arg9[%swap3A_931, %swap3A_932], %add3A_930 {strides = array<i32>} : memref<32x768xf32, #tpu.memory_space<vmem>>, vector<16xf32>,
        %get3A_934 = arith.index_cast %scan3A_44 : i32 to index
        %get3A_935 = arith.constant 224 : index
        %get3A_936 = tpu.vector_load %arg9[%get3A_934, %get3A_935] {strides = array<i32>} : memref<32x768xf32, #tpu.memory_space<vmem>>, vector<16xf32>,
        %mul3A_937 = arith.mulf %get3A_936, %mul3A_734 : vector<16xf32>
        %add3A_938 = arith.addf %mul3A_937, %neg3A_737 : vector<16xf32>
        %get3A_939 = arith.constant 224 : index
        %get3A_940 = tpu.vector_load %arg11[%get3A_939] {strides = array<i32>} : memref<768xf32, #tpu.memory_space<vmem>>, vector<16xf32>,
        %mul3A_941 = arith.mulf %add3A_938, %get3A_940 : vector<16xf32>
        %get3A_942 = arith.constant 224 : index
        %get3A_943 = tpu.vector_load %arg12[%get3A_942] {strides = array<i32>} : memref<768xf32, #tpu.memory_space<vmem>>, vector<16xf32>,
        %add3A_944 = arith.addf %mul3A_941, %get3A_943 : vector<16xf32>
        %swap3A_945 = arith.index_cast %scan3A_44 : i32 to index
        %swap3A_946 = arith.constant 224 : index
        %swap3A_947 = tpu.vector_load %arg9[%swap3A_945, %swap3A_946] {strides = array<i32>} : memref<32x768xf32, #tpu.memory_space<vmem>>, vector<16xf32>,
        tpu.vector_store %arg9[%swap3A_945, %swap3A_946], %add3A_944 {strides = array<i32>} : memref<32x768xf32, #tpu.memory_space<vmem>>, vector<16xf32>,
        %get3A_948 = arith.index_cast %scan3A_44 : i32 to index
        %get3A_949 = arith.constant 240 : index
        %get3A_950 = tpu.vector_load %arg9[%get3A_948, %get3A_949] {strides = array<i32>} : memref<32x768xf32, #tpu.memory_space<vmem>>, vector<16xf32>,
        %mul3A_951 = arith.mulf %get3A_950, %mul3A_734 : vector<16xf32>
        %add3A_952 = arith.addf %mul3A_951, %neg3A_737 : vector<16xf32>
        %get3A_953 = arith.constant 240 : index
        %get3A_954 = tpu.vector_load %arg11[%get3A_953] {strides = array<i32>} : memref<768xf32, #tpu.memory_space<vmem>>, vector<16xf32>,
        %mul3A_955 = arith.mulf %add3A_952, %get3A_954 : vector<16xf32>
        %get3A_956 = arith.constant 240 : index
        %get3A_957 = tpu.vector_load %arg12[%get3A_956] {strides = array<i32>} : memref<768xf32, #tpu.memory_space<vmem>>, vector<16xf32>,
        %add3A_958 = arith.addf %mul3A_955, %get3A_957 : vector<16xf32>
        %swap3A_959 = arith.index_cast %scan3A_44 : i32 to index
        %swap3A_960 = arith.constant 240 : index
        %swap3A_961 = tpu.vector_load %arg9[%swap3A_959, %swap3A_960] {strides = array<i32>} : memref<32x768xf32, #tpu.memory_space<vmem>>, vector<16xf32>,
        tpu.vector_store %arg9[%swap3A_959, %swap3A_960], %add3A_958 {strides = array<i32>} : memref<32x768xf32, #tpu.memory_space<vmem>>, vector<16xf32>,
        %get3A_962 = arith.index_cast %scan3A_44 : i32 to index
        %get3A_963 = arith.constant 256 : index
        %get3A_964 = tpu.vector_load %arg9[%get3A_962, %get3A_963] {strides = array<i32>} : memref<32x768xf32, #tpu.memory_space<vmem>>, vector<16xf32>,
        %mul3A_965 = arith.mulf %get3A_964, %mul3A_734 : vector<16xf32>
        %add3A_966 = arith.addf %mul3A_965, %neg3A_737 : vector<16xf32>
        %get3A_967 = arith.constant 256 : index
        %get3A_968 = tpu.vector_load %arg11[%get3A_967] {strides = array<i32>} : memref<768xf32, #tpu.memory_space<vmem>>, vector<16xf32>,
        %mul3A_969 = arith.mulf %add3A_966, %get3A_968 : vector<16xf32>
        %get3A_970 = arith.constant 256 : index
        %get3A_971 = tpu.vector_load %arg12[%get3A_970] {strides = array<i32>} : memref<768xf32, #tpu.memory_space<vmem>>, vector<16xf32>,
        %add3A_972 = arith.addf %mul3A_969, %get3A_971 : vector<16xf32>
        %swap3A_973 = arith.index_cast %scan3A_44 : i32 to index
        %swap3A_974 = arith.constant 256 : index
        %swap3A_975 = tpu.vector_load %arg9[%swap3A_973, %swap3A_974] {strides = array<i32>} : memref<32x768xf32, #tpu.memory_space<vmem>>, vector<16xf32>,
        tpu.vector_store %arg9[%swap3A_973, %swap3A_974], %add3A_972 {strides = array<i32>} : memref<32x768xf32, #tpu.memory_space<vmem>>, vector<16xf32>,
        %get3A_976 = arith.index_cast %scan3A_44 : i32 to index
        %get3A_977 = arith.constant 272 : index
        %get3A_978 = tpu.vector_load %arg9[%get3A_976, %get3A_977] {strides = array<i32>} : memref<32x768xf32, #tpu.memory_space<vmem>>, vector<16xf32>,
        %mul3A_979 = arith.mulf %get3A_978, %mul3A_734 : vector<16xf32>
        %add3A_980 = arith.addf %mul3A_979, %neg3A_737 : vector<16xf32>
        %get3A_981 = arith.constant 272 : index
        %get3A_982 = tpu.vector_load %arg11[%get3A_981] {strides = array<i32>} : memref<768xf32, #tpu.memory_space<vmem>>, vector<16xf32>,
        %mul3A_983 = arith.mulf %add3A_980, %get3A_982 : vector<16xf32>
        %get3A_984 = arith.constant 272 : index
        %get3A_985 = tpu.vector_load %arg12[%get3A_984] {strides = array<i32>} : memref<768xf32, #tpu.memory_space<vmem>>, vector<16xf32>,
        %add3A_986 = arith.addf %mul3A_983, %get3A_985 : vector<16xf32>
        %swap3A_987 = arith.index_cast %scan3A_44 : i32 to index
        %swap3A_988 = arith.constant 272 : index
        %swap3A_989 = tpu.vector_load %arg9[%swap3A_987, %swap3A_988] {strides = array<i32>} : memref<32x768xf32, #tpu.memory_space<vmem>>, vector<16xf32>,
        tpu.vector_store %arg9[%swap3A_987, %swap3A_988], %add3A_986 {strides = array<i32>} : memref<32x768xf32, #tpu.memory_space<vmem>>, vector<16xf32>,
        %get3A_990 = arith.index_cast %scan3A_44 : i32 to index
        %get3A_991 = arith.constant 288 : index
        %get3A_992 = tpu.vector_load %arg9[%get3A_990, %get3A_991] {strides = array<i32>} : memref<32x768xf32, #tpu.memory_space<vmem>>, vector<16xf32>,
        %mul3A_993 = arith.mulf %get3A_992, %mul3A_734 : vector<16xf32>
        %add3A_994 = arith.addf %mul3A_993, %neg3A_737 : vector<16xf32>
        %get3A_995 = arith.constant 288 : index
        %get3A_996 = tpu.vector_load %arg11[%get3A_995] {strides = array<i32>} : memref<768xf32, #tpu.memory_space<vmem>>, vector<16xf32>,
        %mul3A_997 = arith.mulf %add3A_994, %get3A_996 : vector<16xf32>
        %get3A_998 = arith.constant 288 : index
        %get3A_999 = tpu.vector_load %arg12[%get3A_998] {strides = array<i32>} : memref<768xf32, #tpu.memory_space<vmem>>, vector<16xf32>,
        %add3A_1000 = arith.addf %mul3A_997, %get3A_999 : vector<16xf32>
        %swap3A_1001 = arith.index_cast %scan3A_44 : i32 to index
        %swap3A_1002 = arith.constant 288 : index
        %swap3A_1003 = tpu.vector_load %arg9[%swap3A_1001, %swap3A_1002] {strides = array<i32>} : memref<32x768xf32, #tpu.memory_space<vmem>>, vector<16xf32>,
        tpu.vector_store %arg9[%swap3A_1001, %swap3A_1002], %add3A_1000 {strides = array<i32>} : memref<32x768xf32, #tpu.memory_space<vmem>>, vector<16xf32>,
        %get3A_1004 = arith.index_cast %scan3A_44 : i32 to index
        %get3A_1005 = arith.constant 304 : index
        %get3A_1006 = tpu.vector_load %arg9[%get3A_1004, %get3A_1005] {strides = array<i32>} : memref<32x768xf32, #tpu.memory_space<vmem>>, vector<16xf32>,
        %mul3A_1007 = arith.mulf %get3A_1006, %mul3A_734 : vector<16xf32>
        %add3A_1008 = arith.addf %mul3A_1007, %neg3A_737 : vector<16xf32>
        %get3A_1009 = arith.constant 304 : index
        %get3A_1010 = tpu.vector_load %arg11[%get3A_1009] {strides = array<i32>} : memref<768xf32, #tpu.memory_space<vmem>>, vector<16xf32>,
        %mul3A_1011 = arith.mulf %add3A_1008, %get3A_1010 : vector<16xf32>
        %get3A_1012 = arith.constant 304 : index
        %get3A_1013 = tpu.vector_load %arg12[%get3A_1012] {strides = array<i32>} : memref<768xf32, #tpu.memory_space<vmem>>, vector<16xf32>,
        %add3A_1014 = arith.addf %mul3A_1011, %get3A_1013 : vector<16xf32>
        %swap3A_1015 = arith.index_cast %scan3A_44 : i32 to index
        %swap3A_1016 = arith.constant 304 : index
        %swap3A_1017 = tpu.vector_load %arg9[%swap3A_1015, %swap3A_1016] {strides = array<i32>} : memref<32x768xf32, #tpu.memory_space<vmem>>, vector<16xf32>,
        tpu.vector_store %arg9[%swap3A_1015, %swap3A_1016], %add3A_1014 {strides = array<i32>} : memref<32x768xf32, #tpu.memory_space<vmem>>, vector<16xf32>,
        %get3A_1018 = arith.index_cast %scan3A_44 : i32 to index
        %get3A_1019 = arith.constant 320 : index
        %get3A_1020 = tpu.vector_load %arg9[%get3A_1018, %get3A_1019] {strides = array<i32>} : memref<32x768xf32, #tpu.memory_space<vmem>>, vector<16xf32>,
        %mul3A_1021 = arith.mulf %get3A_1020, %mul3A_734 : vector<16xf32>
        %add3A_1022 = arith.addf %mul3A_1021, %neg3A_737 : vector<16xf32>
        %get3A_1023 = arith.constant 320 : index
        %get3A_1024 = tpu.vector_load %arg11[%get3A_1023] {strides = array<i32>} : memref<768xf32, #tpu.memory_space<vmem>>, vector<16xf32>,
        %mul3A_1025 = arith.mulf %add3A_1022, %get3A_1024 : vector<16xf32>
        %get3A_1026 = arith.constant 320 : index
        %get3A_1027 = tpu.vector_load %arg12[%get3A_1026] {strides = array<i32>} : memref<768xf32, #tpu.memory_space<vmem>>, vector<16xf32>,
        %add3A_1028 = arith.addf %mul3A_1025, %get3A_1027 : vector<16xf32>
        %swap3A_1029 = arith.index_cast %scan3A_44 : i32 to index
        %swap3A_1030 = arith.constant 320 : index
        %swap3A_1031 = tpu.vector_load %arg9[%swap3A_1029, %swap3A_1030] {strides = array<i32>} : memref<32x768xf32, #tpu.memory_space<vmem>>, vector<16xf32>,
        tpu.vector_store %arg9[%swap3A_1029, %swap3A_1030], %add3A_1028 {strides = array<i32>} : memref<32x768xf32, #tpu.memory_space<vmem>>, vector<16xf32>,
        %get3A_1032 = arith.index_cast %scan3A_44 : i32 to index
        %get3A_1033 = arith.constant 336 : index
        %get3A_1034 = tpu.vector_load %arg9[%get3A_1032, %get3A_1033] {strides = array<i32>} : memref<32x768xf32, #tpu.memory_space<vmem>>, vector<16xf32>,
        %mul3A_1035 = arith.mulf %get3A_1034, %mul3A_734 : vector<16xf32>
        %add3A_1036 = arith.addf %mul3A_1035, %neg3A_737 : vector<16xf32>
        %get3A_1037 = arith.constant 336 : index
        %get3A_1038 = tpu.vector_load %arg11[%get3A_1037] {strides = array<i32>} : memref<768xf32, #tpu.memory_space<vmem>>, vector<16xf32>,
        %mul3A_1039 = arith.mulf %add3A_1036, %get3A_1038 : vector<16xf32>
        %get3A_1040 = arith.constant 336 : index
        %get3A_1041 = tpu.vector_load %arg12[%get3A_1040] {strides = array<i32>} : memref<768xf32, #tpu.memory_space<vmem>>, vector<16xf32>,
        %add3A_1042 = arith.addf %mul3A_1039, %get3A_1041 : vector<16xf32>
        %swap3A_1043 = arith.index_cast %scan3A_44 : i32 to index
        %swap3A_1044 = arith.constant 336 : index
        %swap3A_1045 = tpu.vector_load %arg9[%swap3A_1043, %swap3A_1044] {strides = array<i32>} : memref<32x768xf32, #tpu.memory_space<vmem>>, vector<16xf32>,
        tpu.vector_store %arg9[%swap3A_1043, %swap3A_1044], %add3A_1042 {strides = array<i32>} : memref<32x768xf32, #tpu.memory_space<vmem>>, vector<16xf32>,
        %get3A_1046 = arith.index_cast %scan3A_44 : i32 to index
        %get3A_1047 = arith.constant 352 : index
        %get3A_1048 = tpu.vector_load %arg9[%get3A_1046, %get3A_1047] {strides = array<i32>} : memref<32x768xf32, #tpu.memory_space<vmem>>, vector<16xf32>,
        %mul3A_1049 = arith.mulf %get3A_1048, %mul3A_734 : vector<16xf32>
        %add3A_1050 = arith.addf %mul3A_1049, %neg3A_737 : vector<16xf32>
        %get3A_1051 = arith.constant 352 : index
        %get3A_1052 = tpu.vector_load %arg11[%get3A_1051] {strides = array<i32>} : memref<768xf32, #tpu.memory_space<vmem>>, vector<16xf32>,
        %mul3A_1053 = arith.mulf %add3A_1050, %get3A_1052 : vector<16xf32>
        %get3A_1054 = arith.constant 352 : index
        %get3A_1055 = tpu.vector_load %arg12[%get3A_1054] {strides = array<i32>} : memref<768xf32, #tpu.memory_space<vmem>>, vector<16xf32>,
        %add3A_1056 = arith.addf %mul3A_1053, %get3A_1055 : vector<16xf32>
        %swap3A_1057 = arith.index_cast %scan3A_44 : i32 to index
        %swap3A_1058 = arith.constant 352 : index
        %swap3A_1059 = tpu.vector_load %arg9[%swap3A_1057, %swap3A_1058] {strides = array<i32>} : memref<32x768xf32, #tpu.memory_space<vmem>>, vector<16xf32>,
        tpu.vector_store %arg9[%swap3A_1057, %swap3A_1058], %add3A_1056 {strides = array<i32>} : memref<32x768xf32, #tpu.memory_space<vmem>>, vector<16xf32>,
        %get3A_1060 = arith.index_cast %scan3A_44 : i32 to index
        %get3A_1061 = arith.constant 368 : index
        %get3A_1062 = tpu.vector_load %arg9[%get3A_1060, %get3A_1061] {strides = array<i32>} : memref<32x768xf32, #tpu.memory_space<vmem>>, vector<16xf32>,
        %mul3A_1063 = arith.mulf %get3A_1062, %mul3A_734 : vector<16xf32>
        %add3A_1064 = arith.addf %mul3A_1063, %neg3A_737 : vector<16xf32>
        %get3A_1065 = arith.constant 368 : index
        %get3A_1066 = tpu.vector_load %arg11[%get3A_1065] {strides = array<i32>} : memref<768xf32, #tpu.memory_space<vmem>>, vector<16xf32>,
        %mul3A_1067 = arith.mulf %add3A_1064, %get3A_1066 : vector<16xf32>
        %get3A_1068 = arith.constant 368 : index
        %get3A_1069 = tpu.vector_load %arg12[%get3A_1068] {strides = array<i32>} : memref<768xf32, #tpu.memory_space<vmem>>, vector<16xf32>,
        %add3A_1070 = arith.addf %mul3A_1067, %get3A_1069 : vector<16xf32>
        %swap3A_1071 = arith.index_cast %scan3A_44 : i32 to index
        %swap3A_1072 = arith.constant 368 : index
        %swap3A_1073 = tpu.vector_load %arg9[%swap3A_1071, %swap3A_1072] {strides = array<i32>} : memref<32x768xf32, #tpu.memory_space<vmem>>, vector<16xf32>,
        tpu.vector_store %arg9[%swap3A_1071, %swap3A_1072], %add3A_1070 {strides = array<i32>} : memref<32x768xf32, #tpu.memory_space<vmem>>, vector<16xf32>,
        %get3A_1074 = arith.index_cast %scan3A_44 : i32 to index
        %get3A_1075 = arith.constant 384 : index
        %get3A_1076 = tpu.vector_load %arg9[%get3A_1074, %get3A_1075] {strides = array<i32>} : memref<32x768xf32, #tpu.memory_space<vmem>>, vector<16xf32>,
        %mul3A_1077 = arith.mulf %get3A_1076, %mul3A_734 : vector<16xf32>
        %add3A_1078 = arith.addf %mul3A_1077, %neg3A_737 : vector<16xf32>
        %get3A_1079 = arith.constant 384 : index
        %get3A_1080 = tpu.vector_load %arg11[%get3A_1079] {strides = array<i32>} : memref<768xf32, #tpu.memory_space<vmem>>, vector<16xf32>,
        %mul3A_1081 = arith.mulf %add3A_1078, %get3A_1080 : vector<16xf32>
        %get3A_1082 = arith.constant 384 : index
        %get3A_1083 = tpu.vector_load %arg12[%get3A_1082] {strides = array<i32>} : memref<768xf32, #tpu.memory_space<vmem>>, vector<16xf32>,
        %add3A_1084 = arith.addf %mul3A_1081, %get3A_1083 : vector<16xf32>
        %swap3A_1085 = arith.index_cast %scan3A_44 : i32 to index
        %swap3A_1086 = arith.constant 384 : index
        %swap3A_1087 = tpu.vector_load %arg9[%swap3A_1085, %swap3A_1086] {strides = array<i32>} : memref<32x768xf32, #tpu.memory_space<vmem>>, vector<16xf32>,
        tpu.vector_store %arg9[%swap3A_1085, %swap3A_1086], %add3A_1084 {strides = array<i32>} : memref<32x768xf32, #tpu.memory_space<vmem>>, vector<16xf32>,
        %get3A_1088 = arith.index_cast %scan3A_44 : i32 to index
        %get3A_1089 = arith.constant 400 : index
        %get3A_1090 = tpu.vector_load %arg9[%get3A_1088, %get3A_1089] {strides = array<i32>} : memref<32x768xf32, #tpu.memory_space<vmem>>, vector<16xf32>,
        %mul3A_1091 = arith.mulf %get3A_1090, %mul3A_734 : vector<16xf32>
        %add3A_1092 = arith.addf %mul3A_1091, %neg3A_737 : vector<16xf32>
        %get3A_1093 = arith.constant 400 : index
        %get3A_1094 = tpu.vector_load %arg11[%get3A_1093] {strides = array<i32>} : memref<768xf32, #tpu.memory_space<vmem>>, vector<16xf32>,
        %mul3A_1095 = arith.mulf %add3A_1092, %get3A_1094 : vector<16xf32>
        %get3A_1096 = arith.constant 400 : index
        %get3A_1097 = tpu.vector_load %arg12[%get3A_1096] {strides = array<i32>} : memref<768xf32, #tpu.memory_space<vmem>>, vector<16xf32>,
        %add3A_1098 = arith.addf %mul3A_1095, %get3A_1097 : vector<16xf32>
        %swap3A_1099 = arith.index_cast %scan3A_44 : i32 to index
        %swap3A_1100 = arith.constant 400 : index
        %swap3A_1101 = tpu.vector_load %arg9[%swap3A_1099, %swap3A_1100] {strides = array<i32>} : memref<32x768xf32, #tpu.memory_space<vmem>>, vector<16xf32>,
        tpu.vector_store %arg9[%swap3A_1099, %swap3A_1100], %add3A_1098 {strides = array<i32>} : memref<32x768xf32, #tpu.memory_space<vmem>>, vector<16xf32>,
        %get3A_1102 = arith.index_cast %scan3A_44 : i32 to index
        %get3A_1103 = arith.constant 416 : index
        %get3A_1104 = tpu.vector_load %arg9[%get3A_1102, %get3A_1103] {strides = array<i32>} : memref<32x768xf32, #tpu.memory_space<vmem>>, vector<16xf32>,
        %mul3A_1105 = arith.mulf %get3A_1104, %mul3A_734 : vector<16xf32>
        %add3A_1106 = arith.addf %mul3A_1105, %neg3A_737 : vector<16xf32>
        %get3A_1107 = arith.constant 416 : index
        %get3A_1108 = tpu.vector_load %arg11[%get3A_1107] {strides = array<i32>} : memref<768xf32, #tpu.memory_space<vmem>>, vector<16xf32>,
        %mul3A_1109 = arith.mulf %add3A_1106, %get3A_1108 : vector<16xf32>
        %get3A_1110 = arith.constant 416 : index
        %get3A_1111 = tpu.vector_load %arg12[%get3A_1110] {strides = array<i32>} : memref<768xf32, #tpu.memory_space<vmem>>, vector<16xf32>,
        %add3A_1112 = arith.addf %mul3A_1109, %get3A_1111 : vector<16xf32>
        %swap3A_1113 = arith.index_cast %scan3A_44 : i32 to index
        %swap3A_1114 = arith.constant 416 : index
        %swap3A_1115 = tpu.vector_load %arg9[%swap3A_1113, %swap3A_1114] {strides = array<i32>} : memref<32x768xf32, #tpu.memory_space<vmem>>, vector<16xf32>,
        tpu.vector_store %arg9[%swap3A_1113, %swap3A_1114], %add3A_1112 {strides = array<i32>} : memref<32x768xf32, #tpu.memory_space<vmem>>, vector<16xf32>,
        %get3A_1116 = arith.index_cast %scan3A_44 : i32 to index
        %get3A_1117 = arith.constant 432 : index
        %get3A_1118 = tpu.vector_load %arg9[%get3A_1116, %get3A_1117] {strides = array<i32>} : memref<32x768xf32, #tpu.memory_space<vmem>>, vector<16xf32>,
        %mul3A_1119 = arith.mulf %get3A_1118, %mul3A_734 : vector<16xf32>
        %add3A_1120 = arith.addf %mul3A_1119, %neg3A_737 : vector<16xf32>
        %get3A_1121 = arith.constant 432 : index
        %get3A_1122 = tpu.vector_load %arg11[%get3A_1121] {strides = array<i32>} : memref<768xf32, #tpu.memory_space<vmem>>, vector<16xf32>,
        %mul3A_1123 = arith.mulf %add3A_1120, %get3A_1122 : vector<16xf32>
        %get3A_1124 = arith.constant 432 : index
        %get3A_1125 = tpu.vector_load %arg12[%get3A_1124] {strides = array<i32>} : memref<768xf32, #tpu.memory_space<vmem>>, vector<16xf32>,
        %add3A_1126 = arith.addf %mul3A_1123, %get3A_1125 : vector<16xf32>
        %swap3A_1127 = arith.index_cast %scan3A_44 : i32 to index
        %swap3A_1128 = arith.constant 432 : index
        %swap3A_1129 = tpu.vector_load %arg9[%swap3A_1127, %swap3A_1128] {strides = array<i32>} : memref<32x768xf32, #tpu.memory_space<vmem>>, vector<16xf32>,
        tpu.vector_store %arg9[%swap3A_1127, %swap3A_1128], %add3A_1126 {strides = array<i32>} : memref<32x768xf32, #tpu.memory_space<vmem>>, vector<16xf32>,
        %get3A_1130 = arith.index_cast %scan3A_44 : i32 to index
        %get3A_1131 = arith.constant 448 : index
        %get3A_1132 = tpu.vector_load %arg9[%get3A_1130, %get3A_1131] {strides = array<i32>} : memref<32x768xf32, #tpu.memory_space<vmem>>, vector<16xf32>,
        %mul3A_1133 = arith.mulf %get3A_1132, %mul3A_734 : vector<16xf32>
        %add3A_1134 = arith.addf %mul3A_1133, %neg3A_737 : vector<16xf32>
        %get3A_1135 = arith.constant 448 : index
        %get3A_1136 = tpu.vector_load %arg11[%get3A_1135] {strides = array<i32>} : memref<768xf32, #tpu.memory_space<vmem>>, vector<16xf32>,
        %mul3A_1137 = arith.mulf %add3A_1134, %get3A_1136 : vector<16xf32>
        %get3A_1138 = arith.constant 448 : index
        %get3A_1139 = tpu.vector_load %arg12[%get3A_1138] {strides = array<i32>} : memref<768xf32, #tpu.memory_space<vmem>>, vector<16xf32>,
        %add3A_1140 = arith.addf %mul3A_1137, %get3A_1139 : vector<16xf32>
        %swap3A_1141 = arith.index_cast %scan3A_44 : i32 to index
        %swap3A_1142 = arith.constant 448 : index
        %swap3A_1143 = tpu.vector_load %arg9[%swap3A_1141, %swap3A_1142] {strides = array<i32>} : memref<32x768xf32, #tpu.memory_space<vmem>>, vector<16xf32>,
        tpu.vector_store %arg9[%swap3A_1141, %swap3A_1142], %add3A_1140 {strides = array<i32>} : memref<32x768xf32, #tpu.memory_space<vmem>>, vector<16xf32>,
        %get3A_1144 = arith.index_cast %scan3A_44 : i32 to index
        %get3A_1145 = arith.constant 464 : index
        %get3A_1146 = tpu.vector_load %arg9[%get3A_1144, %get3A_1145] {strides = array<i32>} : memref<32x768xf32, #tpu.memory_space<vmem>>, vector<16xf32>,
        %mul3A_1147 = arith.mulf %get3A_1146, %mul3A_734 : vector<16xf32>
        %add3A_1148 = arith.addf %mul3A_1147, %neg3A_737 : vector<16xf32>
        %get3A_1149 = arith.constant 464 : index
        %get3A_1150 = tpu.vector_load %arg11[%get3A_1149] {strides = array<i32>} : memref<768xf32, #tpu.memory_space<vmem>>, vector<16xf32>,
        %mul3A_1151 = arith.mulf %add3A_1148, %get3A_1150 : vector<16xf32>
        %get3A_1152 = arith.constant 464 : index
        %get3A_1153 = tpu.vector_load %arg12[%get3A_1152] {strides = array<i32>} : memref<768xf32, #tpu.memory_space<vmem>>, vector<16xf32>,
        %add3A_1154 = arith.addf %mul3A_1151, %get3A_1153 : vector<16xf32>
        %swap3A_1155 = arith.index_cast %scan3A_44 : i32 to index
        %swap3A_1156 = arith.constant 464 : index
        %swap3A_1157 = tpu.vector_load %arg9[%swap3A_1155, %swap3A_1156] {strides = array<i32>} : memref<32x768xf32, #tpu.memory_space<vmem>>, vector<16xf32>,
        tpu.vector_store %arg9[%swap3A_1155, %swap3A_1156], %add3A_1154 {strides = array<i32>} : memref<32x768xf32, #tpu.memory_space<vmem>>, vector<16xf32>,
        %get3A_1158 = arith.index_cast %scan3A_44 : i32 to index
        %get3A_1159 = arith.constant 480 : index
        %get3A_1160 = tpu.vector_load %arg9[%get3A_1158, %get3A_1159] {strides = array<i32>} : memref<32x768xf32, #tpu.memory_space<vmem>>, vector<16xf32>,
        %mul3A_1161 = arith.mulf %get3A_1160, %mul3A_734 : vector<16xf32>
        %add3A_1162 = arith.addf %mul3A_1161, %neg3A_737 : vector<16xf32>
        %get3A_1163 = arith.constant 480 : index
        %get3A_1164 = tpu.vector_load %arg11[%get3A_1163] {strides = array<i32>} : memref<768xf32, #tpu.memory_space<vmem>>, vector<16xf32>,
        %mul3A_1165 = arith.mulf %add3A_1162, %get3A_1164 : vector<16xf32>
        %get3A_1166 = arith.constant 480 : index
        %get3A_1167 = tpu.vector_load %arg12[%get3A_1166] {strides = array<i32>} : memref<768xf32, #tpu.memory_space<vmem>>, vector<16xf32>,
        %add3A_1168 = arith.addf %mul3A_1165, %get3A_1167 : vector<16xf32>
        %swap3A_1169 = arith.index_cast %scan3A_44 : i32 to index
        %swap3A_1170 = arith.constant 480 : index
        %swap3A_1171 = tpu.vector_load %arg9[%swap3A_1169, %swap3A_1170] {strides = array<i32>} : memref<32x768xf32, #tpu.memory_space<vmem>>, vector<16xf32>,
        tpu.vector_store %arg9[%swap3A_1169, %swap3A_1170], %add3A_1168 {strides = array<i32>} : memref<32x768xf32, #tpu.memory_space<vmem>>, vector<16xf32>,
        %get3A_1172 = arith.index_cast %scan3A_44 : i32 to index
        %get3A_1173 = arith.constant 496 : index
        %get3A_1174 = tpu.vector_load %arg9[%get3A_1172, %get3A_1173] {strides = array<i32>} : memref<32x768xf32, #tpu.memory_space<vmem>>, vector<16xf32>,
        %mul3A_1175 = arith.mulf %get3A_1174, %mul3A_734 : vector<16xf32>
        %add3A_1176 = arith.addf %mul3A_1175, %neg3A_737 : vector<16xf32>
        %get3A_1177 = arith.constant 496 : index
        %get3A_1178 = tpu.vector_load %arg11[%get3A_1177] {strides = array<i32>} : memref<768xf32, #tpu.memory_space<vmem>>, vector<16xf32>,
        %mul3A_1179 = arith.mulf %add3A_1176, %get3A_1178 : vector<16xf32>
        %get3A_1180 = arith.constant 496 : index
        %get3A_1181 = tpu.vector_load %arg12[%get3A_1180] {strides = array<i32>} : memref<768xf32, #tpu.memory_space<vmem>>, vector<16xf32>,
        %add3A_1182 = arith.addf %mul3A_1179, %get3A_1181 : vector<16xf32>
        %swap3A_1183 = arith.index_cast %scan3A_44 : i32 to index
        %swap3A_1184 = arith.constant 496 : index
        %swap3A_1185 = tpu.vector_load %arg9[%swap3A_1183, %swap3A_1184] {strides = array<i32>} : memref<32x768xf32, #tpu.memory_space<vmem>>, vector<16xf32>,
        tpu.vector_store %arg9[%swap3A_1183, %swap3A_1184], %add3A_1182 {strides = array<i32>} : memref<32x768xf32, #tpu.memory_space<vmem>>, vector<16xf32>,
        %get3A_1186 = arith.index_cast %scan3A_44 : i32 to index
        %get3A_1187 = arith.constant 512 : index
        %get3A_1188 = tpu.vector_load %arg9[%get3A_1186, %get3A_1187] {strides = array<i32>} : memref<32x768xf32, #tpu.memory_space<vmem>>, vector<16xf32>,
        %mul3A_1189 = arith.mulf %get3A_1188, %mul3A_734 : vector<16xf32>
        %add3A_1190 = arith.addf %mul3A_1189, %neg3A_737 : vector<16xf32>
        %get3A_1191 = arith.constant 512 : index
        %get3A_1192 = tpu.vector_load %arg11[%get3A_1191] {strides = array<i32>} : memref<768xf32, #tpu.memory_space<vmem>>, vector<16xf32>,
        %mul3A_1193 = arith.mulf %add3A_1190, %get3A_1192 : vector<16xf32>
        %get3A_1194 = arith.constant 512 : index
        %get3A_1195 = tpu.vector_load %arg12[%get3A_1194] {strides = array<i32>} : memref<768xf32, #tpu.memory_space<vmem>>, vector<16xf32>,
        %add3A_1196 = arith.addf %mul3A_1193, %get3A_1195 : vector<16xf32>
        %swap3A_1197 = arith.index_cast %scan3A_44 : i32 to index
        %swap3A_1198 = arith.constant 512 : index
        %swap3A_1199 = tpu.vector_load %arg9[%swap3A_1197, %swap3A_1198] {strides = array<i32>} : memref<32x768xf32, #tpu.memory_space<vmem>>, vector<16xf32>,
        tpu.vector_store %arg9[%swap3A_1197, %swap3A_1198], %add3A_1196 {strides = array<i32>} : memref<32x768xf32, #tpu.memory_space<vmem>>, vector<16xf32>,
        %get3A_1200 = arith.index_cast %scan3A_44 : i32 to index
        %get3A_1201 = arith.constant 528 : index
        %get3A_1202 = tpu.vector_load %arg9[%get3A_1200, %get3A_1201] {strides = array<i32>} : memref<32x768xf32, #tpu.memory_space<vmem>>, vector<16xf32>,
        %mul3A_1203 = arith.mulf %get3A_1202, %mul3A_734 : vector<16xf32>
        %add3A_1204 = arith.addf %mul3A_1203, %neg3A_737 : vector<16xf32>
        %get3A_1205 = arith.constant 528 : index
        %get3A_1206 = tpu.vector_load %arg11[%get3A_1205] {strides = array<i32>} : memref<768xf32, #tpu.memory_space<vmem>>, vector<16xf32>,
        %mul3A_1207 = arith.mulf %add3A_1204, %get3A_1206 : vector<16xf32>
        %get3A_1208 = arith.constant 528 : index
        %get3A_1209 = tpu.vector_load %arg12[%get3A_1208] {strides = array<i32>} : memref<768xf32, #tpu.memory_space<vmem>>, vector<16xf32>,
        %add3A_1210 = arith.addf %mul3A_1207, %get3A_1209 : vector<16xf32>
        %swap3A_1211 = arith.index_cast %scan3A_44 : i32 to index
        %swap3A_1212 = arith.constant 528 : index
        %swap3A_1213 = tpu.vector_load %arg9[%swap3A_1211, %swap3A_1212] {strides = array<i32>} : memref<32x768xf32, #tpu.memory_space<vmem>>, vector<16xf32>,
        tpu.vector_store %arg9[%swap3A_1211, %swap3A_1212], %add3A_1210 {strides = array<i32>} : memref<32x768xf32, #tpu.memory_space<vmem>>, vector<16xf32>,
        %get3A_1214 = arith.index_cast %scan3A_44 : i32 to index
        %get3A_1215 = arith.constant 544 : index
        %get3A_1216 = tpu.vector_load %arg9[%get3A_1214, %get3A_1215] {strides = array<i32>} : memref<32x768xf32, #tpu.memory_space<vmem>>, vector<16xf32>,
        %mul3A_1217 = arith.mulf %get3A_1216, %mul3A_734 : vector<16xf32>
        %add3A_1218 = arith.addf %mul3A_1217, %neg3A_737 : vector<16xf32>
        %get3A_1219 = arith.constant 544 : index
        %get3A_1220 = tpu.vector_load %arg11[%get3A_1219] {strides = array<i32>} : memref<768xf32, #tpu.memory_space<vmem>>, vector<16xf32>,
        %mul3A_1221 = arith.mulf %add3A_1218, %get3A_1220 : vector<16xf32>
        %get3A_1222 = arith.constant 544 : index
        %get3A_1223 = tpu.vector_load %arg12[%get3A_1222] {strides = array<i32>} : memref<768xf32, #tpu.memory_space<vmem>>, vector<16xf32>,
        %add3A_1224 = arith.addf %mul3A_1221, %get3A_1223 : vector<16xf32>
        %swap3A_1225 = arith.index_cast %scan3A_44 : i32 to index
        %swap3A_1226 = arith.constant 544 : index
        %swap3A_1227 = tpu.vector_load %arg9[%swap3A_1225, %swap3A_1226] {strides = array<i32>} : memref<32x768xf32, #tpu.memory_space<vmem>>, vector<16xf32>,
        tpu.vector_store %arg9[%swap3A_1225, %swap3A_1226], %add3A_1224 {strides = array<i32>} : memref<32x768xf32, #tpu.memory_space<vmem>>, vector<16xf32>,
        %get3A_1228 = arith.index_cast %scan3A_44 : i32 to index
        %get3A_1229 = arith.constant 560 : index
        %get3A_1230 = tpu.vector_load %arg9[%get3A_1228, %get3A_1229] {strides = array<i32>} : memref<32x768xf32, #tpu.memory_space<vmem>>, vector<16xf32>,
        %mul3A_1231 = arith.mulf %get3A_1230, %mul3A_734 : vector<16xf32>
        %add3A_1232 = arith.addf %mul3A_1231, %neg3A_737 : vector<16xf32>
        %get3A_1233 = arith.constant 560 : index
        %get3A_1234 = tpu.vector_load %arg11[%get3A_1233] {strides = array<i32>} : memref<768xf32, #tpu.memory_space<vmem>>, vector<16xf32>,
        %mul3A_1235 = arith.mulf %add3A_1232, %get3A_1234 : vector<16xf32>
        %get3A_1236 = arith.constant 560 : index
        %get3A_1237 = tpu.vector_load %arg12[%get3A_1236] {strides = array<i32>} : memref<768xf32, #tpu.memory_space<vmem>>, vector<16xf32>,
        %add3A_1238 = arith.addf %mul3A_1235, %get3A_1237 : vector<16xf32>
        %swap3A_1239 = arith.index_cast %scan3A_44 : i32 to index
        %swap3A_1240 = arith.constant 560 : index
        %swap3A_1241 = tpu.vector_load %arg9[%swap3A_1239, %swap3A_1240] {strides = array<i32>} : memref<32x768xf32, #tpu.memory_space<vmem>>, vector<16xf32>,
        tpu.vector_store %arg9[%swap3A_1239, %swap3A_1240], %add3A_1238 {strides = array<i32>} : memref<32x768xf32, #tpu.memory_space<vmem>>, vector<16xf32>,
        %get3A_1242 = arith.index_cast %scan3A_44 : i32 to index
        %get3A_1243 = arith.constant 576 : index
        %get3A_1244 = tpu.vector_load %arg9[%get3A_1242, %get3A_1243] {strides = array<i32>} : memref<32x768xf32, #tpu.memory_space<vmem>>, vector<16xf32>,
        %mul3A_1245 = arith.mulf %get3A_1244, %mul3A_734 : vector<16xf32>
        %add3A_1246 = arith.addf %mul3A_1245, %neg3A_737 : vector<16xf32>
        %get3A_1247 = arith.constant 576 : index
        %get3A_1248 = tpu.vector_load %arg11[%get3A_1247] {strides = array<i32>} : memref<768xf32, #tpu.memory_space<vmem>>, vector<16xf32>,
        %mul3A_1249 = arith.mulf %add3A_1246, %get3A_1248 : vector<16xf32>
        %get3A_1250 = arith.constant 576 : index
        %get3A_1251 = tpu.vector_load %arg12[%get3A_1250] {strides = array<i32>} : memref<768xf32, #tpu.memory_space<vmem>>, vector<16xf32>,
        %add3A_1252 = arith.addf %mul3A_1249, %get3A_1251 : vector<16xf32>
        %swap3A_1253 = arith.index_cast %scan3A_44 : i32 to index
        %swap3A_1254 = arith.constant 576 : index
        %swap3A_1255 = tpu.vector_load %arg9[%swap3A_1253, %swap3A_1254] {strides = array<i32>} : memref<32x768xf32, #tpu.memory_space<vmem>>, vector<16xf32>,
        tpu.vector_store %arg9[%swap3A_1253, %swap3A_1254], %add3A_1252 {strides = array<i32>} : memref<32x768xf32, #tpu.memory_space<vmem>>, vector<16xf32>,
        %get3A_1256 = arith.index_cast %scan3A_44 : i32 to index
        %get3A_1257 = arith.constant 592 : index
        %get3A_1258 = tpu.vector_load %arg9[%get3A_1256, %get3A_1257] {strides = array<i32>} : memref<32x768xf32, #tpu.memory_space<vmem>>, vector<16xf32>,
        %mul3A_1259 = arith.mulf %get3A_1258, %mul3A_734 : vector<16xf32>
        %add3A_1260 = arith.addf %mul3A_1259, %neg3A_737 : vector<16xf32>
        %get3A_1261 = arith.constant 592 : index
        %get3A_1262 = tpu.vector_load %arg11[%get3A_1261] {strides = array<i32>} : memref<768xf32, #tpu.memory_space<vmem>>, vector<16xf32>,
        %mul3A_1263 = arith.mulf %add3A_1260, %get3A_1262 : vector<16xf32>
        %get3A_1264 = arith.constant 592 : index
        %get3A_1265 = tpu.vector_load %arg12[%get3A_1264] {strides = array<i32>} : memref<768xf32, #tpu.memory_space<vmem>>, vector<16xf32>,
        %add3A_1266 = arith.addf %mul3A_1263, %get3A_1265 : vector<16xf32>
        %swap3A_1267 = arith.index_cast %scan3A_44 : i32 to index
        %swap3A_1268 = arith.constant 592 : index
        %swap3A_1269 = tpu.vector_load %arg9[%swap3A_1267, %swap3A_1268] {strides = array<i32>} : memref<32x768xf32, #tpu.memory_space<vmem>>, vector<16xf32>,
        tpu.vector_store %arg9[%swap3A_1267, %swap3A_1268], %add3A_1266 {strides = array<i32>} : memref<32x768xf32, #tpu.memory_space<vmem>>, vector<16xf32>,
        %get3A_1270 = arith.index_cast %scan3A_44 : i32 to index
        %get3A_1271 = arith.constant 608 : index
        %get3A_1272 = tpu.vector_load %arg9[%get3A_1270, %get3A_1271] {strides = array<i32>} : memref<32x768xf32, #tpu.memory_space<vmem>>, vector<16xf32>,
        %mul3A_1273 = arith.mulf %get3A_1272, %mul3A_734 : vector<16xf32>
        %add3A_1274 = arith.addf %mul3A_1273, %neg3A_737 : vector<16xf32>
        %get3A_1275 = arith.constant 608 : index
        %get3A_1276 = tpu.vector_load %arg11[%get3A_1275] {strides = array<i32>} : memref<768xf32, #tpu.memory_space<vmem>>, vector<16xf32>,
        %mul3A_1277 = arith.mulf %add3A_1274, %get3A_1276 : vector<16xf32>
        %get3A_1278 = arith.constant 608 : index
        %get3A_1279 = tpu.vector_load %arg12[%get3A_1278] {strides = array<i32>} : memref<768xf32, #tpu.memory_space<vmem>>, vector<16xf32>,
        %add3A_1280 = arith.addf %mul3A_1277, %get3A_1279 : vector<16xf32>
        %swap3A_1281 = arith.index_cast %scan3A_44 : i32 to index
        %swap3A_1282 = arith.constant 608 : index
        %swap3A_1283 = tpu.vector_load %arg9[%swap3A_1281, %swap3A_1282] {strides = array<i32>} : memref<32x768xf32, #tpu.memory_space<vmem>>, vector<16xf32>,
        tpu.vector_store %arg9[%swap3A_1281, %swap3A_1282], %add3A_1280 {strides = array<i32>} : memref<32x768xf32, #tpu.memory_space<vmem>>, vector<16xf32>,
        %get3A_1284 = arith.index_cast %scan3A_44 : i32 to index
        %get3A_1285 = arith.constant 624 : index
        %get3A_1286 = tpu.vector_load %arg9[%get3A_1284, %get3A_1285] {strides = array<i32>} : memref<32x768xf32, #tpu.memory_space<vmem>>, vector<16xf32>,
        %mul3A_1287 = arith.mulf %get3A_1286, %mul3A_734 : vector<16xf32>
        %add3A_1288 = arith.addf %mul3A_1287, %neg3A_737 : vector<16xf32>
        %get3A_1289 = arith.constant 624 : index
        %get3A_1290 = tpu.vector_load %arg11[%get3A_1289] {strides = array<i32>} : memref<768xf32, #tpu.memory_space<vmem>>, vector<16xf32>,
        %mul3A_1291 = arith.mulf %add3A_1288, %get3A_1290 : vector<16xf32>
        %get3A_1292 = arith.constant 624 : index
        %get3A_1293 = tpu.vector_load %arg12[%get3A_1292] {strides = array<i32>} : memref<768xf32, #tpu.memory_space<vmem>>, vector<16xf32>,
        %add3A_1294 = arith.addf %mul3A_1291, %get3A_1293 : vector<16xf32>
        %swap3A_1295 = arith.index_cast %scan3A_44 : i32 to index
        %swap3A_1296 = arith.constant 624 : index
        %swap3A_1297 = tpu.vector_load %arg9[%swap3A_1295, %swap3A_1296] {strides = array<i32>} : memref<32x768xf32, #tpu.memory_space<vmem>>, vector<16xf32>,
        tpu.vector_store %arg9[%swap3A_1295, %swap3A_1296], %add3A_1294 {strides = array<i32>} : memref<32x768xf32, #tpu.memory_space<vmem>>, vector<16xf32>,
        %get3A_1298 = arith.index_cast %scan3A_44 : i32 to index
        %get3A_1299 = arith.constant 640 : index
        %get3A_1300 = tpu.vector_load %arg9[%get3A_1298, %get3A_1299] {strides = array<i32>} : memref<32x768xf32, #tpu.memory_space<vmem>>, vector<16xf32>,
        %mul3A_1301 = arith.mulf %get3A_1300, %mul3A_734 : vector<16xf32>
        %add3A_1302 = arith.addf %mul3A_1301, %neg3A_737 : vector<16xf32>
        %get3A_1303 = arith.constant 640 : index
        %get3A_1304 = tpu.vector_load %arg11[%get3A_1303] {strides = array<i32>} : memref<768xf32, #tpu.memory_space<vmem>>, vector<16xf32>,
        %mul3A_1305 = arith.mulf %add3A_1302, %get3A_1304 : vector<16xf32>
        %get3A_1306 = arith.constant 640 : index
        %get3A_1307 = tpu.vector_load %arg12[%get3A_1306] {strides = array<i32>} : memref<768xf32, #tpu.memory_space<vmem>>, vector<16xf32>,
        %add3A_1308 = arith.addf %mul3A_1305, %get3A_1307 : vector<16xf32>
        %swap3A_1309 = arith.index_cast %scan3A_44 : i32 to index
        %swap3A_1310 = arith.constant 640 : index
        %swap3A_1311 = tpu.vector_load %arg9[%swap3A_1309, %swap3A_1310] {strides = array<i32>} : memref<32x768xf32, #tpu.memory_space<vmem>>, vector<16xf32>,
        tpu.vector_store %arg9[%swap3A_1309, %swap3A_1310], %add3A_1308 {strides = array<i32>} : memref<32x768xf32, #tpu.memory_space<vmem>>, vector<16xf32>,
        %get3A_1312 = arith.index_cast %scan3A_44 : i32 to index
        %get3A_1313 = arith.constant 656 : index
        %get3A_1314 = tpu.vector_load %arg9[%get3A_1312, %get3A_1313] {strides = array<i32>} : memref<32x768xf32, #tpu.memory_space<vmem>>, vector<16xf32>,
        %mul3A_1315 = arith.mulf %get3A_1314, %mul3A_734 : vector<16xf32>
        %add3A_1316 = arith.addf %mul3A_1315, %neg3A_737 : vector<16xf32>
        %get3A_1317 = arith.constant 656 : index
        %get3A_1318 = tpu.vector_load %arg11[%get3A_1317] {strides = array<i32>} : memref<768xf32, #tpu.memory_space<vmem>>, vector<16xf32>,
        %mul3A_1319 = arith.mulf %add3A_1316, %get3A_1318 : vector<16xf32>
        %get3A_1320 = arith.constant 656 : index
        %get3A_1321 = tpu.vector_load %arg12[%get3A_1320] {strides = array<i32>} : memref<768xf32, #tpu.memory_space<vmem>>, vector<16xf32>,
        %add3A_1322 = arith.addf %mul3A_1319, %get3A_1321 : vector<16xf32>
        %swap3A_1323 = arith.index_cast %scan3A_44 : i32 to index
        %swap3A_1324 = arith.constant 656 : index
        %swap3A_1325 = tpu.vector_load %arg9[%swap3A_1323, %swap3A_1324] {strides = array<i32>} : memref<32x768xf32, #tpu.memory_space<vmem>>, vector<16xf32>,
        tpu.vector_store %arg9[%swap3A_1323, %swap3A_1324], %add3A_1322 {strides = array<i32>} : memref<32x768xf32, #tpu.memory_space<vmem>>, vector<16xf32>,
        %get3A_1326 = arith.index_cast %scan3A_44 : i32 to index
        %get3A_1327 = arith.constant 672 : index
        %get3A_1328 = tpu.vector_load %arg9[%get3A_1326, %get3A_1327] {strides = array<i32>} : memref<32x768xf32, #tpu.memory_space<vmem>>, vector<16xf32>,
        %mul3A_1329 = arith.mulf %get3A_1328, %mul3A_734 : vector<16xf32>
        %add3A_1330 = arith.addf %mul3A_1329, %neg3A_737 : vector<16xf32>
        %get3A_1331 = arith.constant 672 : index
        %get3A_1332 = tpu.vector_load %arg11[%get3A_1331] {strides = array<i32>} : memref<768xf32, #tpu.memory_space<vmem>>, vector<16xf32>,
        %mul3A_1333 = arith.mulf %add3A_1330, %get3A_1332 : vector<16xf32>
        %get3A_1334 = arith.constant 672 : index
        %get3A_1335 = tpu.vector_load %arg12[%get3A_1334] {strides = array<i32>} : memref<768xf32, #tpu.memory_space<vmem>>, vector<16xf32>,
        %add3A_1336 = arith.addf %mul3A_1333, %get3A_1335 : vector<16xf32>
        %swap3A_1337 = arith.index_cast %scan3A_44 : i32 to index
        %swap3A_1338 = arith.constant 672 : index
        %swap3A_1339 = tpu.vector_load %arg9[%swap3A_1337, %swap3A_1338] {strides = array<i32>} : memref<32x768xf32, #tpu.memory_space<vmem>>, vector<16xf32>,
        tpu.vector_store %arg9[%swap3A_1337, %swap3A_1338], %add3A_1336 {strides = array<i32>} : memref<32x768xf32, #tpu.memory_space<vmem>>, vector<16xf32>,
        %get3A_1340 = arith.index_cast %scan3A_44 : i32 to index
        %get3A_1341 = arith.constant 688 : index
        %get3A_1342 = tpu.vector_load %arg9[%get3A_1340, %get3A_1341] {strides = array<i32>} : memref<32x768xf32, #tpu.memory_space<vmem>>, vector<16xf32>,
        %mul3A_1343 = arith.mulf %get3A_1342, %mul3A_734 : vector<16xf32>
        %add3A_1344 = arith.addf %mul3A_1343, %neg3A_737 : vector<16xf32>
        %get3A_1345 = arith.constant 688 : index
        %get3A_1346 = tpu.vector_load %arg11[%get3A_1345] {strides = array<i32>} : memref<768xf32, #tpu.memory_space<vmem>>, vector<16xf32>,
        %mul3A_1347 = arith.mulf %add3A_1344, %get3A_1346 : vector<16xf32>
        %get3A_1348 = arith.constant 688 : index
        %get3A_1349 = tpu.vector_load %arg12[%get3A_1348] {strides = array<i32>} : memref<768xf32, #tpu.memory_space<vmem>>, vector<16xf32>,
        %add3A_1350 = arith.addf %mul3A_1347, %get3A_1349 : vector<16xf32>
        %swap3A_1351 = arith.index_cast %scan3A_44 : i32 to index
        %swap3A_1352 = arith.constant 688 : index
        %swap3A_1353 = tpu.vector_load %arg9[%swap3A_1351, %swap3A_1352] {strides = array<i32>} : memref<32x768xf32, #tpu.memory_space<vmem>>, vector<16xf32>,
        tpu.vector_store %arg9[%swap3A_1351, %swap3A_1352], %add3A_1350 {strides = array<i32>} : memref<32x768xf32, #tpu.memory_space<vmem>>, vector<16xf32>,
        %get3A_1354 = arith.index_cast %scan3A_44 : i32 to index
        %get3A_1355 = arith.constant 704 : index
        %get3A_1356 = tpu.vector_load %arg9[%get3A_1354, %get3A_1355] {strides = array<i32>} : memref<32x768xf32, #tpu.memory_space<vmem>>, vector<16xf32>,
        %mul3A_1357 = arith.mulf %get3A_1356, %mul3A_734 : vector<16xf32>
        %add3A_1358 = arith.addf %mul3A_1357, %neg3A_737 : vector<16xf32>
        %get3A_1359 = arith.constant 704 : index
        %get3A_1360 = tpu.vector_load %arg11[%get3A_1359] {strides = array<i32>} : memref<768xf32, #tpu.memory_space<vmem>>, vector<16xf32>,
        %mul3A_1361 = arith.mulf %add3A_1358, %get3A_1360 : vector<16xf32>
        %get3A_1362 = arith.constant 704 : index
        %get3A_1363 = tpu.vector_load %arg12[%get3A_1362] {strides = array<i32>} : memref<768xf32, #tpu.memory_space<vmem>>, vector<16xf32>,
        %add3A_1364 = arith.addf %mul3A_1361, %get3A_1363 : vector<16xf32>
        %swap3A_1365 = arith.index_cast %scan3A_44 : i32 to index
        %swap3A_1366 = arith.constant 704 : index
        %swap3A_1367 = tpu.vector_load %arg9[%swap3A_1365, %swap3A_1366] {strides = array<i32>} : memref<32x768xf32, #tpu.memory_space<vmem>>, vector<16xf32>,
        tpu.vector_store %arg9[%swap3A_1365, %swap3A_1366], %add3A_1364 {strides = array<i32>} : memref<32x768xf32, #tpu.memory_space<vmem>>, vector<16xf32>,
        %get3A_1368 = arith.index_cast %scan3A_44 : i32 to index
        %get3A_1369 = arith.constant 720 : index
        %get3A_1370 = tpu.vector_load %arg9[%get3A_1368, %get3A_1369] {strides = array<i32>} : memref<32x768xf32, #tpu.memory_space<vmem>>, vector<16xf32>,
        %mul3A_1371 = arith.mulf %get3A_1370, %mul3A_734 : vector<16xf32>
        %add3A_1372 = arith.addf %mul3A_1371, %neg3A_737 : vector<16xf32>
        %get3A_1373 = arith.constant 720 : index
        %get3A_1374 = tpu.vector_load %arg11[%get3A_1373] {strides = array<i32>} : memref<768xf32, #tpu.memory_space<vmem>>, vector<16xf32>,
        %mul3A_1375 = arith.mulf %add3A_1372, %get3A_1374 : vector<16xf32>
        %get3A_1376 = arith.constant 720 : index
        %get3A_1377 = tpu.vector_load %arg12[%get3A_1376] {strides = array<i32>} : memref<768xf32, #tpu.memory_space<vmem>>, vector<16xf32>,
        %add3A_1378 = arith.addf %mul3A_1375, %get3A_1377 : vector<16xf32>
        %swap3A_1379 = arith.index_cast %scan3A_44 : i32 to index
        %swap3A_1380 = arith.constant 720 : index
        %swap3A_1381 = tpu.vector_load %arg9[%swap3A_1379, %swap3A_1380] {strides = array<i32>} : memref<32x768xf32, #tpu.memory_space<vmem>>, vector<16xf32>,
        tpu.vector_store %arg9[%swap3A_1379, %swap3A_1380], %add3A_1378 {strides = array<i32>} : memref<32x768xf32, #tpu.memory_space<vmem>>, vector<16xf32>,
        %get3A_1382 = arith.index_cast %scan3A_44 : i32 to index
        %get3A_1383 = arith.constant 736 : index
        %get3A_1384 = tpu.vector_load %arg9[%get3A_1382, %get3A_1383] {strides = array<i32>} : memref<32x768xf32, #tpu.memory_space<vmem>>, vector<16xf32>,
        %mul3A_1385 = arith.mulf %get3A_1384, %mul3A_734 : vector<16xf32>
        %add3A_1386 = arith.addf %mul3A_1385, %neg3A_737 : vector<16xf32>
        %get3A_1387 = arith.constant 736 : index
        %get3A_1388 = tpu.vector_load %arg11[%get3A_1387] {strides = array<i32>} : memref<768xf32, #tpu.memory_space<vmem>>, vector<16xf32>,
        %mul3A_1389 = arith.mulf %add3A_1386, %get3A_1388 : vector<16xf32>
        %get3A_1390 = arith.constant 736 : index
        %get3A_1391 = tpu.vector_load %arg12[%get3A_1390] {strides = array<i32>} : memref<768xf32, #tpu.memory_space<vmem>>, vector<16xf32>,
        %add3A_1392 = arith.addf %mul3A_1389, %get3A_1391 : vector<16xf32>
        %swap3A_1393 = arith.index_cast %scan3A_44 : i32 to index
        %swap3A_1394 = arith.constant 736 : index
        %swap3A_1395 = tpu.vector_load %arg9[%swap3A_1393, %swap3A_1394] {strides = array<i32>} : memref<32x768xf32, #tpu.memory_space<vmem>>, vector<16xf32>,
        tpu.vector_store %arg9[%swap3A_1393, %swap3A_1394], %add3A_1392 {strides = array<i32>} : memref<32x768xf32, #tpu.memory_space<vmem>>, vector<16xf32>,
        %get3A_1396 = arith.index_cast %scan3A_44 : i32 to index
        %get3A_1397 = arith.constant 752 : index
        %get3A_1398 = tpu.vector_load %arg9[%get3A_1396, %get3A_1397] {strides = array<i32>} : memref<32x768xf32, #tpu.memory_space<vmem>>, vector<16xf32>,
        %mul3A_1399 = arith.mulf %get3A_1398, %mul3A_734 : vector<16xf32>
        %add3A_1400 = arith.addf %mul3A_1399, %neg3A_737 : vector<16xf32>
        %get3A_1401 = arith.constant 752 : index
        %get3A_1402 = tpu.vector_load %arg11[%get3A_1401] {strides = array<i32>} : memref<768xf32, #tpu.memory_space<vmem>>, vector<16xf32>,
        %mul3A_1403 = arith.mulf %add3A_1400, %get3A_1402 : vector<16xf32>
        %get3A_1404 = arith.constant 752 : index
        %get3A_1405 = tpu.vector_load %arg12[%get3A_1404] {strides = array<i32>} : memref<768xf32, #tpu.memory_space<vmem>>, vector<16xf32>,
        %add3A_1406 = arith.addf %mul3A_1403, %get3A_1405 : vector<16xf32>
        %swap3A_1407 = arith.index_cast %scan3A_44 : i32 to index
        %swap3A_1408 = arith.constant 752 : index
        %swap3A_1409 = tpu.vector_load %arg9[%swap3A_1407, %swap3A_1408] {strides = array<i32>} : memref<32x768xf32, #tpu.memory_space<vmem>>, vector<16xf32>,
        tpu.vector_store %arg9[%swap3A_1407, %swap3A_1408], %add3A_1406 {strides = array<i32>} : memref<32x768xf32, #tpu.memory_space<vmem>>, vector<16xf32>,
        %scan3A_1410 = arith.constant 0 : i32
        scf.yield %scan3A_1410 : i32
      }
      %scan3A_42 = arith.constant 32 : i32
      "tpu.region"() ({
        %run_scoped3A = tpu.sem_alloc : memref<!tpu.dma_semaphore, #tpu.memory_space<semaphore_mem>>
        %dma_start3A_44 = arith.constant 0 : i32
        %dma_start3A_45 = tpu.memref_slice %arg7[%scan3A_22, %add3A_4, %dma_start3A_44] : memref<4x2048x768xf32, #tpu.memory_space<hbm>> -> memref<1x32x768xf32, #tpu.memory_space<hbm>>
        %dma_start3A_46 = tpu.memref_squeeze %dma_start3A_45 : memref<1x32x768xf32, #tpu.memory_space<hbm>> -> memref<32x768xf32, #tpu.memory_space<hbm>>
        %dma_start3A_47 = arith.constant 0 : i32
        %dma_start3A_48 = tpu.memref_slice %arg7[%scan3A_22, %add3A_4, %dma_start3A_47] : memref<4x2048x768xf32, #tpu.memory_space<hbm>> -> memref<1x32x768xf32, #tpu.memory_space<hbm>>
        %dma_start3A_49 = tpu.memref_squeeze %dma_start3A_48 : memref<1x32x768xf32, #tpu.memory_space<hbm>> -> memref<32x768xf32, #tpu.memory_space<hbm>>
        tpu.enqueue_dma source(%arg9 : memref<32x768xf32, #tpu.memory_space<vmem>>) target(%dma_start3A_49 : memref<32x768xf32, #tpu.memory_space<hbm>>) target_semaphore(%run_scoped3A : memref<!tpu.dma_semaphore, #tpu.memory_space<semaphore_mem>>)
        %dma_wait3A_50 = arith.constant 0 : i32
        %dma_wait3A_51 = tpu.memref_slice %arg7[%scan3A_22, %add3A_4, %dma_wait3A_50] : memref<4x2048x768xf32, #tpu.memory_space<hbm>> -> memref<1x32x768xf32, #tpu.memory_space<hbm>>
        %dma_wait3A_52 = tpu.memref_squeeze %dma_wait3A_51 : memref<1x32x768xf32, #tpu.memory_space<hbm>> -> memref<32x768xf32, #tpu.memory_space<hbm>>
        %dma_wait3A_53 = arith.constant 0 : i32
        %dma_wait3A_54 = tpu.memref_slice %arg7[%scan3A_22, %add3A_4, %dma_wait3A_53] : memref<4x2048x768xf32, #tpu.memory_space<hbm>> -> memref<1x32x768xf32, #tpu.memory_space<hbm>>
        %dma_wait3A_55 = tpu.memref_squeeze %dma_wait3A_54 : memref<1x32x768xf32, #tpu.memory_space<hbm>> -> memref<32x768xf32, #tpu.memory_space<hbm>>
        tpu.wait_dma2 semaphore(%run_scoped3A : memref<!tpu.dma_semaphore, #tpu.memory_space<semaphore_mem>>) src(%arg9 : memref<32x768xf32, #tpu.memory_space<vmem>>) dst(%dma_wait3A_55 : memref<32x768xf32, #tpu.memory_space<hbm>>)
        tpu.yield
      }) : () -> ()
      %scan3A_43 = arith.constant 0 : i32
      scf.yield %scan3A_43 : i32
    }
    %scan3A_10 = arith.constant 4 : i32
    %mul3A_11 = arith.constant 64 : i32
    %mul3A_12 = arith.muli %add3A, %mul3A_11 : i32
    %add3A_13 = arith.constant 32 : i32
    %add3A_14 = arith.addi %mul3A_12, %add3A_13 : i32
    "tpu.region"() ({
      %run_scoped3A = tpu.sem_alloc : memref<!tpu.dma_semaphore, #tpu.memory_space<semaphore_mem>>
      %dma_start3A = arith.constant 0 : i32
      %dma_start3A_22 = tpu.memref_slice %arg4[%add3A_14, %dma_start3A] : memref<2048x768xf32, #tpu.memory_space<hbm>> -> memref<32x768xf32, #tpu.memory_space<hbm>>
      %dma_start3A_23 = arith.constant 0 : i32
      %dma_start3A_24 = tpu.memref_slice %arg4[%add3A_14, %dma_start3A_23] : memref<2048x768xf32, #tpu.memory_space<hbm>> -> memref<32x768xf32, #tpu.memory_space<hbm>>
      tpu.enqueue_dma source(%dma_start3A_24 : memref<32x768xf32, #tpu.memory_space<hbm>>) target(%arg10 : memref<32x768xf32, #tpu.memory_space<vmem>>) target_semaphore(%run_scoped3A : memref<!tpu.dma_semaphore, #tpu.memory_space<semaphore_mem>>)
      %dma_wait3A = arith.constant 0 : i32
      %dma_wait3A_25 = tpu.memref_slice %arg4[%add3A_14, %dma_wait3A] : memref<2048x768xf32, #tpu.memory_space<hbm>> -> memref<32x768xf32, #tpu.memory_space<hbm>>
      %dma_wait3A_26 = arith.constant 0 : i32
      %dma_wait3A_27 = tpu.memref_slice %arg4[%add3A_14, %dma_wait3A_26] : memref<2048x768xf32, #tpu.memory_space<hbm>> -> memref<32x768xf32, #tpu.memory_space<hbm>>
      tpu.wait_dma2 semaphore(%run_scoped3A : memref<!tpu.dma_semaphore, #tpu.memory_space<semaphore_mem>>) src(%dma_wait3A_27 : memref<32x768xf32, #tpu.memory_space<hbm>>) dst(%arg10 : memref<32x768xf32, #tpu.memory_space<vmem>>)
      tpu.yield
    }) : () -> ()
    %scan3A_15 = arith.constant 0 : i32
    %scan3A_16 = arith.constant 0 : i32
    %scan3A_17 = arith.constant 4 : i32
    %scan3A_18 = arith.addi %scan3A_16, %scan3A_17 : i32
    %scan3A_19 = arith.constant 1 : i32
    %scan3A_20 = scf.for %scan3A_22 = %scan3A_16 to %scan3A_18 step %scan3A_19 iter_args(%scan3A_23 = %scan3A_15) -> (i32)  : i32 {
      %add3A_24 = arith.constant 4 : i32
      %add3A_25 = arith.addi %add3A_24, %scan3A_22 : i32
      %dma_start3A = arith.constant 0 : i32
      %dma_start3A_26 = tpu.memref_slice %arg8[%add3A_25, %dma_start3A] : memref<8x32xi32, #tpu.memory_space<vmem>> -> memref<1x32xi32, #tpu.memory_space<vmem>>
      %dma_start3A_27 = tpu.memref_squeeze %dma_start3A_26 : memref<1x32xi32, #tpu.memory_space<vmem>> -> memref<32xi32, #tpu.memory_space<vmem>>
      %dma_start3A_28 = arith.constant 0 : i32
      %dma_start3A_29 = arith.constant 0 : i32
      %dma_start3A_30 = tpu.memref_slice %arg3[%dma_start3A_28, %dma_start3A_29] : memref<30522x768xf32, #tpu.memory_space<hbm>> -> memref<30522x768xf32, #tpu.memory_space<hbm>>
      tpu.enqueue_indirect_dma source(%dma_start3A_30 : memref<30522x768xf32, #tpu.memory_space<hbm>>) target(%arg9 : memref<32x768xf32, #tpu.memory_space<vmem>>) offsets(%dma_start3A_27 : memref<32xi32, #tpu.memory_space<vmem>>) semaphore(%arg13 : memref<!tpu.dma_semaphore, #tpu.memory_space<semaphore_mem>>)
      %dma_wait3A = arith.constant 0 : i32
      %dma_wait3A_31 = tpu.memref_slice %arg8[%add3A_25, %dma_wait3A] : memref<8x32xi32, #tpu.memory_space<vmem>> -> memref<1x32xi32, #tpu.memory_space<vmem>>
      %dma_wait3A_32 = tpu.memref_squeeze %dma_wait3A_31 : memref<1x32xi32, #tpu.memory_space<vmem>> -> memref<32xi32, #tpu.memory_space<vmem>>
      %dma_wait3A_33 = arith.constant 0 : i32
      %dma_wait3A_34 = arith.constant 0 : i32
      %dma_wait3A_35 = tpu.memref_slice %arg3[%dma_wait3A_33, %dma_wait3A_34] : memref<30522x768xf32, #tpu.memory_space<hbm>> -> memref<30522x768xf32, #tpu.memory_space<hbm>>
      tpu.wait_indirect_dma semaphore(%arg13 : memref<!tpu.dma_semaphore, #tpu.memory_space<semaphore_mem>>) src(%dma_wait3A_35 : memref<30522x768xf32, #tpu.memory_space<hbm>>) dst(%arg9 : memref<32x768xf32, #tpu.memory_space<vmem>>)
      %scan3A_36 = arith.constant 0 : i32
      %scan3A_37 = arith.constant 0 : i32
      %scan3A_38 = arith.constant 32 : i32
      %scan3A_39 = arith.addi %scan3A_37, %scan3A_38 : i32
      %scan3A_40 = arith.constant 1 : i32
      %scan3A_41 = scf.for %scan3A_44 = %scan3A_37 to %scan3A_39 step %scan3A_40 iter_args(%scan3A_45 = %scan3A_36) -> (i32)  : i32 {
        %broadcast_in_dim3A = arith.constant 0.000000e+00 : f32
        %broadcast_in_dim3A_46 = vector.broadcast %broadcast_in_dim3A : f32 to vector<16xf32>
        %broadcast_in_dim3A_47 = arith.constant 0.000000e+00 : f32
        %broadcast_in_dim3A_48 = vector.broadcast %broadcast_in_dim3A_47 : f32 to vector<16xf32>
        %broadcast_in_dim3A_49 = arith.constant 0.000000e+00 : f32
        %broadcast_in_dim3A_50 = vector.broadcast %broadcast_in_dim3A_49 : f32 to vector<16xf32>
        %broadcast_in_dim3A_51 = arith.constant 0.000000e+00 : f32
        %broadcast_in_dim3A_52 = vector.broadcast %broadcast_in_dim3A_51 : f32 to vector<16xf32>
        %broadcast_in_dim3A_53 = arith.constant 0.000000e+00 : f32
        %broadcast_in_dim3A_54 = vector.broadcast %broadcast_in_dim3A_53 : f32 to vector<16xf32>
        %broadcast_in_dim3A_55 = arith.constant 0.000000e+00 : f32
        %broadcast_in_dim3A_56 = vector.broadcast %broadcast_in_dim3A_55 : f32 to vector<16xf32>
        %broadcast_in_dim3A_57 = arith.constant 0.000000e+00 : f32
        %broadcast_in_dim3A_58 = vector.broadcast %broadcast_in_dim3A_57 : f32 to vector<16xf32>
        %broadcast_in_dim3A_59 = arith.constant 0.000000e+00 : f32
        %broadcast_in_dim3A_60 = vector.broadcast %broadcast_in_dim3A_59 : f32 to vector<16xf32>
        %get3A = arith.index_cast %scan3A_44 : i32 to index
        %get3A_61 = arith.constant 0 : index
        %get3A_62 = tpu.vector_load %arg9[%get3A, %get3A_61] {strides = array<i32>} : memref<32x768xf32, #tpu.memory_space<vmem>>, vector<16xf32>,
        %get3A_63 = arith.index_cast %scan3A_44 : i32 to index
        %get3A_64 = arith.constant 0 : index
        %get3A_65 = tpu.vector_load %arg10[%get3A_63, %get3A_64] {strides = array<i32>} : memref<32x768xf32, #tpu.memory_space<vmem>>, vector<16xf32>,
        %add3A_66 = arith.addf %get3A_62, %get3A_65 : vector<16xf32>
        %swap3A = arith.index_cast %scan3A_44 : i32 to index
        %swap3A_67 = arith.constant 0 : index
        %swap3A_68 = tpu.vector_load %arg9[%swap3A, %swap3A_67] {strides = array<i32>} : memref<32x768xf32, #tpu.memory_space<vmem>>, vector<16xf32>,
        tpu.vector_store %arg9[%swap3A, %swap3A_67], %add3A_66 {strides = array<i32>} : memref<32x768xf32, #tpu.memory_space<vmem>>, vector<16xf32>,
        %add3A_69 = arith.addf %broadcast_in_dim3A_46, %add3A_66 : vector<16xf32>
        %mul3A_70 = arith.mulf %add3A_66, %add3A_66 : vector<16xf32>
        %add3A_71 = arith.addf %broadcast_in_dim3A_54, %mul3A_70 : vector<16xf32>
        %get3A_72 = arith.index_cast %scan3A_44 : i32 to index
        %get3A_73 = arith.constant 16 : index
        %get3A_74 = tpu.vector_load %arg9[%get3A_72, %get3A_73] {strides = array<i32>} : memref<32x768xf32, #tpu.memory_space<vmem>>, vector<16xf32>,
        %get3A_75 = arith.index_cast %scan3A_44 : i32 to index
        %get3A_76 = arith.constant 16 : index
        %get3A_77 = tpu.vector_load %arg10[%get3A_75, %get3A_76] {strides = array<i32>} : memref<32x768xf32, #tpu.memory_space<vmem>>, vector<16xf32>,
        %add3A_78 = arith.addf %get3A_74, %get3A_77 : vector<16xf32>
        %swap3A_79 = arith.index_cast %scan3A_44 : i32 to index
        %swap3A_80 = arith.constant 16 : index
        %swap3A_81 = tpu.vector_load %arg9[%swap3A_79, %swap3A_80] {strides = array<i32>} : memref<32x768xf32, #tpu.memory_space<vmem>>, vector<16xf32>,
        tpu.vector_store %arg9[%swap3A_79, %swap3A_80], %add3A_78 {strides = array<i32>} : memref<32x768xf32, #tpu.memory_space<vmem>>, vector<16xf32>,
        %add3A_82 = arith.addf %broadcast_in_dim3A_48, %add3A_78 : vector<16xf32>
        %mul3A_83 = arith.mulf %add3A_78, %add3A_78 : vector<16xf32>
        %add3A_84 = arith.addf %broadcast_in_dim3A_56, %mul3A_83 : vector<16xf32>
        %get3A_85 = arith.index_cast %scan3A_44 : i32 to index
        %get3A_86 = arith.constant 32 : index
        %get3A_87 = tpu.vector_load %arg9[%get3A_85, %get3A_86] {strides = array<i32>} : memref<32x768xf32, #tpu.memory_space<vmem>>, vector<16xf32>,
        %get3A_88 = arith.index_cast %scan3A_44 : i32 to index
        %get3A_89 = arith.constant 32 : index
        %get3A_90 = tpu.vector_load %arg10[%get3A_88, %get3A_89] {strides = array<i32>} : memref<32x768xf32, #tpu.memory_space<vmem>>, vector<16xf32>,
        %add3A_91 = arith.addf %get3A_87, %get3A_90 : vector<16xf32>
        %swap3A_92 = arith.index_cast %scan3A_44 : i32 to index
        %swap3A_93 = arith.constant 32 : index
        %swap3A_94 = tpu.vector_load %arg9[%swap3A_92, %swap3A_93] {strides = array<i32>} : memref<32x768xf32, #tpu.memory_space<vmem>>, vector<16xf32>,
        tpu.vector_store %arg9[%swap3A_92, %swap3A_93], %add3A_91 {strides = array<i32>} : memref<32x768xf32, #tpu.memory_space<vmem>>, vector<16xf32>,
        %add3A_95 = arith.addf %broadcast_in_dim3A_50, %add3A_91 : vector<16xf32>
        %mul3A_96 = arith.mulf %add3A_91, %add3A_91 : vector<16xf32>
        %add3A_97 = arith.addf %broadcast_in_dim3A_58, %mul3A_96 : vector<16xf32>
        %get3A_98 = arith.index_cast %scan3A_44 : i32 to index
        %get3A_99 = arith.constant 48 : index
        %get3A_100 = tpu.vector_load %arg9[%get3A_98, %get3A_99] {strides = array<i32>} : memref<32x768xf32, #tpu.memory_space<vmem>>, vector<16xf32>,
        %get3A_101 = arith.index_cast %scan3A_44 : i32 to index
        %get3A_102 = arith.constant 48 : index
        %get3A_103 = tpu.vector_load %arg10[%get3A_101, %get3A_102] {strides = array<i32>} : memref<32x768xf32, #tpu.memory_space<vmem>>, vector<16xf32>,
        %add3A_104 = arith.addf %get3A_100, %get3A_103 : vector<16xf32>
        %swap3A_105 = arith.index_cast %scan3A_44 : i32 to index
        %swap3A_106 = arith.constant 48 : index
        %swap3A_107 = tpu.vector_load %arg9[%swap3A_105, %swap3A_106] {strides = array<i32>} : memref<32x768xf32, #tpu.memory_space<vmem>>, vector<16xf32>,
        tpu.vector_store %arg9[%swap3A_105, %swap3A_106], %add3A_104 {strides = array<i32>} : memref<32x768xf32, #tpu.memory_space<vmem>>, vector<16xf32>,
        %add3A_108 = arith.addf %broadcast_in_dim3A_52, %add3A_104 : vector<16xf32>
        %mul3A_109 = arith.mulf %add3A_104, %add3A_104 : vector<16xf32>
        %add3A_110 = arith.addf %broadcast_in_dim3A_60, %mul3A_109 : vector<16xf32>
        %get3A_111 = arith.index_cast %scan3A_44 : i32 to index
        %get3A_112 = arith.constant 64 : index
        %get3A_113 = tpu.vector_load %arg9[%get3A_111, %get3A_112] {strides = array<i32>} : memref<32x768xf32, #tpu.memory_space<vmem>>, vector<16xf32>,
        %get3A_114 = arith.index_cast %scan3A_44 : i32 to index
        %get3A_115 = arith.constant 64 : index
        %get3A_116 = tpu.vector_load %arg10[%get3A_114, %get3A_115] {strides = array<i32>} : memref<32x768xf32, #tpu.memory_space<vmem>>, vector<16xf32>,
        %add3A_117 = arith.addf %get3A_113, %get3A_116 : vector<16xf32>
        %swap3A_118 = arith.index_cast %scan3A_44 : i32 to index
        %swap3A_119 = arith.constant 64 : index
        %swap3A_120 = tpu.vector_load %arg9[%swap3A_118, %swap3A_119] {strides = array<i32>} : memref<32x768xf32, #tpu.memory_space<vmem>>, vector<16xf32>,
        tpu.vector_store %arg9[%swap3A_118, %swap3A_119], %add3A_117 {strides = array<i32>} : memref<32x768xf32, #tpu.memory_space<vmem>>, vector<16xf32>,
        %add3A_121 = arith.addf %add3A_69, %add3A_117 : vector<16xf32>
        %mul3A_122 = arith.mulf %add3A_117, %add3A_117 : vector<16xf32>
        %add3A_123 = arith.addf %add3A_71, %mul3A_122 : vector<16xf32>
        %get3A_124 = arith.index_cast %scan3A_44 : i32 to index
        %get3A_125 = arith.constant 80 : index
        %get3A_126 = tpu.vector_load %arg9[%get3A_124, %get3A_125] {strides = array<i32>} : memref<32x768xf32, #tpu.memory_space<vmem>>, vector<16xf32>,
        %get3A_127 = arith.index_cast %scan3A_44 : i32 to index
        %get3A_128 = arith.constant 80 : index
        %get3A_129 = tpu.vector_load %arg10[%get3A_127, %get3A_128] {strides = array<i32>} : memref<32x768xf32, #tpu.memory_space<vmem>>, vector<16xf32>,
        %add3A_130 = arith.addf %get3A_126, %get3A_129 : vector<16xf32>
        %swap3A_131 = arith.index_cast %scan3A_44 : i32 to index
        %swap3A_132 = arith.constant 80 : index
        %swap3A_133 = tpu.vector_load %arg9[%swap3A_131, %swap3A_132] {strides = array<i32>} : memref<32x768xf32, #tpu.memory_space<vmem>>, vector<16xf32>,
        tpu.vector_store %arg9[%swap3A_131, %swap3A_132], %add3A_130 {strides = array<i32>} : memref<32x768xf32, #tpu.memory_space<vmem>>, vector<16xf32>,
        %add3A_134 = arith.addf %add3A_82, %add3A_130 : vector<16xf32>
        %mul3A_135 = arith.mulf %add3A_130, %add3A_130 : vector<16xf32>
        %add3A_136 = arith.addf %add3A_84, %mul3A_135 : vector<16xf32>
        %get3A_137 = arith.index_cast %scan3A_44 : i32 to index
        %get3A_138 = arith.constant 96 : index
        %get3A_139 = tpu.vector_load %arg9[%get3A_137, %get3A_138] {strides = array<i32>} : memref<32x768xf32, #tpu.memory_space<vmem>>, vector<16xf32>,
        %get3A_140 = arith.index_cast %scan3A_44 : i32 to index
        %get3A_141 = arith.constant 96 : index
        %get3A_142 = tpu.vector_load %arg10[%get3A_140, %get3A_141] {strides = array<i32>} : memref<32x768xf32, #tpu.memory_space<vmem>>, vector<16xf32>,
        %add3A_143 = arith.addf %get3A_139, %get3A_142 : vector<16xf32>
        %swap3A_144 = arith.index_cast %scan3A_44 : i32 to index
        %swap3A_145 = arith.constant 96 : index
        %swap3A_146 = tpu.vector_load %arg9[%swap3A_144, %swap3A_145] {strides = array<i32>} : memref<32x768xf32, #tpu.memory_space<vmem>>, vector<16xf32>,
        tpu.vector_store %arg9[%swap3A_144, %swap3A_145], %add3A_143 {strides = array<i32>} : memref<32x768xf32, #tpu.memory_space<vmem>>, vector<16xf32>,
        %add3A_147 = arith.addf %add3A_95, %add3A_143 : vector<16xf32>
        %mul3A_148 = arith.mulf %add3A_143, %add3A_143 : vector<16xf32>
        %add3A_149 = arith.addf %add3A_97, %mul3A_148 : vector<16xf32>
        %get3A_150 = arith.index_cast %scan3A_44 : i32 to index
        %get3A_151 = arith.constant 112 : index
        %get3A_152 = tpu.vector_load %arg9[%get3A_150, %get3A_151] {strides = array<i32>} : memref<32x768xf32, #tpu.memory_space<vmem>>, vector<16xf32>,
        %get3A_153 = arith.index_cast %scan3A_44 : i32 to index
        %get3A_154 = arith.constant 112 : index
        %get3A_155 = tpu.vector_load %arg10[%get3A_153, %get3A_154] {strides = array<i32>} : memref<32x768xf32, #tpu.memory_space<vmem>>, vector<16xf32>,
        %add3A_156 = arith.addf %get3A_152, %get3A_155 : vector<16xf32>
        %swap3A_157 = arith.index_cast %scan3A_44 : i32 to index
        %swap3A_158 = arith.constant 112 : index
        %swap3A_159 = tpu.vector_load %arg9[%swap3A_157, %swap3A_158] {strides = array<i32>} : memref<32x768xf32, #tpu.memory_space<vmem>>, vector<16xf32>,
        tpu.vector_store %arg9[%swap3A_157, %swap3A_158], %add3A_156 {strides = array<i32>} : memref<32x768xf32, #tpu.memory_space<vmem>>, vector<16xf32>,
        %add3A_160 = arith.addf %add3A_108, %add3A_156 : vector<16xf32>
        %mul3A_161 = arith.mulf %add3A_156, %add3A_156 : vector<16xf32>
        %add3A_162 = arith.addf %add3A_110, %mul3A_161 : vector<16xf32>
        %get3A_163 = arith.index_cast %scan3A_44 : i32 to index
        %get3A_164 = arith.constant 128 : index
        %get3A_165 = tpu.vector_load %arg9[%get3A_163, %get3A_164] {strides = array<i32>} : memref<32x768xf32, #tpu.memory_space<vmem>>, vector<16xf32>,
        %get3A_166 = arith.index_cast %scan3A_44 : i32 to index
        %get3A_167 = arith.constant 128 : index
        %get3A_168 = tpu.vector_load %arg10[%get3A_166, %get3A_167] {strides = array<i32>} : memref<32x768xf32, #tpu.memory_space<vmem>>, vector<16xf32>,
        %add3A_169 = arith.addf %get3A_165, %get3A_168 : vector<16xf32>
        %swap3A_170 = arith.index_cast %scan3A_44 : i32 to index
        %swap3A_171 = arith.constant 128 : index
        %swap3A_172 = tpu.vector_load %arg9[%swap3A_170, %swap3A_171] {strides = array<i32>} : memref<32x768xf32, #tpu.memory_space<vmem>>, vector<16xf32>,
        tpu.vector_store %arg9[%swap3A_170, %swap3A_171], %add3A_169 {strides = array<i32>} : memref<32x768xf32, #tpu.memory_space<vmem>>, vector<16xf32>,
        %add3A_173 = arith.addf %add3A_121, %add3A_169 : vector<16xf32>
        %mul3A_174 = arith.mulf %add3A_169, %add3A_169 : vector<16xf32>
        %add3A_175 = arith.addf %add3A_123, %mul3A_174 : vector<16xf32>
        %get3A_176 = arith.index_cast %scan3A_44 : i32 to index
        %get3A_177 = arith.constant 144 : index
        %get3A_178 = tpu.vector_load %arg9[%get3A_176, %get3A_177] {strides = array<i32>} : memref<32x768xf32, #tpu.memory_space<vmem>>, vector<16xf32>,
        %get3A_179 = arith.index_cast %scan3A_44 : i32 to index
        %get3A_180 = arith.constant 144 : index
        %get3A_181 = tpu.vector_load %arg10[%get3A_179, %get3A_180] {strides = array<i32>} : memref<32x768xf32, #tpu.memory_space<vmem>>, vector<16xf32>,
        %add3A_182 = arith.addf %get3A_178, %get3A_181 : vector<16xf32>
        %swap3A_183 = arith.index_cast %scan3A_44 : i32 to index
        %swap3A_184 = arith.constant 144 : index
        %swap3A_185 = tpu.vector_load %arg9[%swap3A_183, %swap3A_184] {strides = array<i32>} : memref<32x768xf32, #tpu.memory_space<vmem>>, vector<16xf32>,
        tpu.vector_store %arg9[%swap3A_183, %swap3A_184], %add3A_182 {strides = array<i32>} : memref<32x768xf32, #tpu.memory_space<vmem>>, vector<16xf32>,
        %add3A_186 = arith.addf %add3A_134, %add3A_182 : vector<16xf32>
        %mul3A_187 = arith.mulf %add3A_182, %add3A_182 : vector<16xf32>
        %add3A_188 = arith.addf %add3A_136, %mul3A_187 : vector<16xf32>
        %get3A_189 = arith.index_cast %scan3A_44 : i32 to index
        %get3A_190 = arith.constant 160 : index
        %get3A_191 = tpu.vector_load %arg9[%get3A_189, %get3A_190] {strides = array<i32>} : memref<32x768xf32, #tpu.memory_space<vmem>>, vector<16xf32>,
        %get3A_192 = arith.index_cast %scan3A_44 : i32 to index
        %get3A_193 = arith.constant 160 : index
        %get3A_194 = tpu.vector_load %arg10[%get3A_192, %get3A_193] {strides = array<i32>} : memref<32x768xf32, #tpu.memory_space<vmem>>, vector<16xf32>,
        %add3A_195 = arith.addf %get3A_191, %get3A_194 : vector<16xf32>
        %swap3A_196 = arith.index_cast %scan3A_44 : i32 to index
        %swap3A_197 = arith.constant 160 : index
        %swap3A_198 = tpu.vector_load %arg9[%swap3A_196, %swap3A_197] {strides = array<i32>} : memref<32x768xf32, #tpu.memory_space<vmem>>, vector<16xf32>,
        tpu.vector_store %arg9[%swap3A_196, %swap3A_197], %add3A_195 {strides = array<i32>} : memref<32x768xf32, #tpu.memory_space<vmem>>, vector<16xf32>,
        %add3A_199 = arith.addf %add3A_147, %add3A_195 : vector<16xf32>
        %mul3A_200 = arith.mulf %add3A_195, %add3A_195 : vector<16xf32>
        %add3A_201 = arith.addf %add3A_149, %mul3A_200 : vector<16xf32>
        %get3A_202 = arith.index_cast %scan3A_44 : i32 to index
        %get3A_203 = arith.constant 176 : index
        %get3A_204 = tpu.vector_load %arg9[%get3A_202, %get3A_203] {strides = array<i32>} : memref<32x768xf32, #tpu.memory_space<vmem>>, vector<16xf32>,
        %get3A_205 = arith.index_cast %scan3A_44 : i32 to index
        %get3A_206 = arith.constant 176 : index
        %get3A_207 = tpu.vector_load %arg10[%get3A_205, %get3A_206] {strides = array<i32>} : memref<32x768xf32, #tpu.memory_space<vmem>>, vector<16xf32>,
        %add3A_208 = arith.addf %get3A_204, %get3A_207 : vector<16xf32>
        %swap3A_209 = arith.index_cast %scan3A_44 : i32 to index
        %swap3A_210 = arith.constant 176 : index
        %swap3A_211 = tpu.vector_load %arg9[%swap3A_209, %swap3A_210] {strides = array<i32>} : memref<32x768xf32, #tpu.memory_space<vmem>>, vector<16xf32>,
        tpu.vector_store %arg9[%swap3A_209, %swap3A_210], %add3A_208 {strides = array<i32>} : memref<32x768xf32, #tpu.memory_space<vmem>>, vector<16xf32>,
        %add3A_212 = arith.addf %add3A_160, %add3A_208 : vector<16xf32>
        %mul3A_213 = arith.mulf %add3A_208, %add3A_208 : vector<16xf32>
        %add3A_214 = arith.addf %add3A_162, %mul3A_213 : vector<16xf32>
        %get3A_215 = arith.index_cast %scan3A_44 : i32 to index
        %get3A_216 = arith.constant 192 : index
        %get3A_217 = tpu.vector_load %arg9[%get3A_215, %get3A_216] {strides = array<i32>} : memref<32x768xf32, #tpu.memory_space<vmem>>, vector<16xf32>,
        %get3A_218 = arith.index_cast %scan3A_44 : i32 to index
        %get3A_219 = arith.constant 192 : index
        %get3A_220 = tpu.vector_load %arg10[%get3A_218, %get3A_219] {strides = array<i32>} : memref<32x768xf32, #tpu.memory_space<vmem>>, vector<16xf32>,
        %add3A_221 = arith.addf %get3A_217, %get3A_220 : vector<16xf32>
        %swap3A_222 = arith.index_cast %scan3A_44 : i32 to index
        %swap3A_223 = arith.constant 192 : index
        %swap3A_224 = tpu.vector_load %arg9[%swap3A_222, %swap3A_223] {strides = array<i32>} : memref<32x768xf32, #tpu.memory_space<vmem>>, vector<16xf32>,
        tpu.vector_store %arg9[%swap3A_222, %swap3A_223], %add3A_221 {strides = array<i32>} : memref<32x768xf32, #tpu.memory_space<vmem>>, vector<16xf32>,
        %add3A_225 = arith.addf %add3A_173, %add3A_221 : vector<16xf32>
        %mul3A_226 = arith.mulf %add3A_221, %add3A_221 : vector<16xf32>
        %add3A_227 = arith.addf %add3A_175, %mul3A_226 : vector<16xf32>
        %get3A_228 = arith.index_cast %scan3A_44 : i32 to index
        %get3A_229 = arith.constant 208 : index
        %get3A_230 = tpu.vector_load %arg9[%get3A_228, %get3A_229] {strides = array<i32>} : memref<32x768xf32, #tpu.memory_space<vmem>>, vector<16xf32>,
        %get3A_231 = arith.index_cast %scan3A_44 : i32 to index
        %get3A_232 = arith.constant 208 : index
        %get3A_233 = tpu.vector_load %arg10[%get3A_231, %get3A_232] {strides = array<i32>} : memref<32x768xf32, #tpu.memory_space<vmem>>, vector<16xf32>,
        %add3A_234 = arith.addf %get3A_230, %get3A_233 : vector<16xf32>
        %swap3A_235 = arith.index_cast %scan3A_44 : i32 to index
        %swap3A_236 = arith.constant 208 : index
        %swap3A_237 = tpu.vector_load %arg9[%swap3A_235, %swap3A_236] {strides = array<i32>} : memref<32x768xf32, #tpu.memory_space<vmem>>, vector<16xf32>,
        tpu.vector_store %arg9[%swap3A_235, %swap3A_236], %add3A_234 {strides = array<i32>} : memref<32x768xf32, #tpu.memory_space<vmem>>, vector<16xf32>,
        %add3A_238 = arith.addf %add3A_186, %add3A_234 : vector<16xf32>
        %mul3A_239 = arith.mulf %add3A_234, %add3A_234 : vector<16xf32>
        %add3A_240 = arith.addf %add3A_188, %mul3A_239 : vector<16xf32>
        %get3A_241 = arith.index_cast %scan3A_44 : i32 to index
        %get3A_242 = arith.constant 224 : index
        %get3A_243 = tpu.vector_load %arg9[%get3A_241, %get3A_242] {strides = array<i32>} : memref<32x768xf32, #tpu.memory_space<vmem>>, vector<16xf32>,
        %get3A_244 = arith.index_cast %scan3A_44 : i32 to index
        %get3A_245 = arith.constant 224 : index
        %get3A_246 = tpu.vector_load %arg10[%get3A_244, %get3A_245] {strides = array<i32>} : memref<32x768xf32, #tpu.memory_space<vmem>>, vector<16xf32>,
        %add3A_247 = arith.addf %get3A_243, %get3A_246 : vector<16xf32>
        %swap3A_248 = arith.index_cast %scan3A_44 : i32 to index
        %swap3A_249 = arith.constant 224 : index
        %swap3A_250 = tpu.vector_load %arg9[%swap3A_248, %swap3A_249] {strides = array<i32>} : memref<32x768xf32, #tpu.memory_space<vmem>>, vector<16xf32>,
        tpu.vector_store %arg9[%swap3A_248, %swap3A_249], %add3A_247 {strides = array<i32>} : memref<32x768xf32, #tpu.memory_space<vmem>>, vector<16xf32>,
        %add3A_251 = arith.addf %add3A_199, %add3A_247 : vector<16xf32>
        %mul3A_252 = arith.mulf %add3A_247, %add3A_247 : vector<16xf32>
        %add3A_253 = arith.addf %add3A_201, %mul3A_252 : vector<16xf32>
        %get3A_254 = arith.index_cast %scan3A_44 : i32 to index
        %get3A_255 = arith.constant 240 : index
        %get3A_256 = tpu.vector_load %arg9[%get3A_254, %get3A_255] {strides = array<i32>} : memref<32x768xf32, #tpu.memory_space<vmem>>, vector<16xf32>,
        %get3A_257 = arith.index_cast %scan3A_44 : i32 to index
        %get3A_258 = arith.constant 240 : index
        %get3A_259 = tpu.vector_load %arg10[%get3A_257, %get3A_258] {strides = array<i32>} : memref<32x768xf32, #tpu.memory_space<vmem>>, vector<16xf32>,
        %add3A_260 = arith.addf %get3A_256, %get3A_259 : vector<16xf32>
        %swap3A_261 = arith.index_cast %scan3A_44 : i32 to index
        %swap3A_262 = arith.constant 240 : index
        %swap3A_263 = tpu.vector_load %arg9[%swap3A_261, %swap3A_262] {strides = array<i32>} : memref<32x768xf32, #tpu.memory_space<vmem>>, vector<16xf32>,
        tpu.vector_store %arg9[%swap3A_261, %swap3A_262], %add3A_260 {strides = array<i32>} : memref<32x768xf32, #tpu.memory_space<vmem>>, vector<16xf32>,
        %add3A_264 = arith.addf %add3A_212, %add3A_260 : vector<16xf32>
        %mul3A_265 = arith.mulf %add3A_260, %add3A_260 : vector<16xf32>
        %add3A_266 = arith.addf %add3A_214, %mul3A_265 : vector<16xf32>
        %get3A_267 = arith.index_cast %scan3A_44 : i32 to index
        %get3A_268 = arith.constant 256 : index
        %get3A_269 = tpu.vector_load %arg9[%get3A_267, %get3A_268] {strides = array<i32>} : memref<32x768xf32, #tpu.memory_space<vmem>>, vector<16xf32>,
        %get3A_270 = arith.index_cast %scan3A_44 : i32 to index
        %get3A_271 = arith.constant 256 : index
        %get3A_272 = tpu.vector_load %arg10[%get3A_270, %get3A_271] {strides = array<i32>} : memref<32x768xf32, #tpu.memory_space<vmem>>, vector<16xf32>,
        %add3A_273 = arith.addf %get3A_269, %get3A_272 : vector<16xf32>
        %swap3A_274 = arith.index_cast %scan3A_44 : i32 to index
        %swap3A_275 = arith.constant 256 : index
        %swap3A_276 = tpu.vector_load %arg9[%swap3A_274, %swap3A_275] {strides = array<i32>} : memref<32x768xf32, #tpu.memory_space<vmem>>, vector<16xf32>,
        tpu.vector_store %arg9[%swap3A_274, %swap3A_275], %add3A_273 {strides = array<i32>} : memref<32x768xf32, #tpu.memory_space<vmem>>, vector<16xf32>,
        %add3A_277 = arith.addf %add3A_225, %add3A_273 : vector<16xf32>
        %mul3A_278 = arith.mulf %add3A_273, %add3A_273 : vector<16xf32>
        %add3A_279 = arith.addf %add3A_227, %mul3A_278 : vector<16xf32>
        %get3A_280 = arith.index_cast %scan3A_44 : i32 to index
        %get3A_281 = arith.constant 272 : index
        %get3A_282 = tpu.vector_load %arg9[%get3A_280, %get3A_281] {strides = array<i32>} : memref<32x768xf32, #tpu.memory_space<vmem>>, vector<16xf32>,
        %get3A_283 = arith.index_cast %scan3A_44 : i32 to index
        %get3A_284 = arith.constant 272 : index
        %get3A_285 = tpu.vector_load %arg10[%get3A_283, %get3A_284] {strides = array<i32>} : memref<32x768xf32, #tpu.memory_space<vmem>>, vector<16xf32>,
        %add3A_286 = arith.addf %get3A_282, %get3A_285 : vector<16xf32>
        %swap3A_287 = arith.index_cast %scan3A_44 : i32 to index
        %swap3A_288 = arith.constant 272 : index
        %swap3A_289 = tpu.vector_load %arg9[%swap3A_287, %swap3A_288] {strides = array<i32>} : memref<32x768xf32, #tpu.memory_space<vmem>>, vector<16xf32>,
        tpu.vector_store %arg9[%swap3A_287, %swap3A_288], %add3A_286 {strides = array<i32>} : memref<32x768xf32, #tpu.memory_space<vmem>>, vector<16xf32>,
        %add3A_290 = arith.addf %add3A_238, %add3A_286 : vector<16xf32>
        %mul3A_291 = arith.mulf %add3A_286, %add3A_286 : vector<16xf32>
        %add3A_292 = arith.addf %add3A_240, %mul3A_291 : vector<16xf32>
        %get3A_293 = arith.index_cast %scan3A_44 : i32 to index
        %get3A_294 = arith.constant 288 : index
        %get3A_295 = tpu.vector_load %arg9[%get3A_293, %get3A_294] {strides = array<i32>} : memref<32x768xf32, #tpu.memory_space<vmem>>, vector<16xf32>,
        %get3A_296 = arith.index_cast %scan3A_44 : i32 to index
        %get3A_297 = arith.constant 288 : index
        %get3A_298 = tpu.vector_load %arg10[%get3A_296, %get3A_297] {strides = array<i32>} : memref<32x768xf32, #tpu.memory_space<vmem>>, vector<16xf32>,
        %add3A_299 = arith.addf %get3A_295, %get3A_298 : vector<16xf32>
        %swap3A_300 = arith.index_cast %scan3A_44 : i32 to index
        %swap3A_301 = arith.constant 288 : index
        %swap3A_302 = tpu.vector_load %arg9[%swap3A_300, %swap3A_301] {strides = array<i32>} : memref<32x768xf32, #tpu.memory_space<vmem>>, vector<16xf32>,
        tpu.vector_store %arg9[%swap3A_300, %swap3A_301], %add3A_299 {strides = array<i32>} : memref<32x768xf32, #tpu.memory_space<vmem>>, vector<16xf32>,
        %add3A_303 = arith.addf %add3A_251, %add3A_299 : vector<16xf32>
        %mul3A_304 = arith.mulf %add3A_299, %add3A_299 : vector<16xf32>
        %add3A_305 = arith.addf %add3A_253, %mul3A_304 : vector<16xf32>
        %get3A_306 = arith.index_cast %scan3A_44 : i32 to index
        %get3A_307 = arith.constant 304 : index
        %get3A_308 = tpu.vector_load %arg9[%get3A_306, %get3A_307] {strides = array<i32>} : memref<32x768xf32, #tpu.memory_space<vmem>>, vector<16xf32>,
        %get3A_309 = arith.index_cast %scan3A_44 : i32 to index
        %get3A_310 = arith.constant 304 : index
        %get3A_311 = tpu.vector_load %arg10[%get3A_309, %get3A_310] {strides = array<i32>} : memref<32x768xf32, #tpu.memory_space<vmem>>, vector<16xf32>,
        %add3A_312 = arith.addf %get3A_308, %get3A_311 : vector<16xf32>
        %swap3A_313 = arith.index_cast %scan3A_44 : i32 to index
        %swap3A_314 = arith.constant 304 : index
        %swap3A_315 = tpu.vector_load %arg9[%swap3A_313, %swap3A_314] {strides = array<i32>} : memref<32x768xf32, #tpu.memory_space<vmem>>, vector<16xf32>,
        tpu.vector_store %arg9[%swap3A_313, %swap3A_314], %add3A_312 {strides = array<i32>} : memref<32x768xf32, #tpu.memory_space<vmem>>, vector<16xf32>,
        %add3A_316 = arith.addf %add3A_264, %add3A_312 : vector<16xf32>
        %mul3A_317 = arith.mulf %add3A_312, %add3A_312 : vector<16xf32>
        %add3A_318 = arith.addf %add3A_266, %mul3A_317 : vector<16xf32>
        %get3A_319 = arith.index_cast %scan3A_44 : i32 to index
        %get3A_320 = arith.constant 320 : index
        %get3A_321 = tpu.vector_load %arg9[%get3A_319, %get3A_320] {strides = array<i32>} : memref<32x768xf32, #tpu.memory_space<vmem>>, vector<16xf32>,
        %get3A_322 = arith.index_cast %scan3A_44 : i32 to index
        %get3A_323 = arith.constant 320 : index
        %get3A_324 = tpu.vector_load %arg10[%get3A_322, %get3A_323] {strides = array<i32>} : memref<32x768xf32, #tpu.memory_space<vmem>>, vector<16xf32>,
        %add3A_325 = arith.addf %get3A_321, %get3A_324 : vector<16xf32>
        %swap3A_326 = arith.index_cast %scan3A_44 : i32 to index
        %swap3A_327 = arith.constant 320 : index
        %swap3A_328 = tpu.vector_load %arg9[%swap3A_326, %swap3A_327] {strides = array<i32>} : memref<32x768xf32, #tpu.memory_space<vmem>>, vector<16xf32>,
        tpu.vector_store %arg9[%swap3A_326, %swap3A_327], %add3A_325 {strides = array<i32>} : memref<32x768xf32, #tpu.memory_space<vmem>>, vector<16xf32>,
        %add3A_329 = arith.addf %add3A_277, %add3A_325 : vector<16xf32>
        %mul3A_330 = arith.mulf %add3A_325, %add3A_325 : vector<16xf32>
        %add3A_331 = arith.addf %add3A_279, %mul3A_330 : vector<16xf32>
        %get3A_332 = arith.index_cast %scan3A_44 : i32 to index
        %get3A_333 = arith.constant 336 : index
        %get3A_334 = tpu.vector_load %arg9[%get3A_332, %get3A_333] {strides = array<i32>} : memref<32x768xf32, #tpu.memory_space<vmem>>, vector<16xf32>,
        %get3A_335 = arith.index_cast %scan3A_44 : i32 to index
        %get3A_336 = arith.constant 336 : index
        %get3A_337 = tpu.vector_load %arg10[%get3A_335, %get3A_336] {strides = array<i32>} : memref<32x768xf32, #tpu.memory_space<vmem>>, vector<16xf32>,
        %add3A_338 = arith.addf %get3A_334, %get3A_337 : vector<16xf32>
        %swap3A_339 = arith.index_cast %scan3A_44 : i32 to index
        %swap3A_340 = arith.constant 336 : index
        %swap3A_341 = tpu.vector_load %arg9[%swap3A_339, %swap3A_340] {strides = array<i32>} : memref<32x768xf32, #tpu.memory_space<vmem>>, vector<16xf32>,
        tpu.vector_store %arg9[%swap3A_339, %swap3A_340], %add3A_338 {strides = array<i32>} : memref<32x768xf32, #tpu.memory_space<vmem>>, vector<16xf32>,
        %add3A_342 = arith.addf %add3A_290, %add3A_338 : vector<16xf32>
        %mul3A_343 = arith.mulf %add3A_338, %add3A_338 : vector<16xf32>
        %add3A_344 = arith.addf %add3A_292, %mul3A_343 : vector<16xf32>
        %get3A_345 = arith.index_cast %scan3A_44 : i32 to index
        %get3A_346 = arith.constant 352 : index
        %get3A_347 = tpu.vector_load %arg9[%get3A_345, %get3A_346] {strides = array<i32>} : memref<32x768xf32, #tpu.memory_space<vmem>>, vector<16xf32>,
        %get3A_348 = arith.index_cast %scan3A_44 : i32 to index
        %get3A_349 = arith.constant 352 : index
        %get3A_350 = tpu.vector_load %arg10[%get3A_348, %get3A_349] {strides = array<i32>} : memref<32x768xf32, #tpu.memory_space<vmem>>, vector<16xf32>,
        %add3A_351 = arith.addf %get3A_347, %get3A_350 : vector<16xf32>
        %swap3A_352 = arith.index_cast %scan3A_44 : i32 to index
        %swap3A_353 = arith.constant 352 : index
        %swap3A_354 = tpu.vector_load %arg9[%swap3A_352, %swap3A_353] {strides = array<i32>} : memref<32x768xf32, #tpu.memory_space<vmem>>, vector<16xf32>,
        tpu.vector_store %arg9[%swap3A_352, %swap3A_353], %add3A_351 {strides = array<i32>} : memref<32x768xf32, #tpu.memory_space<vmem>>, vector<16xf32>,
        %add3A_355 = arith.addf %add3A_303, %add3A_351 : vector<16xf32>
        %mul3A_356 = arith.mulf %add3A_351, %add3A_351 : vector<16xf32>
        %add3A_357 = arith.addf %add3A_305, %mul3A_356 : vector<16xf32>
        %get3A_358 = arith.index_cast %scan3A_44 : i32 to index
        %get3A_359 = arith.constant 368 : index
        %get3A_360 = tpu.vector_load %arg9[%get3A_358, %get3A_359] {strides = array<i32>} : memref<32x768xf32, #tpu.memory_space<vmem>>, vector<16xf32>,
        %get3A_361 = arith.index_cast %scan3A_44 : i32 to index
        %get3A_362 = arith.constant 368 : index
        %get3A_363 = tpu.vector_load %arg10[%get3A_361, %get3A_362] {strides = array<i32>} : memref<32x768xf32, #tpu.memory_space<vmem>>, vector<16xf32>,
        %add3A_364 = arith.addf %get3A_360, %get3A_363 : vector<16xf32>
        %swap3A_365 = arith.index_cast %scan3A_44 : i32 to index
        %swap3A_366 = arith.constant 368 : index
        %swap3A_367 = tpu.vector_load %arg9[%swap3A_365, %swap3A_366] {strides = array<i32>} : memref<32x768xf32, #tpu.memory_space<vmem>>, vector<16xf32>,
        tpu.vector_store %arg9[%swap3A_365, %swap3A_366], %add3A_364 {strides = array<i32>} : memref<32x768xf32, #tpu.memory_space<vmem>>, vector<16xf32>,
        %add3A_368 = arith.addf %add3A_316, %add3A_364 : vector<16xf32>
        %mul3A_369 = arith.mulf %add3A_364, %add3A_364 : vector<16xf32>
        %add3A_370 = arith.addf %add3A_318, %mul3A_369 : vector<16xf32>
        %get3A_371 = arith.index_cast %scan3A_44 : i32 to index
        %get3A_372 = arith.constant 384 : index
        %get3A_373 = tpu.vector_load %arg9[%get3A_371, %get3A_372] {strides = array<i32>} : memref<32x768xf32, #tpu.memory_space<vmem>>, vector<16xf32>,
        %get3A_374 = arith.index_cast %scan3A_44 : i32 to index
        %get3A_375 = arith.constant 384 : index
        %get3A_376 = tpu.vector_load %arg10[%get3A_374, %get3A_375] {strides = array<i32>} : memref<32x768xf32, #tpu.memory_space<vmem>>, vector<16xf32>,
        %add3A_377 = arith.addf %get3A_373, %get3A_376 : vector<16xf32>
        %swap3A_378 = arith.index_cast %scan3A_44 : i32 to index
        %swap3A_379 = arith.constant 384 : index
        %swap3A_380 = tpu.vector_load %arg9[%swap3A_378, %swap3A_379] {strides = array<i32>} : memref<32x768xf32, #tpu.memory_space<vmem>>, vector<16xf32>,
        tpu.vector_store %arg9[%swap3A_378, %swap3A_379], %add3A_377 {strides = array<i32>} : memref<32x768xf32, #tpu.memory_space<vmem>>, vector<16xf32>,
        %add3A_381 = arith.addf %add3A_329, %add3A_377 : vector<16xf32>
        %mul3A_382 = arith.mulf %add3A_377, %add3A_377 : vector<16xf32>
        %add3A_383 = arith.addf %add3A_331, %mul3A_382 : vector<16xf32>
        %get3A_384 = arith.index_cast %scan3A_44 : i32 to index
        %get3A_385 = arith.constant 400 : index
        %get3A_386 = tpu.vector_load %arg9[%get3A_384, %get3A_385] {strides = array<i32>} : memref<32x768xf32, #tpu.memory_space<vmem>>, vector<16xf32>,
        %get3A_387 = arith.index_cast %scan3A_44 : i32 to index
        %get3A_388 = arith.constant 400 : index
        %get3A_389 = tpu.vector_load %arg10[%get3A_387, %get3A_388] {strides = array<i32>} : memref<32x768xf32, #tpu.memory_space<vmem>>, vector<16xf32>,
        %add3A_390 = arith.addf %get3A_386, %get3A_389 : vector<16xf32>
        %swap3A_391 = arith.index_cast %scan3A_44 : i32 to index
        %swap3A_392 = arith.constant 400 : index
        %swap3A_393 = tpu.vector_load %arg9[%swap3A_391, %swap3A_392] {strides = array<i32>} : memref<32x768xf32, #tpu.memory_space<vmem>>, vector<16xf32>,
        tpu.vector_store %arg9[%swap3A_391, %swap3A_392], %add3A_390 {strides = array<i32>} : memref<32x768xf32, #tpu.memory_space<vmem>>, vector<16xf32>,
        %add3A_394 = arith.addf %add3A_342, %add3A_390 : vector<16xf32>
        %mul3A_395 = arith.mulf %add3A_390, %add3A_390 : vector<16xf32>
        %add3A_396 = arith.addf %add3A_344, %mul3A_395 : vector<16xf32>
        %get3A_397 = arith.index_cast %scan3A_44 : i32 to index
        %get3A_398 = arith.constant 416 : index
        %get3A_399 = tpu.vector_load %arg9[%get3A_397, %get3A_398] {strides = array<i32>} : memref<32x768xf32, #tpu.memory_space<vmem>>, vector<16xf32>,
        %get3A_400 = arith.index_cast %scan3A_44 : i32 to index
        %get3A_401 = arith.constant 416 : index
        %get3A_402 = tpu.vector_load %arg10[%get3A_400, %get3A_401] {strides = array<i32>} : memref<32x768xf32, #tpu.memory_space<vmem>>, vector<16xf32>,
        %add3A_403 = arith.addf %get3A_399, %get3A_402 : vector<16xf32>
        %swap3A_404 = arith.index_cast %scan3A_44 : i32 to index
        %swap3A_405 = arith.constant 416 : index
        %swap3A_406 = tpu.vector_load %arg9[%swap3A_404, %swap3A_405] {strides = array<i32>} : memref<32x768xf32, #tpu.memory_space<vmem>>, vector<16xf32>,
        tpu.vector_store %arg9[%swap3A_404, %swap3A_405], %add3A_403 {strides = array<i32>} : memref<32x768xf32, #tpu.memory_space<vmem>>, vector<16xf32>,
        %add3A_407 = arith.addf %add3A_355, %add3A_403 : vector<16xf32>
        %mul3A_408 = arith.mulf %add3A_403, %add3A_403 : vector<16xf32>
        %add3A_409 = arith.addf %add3A_357, %mul3A_408 : vector<16xf32>
        %get3A_410 = arith.index_cast %scan3A_44 : i32 to index
        %get3A_411 = arith.constant 432 : index
        %get3A_412 = tpu.vector_load %arg9[%get3A_410, %get3A_411] {strides = array<i32>} : memref<32x768xf32, #tpu.memory_space<vmem>>, vector<16xf32>,
        %get3A_413 = arith.index_cast %scan3A_44 : i32 to index
        %get3A_414 = arith.constant 432 : index
        %get3A_415 = tpu.vector_load %arg10[%get3A_413, %get3A_414] {strides = array<i32>} : memref<32x768xf32, #tpu.memory_space<vmem>>, vector<16xf32>,
        %add3A_416 = arith.addf %get3A_412, %get3A_415 : vector<16xf32>
        %swap3A_417 = arith.index_cast %scan3A_44 : i32 to index
        %swap3A_418 = arith.constant 432 : index
        %swap3A_419 = tpu.vector_load %arg9[%swap3A_417, %swap3A_418] {strides = array<i32>} : memref<32x768xf32, #tpu.memory_space<vmem>>, vector<16xf32>,
        tpu.vector_store %arg9[%swap3A_417, %swap3A_418], %add3A_416 {strides = array<i32>} : memref<32x768xf32, #tpu.memory_space<vmem>>, vector<16xf32>,
        %add3A_420 = arith.addf %add3A_368, %add3A_416 : vector<16xf32>
        %mul3A_421 = arith.mulf %add3A_416, %add3A_416 : vector<16xf32>
        %add3A_422 = arith.addf %add3A_370, %mul3A_421 : vector<16xf32>
        %get3A_423 = arith.index_cast %scan3A_44 : i32 to index
        %get3A_424 = arith.constant 448 : index
        %get3A_425 = tpu.vector_load %arg9[%get3A_423, %get3A_424] {strides = array<i32>} : memref<32x768xf32, #tpu.memory_space<vmem>>, vector<16xf32>,
        %get3A_426 = arith.index_cast %scan3A_44 : i32 to index
        %get3A_427 = arith.constant 448 : index
        %get3A_428 = tpu.vector_load %arg10[%get3A_426, %get3A_427] {strides = array<i32>} : memref<32x768xf32, #tpu.memory_space<vmem>>, vector<16xf32>,
        %add3A_429 = arith.addf %get3A_425, %get3A_428 : vector<16xf32>
        %swap3A_430 = arith.index_cast %scan3A_44 : i32 to index
        %swap3A_431 = arith.constant 448 : index
        %swap3A_432 = tpu.vector_load %arg9[%swap3A_430, %swap3A_431] {strides = array<i32>} : memref<32x768xf32, #tpu.memory_space<vmem>>, vector<16xf32>,
        tpu.vector_store %arg9[%swap3A_430, %swap3A_431], %add3A_429 {strides = array<i32>} : memref<32x768xf32, #tpu.memory_space<vmem>>, vector<16xf32>,
        %add3A_433 = arith.addf %add3A_381, %add3A_429 : vector<16xf32>
        %mul3A_434 = arith.mulf %add3A_429, %add3A_429 : vector<16xf32>
        %add3A_435 = arith.addf %add3A_383, %mul3A_434 : vector<16xf32>
        %get3A_436 = arith.index_cast %scan3A_44 : i32 to index
        %get3A_437 = arith.constant 464 : index
        %get3A_438 = tpu.vector_load %arg9[%get3A_436, %get3A_437] {strides = array<i32>} : memref<32x768xf32, #tpu.memory_space<vmem>>, vector<16xf32>,
        %get3A_439 = arith.index_cast %scan3A_44 : i32 to index
        %get3A_440 = arith.constant 464 : index
        %get3A_441 = tpu.vector_load %arg10[%get3A_439, %get3A_440] {strides = array<i32>} : memref<32x768xf32, #tpu.memory_space<vmem>>, vector<16xf32>,
        %add3A_442 = arith.addf %get3A_438, %get3A_441 : vector<16xf32>
        %swap3A_443 = arith.index_cast %scan3A_44 : i32 to index
        %swap3A_444 = arith.constant 464 : index
        %swap3A_445 = tpu.vector_load %arg9[%swap3A_443, %swap3A_444] {strides = array<i32>} : memref<32x768xf32, #tpu.memory_space<vmem>>, vector<16xf32>,
        tpu.vector_store %arg9[%swap3A_443, %swap3A_444], %add3A_442 {strides = array<i32>} : memref<32x768xf32, #tpu.memory_space<vmem>>, vector<16xf32>,
        %add3A_446 = arith.addf %add3A_394, %add3A_442 : vector<16xf32>
        %mul3A_447 = arith.mulf %add3A_442, %add3A_442 : vector<16xf32>
        %add3A_448 = arith.addf %add3A_396, %mul3A_447 : vector<16xf32>
        %get3A_449 = arith.index_cast %scan3A_44 : i32 to index
        %get3A_450 = arith.constant 480 : index
        %get3A_451 = tpu.vector_load %arg9[%get3A_449, %get3A_450] {strides = array<i32>} : memref<32x768xf32, #tpu.memory_space<vmem>>, vector<16xf32>,
        %get3A_452 = arith.index_cast %scan3A_44 : i32 to index
        %get3A_453 = arith.constant 480 : index
        %get3A_454 = tpu.vector_load %arg10[%get3A_452, %get3A_453] {strides = array<i32>} : memref<32x768xf32, #tpu.memory_space<vmem>>, vector<16xf32>,
        %add3A_455 = arith.addf %get3A_451, %get3A_454 : vector<16xf32>
        %swap3A_456 = arith.index_cast %scan3A_44 : i32 to index
        %swap3A_457 = arith.constant 480 : index
        %swap3A_458 = tpu.vector_load %arg9[%swap3A_456, %swap3A_457] {strides = array<i32>} : memref<32x768xf32, #tpu.memory_space<vmem>>, vector<16xf32>,
        tpu.vector_store %arg9[%swap3A_456, %swap3A_457], %add3A_455 {strides = array<i32>} : memref<32x768xf32, #tpu.memory_space<vmem>>, vector<16xf32>,
        %add3A_459 = arith.addf %add3A_407, %add3A_455 : vector<16xf32>
        %mul3A_460 = arith.mulf %add3A_455, %add3A_455 : vector<16xf32>
        %add3A_461 = arith.addf %add3A_409, %mul3A_460 : vector<16xf32>
        %get3A_462 = arith.index_cast %scan3A_44 : i32 to index
        %get3A_463 = arith.constant 496 : index
        %get3A_464 = tpu.vector_load %arg9[%get3A_462, %get3A_463] {strides = array<i32>} : memref<32x768xf32, #tpu.memory_space<vmem>>, vector<16xf32>,
        %get3A_465 = arith.index_cast %scan3A_44 : i32 to index
        %get3A_466 = arith.constant 496 : index
        %get3A_467 = tpu.vector_load %arg10[%get3A_465, %get3A_466] {strides = array<i32>} : memref<32x768xf32, #tpu.memory_space<vmem>>, vector<16xf32>,
        %add3A_468 = arith.addf %get3A_464, %get3A_467 : vector<16xf32>
        %swap3A_469 = arith.index_cast %scan3A_44 : i32 to index
        %swap3A_470 = arith.constant 496 : index
        %swap3A_471 = tpu.vector_load %arg9[%swap3A_469, %swap3A_470] {strides = array<i32>} : memref<32x768xf32, #tpu.memory_space<vmem>>, vector<16xf32>,
        tpu.vector_store %arg9[%swap3A_469, %swap3A_470], %add3A_468 {strides = array<i32>} : memref<32x768xf32, #tpu.memory_space<vmem>>, vector<16xf32>,
        %add3A_472 = arith.addf %add3A_420, %add3A_468 : vector<16xf32>
        %mul3A_473 = arith.mulf %add3A_468, %add3A_468 : vector<16xf32>
        %add3A_474 = arith.addf %add3A_422, %mul3A_473 : vector<16xf32>
        %get3A_475 = arith.index_cast %scan3A_44 : i32 to index
        %get3A_476 = arith.constant 512 : index
        %get3A_477 = tpu.vector_load %arg9[%get3A_475, %get3A_476] {strides = array<i32>} : memref<32x768xf32, #tpu.memory_space<vmem>>, vector<16xf32>,
        %get3A_478 = arith.index_cast %scan3A_44 : i32 to index
        %get3A_479 = arith.constant 512 : index
        %get3A_480 = tpu.vector_load %arg10[%get3A_478, %get3A_479] {strides = array<i32>} : memref<32x768xf32, #tpu.memory_space<vmem>>, vector<16xf32>,
        %add3A_481 = arith.addf %get3A_477, %get3A_480 : vector<16xf32>
        %swap3A_482 = arith.index_cast %scan3A_44 : i32 to index
        %swap3A_483 = arith.constant 512 : index
        %swap3A_484 = tpu.vector_load %arg9[%swap3A_482, %swap3A_483] {strides = array<i32>} : memref<32x768xf32, #tpu.memory_space<vmem>>, vector<16xf32>,
        tpu.vector_store %arg9[%swap3A_482, %swap3A_483], %add3A_481 {strides = array<i32>} : memref<32x768xf32, #tpu.memory_space<vmem>>, vector<16xf32>,
        %add3A_485 = arith.addf %add3A_433, %add3A_481 : vector<16xf32>
        %mul3A_486 = arith.mulf %add3A_481, %add3A_481 : vector<16xf32>
        %add3A_487 = arith.addf %add3A_435, %mul3A_486 : vector<16xf32>
        %get3A_488 = arith.index_cast %scan3A_44 : i32 to index
        %get3A_489 = arith.constant 528 : index
        %get3A_490 = tpu.vector_load %arg9[%get3A_488, %get3A_489] {strides = array<i32>} : memref<32x768xf32, #tpu.memory_space<vmem>>, vector<16xf32>,
        %get3A_491 = arith.index_cast %scan3A_44 : i32 to index
        %get3A_492 = arith.constant 528 : index
        %get3A_493 = tpu.vector_load %arg10[%get3A_491, %get3A_492] {strides = array<i32>} : memref<32x768xf32, #tpu.memory_space<vmem>>, vector<16xf32>,
        %add3A_494 = arith.addf %get3A_490, %get3A_493 : vector<16xf32>
        %swap3A_495 = arith.index_cast %scan3A_44 : i32 to index
        %swap3A_496 = arith.constant 528 : index
        %swap3A_497 = tpu.vector_load %arg9[%swap3A_495, %swap3A_496] {strides = array<i32>} : memref<32x768xf32, #tpu.memory_space<vmem>>, vector<16xf32>,
        tpu.vector_store %arg9[%swap3A_495, %swap3A_496], %add3A_494 {strides = array<i32>} : memref<32x768xf32, #tpu.memory_space<vmem>>, vector<16xf32>,
        %add3A_498 = arith.addf %add3A_446, %add3A_494 : vector<16xf32>
        %mul3A_499 = arith.mulf %add3A_494, %add3A_494 : vector<16xf32>
        %add3A_500 = arith.addf %add3A_448, %mul3A_499 : vector<16xf32>
        %get3A_501 = arith.index_cast %scan3A_44 : i32 to index
        %get3A_502 = arith.constant 544 : index
        %get3A_503 = tpu.vector_load %arg9[%get3A_501, %get3A_502] {strides = array<i32>} : memref<32x768xf32, #tpu.memory_space<vmem>>, vector<16xf32>,
        %get3A_504 = arith.index_cast %scan3A_44 : i32 to index
        %get3A_505 = arith.constant 544 : index
        %get3A_506 = tpu.vector_load %arg10[%get3A_504, %get3A_505] {strides = array<i32>} : memref<32x768xf32, #tpu.memory_space<vmem>>, vector<16xf32>,
        %add3A_507 = arith.addf %get3A_503, %get3A_506 : vector<16xf32>
        %swap3A_508 = arith.index_cast %scan3A_44 : i32 to index
        %swap3A_509 = arith.constant 544 : index
        %swap3A_510 = tpu.vector_load %arg9[%swap3A_508, %swap3A_509] {strides = array<i32>} : memref<32x768xf32, #tpu.memory_space<vmem>>, vector<16xf32>,
        tpu.vector_store %arg9[%swap3A_508, %swap3A_509], %add3A_507 {strides = array<i32>} : memref<32x768xf32, #tpu.memory_space<vmem>>, vector<16xf32>,
        %add3A_511 = arith.addf %add3A_459, %add3A_507 : vector<16xf32>
        %mul3A_512 = arith.mulf %add3A_507, %add3A_507 : vector<16xf32>
        %add3A_513 = arith.addf %add3A_461, %mul3A_512 : vector<16xf32>
        %get3A_514 = arith.index_cast %scan3A_44 : i32 to index
        %get3A_515 = arith.constant 560 : index
        %get3A_516 = tpu.vector_load %arg9[%get3A_514, %get3A_515] {strides = array<i32>} : memref<32x768xf32, #tpu.memory_space<vmem>>, vector<16xf32>,
        %get3A_517 = arith.index_cast %scan3A_44 : i32 to index
        %get3A_518 = arith.constant 560 : index
        %get3A_519 = tpu.vector_load %arg10[%get3A_517, %get3A_518] {strides = array<i32>} : memref<32x768xf32, #tpu.memory_space<vmem>>, vector<16xf32>,
        %add3A_520 = arith.addf %get3A_516, %get3A_519 : vector<16xf32>
        %swap3A_521 = arith.index_cast %scan3A_44 : i32 to index
        %swap3A_522 = arith.constant 560 : index
        %swap3A_523 = tpu.vector_load %arg9[%swap3A_521, %swap3A_522] {strides = array<i32>} : memref<32x768xf32, #tpu.memory_space<vmem>>, vector<16xf32>,
        tpu.vector_store %arg9[%swap3A_521, %swap3A_522], %add3A_520 {strides = array<i32>} : memref<32x768xf32, #tpu.memory_space<vmem>>, vector<16xf32>,
        %add3A_524 = arith.addf %add3A_472, %add3A_520 : vector<16xf32>
        %mul3A_525 = arith.mulf %add3A_520, %add3A_520 : vector<16xf32>
        %add3A_526 = arith.addf %add3A_474, %mul3A_525 : vector<16xf32>
        %get3A_527 = arith.index_cast %scan3A_44 : i32 to index
        %get3A_528 = arith.constant 576 : index
        %get3A_529 = tpu.vector_load %arg9[%get3A_527, %get3A_528] {strides = array<i32>} : memref<32x768xf32, #tpu.memory_space<vmem>>, vector<16xf32>,
        %get3A_530 = arith.index_cast %scan3A_44 : i32 to index
        %get3A_531 = arith.constant 576 : index
        %get3A_532 = tpu.vector_load %arg10[%get3A_530, %get3A_531] {strides = array<i32>} : memref<32x768xf32, #tpu.memory_space<vmem>>, vector<16xf32>,
        %add3A_533 = arith.addf %get3A_529, %get3A_532 : vector<16xf32>
        %swap3A_534 = arith.index_cast %scan3A_44 : i32 to index
        %swap3A_535 = arith.constant 576 : index
        %swap3A_536 = tpu.vector_load %arg9[%swap3A_534, %swap3A_535] {strides = array<i32>} : memref<32x768xf32, #tpu.memory_space<vmem>>, vector<16xf32>,
        tpu.vector_store %arg9[%swap3A_534, %swap3A_535], %add3A_533 {strides = array<i32>} : memref<32x768xf32, #tpu.memory_space<vmem>>, vector<16xf32>,
        %add3A_537 = arith.addf %add3A_485, %add3A_533 : vector<16xf32>
        %mul3A_538 = arith.mulf %add3A_533, %add3A_533 : vector<16xf32>
        %add3A_539 = arith.addf %add3A_487, %mul3A_538 : vector<16xf32>
        %get3A_540 = arith.index_cast %scan3A_44 : i32 to index
        %get3A_541 = arith.constant 592 : index
        %get3A_542 = tpu.vector_load %arg9[%get3A_540, %get3A_541] {strides = array<i32>} : memref<32x768xf32, #tpu.memory_space<vmem>>, vector<16xf32>,
        %get3A_543 = arith.index_cast %scan3A_44 : i32 to index
        %get3A_544 = arith.constant 592 : index
        %get3A_545 = tpu.vector_load %arg10[%get3A_543, %get3A_544] {strides = array<i32>} : memref<32x768xf32, #tpu.memory_space<vmem>>, vector<16xf32>,
        %add3A_546 = arith.addf %get3A_542, %get3A_545 : vector<16xf32>
        %swap3A_547 = arith.index_cast %scan3A_44 : i32 to index
        %swap3A_548 = arith.constant 592 : index
        %swap3A_549 = tpu.vector_load %arg9[%swap3A_547, %swap3A_548] {strides = array<i32>} : memref<32x768xf32, #tpu.memory_space<vmem>>, vector<16xf32>,
        tpu.vector_store %arg9[%swap3A_547, %swap3A_548], %add3A_546 {strides = array<i32>} : memref<32x768xf32, #tpu.memory_space<vmem>>, vector<16xf32>,
        %add3A_550 = arith.addf %add3A_498, %add3A_546 : vector<16xf32>
        %mul3A_551 = arith.mulf %add3A_546, %add3A_546 : vector<16xf32>
        %add3A_552 = arith.addf %add3A_500, %mul3A_551 : vector<16xf32>
        %get3A_553 = arith.index_cast %scan3A_44 : i32 to index
        %get3A_554 = arith.constant 608 : index
        %get3A_555 = tpu.vector_load %arg9[%get3A_553, %get3A_554] {strides = array<i32>} : memref<32x768xf32, #tpu.memory_space<vmem>>, vector<16xf32>,
        %get3A_556 = arith.index_cast %scan3A_44 : i32 to index
        %get3A_557 = arith.constant 608 : index
        %get3A_558 = tpu.vector_load %arg10[%get3A_556, %get3A_557] {strides = array<i32>} : memref<32x768xf32, #tpu.memory_space<vmem>>, vector<16xf32>,
        %add3A_559 = arith.addf %get3A_555, %get3A_558 : vector<16xf32>
        %swap3A_560 = arith.index_cast %scan3A_44 : i32 to index
        %swap3A_561 = arith.constant 608 : index
        %swap3A_562 = tpu.vector_load %arg9[%swap3A_560, %swap3A_561] {strides = array<i32>} : memref<32x768xf32, #tpu.memory_space<vmem>>, vector<16xf32>,
        tpu.vector_store %arg9[%swap3A_560, %swap3A_561], %add3A_559 {strides = array<i32>} : memref<32x768xf32, #tpu.memory_space<vmem>>, vector<16xf32>,
        %add3A_563 = arith.addf %add3A_511, %add3A_559 : vector<16xf32>
        %mul3A_564 = arith.mulf %add3A_559, %add3A_559 : vector<16xf32>
        %add3A_565 = arith.addf %add3A_513, %mul3A_564 : vector<16xf32>
        %get3A_566 = arith.index_cast %scan3A_44 : i32 to index
        %get3A_567 = arith.constant 624 : index
        %get3A_568 = tpu.vector_load %arg9[%get3A_566, %get3A_567] {strides = array<i32>} : memref<32x768xf32, #tpu.memory_space<vmem>>, vector<16xf32>,
        %get3A_569 = arith.index_cast %scan3A_44 : i32 to index
        %get3A_570 = arith.constant 624 : index
        %get3A_571 = tpu.vector_load %arg10[%get3A_569, %get3A_570] {strides = array<i32>} : memref<32x768xf32, #tpu.memory_space<vmem>>, vector<16xf32>,
        %add3A_572 = arith.addf %get3A_568, %get3A_571 : vector<16xf32>
        %swap3A_573 = arith.index_cast %scan3A_44 : i32 to index
        %swap3A_574 = arith.constant 624 : index
        %swap3A_575 = tpu.vector_load %arg9[%swap3A_573, %swap3A_574] {strides = array<i32>} : memref<32x768xf32, #tpu.memory_space<vmem>>, vector<16xf32>,
        tpu.vector_store %arg9[%swap3A_573, %swap3A_574], %add3A_572 {strides = array<i32>} : memref<32x768xf32, #tpu.memory_space<vmem>>, vector<16xf32>,
        %add3A_576 = arith.addf %add3A_524, %add3A_572 : vector<16xf32>
        %mul3A_577 = arith.mulf %add3A_572, %add3A_572 : vector<16xf32>
        %add3A_578 = arith.addf %add3A_526, %mul3A_577 : vector<16xf32>
        %get3A_579 = arith.index_cast %scan3A_44 : i32 to index
        %get3A_580 = arith.constant 640 : index
        %get3A_581 = tpu.vector_load %arg9[%get3A_579, %get3A_580] {strides = array<i32>} : memref<32x768xf32, #tpu.memory_space<vmem>>, vector<16xf32>,
        %get3A_582 = arith.index_cast %scan3A_44 : i32 to index
        %get3A_583 = arith.constant 640 : index
        %get3A_584 = tpu.vector_load %arg10[%get3A_582, %get3A_583] {strides = array<i32>} : memref<32x768xf32, #tpu.memory_space<vmem>>, vector<16xf32>,
        %add3A_585 = arith.addf %get3A_581, %get3A_584 : vector<16xf32>
        %swap3A_586 = arith.index_cast %scan3A_44 : i32 to index
        %swap3A_587 = arith.constant 640 : index
        %swap3A_588 = tpu.vector_load %arg9[%swap3A_586, %swap3A_587] {strides = array<i32>} : memref<32x768xf32, #tpu.memory_space<vmem>>, vector<16xf32>,
        tpu.vector_store %arg9[%swap3A_586, %swap3A_587], %add3A_585 {strides = array<i32>} : memref<32x768xf32, #tpu.memory_space<vmem>>, vector<16xf32>,
        %add3A_589 = arith.addf %add3A_537, %add3A_585 : vector<16xf32>
        %mul3A_590 = arith.mulf %add3A_585, %add3A_585 : vector<16xf32>
        %add3A_591 = arith.addf %add3A_539, %mul3A_590 : vector<16xf32>
        %get3A_592 = arith.index_cast %scan3A_44 : i32 to index
        %get3A_593 = arith.constant 656 : index
        %get3A_594 = tpu.vector_load %arg9[%get3A_592, %get3A_593] {strides = array<i32>} : memref<32x768xf32, #tpu.memory_space<vmem>>, vector<16xf32>,
        %get3A_595 = arith.index_cast %scan3A_44 : i32 to index
        %get3A_596 = arith.constant 656 : index
        %get3A_597 = tpu.vector_load %arg10[%get3A_595, %get3A_596] {strides = array<i32>} : memref<32x768xf32, #tpu.memory_space<vmem>>, vector<16xf32>,
        %add3A_598 = arith.addf %get3A_594, %get3A_597 : vector<16xf32>
        %swap3A_599 = arith.index_cast %scan3A_44 : i32 to index
        %swap3A_600 = arith.constant 656 : index
        %swap3A_601 = tpu.vector_load %arg9[%swap3A_599, %swap3A_600] {strides = array<i32>} : memref<32x768xf32, #tpu.memory_space<vmem>>, vector<16xf32>,
        tpu.vector_store %arg9[%swap3A_599, %swap3A_600], %add3A_598 {strides = array<i32>} : memref<32x768xf32, #tpu.memory_space<vmem>>, vector<16xf32>,
        %add3A_602 = arith.addf %add3A_550, %add3A_598 : vector<16xf32>
        %mul3A_603 = arith.mulf %add3A_598, %add3A_598 : vector<16xf32>
        %add3A_604 = arith.addf %add3A_552, %mul3A_603 : vector<16xf32>
        %get3A_605 = arith.index_cast %scan3A_44 : i32 to index
        %get3A_606 = arith.constant 672 : index
        %get3A_607 = tpu.vector_load %arg9[%get3A_605, %get3A_606] {strides = array<i32>} : memref<32x768xf32, #tpu.memory_space<vmem>>, vector<16xf32>,
        %get3A_608 = arith.index_cast %scan3A_44 : i32 to index
        %get3A_609 = arith.constant 672 : index
        %get3A_610 = tpu.vector_load %arg10[%get3A_608, %get3A_609] {strides = array<i32>} : memref<32x768xf32, #tpu.memory_space<vmem>>, vector<16xf32>,
        %add3A_611 = arith.addf %get3A_607, %get3A_610 : vector<16xf32>
        %swap3A_612 = arith.index_cast %scan3A_44 : i32 to index
        %swap3A_613 = arith.constant 672 : index
        %swap3A_614 = tpu.vector_load %arg9[%swap3A_612, %swap3A_613] {strides = array<i32>} : memref<32x768xf32, #tpu.memory_space<vmem>>, vector<16xf32>,
        tpu.vector_store %arg9[%swap3A_612, %swap3A_613], %add3A_611 {strides = array<i32>} : memref<32x768xf32, #tpu.memory_space<vmem>>, vector<16xf32>,
        %add3A_615 = arith.addf %add3A_563, %add3A_611 : vector<16xf32>
        %mul3A_616 = arith.mulf %add3A_611, %add3A_611 : vector<16xf32>
        %add3A_617 = arith.addf %add3A_565, %mul3A_616 : vector<16xf32>
        %get3A_618 = arith.index_cast %scan3A_44 : i32 to index
        %get3A_619 = arith.constant 688 : index
        %get3A_620 = tpu.vector_load %arg9[%get3A_618, %get3A_619] {strides = array<i32>} : memref<32x768xf32, #tpu.memory_space<vmem>>, vector<16xf32>,
        %get3A_621 = arith.index_cast %scan3A_44 : i32 to index
        %get3A_622 = arith.constant 688 : index
        %get3A_623 = tpu.vector_load %arg10[%get3A_621, %get3A_622] {strides = array<i32>} : memref<32x768xf32, #tpu.memory_space<vmem>>, vector<16xf32>,
        %add3A_624 = arith.addf %get3A_620, %get3A_623 : vector<16xf32>
        %swap3A_625 = arith.index_cast %scan3A_44 : i32 to index
        %swap3A_626 = arith.constant 688 : index
        %swap3A_627 = tpu.vector_load %arg9[%swap3A_625, %swap3A_626] {strides = array<i32>} : memref<32x768xf32, #tpu.memory_space<vmem>>, vector<16xf32>,
        tpu.vector_store %arg9[%swap3A_625, %swap3A_626], %add3A_624 {strides = array<i32>} : memref<32x768xf32, #tpu.memory_space<vmem>>, vector<16xf32>,
        %add3A_628 = arith.addf %add3A_576, %add3A_624 : vector<16xf32>
        %mul3A_629 = arith.mulf %add3A_624, %add3A_624 : vector<16xf32>
        %add3A_630 = arith.addf %add3A_578, %mul3A_629 : vector<16xf32>
        %get3A_631 = arith.index_cast %scan3A_44 : i32 to index
        %get3A_632 = arith.constant 704 : index
        %get3A_633 = tpu.vector_load %arg9[%get3A_631, %get3A_632] {strides = array<i32>} : memref<32x768xf32, #tpu.memory_space<vmem>>, vector<16xf32>,
        %get3A_634 = arith.index_cast %scan3A_44 : i32 to index
        %get3A_635 = arith.constant 704 : index
        %get3A_636 = tpu.vector_load %arg10[%get3A_634, %get3A_635] {strides = array<i32>} : memref<32x768xf32, #tpu.memory_space<vmem>>, vector<16xf32>,
        %add3A_637 = arith.addf %get3A_633, %get3A_636 : vector<16xf32>
        %swap3A_638 = arith.index_cast %scan3A_44 : i32 to index
        %swap3A_639 = arith.constant 704 : index
        %swap3A_640 = tpu.vector_load %arg9[%swap3A_638, %swap3A_639] {strides = array<i32>} : memref<32x768xf32, #tpu.memory_space<vmem>>, vector<16xf32>,
        tpu.vector_store %arg9[%swap3A_638, %swap3A_639], %add3A_637 {strides = array<i32>} : memref<32x768xf32, #tpu.memory_space<vmem>>, vector<16xf32>,
        %add3A_641 = arith.addf %add3A_589, %add3A_637 : vector<16xf32>
        %mul3A_642 = arith.mulf %add3A_637, %add3A_637 : vector<16xf32>
        %add3A_643 = arith.addf %add3A_591, %mul3A_642 : vector<16xf32>
        %get3A_644 = arith.index_cast %scan3A_44 : i32 to index
        %get3A_645 = arith.constant 720 : index
        %get3A_646 = tpu.vector_load %arg9[%get3A_644, %get3A_645] {strides = array<i32>} : memref<32x768xf32, #tpu.memory_space<vmem>>, vector<16xf32>,
        %get3A_647 = arith.index_cast %scan3A_44 : i32 to index
        %get3A_648 = arith.constant 720 : index
        %get3A_649 = tpu.vector_load %arg10[%get3A_647, %get3A_648] {strides = array<i32>} : memref<32x768xf32, #tpu.memory_space<vmem>>, vector<16xf32>,
        %add3A_650 = arith.addf %get3A_646, %get3A_649 : vector<16xf32>
        %swap3A_651 = arith.index_cast %scan3A_44 : i32 to index
        %swap3A_652 = arith.constant 720 : index
        %swap3A_653 = tpu.vector_load %arg9[%swap3A_651, %swap3A_652] {strides = array<i32>} : memref<32x768xf32, #tpu.memory_space<vmem>>, vector<16xf32>,
        tpu.vector_store %arg9[%swap3A_651, %swap3A_652], %add3A_650 {strides = array<i32>} : memref<32x768xf32, #tpu.memory_space<vmem>>, vector<16xf32>,
        %add3A_654 = arith.addf %add3A_602, %add3A_650 : vector<16xf32>
        %mul3A_655 = arith.mulf %add3A_650, %add3A_650 : vector<16xf32>
        %add3A_656 = arith.addf %add3A_604, %mul3A_655 : vector<16xf32>
        %get3A_657 = arith.index_cast %scan3A_44 : i32 to index
        %get3A_658 = arith.constant 736 : index
        %get3A_659 = tpu.vector_load %arg9[%get3A_657, %get3A_658] {strides = array<i32>} : memref<32x768xf32, #tpu.memory_space<vmem>>, vector<16xf32>,
        %get3A_660 = arith.index_cast %scan3A_44 : i32 to index
        %get3A_661 = arith.constant 736 : index
        %get3A_662 = tpu.vector_load %arg10[%get3A_660, %get3A_661] {strides = array<i32>} : memref<32x768xf32, #tpu.memory_space<vmem>>, vector<16xf32>,
        %add3A_663 = arith.addf %get3A_659, %get3A_662 : vector<16xf32>
        %swap3A_664 = arith.index_cast %scan3A_44 : i32 to index
        %swap3A_665 = arith.constant 736 : index
        %swap3A_666 = tpu.vector_load %arg9[%swap3A_664, %swap3A_665] {strides = array<i32>} : memref<32x768xf32, #tpu.memory_space<vmem>>, vector<16xf32>,
        tpu.vector_store %arg9[%swap3A_664, %swap3A_665], %add3A_663 {strides = array<i32>} : memref<32x768xf32, #tpu.memory_space<vmem>>, vector<16xf32>,
        %add3A_667 = arith.addf %add3A_615, %add3A_663 : vector<16xf32>
        %mul3A_668 = arith.mulf %add3A_663, %add3A_663 : vector<16xf32>
        %add3A_669 = arith.addf %add3A_617, %mul3A_668 : vector<16xf32>
        %get3A_670 = arith.index_cast %scan3A_44 : i32 to index
        %get3A_671 = arith.constant 752 : index
        %get3A_672 = tpu.vector_load %arg9[%get3A_670, %get3A_671] {strides = array<i32>} : memref<32x768xf32, #tpu.memory_space<vmem>>, vector<16xf32>,
        %get3A_673 = arith.index_cast %scan3A_44 : i32 to index
        %get3A_674 = arith.constant 752 : index
        %get3A_675 = tpu.vector_load %arg10[%get3A_673, %get3A_674] {strides = array<i32>} : memref<32x768xf32, #tpu.memory_space<vmem>>, vector<16xf32>,
        %add3A_676 = arith.addf %get3A_672, %get3A_675 : vector<16xf32>
        %swap3A_677 = arith.index_cast %scan3A_44 : i32 to index
        %swap3A_678 = arith.constant 752 : index
        %swap3A_679 = tpu.vector_load %arg9[%swap3A_677, %swap3A_678] {strides = array<i32>} : memref<32x768xf32, #tpu.memory_space<vmem>>, vector<16xf32>,
        tpu.vector_store %arg9[%swap3A_677, %swap3A_678], %add3A_676 {strides = array<i32>} : memref<32x768xf32, #tpu.memory_space<vmem>>, vector<16xf32>,
        %add3A_680 = arith.addf %add3A_628, %add3A_676 : vector<16xf32>
        %mul3A_681 = arith.mulf %add3A_676, %add3A_676 : vector<16xf32>
        %add3A_682 = arith.addf %add3A_630, %mul3A_681 : vector<16xf32>
        %add3A_683 = arith.addf %add3A_641, %add3A_654 : vector<16xf32>
        %add3A_684 = arith.addf %add3A_667, %add3A_680 : vector<16xf32>
        %add3A_685 = arith.addf %add3A_683, %add3A_684 : vector<16xf32>
        %add3A_686 = arith.addf %add3A_643, %add3A_656 : vector<16xf32>
        %add3A_687 = arith.addf %add3A_669, %add3A_682 : vector<16xf32>
        %add3A_688 = arith.addf %add3A_686, %add3A_687 : vector<16xf32>
        %reduce_sum3A = arith.constant true
        %reduce_sum3A_689 = vector.broadcast %reduce_sum3A : i1 to vector<16xi1>
        %reduce_sum3A_690 = tpu.scan <sum>, %add3A_685 masked %reduce_sum3A_689 : vector<16xf32>, vector<16xi1> -> vector<16xf32>
        %reduce_sum3A_691 = vector.extract %reduce_sum3A_690[15] : f32 from vector<16xf32>
        %broadcast_in_dim3A_692 = vector.broadcast %reduce_sum3A_691 : f32 to vector<16xf32>
        %mul3A_693 = arith.constant 0.00130208337 : f32
        %mul3A_694 = vector.broadcast %mul3A_693 : f32 to vector<16xf32>
        %mul3A_695 = arith.mulf %broadcast_in_dim3A_692, %mul3A_694 : vector<16xf32>
        %reduce_sum3A_696 = arith.constant true
        %reduce_sum3A_697 = vector.broadcast %reduce_sum3A_696 : i1 to vector<16xi1>
        %reduce_sum3A_698 = tpu.scan <sum>, %add3A_688 masked %reduce_sum3A_697 : vector<16xf32>, vector<16xi1> -> vector<16xf32>
        %reduce_sum3A_699 = vector.extract %reduce_sum3A_698[15] : f32 from vector<16xf32>
        %broadcast_in_dim3A_700 = vector.broadcast %reduce_sum3A_699 : f32 to vector<16xf32>
        %mul3A_701 = arith.constant 0.00130208337 : f32
        %mul3A_702 = vector.broadcast %mul3A_701 : f32 to vector<16xf32>
        %mul3A_703 = arith.mulf %broadcast_in_dim3A_700, %mul3A_702 : vector<16xf32>
        %mul3A_704 = arith.mulf %mul3A_695, %mul3A_695 : vector<16xf32>
        %sub3A = arith.subf %mul3A_703, %mul3A_704 : vector<16xf32>
        %add3A_705 = arith.constant 9.99999996E-13 : f32
        %add3A_706 = vector.broadcast %add3A_705 : f32 to vector<16xf32>
        %add3A_707 = arith.addf %sub3A, %add3A_706 : vector<16xf32>
        %bitcast_convert_type3A = tpu.bitcast %add3A_707 : vector<16xf32> -> vector<16xi32>
        %shift_right_arithmetic3A = arith.constant 1 : i32
        %shift_right_arithmetic3A_708 = vector.broadcast %shift_right_arithmetic3A : i32 to vector<16xi32>
        %shift_right_arithmetic3A_709 = arith.shrsi %bitcast_convert_type3A, %shift_right_arithmetic3A_708 : vector<16xi32>
        %sub3A_710 = arith.constant 1597463007 : i32
        %sub3A_711 = vector.broadcast %sub3A_710 : i32 to vector<16xi32>
        %sub3A_712 = arith.subi %sub3A_711, %shift_right_arithmetic3A_709 : vector<16xi32>
        %bitcast_convert_type3A_713 = tpu.bitcast %sub3A_712 : vector<16xi32> -> vector<16xf32>
        %mul3A_714 = arith.constant 5.000000e-01 : f32
        %mul3A_715 = vector.broadcast %mul3A_714 : f32 to vector<16xf32>
        %mul3A_716 = arith.mulf %add3A_707, %mul3A_715 : vector<16xf32>
        %mul3A_717 = arith.mulf %mul3A_716, %bitcast_convert_type3A_713 : vector<16xf32>
        %mul3A_718 = arith.mulf %mul3A_717, %bitcast_convert_type3A_713 : vector<16xf32>
        %sub3A_719 = arith.constant 1.500000e+00 : f32
        %sub3A_720 = vector.broadcast %sub3A_719 : f32 to vector<16xf32>
        %sub3A_721 = arith.subf %sub3A_720, %mul3A_718 : vector<16xf32>
        %mul3A_722 = arith.mulf %bitcast_convert_type3A_713, %sub3A_721 : vector<16xf32>
        %mul3A_723 = arith.mulf %mul3A_716, %mul3A_722 : vector<16xf32>
        %mul3A_724 = arith.mulf %mul3A_723, %mul3A_722 : vector<16xf32>
        %sub3A_725 = arith.constant 1.500000e+00 : f32
        %sub3A_726 = vector.broadcast %sub3A_725 : f32 to vector<16xf32>
        %sub3A_727 = arith.subf %sub3A_726, %mul3A_724 : vector<16xf32>
        %mul3A_728 = arith.mulf %mul3A_722, %sub3A_727 : vector<16xf32>
        %mul3A_729 = arith.mulf %mul3A_716, %mul3A_728 : vector<16xf32>
        %mul3A_730 = arith.mulf %mul3A_729, %mul3A_728 : vector<16xf32>
        %sub3A_731 = arith.constant 1.500000e+00 : f32
        %sub3A_732 = vector.broadcast %sub3A_731 : f32 to vector<16xf32>
        %sub3A_733 = arith.subf %sub3A_732, %mul3A_730 : vector<16xf32>
        %mul3A_734 = arith.mulf %mul3A_728, %sub3A_733 : vector<16xf32>
        %mul3A_735 = arith.mulf %mul3A_695, %mul3A_734 : vector<16xf32>
        %neg3A = arith.constant 0.000000e+00 : f32
        %neg3A_736 = vector.broadcast %neg3A : f32 to vector<16xf32>
        %neg3A_737 = arith.subf %neg3A_736, %mul3A_735 : vector<16xf32>
        %get3A_738 = arith.index_cast %scan3A_44 : i32 to index
        %get3A_739 = arith.constant 0 : index
        %get3A_740 = tpu.vector_load %arg9[%get3A_738, %get3A_739] {strides = array<i32>} : memref<32x768xf32, #tpu.memory_space<vmem>>, vector<16xf32>,
        %mul3A_741 = arith.mulf %get3A_740, %mul3A_734 : vector<16xf32>
        %add3A_742 = arith.addf %mul3A_741, %neg3A_737 : vector<16xf32>
        %get3A_743 = arith.constant 0 : index
        %get3A_744 = tpu.vector_load %arg11[%get3A_743] {strides = array<i32>} : memref<768xf32, #tpu.memory_space<vmem>>, vector<16xf32>,
        %mul3A_745 = arith.mulf %add3A_742, %get3A_744 : vector<16xf32>
        %get3A_746 = arith.constant 0 : index
        %get3A_747 = tpu.vector_load %arg12[%get3A_746] {strides = array<i32>} : memref<768xf32, #tpu.memory_space<vmem>>, vector<16xf32>,
        %add3A_748 = arith.addf %mul3A_745, %get3A_747 : vector<16xf32>
        %swap3A_749 = arith.index_cast %scan3A_44 : i32 to index
        %swap3A_750 = arith.constant 0 : index
        %swap3A_751 = tpu.vector_load %arg9[%swap3A_749, %swap3A_750] {strides = array<i32>} : memref<32x768xf32, #tpu.memory_space<vmem>>, vector<16xf32>,
        tpu.vector_store %arg9[%swap3A_749, %swap3A_750], %add3A_748 {strides = array<i32>} : memref<32x768xf32, #tpu.memory_space<vmem>>, vector<16xf32>,
        %get3A_752 = arith.index_cast %scan3A_44 : i32 to index
        %get3A_753 = arith.constant 16 : index
        %get3A_754 = tpu.vector_load %arg9[%get3A_752, %get3A_753] {strides = array<i32>} : memref<32x768xf32, #tpu.memory_space<vmem>>, vector<16xf32>,
        %mul3A_755 = arith.mulf %get3A_754, %mul3A_734 : vector<16xf32>
        %add3A_756 = arith.addf %mul3A_755, %neg3A_737 : vector<16xf32>
        %get3A_757 = arith.constant 16 : index
        %get3A_758 = tpu.vector_load %arg11[%get3A_757] {strides = array<i32>} : memref<768xf32, #tpu.memory_space<vmem>>, vector<16xf32>,
        %mul3A_759 = arith.mulf %add3A_756, %get3A_758 : vector<16xf32>
        %get3A_760 = arith.constant 16 : index
        %get3A_761 = tpu.vector_load %arg12[%get3A_760] {strides = array<i32>} : memref<768xf32, #tpu.memory_space<vmem>>, vector<16xf32>,
        %add3A_762 = arith.addf %mul3A_759, %get3A_761 : vector<16xf32>
        %swap3A_763 = arith.index_cast %scan3A_44 : i32 to index
        %swap3A_764 = arith.constant 16 : index
        %swap3A_765 = tpu.vector_load %arg9[%swap3A_763, %swap3A_764] {strides = array<i32>} : memref<32x768xf32, #tpu.memory_space<vmem>>, vector<16xf32>,
        tpu.vector_store %arg9[%swap3A_763, %swap3A_764], %add3A_762 {strides = array<i32>} : memref<32x768xf32, #tpu.memory_space<vmem>>, vector<16xf32>,
        %get3A_766 = arith.index_cast %scan3A_44 : i32 to index
        %get3A_767 = arith.constant 32 : index
        %get3A_768 = tpu.vector_load %arg9[%get3A_766, %get3A_767] {strides = array<i32>} : memref<32x768xf32, #tpu.memory_space<vmem>>, vector<16xf32>,
        %mul3A_769 = arith.mulf %get3A_768, %mul3A_734 : vector<16xf32>
        %add3A_770 = arith.addf %mul3A_769, %neg3A_737 : vector<16xf32>
        %get3A_771 = arith.constant 32 : index
        %get3A_772 = tpu.vector_load %arg11[%get3A_771] {strides = array<i32>} : memref<768xf32, #tpu.memory_space<vmem>>, vector<16xf32>,
        %mul3A_773 = arith.mulf %add3A_770, %get3A_772 : vector<16xf32>
        %get3A_774 = arith.constant 32 : index
        %get3A_775 = tpu.vector_load %arg12[%get3A_774] {strides = array<i32>} : memref<768xf32, #tpu.memory_space<vmem>>, vector<16xf32>,
        %add3A_776 = arith.addf %mul3A_773, %get3A_775 : vector<16xf32>
        %swap3A_777 = arith.index_cast %scan3A_44 : i32 to index
        %swap3A_778 = arith.constant 32 : index
        %swap3A_779 = tpu.vector_load %arg9[%swap3A_777, %swap3A_778] {strides = array<i32>} : memref<32x768xf32, #tpu.memory_space<vmem>>, vector<16xf32>,
        tpu.vector_store %arg9[%swap3A_777, %swap3A_778], %add3A_776 {strides = array<i32>} : memref<32x768xf32, #tpu.memory_space<vmem>>, vector<16xf32>,
        %get3A_780 = arith.index_cast %scan3A_44 : i32 to index
        %get3A_781 = arith.constant 48 : index
        %get3A_782 = tpu.vector_load %arg9[%get3A_780, %get3A_781] {strides = array<i32>} : memref<32x768xf32, #tpu.memory_space<vmem>>, vector<16xf32>,
        %mul3A_783 = arith.mulf %get3A_782, %mul3A_734 : vector<16xf32>
        %add3A_784 = arith.addf %mul3A_783, %neg3A_737 : vector<16xf32>
        %get3A_785 = arith.constant 48 : index
        %get3A_786 = tpu.vector_load %arg11[%get3A_785] {strides = array<i32>} : memref<768xf32, #tpu.memory_space<vmem>>, vector<16xf32>,
        %mul3A_787 = arith.mulf %add3A_784, %get3A_786 : vector<16xf32>
        %get3A_788 = arith.constant 48 : index
        %get3A_789 = tpu.vector_load %arg12[%get3A_788] {strides = array<i32>} : memref<768xf32, #tpu.memory_space<vmem>>, vector<16xf32>,
        %add3A_790 = arith.addf %mul3A_787, %get3A_789 : vector<16xf32>
        %swap3A_791 = arith.index_cast %scan3A_44 : i32 to index
        %swap3A_792 = arith.constant 48 : index
        %swap3A_793 = tpu.vector_load %arg9[%swap3A_791, %swap3A_792] {strides = array<i32>} : memref<32x768xf32, #tpu.memory_space<vmem>>, vector<16xf32>,
        tpu.vector_store %arg9[%swap3A_791, %swap3A_792], %add3A_790 {strides = array<i32>} : memref<32x768xf32, #tpu.memory_space<vmem>>, vector<16xf32>,
        %get3A_794 = arith.index_cast %scan3A_44 : i32 to index
        %get3A_795 = arith.constant 64 : index
        %get3A_796 = tpu.vector_load %arg9[%get3A_794, %get3A_795] {strides = array<i32>} : memref<32x768xf32, #tpu.memory_space<vmem>>, vector<16xf32>,
        %mul3A_797 = arith.mulf %get3A_796, %mul3A_734 : vector<16xf32>
        %add3A_798 = arith.addf %mul3A_797, %neg3A_737 : vector<16xf32>
        %get3A_799 = arith.constant 64 : index
        %get3A_800 = tpu.vector_load %arg11[%get3A_799] {strides = array<i32>} : memref<768xf32, #tpu.memory_space<vmem>>, vector<16xf32>,
        %mul3A_801 = arith.mulf %add3A_798, %get3A_800 : vector<16xf32>
        %get3A_802 = arith.constant 64 : index
        %get3A_803 = tpu.vector_load %arg12[%get3A_802] {strides = array<i32>} : memref<768xf32, #tpu.memory_space<vmem>>, vector<16xf32>,
        %add3A_804 = arith.addf %mul3A_801, %get3A_803 : vector<16xf32>
        %swap3A_805 = arith.index_cast %scan3A_44 : i32 to index
        %swap3A_806 = arith.constant 64 : index
        %swap3A_807 = tpu.vector_load %arg9[%swap3A_805, %swap3A_806] {strides = array<i32>} : memref<32x768xf32, #tpu.memory_space<vmem>>, vector<16xf32>,
        tpu.vector_store %arg9[%swap3A_805, %swap3A_806], %add3A_804 {strides = array<i32>} : memref<32x768xf32, #tpu.memory_space<vmem>>, vector<16xf32>,
        %get3A_808 = arith.index_cast %scan3A_44 : i32 to index
        %get3A_809 = arith.constant 80 : index
        %get3A_810 = tpu.vector_load %arg9[%get3A_808, %get3A_809] {strides = array<i32>} : memref<32x768xf32, #tpu.memory_space<vmem>>, vector<16xf32>,
        %mul3A_811 = arith.mulf %get3A_810, %mul3A_734 : vector<16xf32>
        %add3A_812 = arith.addf %mul3A_811, %neg3A_737 : vector<16xf32>
        %get3A_813 = arith.constant 80 : index
        %get3A_814 = tpu.vector_load %arg11[%get3A_813] {strides = array<i32>} : memref<768xf32, #tpu.memory_space<vmem>>, vector<16xf32>,
        %mul3A_815 = arith.mulf %add3A_812, %get3A_814 : vector<16xf32>
        %get3A_816 = arith.constant 80 : index
        %get3A_817 = tpu.vector_load %arg12[%get3A_816] {strides = array<i32>} : memref<768xf32, #tpu.memory_space<vmem>>, vector<16xf32>,
        %add3A_818 = arith.addf %mul3A_815, %get3A_817 : vector<16xf32>
        %swap3A_819 = arith.index_cast %scan3A_44 : i32 to index
        %swap3A_820 = arith.constant 80 : index
        %swap3A_821 = tpu.vector_load %arg9[%swap3A_819, %swap3A_820] {strides = array<i32>} : memref<32x768xf32, #tpu.memory_space<vmem>>, vector<16xf32>,
        tpu.vector_store %arg9[%swap3A_819, %swap3A_820], %add3A_818 {strides = array<i32>} : memref<32x768xf32, #tpu.memory_space<vmem>>, vector<16xf32>,
        %get3A_822 = arith.index_cast %scan3A_44 : i32 to index
        %get3A_823 = arith.constant 96 : index
        %get3A_824 = tpu.vector_load %arg9[%get3A_822, %get3A_823] {strides = array<i32>} : memref<32x768xf32, #tpu.memory_space<vmem>>, vector<16xf32>,
        %mul3A_825 = arith.mulf %get3A_824, %mul3A_734 : vector<16xf32>
        %add3A_826 = arith.addf %mul3A_825, %neg3A_737 : vector<16xf32>
        %get3A_827 = arith.constant 96 : index
        %get3A_828 = tpu.vector_load %arg11[%get3A_827] {strides = array<i32>} : memref<768xf32, #tpu.memory_space<vmem>>, vector<16xf32>,
        %mul3A_829 = arith.mulf %add3A_826, %get3A_828 : vector<16xf32>
        %get3A_830 = arith.constant 96 : index
        %get3A_831 = tpu.vector_load %arg12[%get3A_830] {strides = array<i32>} : memref<768xf32, #tpu.memory_space<vmem>>, vector<16xf32>,
        %add3A_832 = arith.addf %mul3A_829, %get3A_831 : vector<16xf32>
        %swap3A_833 = arith.index_cast %scan3A_44 : i32 to index
        %swap3A_834 = arith.constant 96 : index
        %swap3A_835 = tpu.vector_load %arg9[%swap3A_833, %swap3A_834] {strides = array<i32>} : memref<32x768xf32, #tpu.memory_space<vmem>>, vector<16xf32>,
        tpu.vector_store %arg9[%swap3A_833, %swap3A_834], %add3A_832 {strides = array<i32>} : memref<32x768xf32, #tpu.memory_space<vmem>>, vector<16xf32>,
        %get3A_836 = arith.index_cast %scan3A_44 : i32 to index
        %get3A_837 = arith.constant 112 : index
        %get3A_838 = tpu.vector_load %arg9[%get3A_836, %get3A_837] {strides = array<i32>} : memref<32x768xf32, #tpu.memory_space<vmem>>, vector<16xf32>,
        %mul3A_839 = arith.mulf %get3A_838, %mul3A_734 : vector<16xf32>
        %add3A_840 = arith.addf %mul3A_839, %neg3A_737 : vector<16xf32>
        %get3A_841 = arith.constant 112 : index
        %get3A_842 = tpu.vector_load %arg11[%get3A_841] {strides = array<i32>} : memref<768xf32, #tpu.memory_space<vmem>>, vector<16xf32>,
        %mul3A_843 = arith.mulf %add3A_840, %get3A_842 : vector<16xf32>
        %get3A_844 = arith.constant 112 : index
        %get3A_845 = tpu.vector_load %arg12[%get3A_844] {strides = array<i32>} : memref<768xf32, #tpu.memory_space<vmem>>, vector<16xf32>,
        %add3A_846 = arith.addf %mul3A_843, %get3A_845 : vector<16xf32>
        %swap3A_847 = arith.index_cast %scan3A_44 : i32 to index
        %swap3A_848 = arith.constant 112 : index
        %swap3A_849 = tpu.vector_load %arg9[%swap3A_847, %swap3A_848] {strides = array<i32>} : memref<32x768xf32, #tpu.memory_space<vmem>>, vector<16xf32>,
        tpu.vector_store %arg9[%swap3A_847, %swap3A_848], %add3A_846 {strides = array<i32>} : memref<32x768xf32, #tpu.memory_space<vmem>>, vector<16xf32>,
        %get3A_850 = arith.index_cast %scan3A_44 : i32 to index
        %get3A_851 = arith.constant 128 : index
        %get3A_852 = tpu.vector_load %arg9[%get3A_850, %get3A_851] {strides = array<i32>} : memref<32x768xf32, #tpu.memory_space<vmem>>, vector<16xf32>,
        %mul3A_853 = arith.mulf %get3A_852, %mul3A_734 : vector<16xf32>
        %add3A_854 = arith.addf %mul3A_853, %neg3A_737 : vector<16xf32>
        %get3A_855 = arith.constant 128 : index
        %get3A_856 = tpu.vector_load %arg11[%get3A_855] {strides = array<i32>} : memref<768xf32, #tpu.memory_space<vmem>>, vector<16xf32>,
        %mul3A_857 = arith.mulf %add3A_854, %get3A_856 : vector<16xf32>
        %get3A_858 = arith.constant 128 : index
        %get3A_859 = tpu.vector_load %arg12[%get3A_858] {strides = array<i32>} : memref<768xf32, #tpu.memory_space<vmem>>, vector<16xf32>,
        %add3A_860 = arith.addf %mul3A_857, %get3A_859 : vector<16xf32>
        %swap3A_861 = arith.index_cast %scan3A_44 : i32 to index
        %swap3A_862 = arith.constant 128 : index
        %swap3A_863 = tpu.vector_load %arg9[%swap3A_861, %swap3A_862] {strides = array<i32>} : memref<32x768xf32, #tpu.memory_space<vmem>>, vector<16xf32>,
        tpu.vector_store %arg9[%swap3A_861, %swap3A_862], %add3A_860 {strides = array<i32>} : memref<32x768xf32, #tpu.memory_space<vmem>>, vector<16xf32>,
        %get3A_864 = arith.index_cast %scan3A_44 : i32 to index
        %get3A_865 = arith.constant 144 : index
        %get3A_866 = tpu.vector_load %arg9[%get3A_864, %get3A_865] {strides = array<i32>} : memref<32x768xf32, #tpu.memory_space<vmem>>, vector<16xf32>,
        %mul3A_867 = arith.mulf %get3A_866, %mul3A_734 : vector<16xf32>
        %add3A_868 = arith.addf %mul3A_867, %neg3A_737 : vector<16xf32>
        %get3A_869 = arith.constant 144 : index
        %get3A_870 = tpu.vector_load %arg11[%get3A_869] {strides = array<i32>} : memref<768xf32, #tpu.memory_space<vmem>>, vector<16xf32>,
        %mul3A_871 = arith.mulf %add3A_868, %get3A_870 : vector<16xf32>
        %get3A_872 = arith.constant 144 : index
        %get3A_873 = tpu.vector_load %arg12[%get3A_872] {strides = array<i32>} : memref<768xf32, #tpu.memory_space<vmem>>, vector<16xf32>,
        %add3A_874 = arith.addf %mul3A_871, %get3A_873 : vector<16xf32>
        %swap3A_875 = arith.index_cast %scan3A_44 : i32 to index
        %swap3A_876 = arith.constant 144 : index
        %swap3A_877 = tpu.vector_load %arg9[%swap3A_875, %swap3A_876] {strides = array<i32>} : memref<32x768xf32, #tpu.memory_space<vmem>>, vector<16xf32>,
        tpu.vector_store %arg9[%swap3A_875, %swap3A_876], %add3A_874 {strides = array<i32>} : memref<32x768xf32, #tpu.memory_space<vmem>>, vector<16xf32>,
        %get3A_878 = arith.index_cast %scan3A_44 : i32 to index
        %get3A_879 = arith.constant 160 : index
        %get3A_880 = tpu.vector_load %arg9[%get3A_878, %get3A_879] {strides = array<i32>} : memref<32x768xf32, #tpu.memory_space<vmem>>, vector<16xf32>,
        %mul3A_881 = arith.mulf %get3A_880, %mul3A_734 : vector<16xf32>
        %add3A_882 = arith.addf %mul3A_881, %neg3A_737 : vector<16xf32>
        %get3A_883 = arith.constant 160 : index
        %get3A_884 = tpu.vector_load %arg11[%get3A_883] {strides = array<i32>} : memref<768xf32, #tpu.memory_space<vmem>>, vector<16xf32>,
        %mul3A_885 = arith.mulf %add3A_882, %get3A_884 : vector<16xf32>
        %get3A_886 = arith.constant 160 : index
        %get3A_887 = tpu.vector_load %arg12[%get3A_886] {strides = array<i32>} : memref<768xf32, #tpu.memory_space<vmem>>, vector<16xf32>,
        %add3A_888 = arith.addf %mul3A_885, %get3A_887 : vector<16xf32>
        %swap3A_889 = arith.index_cast %scan3A_44 : i32 to index
        %swap3A_890 = arith.constant 160 : index
        %swap3A_891 = tpu.vector_load %arg9[%swap3A_889, %swap3A_890] {strides = array<i32>} : memref<32x768xf32, #tpu.memory_space<vmem>>, vector<16xf32>,
        tpu.vector_store %arg9[%swap3A_889, %swap3A_890], %add3A_888 {strides = array<i32>} : memref<32x768xf32, #tpu.memory_space<vmem>>, vector<16xf32>,
        %get3A_892 = arith.index_cast %scan3A_44 : i32 to index
        %get3A_893 = arith.constant 176 : index
        %get3A_894 = tpu.vector_load %arg9[%get3A_892, %get3A_893] {strides = array<i32>} : memref<32x768xf32, #tpu.memory_space<vmem>>, vector<16xf32>,
        %mul3A_895 = arith.mulf %get3A_894, %mul3A_734 : vector<16xf32>
        %add3A_896 = arith.addf %mul3A_895, %neg3A_737 : vector<16xf32>
        %get3A_897 = arith.constant 176 : index
        %get3A_898 = tpu.vector_load %arg11[%get3A_897] {strides = array<i32>} : memref<768xf32, #tpu.memory_space<vmem>>, vector<16xf32>,
        %mul3A_899 = arith.mulf %add3A_896, %get3A_898 : vector<16xf32>
        %get3A_900 = arith.constant 176 : index
        %get3A_901 = tpu.vector_load %arg12[%get3A_900] {strides = array<i32>} : memref<768xf32, #tpu.memory_space<vmem>>, vector<16xf32>,
        %add3A_902 = arith.addf %mul3A_899, %get3A_901 : vector<16xf32>
        %swap3A_903 = arith.index_cast %scan3A_44 : i32 to index
        %swap3A_904 = arith.constant 176 : index
        %swap3A_905 = tpu.vector_load %arg9[%swap3A_903, %swap3A_904] {strides = array<i32>} : memref<32x768xf32, #tpu.memory_space<vmem>>, vector<16xf32>,
        tpu.vector_store %arg9[%swap3A_903, %swap3A_904], %add3A_902 {strides = array<i32>} : memref<32x768xf32, #tpu.memory_space<vmem>>, vector<16xf32>,
        %get3A_906 = arith.index_cast %scan3A_44 : i32 to index
        %get3A_907 = arith.constant 192 : index
        %get3A_908 = tpu.vector_load %arg9[%get3A_906, %get3A_907] {strides = array<i32>} : memref<32x768xf32, #tpu.memory_space<vmem>>, vector<16xf32>,
        %mul3A_909 = arith.mulf %get3A_908, %mul3A_734 : vector<16xf32>
        %add3A_910 = arith.addf %mul3A_909, %neg3A_737 : vector<16xf32>
        %get3A_911 = arith.constant 192 : index
        %get3A_912 = tpu.vector_load %arg11[%get3A_911] {strides = array<i32>} : memref<768xf32, #tpu.memory_space<vmem>>, vector<16xf32>,
        %mul3A_913 = arith.mulf %add3A_910, %get3A_912 : vector<16xf32>
        %get3A_914 = arith.constant 192 : index
        %get3A_915 = tpu.vector_load %arg12[%get3A_914] {strides = array<i32>} : memref<768xf32, #tpu.memory_space<vmem>>, vector<16xf32>,
        %add3A_916 = arith.addf %mul3A_913, %get3A_915 : vector<16xf32>
        %swap3A_917 = arith.index_cast %scan3A_44 : i32 to index
        %swap3A_918 = arith.constant 192 : index
        %swap3A_919 = tpu.vector_load %arg9[%swap3A_917, %swap3A_918] {strides = array<i32>} : memref<32x768xf32, #tpu.memory_space<vmem>>, vector<16xf32>,
        tpu.vector_store %arg9[%swap3A_917, %swap3A_918], %add3A_916 {strides = array<i32>} : memref<32x768xf32, #tpu.memory_space<vmem>>, vector<16xf32>,
        %get3A_920 = arith.index_cast %scan3A_44 : i32 to index
        %get3A_921 = arith.constant 208 : index
        %get3A_922 = tpu.vector_load %arg9[%get3A_920, %get3A_921] {strides = array<i32>} : memref<32x768xf32, #tpu.memory_space<vmem>>, vector<16xf32>,
        %mul3A_923 = arith.mulf %get3A_922, %mul3A_734 : vector<16xf32>
        %add3A_924 = arith.addf %mul3A_923, %neg3A_737 : vector<16xf32>
        %get3A_925 = arith.constant 208 : index
        %get3A_926 = tpu.vector_load %arg11[%get3A_925] {strides = array<i32>} : memref<768xf32, #tpu.memory_space<vmem>>, vector<16xf32>,
        %mul3A_927 = arith.mulf %add3A_924, %get3A_926 : vector<16xf32>
        %get3A_928 = arith.constant 208 : index
        %get3A_929 = tpu.vector_load %arg12[%get3A_928] {strides = array<i32>} : memref<768xf32, #tpu.memory_space<vmem>>, vector<16xf32>,
        %add3A_930 = arith.addf %mul3A_927, %get3A_929 : vector<16xf32>
        %swap3A_931 = arith.index_cast %scan3A_44 : i32 to index
        %swap3A_932 = arith.constant 208 : index
        %swap3A_933 = tpu.vector_load %arg9[%swap3A_931, %swap3A_932] {strides = array<i32>} : memref<32x768xf32, #tpu.memory_space<vmem>>, vector<16xf32>,
        tpu.vector_store %arg9[%swap3A_931, %swap3A_932], %add3A_930 {strides = array<i32>} : memref<32x768xf32, #tpu.memory_space<vmem>>, vector<16xf32>,
        %get3A_934 = arith.index_cast %scan3A_44 : i32 to index
        %get3A_935 = arith.constant 224 : index
        %get3A_936 = tpu.vector_load %arg9[%get3A_934, %get3A_935] {strides = array<i32>} : memref<32x768xf32, #tpu.memory_space<vmem>>, vector<16xf32>,
        %mul3A_937 = arith.mulf %get3A_936, %mul3A_734 : vector<16xf32>
        %add3A_938 = arith.addf %mul3A_937, %neg3A_737 : vector<16xf32>
        %get3A_939 = arith.constant 224 : index
        %get3A_940 = tpu.vector_load %arg11[%get3A_939] {strides = array<i32>} : memref<768xf32, #tpu.memory_space<vmem>>, vector<16xf32>,
        %mul3A_941 = arith.mulf %add3A_938, %get3A_940 : vector<16xf32>
        %get3A_942 = arith.constant 224 : index
        %get3A_943 = tpu.vector_load %arg12[%get3A_942] {strides = array<i32>} : memref<768xf32, #tpu.memory_space<vmem>>, vector<16xf32>,
        %add3A_944 = arith.addf %mul3A_941, %get3A_943 : vector<16xf32>
        %swap3A_945 = arith.index_cast %scan3A_44 : i32 to index
        %swap3A_946 = arith.constant 224 : index
        %swap3A_947 = tpu.vector_load %arg9[%swap3A_945, %swap3A_946] {strides = array<i32>} : memref<32x768xf32, #tpu.memory_space<vmem>>, vector<16xf32>,
        tpu.vector_store %arg9[%swap3A_945, %swap3A_946], %add3A_944 {strides = array<i32>} : memref<32x768xf32, #tpu.memory_space<vmem>>, vector<16xf32>,
        %get3A_948 = arith.index_cast %scan3A_44 : i32 to index
        %get3A_949 = arith.constant 240 : index
        %get3A_950 = tpu.vector_load %arg9[%get3A_948, %get3A_949] {strides = array<i32>} : memref<32x768xf32, #tpu.memory_space<vmem>>, vector<16xf32>,
        %mul3A_951 = arith.mulf %get3A_950, %mul3A_734 : vector<16xf32>
        %add3A_952 = arith.addf %mul3A_951, %neg3A_737 : vector<16xf32>
        %get3A_953 = arith.constant 240 : index
        %get3A_954 = tpu.vector_load %arg11[%get3A_953] {strides = array<i32>} : memref<768xf32, #tpu.memory_space<vmem>>, vector<16xf32>,
        %mul3A_955 = arith.mulf %add3A_952, %get3A_954 : vector<16xf32>
        %get3A_956 = arith.constant 240 : index
        %get3A_957 = tpu.vector_load %arg12[%get3A_956] {strides = array<i32>} : memref<768xf32, #tpu.memory_space<vmem>>, vector<16xf32>,
        %add3A_958 = arith.addf %mul3A_955, %get3A_957 : vector<16xf32>
        %swap3A_959 = arith.index_cast %scan3A_44 : i32 to index
        %swap3A_960 = arith.constant 240 : index
        %swap3A_961 = tpu.vector_load %arg9[%swap3A_959, %swap3A_960] {strides = array<i32>} : memref<32x768xf32, #tpu.memory_space<vmem>>, vector<16xf32>,
        tpu.vector_store %arg9[%swap3A_959, %swap3A_960], %add3A_958 {strides = array<i32>} : memref<32x768xf32, #tpu.memory_space<vmem>>, vector<16xf32>,
        %get3A_962 = arith.index_cast %scan3A_44 : i32 to index
        %get3A_963 = arith.constant 256 : index
        %get3A_964 = tpu.vector_load %arg9[%get3A_962, %get3A_963] {strides = array<i32>} : memref<32x768xf32, #tpu.memory_space<vmem>>, vector<16xf32>,
        %mul3A_965 = arith.mulf %get3A_964, %mul3A_734 : vector<16xf32>
        %add3A_966 = arith.addf %mul3A_965, %neg3A_737 : vector<16xf32>
        %get3A_967 = arith.constant 256 : index
        %get3A_968 = tpu.vector_load %arg11[%get3A_967] {strides = array<i32>} : memref<768xf32, #tpu.memory_space<vmem>>, vector<16xf32>,
        %mul3A_969 = arith.mulf %add3A_966, %get3A_968 : vector<16xf32>
        %get3A_970 = arith.constant 256 : index
        %get3A_971 = tpu.vector_load %arg12[%get3A_970] {strides = array<i32>} : memref<768xf32, #tpu.memory_space<vmem>>, vector<16xf32>,
        %add3A_972 = arith.addf %mul3A_969, %get3A_971 : vector<16xf32>
        %swap3A_973 = arith.index_cast %scan3A_44 : i32 to index
        %swap3A_974 = arith.constant 256 : index
        %swap3A_975 = tpu.vector_load %arg9[%swap3A_973, %swap3A_974] {strides = array<i32>} : memref<32x768xf32, #tpu.memory_space<vmem>>, vector<16xf32>,
        tpu.vector_store %arg9[%swap3A_973, %swap3A_974], %add3A_972 {strides = array<i32>} : memref<32x768xf32, #tpu.memory_space<vmem>>, vector<16xf32>,
        %get3A_976 = arith.index_cast %scan3A_44 : i32 to index
        %get3A_977 = arith.constant 272 : index
        %get3A_978 = tpu.vector_load %arg9[%get3A_976, %get3A_977] {strides = array<i32>} : memref<32x768xf32, #tpu.memory_space<vmem>>, vector<16xf32>,
        %mul3A_979 = arith.mulf %get3A_978, %mul3A_734 : vector<16xf32>
        %add3A_980 = arith.addf %mul3A_979, %neg3A_737 : vector<16xf32>
        %get3A_981 = arith.constant 272 : index
        %get3A_982 = tpu.vector_load %arg11[%get3A_981] {strides = array<i32>} : memref<768xf32, #tpu.memory_space<vmem>>, vector<16xf32>,
        %mul3A_983 = arith.mulf %add3A_980, %get3A_982 : vector<16xf32>
        %get3A_984 = arith.constant 272 : index
        %get3A_985 = tpu.vector_load %arg12[%get3A_984] {strides = array<i32>} : memref<768xf32, #tpu.memory_space<vmem>>, vector<16xf32>,
        %add3A_986 = arith.addf %mul3A_983, %get3A_985 : vector<16xf32>
        %swap3A_987 = arith.index_cast %scan3A_44 : i32 to index
        %swap3A_988 = arith.constant 272 : index
        %swap3A_989 = tpu.vector_load %arg9[%swap3A_987, %swap3A_988] {strides = array<i32>} : memref<32x768xf32, #tpu.memory_space<vmem>>, vector<16xf32>,
        tpu.vector_store %arg9[%swap3A_987, %swap3A_988], %add3A_986 {strides = array<i32>} : memref<32x768xf32, #tpu.memory_space<vmem>>, vector<16xf32>,
        %get3A_990 = arith.index_cast %scan3A_44 : i32 to index
        %get3A_991 = arith.constant 288 : index
        %get3A_992 = tpu.vector_load %arg9[%get3A_990, %get3A_991] {strides = array<i32>} : memref<32x768xf32, #tpu.memory_space<vmem>>, vector<16xf32>,
        %mul3A_993 = arith.mulf %get3A_992, %mul3A_734 : vector<16xf32>
        %add3A_994 = arith.addf %mul3A_993, %neg3A_737 : vector<16xf32>
        %get3A_995 = arith.constant 288 : index
        %get3A_996 = tpu.vector_load %arg11[%get3A_995] {strides = array<i32>} : memref<768xf32, #tpu.memory_space<vmem>>, vector<16xf32>,
        %mul3A_997 = arith.mulf %add3A_994, %get3A_996 : vector<16xf32>
        %get3A_998 = arith.constant 288 : index
        %get3A_999 = tpu.vector_load %arg12[%get3A_998] {strides = array<i32>} : memref<768xf32, #tpu.memory_space<vmem>>, vector<16xf32>,
        %add3A_1000 = arith.addf %mul3A_997, %get3A_999 : vector<16xf32>
        %swap3A_1001 = arith.index_cast %scan3A_44 : i32 to index
        %swap3A_1002 = arith.constant 288 : index
        %swap3A_1003 = tpu.vector_load %arg9[%swap3A_1001, %swap3A_1002] {strides = array<i32>} : memref<32x768xf32, #tpu.memory_space<vmem>>, vector<16xf32>,
        tpu.vector_store %arg9[%swap3A_1001, %swap3A_1002], %add3A_1000 {strides = array<i32>} : memref<32x768xf32, #tpu.memory_space<vmem>>, vector<16xf32>,
        %get3A_1004 = arith.index_cast %scan3A_44 : i32 to index
        %get3A_1005 = arith.constant 304 : index
        %get3A_1006 = tpu.vector_load %arg9[%get3A_1004, %get3A_1005] {strides = array<i32>} : memref<32x768xf32, #tpu.memory_space<vmem>>, vector<16xf32>,
        %mul3A_1007 = arith.mulf %get3A_1006, %mul3A_734 : vector<16xf32>
        %add3A_1008 = arith.addf %mul3A_1007, %neg3A_737 : vector<16xf32>
        %get3A_1009 = arith.constant 304 : index
        %get3A_1010 = tpu.vector_load %arg11[%get3A_1009] {strides = array<i32>} : memref<768xf32, #tpu.memory_space<vmem>>, vector<16xf32>,
        %mul3A_1011 = arith.mulf %add3A_1008, %get3A_1010 : vector<16xf32>
        %get3A_1012 = arith.constant 304 : index
        %get3A_1013 = tpu.vector_load %arg12[%get3A_1012] {strides = array<i32>} : memref<768xf32, #tpu.memory_space<vmem>>, vector<16xf32>,
        %add3A_1014 = arith.addf %mul3A_1011, %get3A_1013 : vector<16xf32>
        %swap3A_1015 = arith.index_cast %scan3A_44 : i32 to index
        %swap3A_1016 = arith.constant 304 : index
        %swap3A_1017 = tpu.vector_load %arg9[%swap3A_1015, %swap3A_1016] {strides = array<i32>} : memref<32x768xf32, #tpu.memory_space<vmem>>, vector<16xf32>,
        tpu.vector_store %arg9[%swap3A_1015, %swap3A_1016], %add3A_1014 {strides = array<i32>} : memref<32x768xf32, #tpu.memory_space<vmem>>, vector<16xf32>,
        %get3A_1018 = arith.index_cast %scan3A_44 : i32 to index
        %get3A_1019 = arith.constant 320 : index
        %get3A_1020 = tpu.vector_load %arg9[%get3A_1018, %get3A_1019] {strides = array<i32>} : memref<32x768xf32, #tpu.memory_space<vmem>>, vector<16xf32>,
        %mul3A_1021 = arith.mulf %get3A_1020, %mul3A_734 : vector<16xf32>
        %add3A_1022 = arith.addf %mul3A_1021, %neg3A_737 : vector<16xf32>
        %get3A_1023 = arith.constant 320 : index
        %get3A_1024 = tpu.vector_load %arg11[%get3A_1023] {strides = array<i32>} : memref<768xf32, #tpu.memory_space<vmem>>, vector<16xf32>,
        %mul3A_1025 = arith.mulf %add3A_1022, %get3A_1024 : vector<16xf32>
        %get3A_1026 = arith.constant 320 : index
        %get3A_1027 = tpu.vector_load %arg12[%get3A_1026] {strides = array<i32>} : memref<768xf32, #tpu.memory_space<vmem>>, vector<16xf32>,
        %add3A_1028 = arith.addf %mul3A_1025, %get3A_1027 : vector<16xf32>
        %swap3A_1029 = arith.index_cast %scan3A_44 : i32 to index
        %swap3A_1030 = arith.constant 320 : index
        %swap3A_1031 = tpu.vector_load %arg9[%swap3A_1029, %swap3A_1030] {strides = array<i32>} : memref<32x768xf32, #tpu.memory_space<vmem>>, vector<16xf32>,
        tpu.vector_store %arg9[%swap3A_1029, %swap3A_1030], %add3A_1028 {strides = array<i32>} : memref<32x768xf32, #tpu.memory_space<vmem>>, vector<16xf32>,
        %get3A_1032 = arith.index_cast %scan3A_44 : i32 to index
        %get3A_1033 = arith.constant 336 : index
        %get3A_1034 = tpu.vector_load %arg9[%get3A_1032, %get3A_1033] {strides = array<i32>} : memref<32x768xf32, #tpu.memory_space<vmem>>, vector<16xf32>,
        %mul3A_1035 = arith.mulf %get3A_1034, %mul3A_734 : vector<16xf32>
        %add3A_1036 = arith.addf %mul3A_1035, %neg3A_737 : vector<16xf32>
        %get3A_1037 = arith.constant 336 : index
        %get3A_1038 = tpu.vector_load %arg11[%get3A_1037] {strides = array<i32>} : memref<768xf32, #tpu.memory_space<vmem>>, vector<16xf32>,
        %mul3A_1039 = arith.mulf %add3A_1036, %get3A_1038 : vector<16xf32>
        %get3A_1040 = arith.constant 336 : index
        %get3A_1041 = tpu.vector_load %arg12[%get3A_1040] {strides = array<i32>} : memref<768xf32, #tpu.memory_space<vmem>>, vector<16xf32>,
        %add3A_1042 = arith.addf %mul3A_1039, %get3A_1041 : vector<16xf32>
        %swap3A_1043 = arith.index_cast %scan3A_44 : i32 to index
        %swap3A_1044 = arith.constant 336 : index
        %swap3A_1045 = tpu.vector_load %arg9[%swap3A_1043, %swap3A_1044] {strides = array<i32>} : memref<32x768xf32, #tpu.memory_space<vmem>>, vector<16xf32>,
        tpu.vector_store %arg9[%swap3A_1043, %swap3A_1044], %add3A_1042 {strides = array<i32>} : memref<32x768xf32, #tpu.memory_space<vmem>>, vector<16xf32>,
        %get3A_1046 = arith.index_cast %scan3A_44 : i32 to index
        %get3A_1047 = arith.constant 352 : index
        %get3A_1048 = tpu.vector_load %arg9[%get3A_1046, %get3A_1047] {strides = array<i32>} : memref<32x768xf32, #tpu.memory_space<vmem>>, vector<16xf32>,
        %mul3A_1049 = arith.mulf %get3A_1048, %mul3A_734 : vector<16xf32>
        %add3A_1050 = arith.addf %mul3A_1049, %neg3A_737 : vector<16xf32>
        %get3A_1051 = arith.constant 352 : index
        %get3A_1052 = tpu.vector_load %arg11[%get3A_1051] {strides = array<i32>} : memref<768xf32, #tpu.memory_space<vmem>>, vector<16xf32>,
        %mul3A_1053 = arith.mulf %add3A_1050, %get3A_1052 : vector<16xf32>
        %get3A_1054 = arith.constant 352 : index
        %get3A_1055 = tpu.vector_load %arg12[%get3A_1054] {strides = array<i32>} : memref<768xf32, #tpu.memory_space<vmem>>, vector<16xf32>,
        %add3A_1056 = arith.addf %mul3A_1053, %get3A_1055 : vector<16xf32>
        %swap3A_1057 = arith.index_cast %scan3A_44 : i32 to index
        %swap3A_1058 = arith.constant 352 : index
        %swap3A_1059 = tpu.vector_load %arg9[%swap3A_1057, %swap3A_1058] {strides = array<i32>} : memref<32x768xf32, #tpu.memory_space<vmem>>, vector<16xf32>,
        tpu.vector_store %arg9[%swap3A_1057, %swap3A_1058], %add3A_1056 {strides = array<i32>} : memref<32x768xf32, #tpu.memory_space<vmem>>, vector<16xf32>,
        %get3A_1060 = arith.index_cast %scan3A_44 : i32 to index
        %get3A_1061 = arith.constant 368 : index
        %get3A_1062 = tpu.vector_load %arg9[%get3A_1060, %get3A_1061] {strides = array<i32>} : memref<32x768xf32, #tpu.memory_space<vmem>>, vector<16xf32>,
        %mul3A_1063 = arith.mulf %get3A_1062, %mul3A_734 : vector<16xf32>
        %add3A_1064 = arith.addf %mul3A_1063, %neg3A_737 : vector<16xf32>
        %get3A_1065 = arith.constant 368 : index
        %get3A_1066 = tpu.vector_load %arg11[%get3A_1065] {strides = array<i32>} : memref<768xf32, #tpu.memory_space<vmem>>, vector<16xf32>,
        %mul3A_1067 = arith.mulf %add3A_1064, %get3A_1066 : vector<16xf32>
        %get3A_1068 = arith.constant 368 : index
        %get3A_1069 = tpu.vector_load %arg12[%get3A_1068] {strides = array<i32>} : memref<768xf32, #tpu.memory_space<vmem>>, vector<16xf32>,
        %add3A_1070 = arith.addf %mul3A_1067, %get3A_1069 : vector<16xf32>
        %swap3A_1071 = arith.index_cast %scan3A_44 : i32 to index
        %swap3A_1072 = arith.constant 368 : index
        %swap3A_1073 = tpu.vector_load %arg9[%swap3A_1071, %swap3A_1072] {strides = array<i32>} : memref<32x768xf32, #tpu.memory_space<vmem>>, vector<16xf32>,
        tpu.vector_store %arg9[%swap3A_1071, %swap3A_1072], %add3A_1070 {strides = array<i32>} : memref<32x768xf32, #tpu.memory_space<vmem>>, vector<16xf32>,
        %get3A_1074 = arith.index_cast %scan3A_44 : i32 to index
        %get3A_1075 = arith.constant 384 : index
        %get3A_1076 = tpu.vector_load %arg9[%get3A_1074, %get3A_1075] {strides = array<i32>} : memref<32x768xf32, #tpu.memory_space<vmem>>, vector<16xf32>,
        %mul3A_1077 = arith.mulf %get3A_1076, %mul3A_734 : vector<16xf32>
        %add3A_1078 = arith.addf %mul3A_1077, %neg3A_737 : vector<16xf32>
        %get3A_1079 = arith.constant 384 : index
        %get3A_1080 = tpu.vector_load %arg11[%get3A_1079] {strides = array<i32>} : memref<768xf32, #tpu.memory_space<vmem>>, vector<16xf32>,
        %mul3A_1081 = arith.mulf %add3A_1078, %get3A_1080 : vector<16xf32>
        %get3A_1082 = arith.constant 384 : index
        %get3A_1083 = tpu.vector_load %arg12[%get3A_1082] {strides = array<i32>} : memref<768xf32, #tpu.memory_space<vmem>>, vector<16xf32>,
        %add3A_1084 = arith.addf %mul3A_1081, %get3A_1083 : vector<16xf32>
        %swap3A_1085 = arith.index_cast %scan3A_44 : i32 to index
        %swap3A_1086 = arith.constant 384 : index
        %swap3A_1087 = tpu.vector_load %arg9[%swap3A_1085, %swap3A_1086] {strides = array<i32>} : memref<32x768xf32, #tpu.memory_space<vmem>>, vector<16xf32>,
        tpu.vector_store %arg9[%swap3A_1085, %swap3A_1086], %add3A_1084 {strides = array<i32>} : memref<32x768xf32, #tpu.memory_space<vmem>>, vector<16xf32>,
        %get3A_1088 = arith.index_cast %scan3A_44 : i32 to index
        %get3A_1089 = arith.constant 400 : index
        %get3A_1090 = tpu.vector_load %arg9[%get3A_1088, %get3A_1089] {strides = array<i32>} : memref<32x768xf32, #tpu.memory_space<vmem>>, vector<16xf32>,
        %mul3A_1091 = arith.mulf %get3A_1090, %mul3A_734 : vector<16xf32>
        %add3A_1092 = arith.addf %mul3A_1091, %neg3A_737 : vector<16xf32>
        %get3A_1093 = arith.constant 400 : index
        %get3A_1094 = tpu.vector_load %arg11[%get3A_1093] {strides = array<i32>} : memref<768xf32, #tpu.memory_space<vmem>>, vector<16xf32>,
        %mul3A_1095 = arith.mulf %add3A_1092, %get3A_1094 : vector<16xf32>
        %get3A_1096 = arith.constant 400 : index
        %get3A_1097 = tpu.vector_load %arg12[%get3A_1096] {strides = array<i32>} : memref<768xf32, #tpu.memory_space<vmem>>, vector<16xf32>,
        %add3A_1098 = arith.addf %mul3A_1095, %get3A_1097 : vector<16xf32>
        %swap3A_1099 = arith.index_cast %scan3A_44 : i32 to index
        %swap3A_1100 = arith.constant 400 : index
        %swap3A_1101 = tpu.vector_load %arg9[%swap3A_1099, %swap3A_1100] {strides = array<i32>} : memref<32x768xf32, #tpu.memory_space<vmem>>, vector<16xf32>,
        tpu.vector_store %arg9[%swap3A_1099, %swap3A_1100], %add3A_1098 {strides = array<i32>} : memref<32x768xf32, #tpu.memory_space<vmem>>, vector<16xf32>,
        %get3A_1102 = arith.index_cast %scan3A_44 : i32 to index
        %get3A_1103 = arith.constant 416 : index
        %get3A_1104 = tpu.vector_load %arg9[%get3A_1102, %get3A_1103] {strides = array<i32>} : memref<32x768xf32, #tpu.memory_space<vmem>>, vector<16xf32>,
        %mul3A_1105 = arith.mulf %get3A_1104, %mul3A_734 : vector<16xf32>
        %add3A_1106 = arith.addf %mul3A_1105, %neg3A_737 : vector<16xf32>
        %get3A_1107 = arith.constant 416 : index
        %get3A_1108 = tpu.vector_load %arg11[%get3A_1107] {strides = array<i32>} : memref<768xf32, #tpu.memory_space<vmem>>, vector<16xf32>,
        %mul3A_1109 = arith.mulf %add3A_1106, %get3A_1108 : vector<16xf32>
        %get3A_1110 = arith.constant 416 : index
        %get3A_1111 = tpu.vector_load %arg12[%get3A_1110] {strides = array<i32>} : memref<768xf32, #tpu.memory_space<vmem>>, vector<16xf32>,
        %add3A_1112 = arith.addf %mul3A_1109, %get3A_1111 : vector<16xf32>
        %swap3A_1113 = arith.index_cast %scan3A_44 : i32 to index
        %swap3A_1114 = arith.constant 416 : index
        %swap3A_1115 = tpu.vector_load %arg9[%swap3A_1113, %swap3A_1114] {strides = array<i32>} : memref<32x768xf32, #tpu.memory_space<vmem>>, vector<16xf32>,
        tpu.vector_store %arg9[%swap3A_1113, %swap3A_1114], %add3A_1112 {strides = array<i32>} : memref<32x768xf32, #tpu.memory_space<vmem>>, vector<16xf32>,
        %get3A_1116 = arith.index_cast %scan3A_44 : i32 to index
        %get3A_1117 = arith.constant 432 : index
        %get3A_1118 = tpu.vector_load %arg9[%get3A_1116, %get3A_1117] {strides = array<i32>} : memref<32x768xf32, #tpu.memory_space<vmem>>, vector<16xf32>,
        %mul3A_1119 = arith.mulf %get3A_1118, %mul3A_734 : vector<16xf32>
        %add3A_1120 = arith.addf %mul3A_1119, %neg3A_737 : vector<16xf32>
        %get3A_1121 = arith.constant 432 : index
        %get3A_1122 = tpu.vector_load %arg11[%get3A_1121] {strides = array<i32>} : memref<768xf32, #tpu.memory_space<vmem>>, vector<16xf32>,
        %mul3A_1123 = arith.mulf %add3A_1120, %get3A_1122 : vector<16xf32>
        %get3A_1124 = arith.constant 432 : index
        %get3A_1125 = tpu.vector_load %arg12[%get3A_1124] {strides = array<i32>} : memref<768xf32, #tpu.memory_space<vmem>>, vector<16xf32>,
        %add3A_1126 = arith.addf %mul3A_1123, %get3A_1125 : vector<16xf32>
        %swap3A_1127 = arith.index_cast %scan3A_44 : i32 to index
        %swap3A_1128 = arith.constant 432 : index
        %swap3A_1129 = tpu.vector_load %arg9[%swap3A_1127, %swap3A_1128] {strides = array<i32>} : memref<32x768xf32, #tpu.memory_space<vmem>>, vector<16xf32>,
        tpu.vector_store %arg9[%swap3A_1127, %swap3A_1128], %add3A_1126 {strides = array<i32>} : memref<32x768xf32, #tpu.memory_space<vmem>>, vector<16xf32>,
        %get3A_1130 = arith.index_cast %scan3A_44 : i32 to index
        %get3A_1131 = arith.constant 448 : index
        %get3A_1132 = tpu.vector_load %arg9[%get3A_1130, %get3A_1131] {strides = array<i32>} : memref<32x768xf32, #tpu.memory_space<vmem>>, vector<16xf32>,
        %mul3A_1133 = arith.mulf %get3A_1132, %mul3A_734 : vector<16xf32>
        %add3A_1134 = arith.addf %mul3A_1133, %neg3A_737 : vector<16xf32>
        %get3A_1135 = arith.constant 448 : index
        %get3A_1136 = tpu.vector_load %arg11[%get3A_1135] {strides = array<i32>} : memref<768xf32, #tpu.memory_space<vmem>>, vector<16xf32>,
        %mul3A_1137 = arith.mulf %add3A_1134, %get3A_1136 : vector<16xf32>
        %get3A_1138 = arith.constant 448 : index
        %get3A_1139 = tpu.vector_load %arg12[%get3A_1138] {strides = array<i32>} : memref<768xf32, #tpu.memory_space<vmem>>, vector<16xf32>,
        %add3A_1140 = arith.addf %mul3A_1137, %get3A_1139 : vector<16xf32>
        %swap3A_1141 = arith.index_cast %scan3A_44 : i32 to index
        %swap3A_1142 = arith.constant 448 : index
        %swap3A_1143 = tpu.vector_load %arg9[%swap3A_1141, %swap3A_1142] {strides = array<i32>} : memref<32x768xf32, #tpu.memory_space<vmem>>, vector<16xf32>,
        tpu.vector_store %arg9[%swap3A_1141, %swap3A_1142], %add3A_1140 {strides = array<i32>} : memref<32x768xf32, #tpu.memory_space<vmem>>, vector<16xf32>,
        %get3A_1144 = arith.index_cast %scan3A_44 : i32 to index
        %get3A_1145 = arith.constant 464 : index
        %get3A_1146 = tpu.vector_load %arg9[%get3A_1144, %get3A_1145] {strides = array<i32>} : memref<32x768xf32, #tpu.memory_space<vmem>>, vector<16xf32>,
        %mul3A_1147 = arith.mulf %get3A_1146, %mul3A_734 : vector<16xf32>
        %add3A_1148 = arith.addf %mul3A_1147, %neg3A_737 : vector<16xf32>
        %get3A_1149 = arith.constant 464 : index
        %get3A_1150 = tpu.vector_load %arg11[%get3A_1149] {strides = array<i32>} : memref<768xf32, #tpu.memory_space<vmem>>, vector<16xf32>,
        %mul3A_1151 = arith.mulf %add3A_1148, %get3A_1150 : vector<16xf32>
        %get3A_1152 = arith.constant 464 : index
        %get3A_1153 = tpu.vector_load %arg12[%get3A_1152] {strides = array<i32>} : memref<768xf32, #tpu.memory_space<vmem>>, vector<16xf32>,
        %add3A_1154 = arith.addf %mul3A_1151, %get3A_1153 : vector<16xf32>
        %swap3A_1155 = arith.index_cast %scan3A_44 : i32 to index
        %swap3A_1156 = arith.constant 464 : index
        %swap3A_1157 = tpu.vector_load %arg9[%swap3A_1155, %swap3A_1156] {strides = array<i32>} : memref<32x768xf32, #tpu.memory_space<vmem>>, vector<16xf32>,
        tpu.vector_store %arg9[%swap3A_1155, %swap3A_1156], %add3A_1154 {strides = array<i32>} : memref<32x768xf32, #tpu.memory_space<vmem>>, vector<16xf32>,
        %get3A_1158 = arith.index_cast %scan3A_44 : i32 to index
        %get3A_1159 = arith.constant 480 : index
        %get3A_1160 = tpu.vector_load %arg9[%get3A_1158, %get3A_1159] {strides = array<i32>} : memref<32x768xf32, #tpu.memory_space<vmem>>, vector<16xf32>,
        %mul3A_1161 = arith.mulf %get3A_1160, %mul3A_734 : vector<16xf32>
        %add3A_1162 = arith.addf %mul3A_1161, %neg3A_737 : vector<16xf32>
        %get3A_1163 = arith.constant 480 : index
        %get3A_1164 = tpu.vector_load %arg11[%get3A_1163] {strides = array<i32>} : memref<768xf32, #tpu.memory_space<vmem>>, vector<16xf32>,
        %mul3A_1165 = arith.mulf %add3A_1162, %get3A_1164 : vector<16xf32>
        %get3A_1166 = arith.constant 480 : index
        %get3A_1167 = tpu.vector_load %arg12[%get3A_1166] {strides = array<i32>} : memref<768xf32, #tpu.memory_space<vmem>>, vector<16xf32>,
        %add3A_1168 = arith.addf %mul3A_1165, %get3A_1167 : vector<16xf32>
        %swap3A_1169 = arith.index_cast %scan3A_44 : i32 to index
        %swap3A_1170 = arith.constant 480 : index
        %swap3A_1171 = tpu.vector_load %arg9[%swap3A_1169, %swap3A_1170] {strides = array<i32>} : memref<32x768xf32, #tpu.memory_space<vmem>>, vector<16xf32>,
        tpu.vector_store %arg9[%swap3A_1169, %swap3A_1170], %add3A_1168 {strides = array<i32>} : memref<32x768xf32, #tpu.memory_space<vmem>>, vector<16xf32>,
        %get3A_1172 = arith.index_cast %scan3A_44 : i32 to index
        %get3A_1173 = arith.constant 496 : index
        %get3A_1174 = tpu.vector_load %arg9[%get3A_1172, %get3A_1173] {strides = array<i32>} : memref<32x768xf32, #tpu.memory_space<vmem>>, vector<16xf32>,
        %mul3A_1175 = arith.mulf %get3A_1174, %mul3A_734 : vector<16xf32>
        %add3A_1176 = arith.addf %mul3A_1175, %neg3A_737 : vector<16xf32>
        %get3A_1177 = arith.constant 496 : index
        %get3A_1178 = tpu.vector_load %arg11[%get3A_1177] {strides = array<i32>} : memref<768xf32, #tpu.memory_space<vmem>>, vector<16xf32>,
        %mul3A_1179 = arith.mulf %add3A_1176, %get3A_1178 : vector<16xf32>
        %get3A_1180 = arith.constant 496 : index
        %get3A_1181 = tpu.vector_load %arg12[%get3A_1180] {strides = array<i32>} : memref<768xf32, #tpu.memory_space<vmem>>, vector<16xf32>,
        %add3A_1182 = arith.addf %mul3A_1179, %get3A_1181 : vector<16xf32>
        %swap3A_1183 = arith.index_cast %scan3A_44 : i32 to index
        %swap3A_1184 = arith.constant 496 : index
        %swap3A_1185 = tpu.vector_load %arg9[%swap3A_1183, %swap3A_1184] {strides = array<i32>} : memref<32x768xf32, #tpu.memory_space<vmem>>, vector<16xf32>,
        tpu.vector_store %arg9[%swap3A_1183, %swap3A_1184], %add3A_1182 {strides = array<i32>} : memref<32x768xf32, #tpu.memory_space<vmem>>, vector<16xf32>,
        %get3A_1186 = arith.index_cast %scan3A_44 : i32 to index
        %get3A_1187 = arith.constant 512 : index
        %get3A_1188 = tpu.vector_load %arg9[%get3A_1186, %get3A_1187] {strides = array<i32>} : memref<32x768xf32, #tpu.memory_space<vmem>>, vector<16xf32>,
        %mul3A_1189 = arith.mulf %get3A_1188, %mul3A_734 : vector<16xf32>
        %add3A_1190 = arith.addf %mul3A_1189, %neg3A_737 : vector<16xf32>
        %get3A_1191 = arith.constant 512 : index
        %get3A_1192 = tpu.vector_load %arg11[%get3A_1191] {strides = array<i32>} : memref<768xf32, #tpu.memory_space<vmem>>, vector<16xf32>,
        %mul3A_1193 = arith.mulf %add3A_1190, %get3A_1192 : vector<16xf32>
        %get3A_1194 = arith.constant 512 : index
        %get3A_1195 = tpu.vector_load %arg12[%get3A_1194] {strides = array<i32>} : memref<768xf32, #tpu.memory_space<vmem>>, vector<16xf32>,
        %add3A_1196 = arith.addf %mul3A_1193, %get3A_1195 : vector<16xf32>
        %swap3A_1197 = arith.index_cast %scan3A_44 : i32 to index
        %swap3A_1198 = arith.constant 512 : index
        %swap3A_1199 = tpu.vector_load %arg9[%swap3A_1197, %swap3A_1198] {strides = array<i32>} : memref<32x768xf32, #tpu.memory_space<vmem>>, vector<16xf32>,
        tpu.vector_store %arg9[%swap3A_1197, %swap3A_1198], %add3A_1196 {strides = array<i32>} : memref<32x768xf32, #tpu.memory_space<vmem>>, vector<16xf32>,
        %get3A_1200 = arith.index_cast %scan3A_44 : i32 to index
        %get3A_1201 = arith.constant 528 : index
        %get3A_1202 = tpu.vector_load %arg9[%get3A_1200, %get3A_1201] {strides = array<i32>} : memref<32x768xf32, #tpu.memory_space<vmem>>, vector<16xf32>,
        %mul3A_1203 = arith.mulf %get3A_1202, %mul3A_734 : vector<16xf32>
        %add3A_1204 = arith.addf %mul3A_1203, %neg3A_737 : vector<16xf32>
        %get3A_1205 = arith.constant 528 : index
        %get3A_1206 = tpu.vector_load %arg11[%get3A_1205] {strides = array<i32>} : memref<768xf32, #tpu.memory_space<vmem>>, vector<16xf32>,
        %mul3A_1207 = arith.mulf %add3A_1204, %get3A_1206 : vector<16xf32>
        %get3A_1208 = arith.constant 528 : index
        %get3A_1209 = tpu.vector_load %arg12[%get3A_1208] {strides = array<i32>} : memref<768xf32, #tpu.memory_space<vmem>>, vector<16xf32>,
        %add3A_1210 = arith.addf %mul3A_1207, %get3A_1209 : vector<16xf32>
        %swap3A_1211 = arith.index_cast %scan3A_44 : i32 to index
        %swap3A_1212 = arith.constant 528 : index
        %swap3A_1213 = tpu.vector_load %arg9[%swap3A_1211, %swap3A_1212] {strides = array<i32>} : memref<32x768xf32, #tpu.memory_space<vmem>>, vector<16xf32>,
        tpu.vector_store %arg9[%swap3A_1211, %swap3A_1212], %add3A_1210 {strides = array<i32>} : memref<32x768xf32, #tpu.memory_space<vmem>>, vector<16xf32>,
        %get3A_1214 = arith.index_cast %scan3A_44 : i32 to index
        %get3A_1215 = arith.constant 544 : index
        %get3A_1216 = tpu.vector_load %arg9[%get3A_1214, %get3A_1215] {strides = array<i32>} : memref<32x768xf32, #tpu.memory_space<vmem>>, vector<16xf32>,
        %mul3A_1217 = arith.mulf %get3A_1216, %mul3A_734 : vector<16xf32>
        %add3A_1218 = arith.addf %mul3A_1217, %neg3A_737 : vector<16xf32>
        %get3A_1219 = arith.constant 544 : index
        %get3A_1220 = tpu.vector_load %arg11[%get3A_1219] {strides = array<i32>} : memref<768xf32, #tpu.memory_space<vmem>>, vector<16xf32>,
        %mul3A_1221 = arith.mulf %add3A_1218, %get3A_1220 : vector<16xf32>
        %get3A_1222 = arith.constant 544 : index
        %get3A_1223 = tpu.vector_load %arg12[%get3A_1222] {strides = array<i32>} : memref<768xf32, #tpu.memory_space<vmem>>, vector<16xf32>,
        %add3A_1224 = arith.addf %mul3A_1221, %get3A_1223 : vector<16xf32>
        %swap3A_1225 = arith.index_cast %scan3A_44 : i32 to index
        %swap3A_1226 = arith.constant 544 : index
        %swap3A_1227 = tpu.vector_load %arg9[%swap3A_1225, %swap3A_1226] {strides = array<i32>} : memref<32x768xf32, #tpu.memory_space<vmem>>, vector<16xf32>,
        tpu.vector_store %arg9[%swap3A_1225, %swap3A_1226], %add3A_1224 {strides = array<i32>} : memref<32x768xf32, #tpu.memory_space<vmem>>, vector<16xf32>,
        %get3A_1228 = arith.index_cast %scan3A_44 : i32 to index
        %get3A_1229 = arith.constant 560 : index
        %get3A_1230 = tpu.vector_load %arg9[%get3A_1228, %get3A_1229] {strides = array<i32>} : memref<32x768xf32, #tpu.memory_space<vmem>>, vector<16xf32>,
        %mul3A_1231 = arith.mulf %get3A_1230, %mul3A_734 : vector<16xf32>
        %add3A_1232 = arith.addf %mul3A_1231, %neg3A_737 : vector<16xf32>
        %get3A_1233 = arith.constant 560 : index
        %get3A_1234 = tpu.vector_load %arg11[%get3A_1233] {strides = array<i32>} : memref<768xf32, #tpu.memory_space<vmem>>, vector<16xf32>,
        %mul3A_1235 = arith.mulf %add3A_1232, %get3A_1234 : vector<16xf32>
        %get3A_1236 = arith.constant 560 : index
        %get3A_1237 = tpu.vector_load %arg12[%get3A_1236] {strides = array<i32>} : memref<768xf32, #tpu.memory_space<vmem>>, vector<16xf32>,
        %add3A_1238 = arith.addf %mul3A_1235, %get3A_1237 : vector<16xf32>
        %swap3A_1239 = arith.index_cast %scan3A_44 : i32 to index
        %swap3A_1240 = arith.constant 560 : index
        %swap3A_1241 = tpu.vector_load %arg9[%swap3A_1239, %swap3A_1240] {strides = array<i32>} : memref<32x768xf32, #tpu.memory_space<vmem>>, vector<16xf32>,
        tpu.vector_store %arg9[%swap3A_1239, %swap3A_1240], %add3A_1238 {strides = array<i32>} : memref<32x768xf32, #tpu.memory_space<vmem>>, vector<16xf32>,
        %get3A_1242 = arith.index_cast %scan3A_44 : i32 to index
        %get3A_1243 = arith.constant 576 : index
        %get3A_1244 = tpu.vector_load %arg9[%get3A_1242, %get3A_1243] {strides = array<i32>} : memref<32x768xf32, #tpu.memory_space<vmem>>, vector<16xf32>,
        %mul3A_1245 = arith.mulf %get3A_1244, %mul3A_734 : vector<16xf32>
        %add3A_1246 = arith.addf %mul3A_1245, %neg3A_737 : vector<16xf32>
        %get3A_1247 = arith.constant 576 : index
        %get3A_1248 = tpu.vector_load %arg11[%get3A_1247] {strides = array<i32>} : memref<768xf32, #tpu.memory_space<vmem>>, vector<16xf32>,
        %mul3A_1249 = arith.mulf %add3A_1246, %get3A_1248 : vector<16xf32>
        %get3A_1250 = arith.constant 576 : index
        %get3A_1251 = tpu.vector_load %arg12[%get3A_1250] {strides = array<i32>} : memref<768xf32, #tpu.memory_space<vmem>>, vector<16xf32>,
        %add3A_1252 = arith.addf %mul3A_1249, %get3A_1251 : vector<16xf32>
        %swap3A_1253 = arith.index_cast %scan3A_44 : i32 to index
        %swap3A_1254 = arith.constant 576 : index
        %swap3A_1255 = tpu.vector_load %arg9[%swap3A_1253, %swap3A_1254] {strides = array<i32>} : memref<32x768xf32, #tpu.memory_space<vmem>>, vector<16xf32>,
        tpu.vector_store %arg9[%swap3A_1253, %swap3A_1254], %add3A_1252 {strides = array<i32>} : memref<32x768xf32, #tpu.memory_space<vmem>>, vector<16xf32>,
        %get3A_1256 = arith.index_cast %scan3A_44 : i32 to index
        %get3A_1257 = arith.constant 592 : index
        %get3A_1258 = tpu.vector_load %arg9[%get3A_1256, %get3A_1257] {strides = array<i32>} : memref<32x768xf32, #tpu.memory_space<vmem>>, vector<16xf32>,
        %mul3A_1259 = arith.mulf %get3A_1258, %mul3A_734 : vector<16xf32>
        %add3A_1260 = arith.addf %mul3A_1259, %neg3A_737 : vector<16xf32>
        %get3A_1261 = arith.constant 592 : index
        %get3A_1262 = tpu.vector_load %arg11[%get3A_1261] {strides = array<i32>} : memref<768xf32, #tpu.memory_space<vmem>>, vector<16xf32>,
        %mul3A_1263 = arith.mulf %add3A_1260, %get3A_1262 : vector<16xf32>
        %get3A_1264 = arith.constant 592 : index
        %get3A_1265 = tpu.vector_load %arg12[%get3A_1264] {strides = array<i32>} : memref<768xf32, #tpu.memory_space<vmem>>, vector<16xf32>,
        %add3A_1266 = arith.addf %mul3A_1263, %get3A_1265 : vector<16xf32>
        %swap3A_1267 = arith.index_cast %scan3A_44 : i32 to index
        %swap3A_1268 = arith.constant 592 : index
        %swap3A_1269 = tpu.vector_load %arg9[%swap3A_1267, %swap3A_1268] {strides = array<i32>} : memref<32x768xf32, #tpu.memory_space<vmem>>, vector<16xf32>,
        tpu.vector_store %arg9[%swap3A_1267, %swap3A_1268], %add3A_1266 {strides = array<i32>} : memref<32x768xf32, #tpu.memory_space<vmem>>, vector<16xf32>,
        %get3A_1270 = arith.index_cast %scan3A_44 : i32 to index
        %get3A_1271 = arith.constant 608 : index
        %get3A_1272 = tpu.vector_load %arg9[%get3A_1270, %get3A_1271] {strides = array<i32>} : memref<32x768xf32, #tpu.memory_space<vmem>>, vector<16xf32>,
        %mul3A_1273 = arith.mulf %get3A_1272, %mul3A_734 : vector<16xf32>
        %add3A_1274 = arith.addf %mul3A_1273, %neg3A_737 : vector<16xf32>
        %get3A_1275 = arith.constant 608 : index
        %get3A_1276 = tpu.vector_load %arg11[%get3A_1275] {strides = array<i32>} : memref<768xf32, #tpu.memory_space<vmem>>, vector<16xf32>,
        %mul3A_1277 = arith.mulf %add3A_1274, %get3A_1276 : vector<16xf32>
        %get3A_1278 = arith.constant 608 : index
        %get3A_1279 = tpu.vector_load %arg12[%get3A_1278] {strides = array<i32>} : memref<768xf32, #tpu.memory_space<vmem>>, vector<16xf32>,
        %add3A_1280 = arith.addf %mul3A_1277, %get3A_1279 : vector<16xf32>
        %swap3A_1281 = arith.index_cast %scan3A_44 : i32 to index
        %swap3A_1282 = arith.constant 608 : index
        %swap3A_1283 = tpu.vector_load %arg9[%swap3A_1281, %swap3A_1282] {strides = array<i32>} : memref<32x768xf32, #tpu.memory_space<vmem>>, vector<16xf32>,
        tpu.vector_store %arg9[%swap3A_1281, %swap3A_1282], %add3A_1280 {strides = array<i32>} : memref<32x768xf32, #tpu.memory_space<vmem>>, vector<16xf32>,
        %get3A_1284 = arith.index_cast %scan3A_44 : i32 to index
        %get3A_1285 = arith.constant 624 : index
        %get3A_1286 = tpu.vector_load %arg9[%get3A_1284, %get3A_1285] {strides = array<i32>} : memref<32x768xf32, #tpu.memory_space<vmem>>, vector<16xf32>,
        %mul3A_1287 = arith.mulf %get3A_1286, %mul3A_734 : vector<16xf32>
        %add3A_1288 = arith.addf %mul3A_1287, %neg3A_737 : vector<16xf32>
        %get3A_1289 = arith.constant 624 : index
        %get3A_1290 = tpu.vector_load %arg11[%get3A_1289] {strides = array<i32>} : memref<768xf32, #tpu.memory_space<vmem>>, vector<16xf32>,
        %mul3A_1291 = arith.mulf %add3A_1288, %get3A_1290 : vector<16xf32>
        %get3A_1292 = arith.constant 624 : index
        %get3A_1293 = tpu.vector_load %arg12[%get3A_1292] {strides = array<i32>} : memref<768xf32, #tpu.memory_space<vmem>>, vector<16xf32>,
        %add3A_1294 = arith.addf %mul3A_1291, %get3A_1293 : vector<16xf32>
        %swap3A_1295 = arith.index_cast %scan3A_44 : i32 to index
        %swap3A_1296 = arith.constant 624 : index
        %swap3A_1297 = tpu.vector_load %arg9[%swap3A_1295, %swap3A_1296] {strides = array<i32>} : memref<32x768xf32, #tpu.memory_space<vmem>>, vector<16xf32>,
        tpu.vector_store %arg9[%swap3A_1295, %swap3A_1296], %add3A_1294 {strides = array<i32>} : memref<32x768xf32, #tpu.memory_space<vmem>>, vector<16xf32>,
        %get3A_1298 = arith.index_cast %scan3A_44 : i32 to index
        %get3A_1299 = arith.constant 640 : index
        %get3A_1300 = tpu.vector_load %arg9[%get3A_1298, %get3A_1299] {strides = array<i32>} : memref<32x768xf32, #tpu.memory_space<vmem>>, vector<16xf32>,
        %mul3A_1301 = arith.mulf %get3A_1300, %mul3A_734 : vector<16xf32>
        %add3A_1302 = arith.addf %mul3A_1301, %neg3A_737 : vector<16xf32>
        %get3A_1303 = arith.constant 640 : index
        %get3A_1304 = tpu.vector_load %arg11[%get3A_1303] {strides = array<i32>} : memref<768xf32, #tpu.memory_space<vmem>>, vector<16xf32>,
        %mul3A_1305 = arith.mulf %add3A_1302, %get3A_1304 : vector<16xf32>
        %get3A_1306 = arith.constant 640 : index
        %get3A_1307 = tpu.vector_load %arg12[%get3A_1306] {strides = array<i32>} : memref<768xf32, #tpu.memory_space<vmem>>, vector<16xf32>,
        %add3A_1308 = arith.addf %mul3A_1305, %get3A_1307 : vector<16xf32>
        %swap3A_1309 = arith.index_cast %scan3A_44 : i32 to index
        %swap3A_1310 = arith.constant 640 : index
        %swap3A_1311 = tpu.vector_load %arg9[%swap3A_1309, %swap3A_1310] {strides = array<i32>} : memref<32x768xf32, #tpu.memory_space<vmem>>, vector<16xf32>,
        tpu.vector_store %arg9[%swap3A_1309, %swap3A_1310], %add3A_1308 {strides = array<i32>} : memref<32x768xf32, #tpu.memory_space<vmem>>, vector<16xf32>,
        %get3A_1312 = arith.index_cast %scan3A_44 : i32 to index
        %get3A_1313 = arith.constant 656 : index
        %get3A_1314 = tpu.vector_load %arg9[%get3A_1312, %get3A_1313] {strides = array<i32>} : memref<32x768xf32, #tpu.memory_space<vmem>>, vector<16xf32>,
        %mul3A_1315 = arith.mulf %get3A_1314, %mul3A_734 : vector<16xf32>
        %add3A_1316 = arith.addf %mul3A_1315, %neg3A_737 : vector<16xf32>
        %get3A_1317 = arith.constant 656 : index
        %get3A_1318 = tpu.vector_load %arg11[%get3A_1317] {strides = array<i32>} : memref<768xf32, #tpu.memory_space<vmem>>, vector<16xf32>,
        %mul3A_1319 = arith.mulf %add3A_1316, %get3A_1318 : vector<16xf32>
        %get3A_1320 = arith.constant 656 : index
        %get3A_1321 = tpu.vector_load %arg12[%get3A_1320] {strides = array<i32>} : memref<768xf32, #tpu.memory_space<vmem>>, vector<16xf32>,
        %add3A_1322 = arith.addf %mul3A_1319, %get3A_1321 : vector<16xf32>
        %swap3A_1323 = arith.index_cast %scan3A_44 : i32 to index
        %swap3A_1324 = arith.constant 656 : index
        %swap3A_1325 = tpu.vector_load %arg9[%swap3A_1323, %swap3A_1324] {strides = array<i32>} : memref<32x768xf32, #tpu.memory_space<vmem>>, vector<16xf32>,
        tpu.vector_store %arg9[%swap3A_1323, %swap3A_1324], %add3A_1322 {strides = array<i32>} : memref<32x768xf32, #tpu.memory_space<vmem>>, vector<16xf32>,
        %get3A_1326 = arith.index_cast %scan3A_44 : i32 to index
        %get3A_1327 = arith.constant 672 : index
        %get3A_1328 = tpu.vector_load %arg9[%get3A_1326, %get3A_1327] {strides = array<i32>} : memref<32x768xf32, #tpu.memory_space<vmem>>, vector<16xf32>,
        %mul3A_1329 = arith.mulf %get3A_1328, %mul3A_734 : vector<16xf32>
        %add3A_1330 = arith.addf %mul3A_1329, %neg3A_737 : vector<16xf32>
        %get3A_1331 = arith.constant 672 : index
        %get3A_1332 = tpu.vector_load %arg11[%get3A_1331] {strides = array<i32>} : memref<768xf32, #tpu.memory_space<vmem>>, vector<16xf32>,
        %mul3A_1333 = arith.mulf %add3A_1330, %get3A_1332 : vector<16xf32>
        %get3A_1334 = arith.constant 672 : index
        %get3A_1335 = tpu.vector_load %arg12[%get3A_1334] {strides = array<i32>} : memref<768xf32, #tpu.memory_space<vmem>>, vector<16xf32>,
        %add3A_1336 = arith.addf %mul3A_1333, %get3A_1335 : vector<16xf32>
        %swap3A_1337 = arith.index_cast %scan3A_44 : i32 to index
        %swap3A_1338 = arith.constant 672 : index
        %swap3A_1339 = tpu.vector_load %arg9[%swap3A_1337, %swap3A_1338] {strides = array<i32>} : memref<32x768xf32, #tpu.memory_space<vmem>>, vector<16xf32>,
        tpu.vector_store %arg9[%swap3A_1337, %swap3A_1338], %add3A_1336 {strides = array<i32>} : memref<32x768xf32, #tpu.memory_space<vmem>>, vector<16xf32>,
        %get3A_1340 = arith.index_cast %scan3A_44 : i32 to index
        %get3A_1341 = arith.constant 688 : index
        %get3A_1342 = tpu.vector_load %arg9[%get3A_1340, %get3A_1341] {strides = array<i32>} : memref<32x768xf32, #tpu.memory_space<vmem>>, vector<16xf32>,
        %mul3A_1343 = arith.mulf %get3A_1342, %mul3A_734 : vector<16xf32>
        %add3A_1344 = arith.addf %mul3A_1343, %neg3A_737 : vector<16xf32>
        %get3A_1345 = arith.constant 688 : index
        %get3A_1346 = tpu.vector_load %arg11[%get3A_1345] {strides = array<i32>} : memref<768xf32, #tpu.memory_space<vmem>>, vector<16xf32>,
        %mul3A_1347 = arith.mulf %add3A_1344, %get3A_1346 : vector<16xf32>
        %get3A_1348 = arith.constant 688 : index
        %get3A_1349 = tpu.vector_load %arg12[%get3A_1348] {strides = array<i32>} : memref<768xf32, #tpu.memory_space<vmem>>, vector<16xf32>,
        %add3A_1350 = arith.addf %mul3A_1347, %get3A_1349 : vector<16xf32>
        %swap3A_1351 = arith.index_cast %scan3A_44 : i32 to index
        %swap3A_1352 = arith.constant 688 : index
        %swap3A_1353 = tpu.vector_load %arg9[%swap3A_1351, %swap3A_1352] {strides = array<i32>} : memref<32x768xf32, #tpu.memory_space<vmem>>, vector<16xf32>,
        tpu.vector_store %arg9[%swap3A_1351, %swap3A_1352], %add3A_1350 {strides = array<i32>} : memref<32x768xf32, #tpu.memory_space<vmem>>, vector<16xf32>,
        %get3A_1354 = arith.index_cast %scan3A_44 : i32 to index
        %get3A_1355 = arith.constant 704 : index
        %get3A_1356 = tpu.vector_load %arg9[%get3A_1354, %get3A_1355] {strides = array<i32>} : memref<32x768xf32, #tpu.memory_space<vmem>>, vector<16xf32>,
        %mul3A_1357 = arith.mulf %get3A_1356, %mul3A_734 : vector<16xf32>
        %add3A_1358 = arith.addf %mul3A_1357, %neg3A_737 : vector<16xf32>
        %get3A_1359 = arith.constant 704 : index
        %get3A_1360 = tpu.vector_load %arg11[%get3A_1359] {strides = array<i32>} : memref<768xf32, #tpu.memory_space<vmem>>, vector<16xf32>,
        %mul3A_1361 = arith.mulf %add3A_1358, %get3A_1360 : vector<16xf32>
        %get3A_1362 = arith.constant 704 : index
        %get3A_1363 = tpu.vector_load %arg12[%get3A_1362] {strides = array<i32>} : memref<768xf32, #tpu.memory_space<vmem>>, vector<16xf32>,
        %add3A_1364 = arith.addf %mul3A_1361, %get3A_1363 : vector<16xf32>
        %swap3A_1365 = arith.index_cast %scan3A_44 : i32 to index
        %swap3A_1366 = arith.constant 704 : index
        %swap3A_1367 = tpu.vector_load %arg9[%swap3A_1365, %swap3A_1366] {strides = array<i32>} : memref<32x768xf32, #tpu.memory_space<vmem>>, vector<16xf32>,
        tpu.vector_store %arg9[%swap3A_1365, %swap3A_1366], %add3A_1364 {strides = array<i32>} : memref<32x768xf32, #tpu.memory_space<vmem>>, vector<16xf32>,
        %get3A_1368 = arith.index_cast %scan3A_44 : i32 to index
        %get3A_1369 = arith.constant 720 : index
        %get3A_1370 = tpu.vector_load %arg9[%get3A_1368, %get3A_1369] {strides = array<i32>} : memref<32x768xf32, #tpu.memory_space<vmem>>, vector<16xf32>,
        %mul3A_1371 = arith.mulf %get3A_1370, %mul3A_734 : vector<16xf32>
        %add3A_1372 = arith.addf %mul3A_1371, %neg3A_737 : vector<16xf32>
        %get3A_1373 = arith.constant 720 : index
        %get3A_1374 = tpu.vector_load %arg11[%get3A_1373] {strides = array<i32>} : memref<768xf32, #tpu.memory_space<vmem>>, vector<16xf32>,
        %mul3A_1375 = arith.mulf %add3A_1372, %get3A_1374 : vector<16xf32>
        %get3A_1376 = arith.constant 720 : index
        %get3A_1377 = tpu.vector_load %arg12[%get3A_1376] {strides = array<i32>} : memref<768xf32, #tpu.memory_space<vmem>>, vector<16xf32>,
        %add3A_1378 = arith.addf %mul3A_1375, %get3A_1377 : vector<16xf32>
        %swap3A_1379 = arith.index_cast %scan3A_44 : i32 to index
        %swap3A_1380 = arith.constant 720 : index
        %swap3A_1381 = tpu.vector_load %arg9[%swap3A_1379, %swap3A_1380] {strides = array<i32>} : memref<32x768xf32, #tpu.memory_space<vmem>>, vector<16xf32>,
        tpu.vector_store %arg9[%swap3A_1379, %swap3A_1380], %add3A_1378 {strides = array<i32>} : memref<32x768xf32, #tpu.memory_space<vmem>>, vector<16xf32>,
        %get3A_1382 = arith.index_cast %scan3A_44 : i32 to index
        %get3A_1383 = arith.constant 736 : index
        %get3A_1384 = tpu.vector_load %arg9[%get3A_1382, %get3A_1383] {strides = array<i32>} : memref<32x768xf32, #tpu.memory_space<vmem>>, vector<16xf32>,
        %mul3A_1385 = arith.mulf %get3A_1384, %mul3A_734 : vector<16xf32>
        %add3A_1386 = arith.addf %mul3A_1385, %neg3A_737 : vector<16xf32>
        %get3A_1387 = arith.constant 736 : index
        %get3A_1388 = tpu.vector_load %arg11[%get3A_1387] {strides = array<i32>} : memref<768xf32, #tpu.memory_space<vmem>>, vector<16xf32>,
        %mul3A_1389 = arith.mulf %add3A_1386, %get3A_1388 : vector<16xf32>
        %get3A_1390 = arith.constant 736 : index
        %get3A_1391 = tpu.vector_load %arg12[%get3A_1390] {strides = array<i32>} : memref<768xf32, #tpu.memory_space<vmem>>, vector<16xf32>,
        %add3A_1392 = arith.addf %mul3A_1389, %get3A_1391 : vector<16xf32>
        %swap3A_1393 = arith.index_cast %scan3A_44 : i32 to index
        %swap3A_1394 = arith.constant 736 : index
        %swap3A_1395 = tpu.vector_load %arg9[%swap3A_1393, %swap3A_1394] {strides = array<i32>} : memref<32x768xf32, #tpu.memory_space<vmem>>, vector<16xf32>,
        tpu.vector_store %arg9[%swap3A_1393, %swap3A_1394], %add3A_1392 {strides = array<i32>} : memref<32x768xf32, #tpu.memory_space<vmem>>, vector<16xf32>,
        %get3A_1396 = arith.index_cast %scan3A_44 : i32 to index
        %get3A_1397 = arith.constant 752 : index
        %get3A_1398 = tpu.vector_load %arg9[%get3A_1396, %get3A_1397] {strides = array<i32>} : memref<32x768xf32, #tpu.memory_space<vmem>>, vector<16xf32>,
        %mul3A_1399 = arith.mulf %get3A_1398, %mul3A_734 : vector<16xf32>
        %add3A_1400 = arith.addf %mul3A_1399, %neg3A_737 : vector<16xf32>
        %get3A_1401 = arith.constant 752 : index
        %get3A_1402 = tpu.vector_load %arg11[%get3A_1401] {strides = array<i32>} : memref<768xf32, #tpu.memory_space<vmem>>, vector<16xf32>,
        %mul3A_1403 = arith.mulf %add3A_1400, %get3A_1402 : vector<16xf32>
        %get3A_1404 = arith.constant 752 : index
        %get3A_1405 = tpu.vector_load %arg12[%get3A_1404] {strides = array<i32>} : memref<768xf32, #tpu.memory_space<vmem>>, vector<16xf32>,
        %add3A_1406 = arith.addf %mul3A_1403, %get3A_1405 : vector<16xf32>
        %swap3A_1407 = arith.index_cast %scan3A_44 : i32 to index
        %swap3A_1408 = arith.constant 752 : index
        %swap3A_1409 = tpu.vector_load %arg9[%swap3A_1407, %swap3A_1408] {strides = array<i32>} : memref<32x768xf32, #tpu.memory_space<vmem>>, vector<16xf32>,
        tpu.vector_store %arg9[%swap3A_1407, %swap3A_1408], %add3A_1406 {strides = array<i32>} : memref<32x768xf32, #tpu.memory_space<vmem>>, vector<16xf32>,
        %scan3A_1410 = arith.constant 0 : i32
        scf.yield %scan3A_1410 : i32
      }
      %scan3A_42 = arith.constant 32 : i32
      "tpu.region"() ({
        %run_scoped3A = tpu.sem_alloc : memref<!tpu.dma_semaphore, #tpu.memory_space<semaphore_mem>>
        %dma_start3A_44 = arith.constant 0 : i32
        %dma_start3A_45 = tpu.memref_slice %arg7[%scan3A_22, %add3A_14, %dma_start3A_44] : memref<4x2048x768xf32, #tpu.memory_space<hbm>> -> memref<1x32x768xf32, #tpu.memory_space<hbm>>
        %dma_start3A_46 = tpu.memref_squeeze %dma_start3A_45 : memref<1x32x768xf32, #tpu.memory_space<hbm>> -> memref<32x768xf32, #tpu.memory_space<hbm>>
        %dma_start3A_47 = arith.constant 0 : i32
        %dma_start3A_48 = tpu.memref_slice %arg7[%scan3A_22, %add3A_14, %dma_start3A_47] : memref<4x2048x768xf32, #tpu.memory_space<hbm>> -> memref<1x32x768xf32, #tpu.memory_space<hbm>>
        %dma_start3A_49 = tpu.memref_squeeze %dma_start3A_48 : memref<1x32x768xf32, #tpu.memory_space<hbm>> -> memref<32x768xf32, #tpu.memory_space<hbm>>
        tpu.enqueue_dma source(%arg9 : memref<32x768xf32, #tpu.memory_space<vmem>>) target(%dma_start3A_49 : memref<32x768xf32, #tpu.memory_space<hbm>>) target_semaphore(%run_scoped3A : memref<!tpu.dma_semaphore, #tpu.memory_space<semaphore_mem>>)
        %dma_wait3A_50 = arith.constant 0 : i32
        %dma_wait3A_51 = tpu.memref_slice %arg7[%scan3A_22, %add3A_14, %dma_wait3A_50] : memref<4x2048x768xf32, #tpu.memory_space<hbm>> -> memref<1x32x768xf32, #tpu.memory_space<hbm>>
        %dma_wait3A_52 = tpu.memref_squeeze %dma_wait3A_51 : memref<1x32x768xf32, #tpu.memory_space<hbm>> -> memref<32x768xf32, #tpu.memory_space<hbm>>
        %dma_wait3A_53 = arith.constant 0 : i32
        %dma_wait3A_54 = tpu.memref_slice %arg7[%scan3A_22, %add3A_14, %dma_wait3A_53] : memref<4x2048x768xf32, #tpu.memory_space<hbm>> -> memref<1x32x768xf32, #tpu.memory_space<hbm>>
        %dma_wait3A_55 = tpu.memref_squeeze %dma_wait3A_54 : memref<1x32x768xf32, #tpu.memory_space<hbm>> -> memref<32x768xf32, #tpu.memory_space<hbm>>
        tpu.wait_dma2 semaphore(%run_scoped3A : memref<!tpu.dma_semaphore, #tpu.memory_space<semaphore_mem>>) src(%arg9 : memref<32x768xf32, #tpu.memory_space<vmem>>) dst(%dma_wait3A_55 : memref<32x768xf32, #tpu.memory_space<hbm>>)
        tpu.yield
      }) : () -> ()
      %scan3A_43 = arith.constant 0 : i32
      scf.yield %scan3A_43 : i32
    }
    %scan3A_21 = arith.constant 4 : i32
    return
  }
}

</mosaic_0001>

<sc_bundles>
// kernel: _run.3.cloned.1.call-start
scs
__scs_entry_jumppad:
0x0: {  	(pc) =	sbr.rel $0x88, $3  }
0x1: {  	(tag) =	ssettag $0x0;
	lr =	simm.s32 $0x1  }
0x2: {  	[smem:$0x3F9C] =	sst lr;
	_ =	strace $0xD0000000  }
0x3: {  	_ = 	snop  }
0x4: {  	_ = 	snop  }
0x5: {  	_ = 	snop  }
0x6: {  	_ = 	snop  }
0x7: {  	_ = 	snop  }
__scs_overlays_trampoline_lowered:
0x8: {  	[smem:$0x3FAB] =	sst s0  }
0x9: {  	[smem:$0x3FAC] =	sst s1  }
0xa: {  	[smem:$0x3FAD] =	sst s2  }
0xb: {  	[smem:$0x3FAE] =	sst s3  }
0xc: {  	[smem:$0x3FAF] =	sst s4  }
0xd: {  	[smem:$0x3FB0] =	sst s5  }
0xe: {  	[smem:$0x3FB1] =	sst s6  }
0xf: {  	[smem:$0x3FB2] =	sst s7  }
0x10: {  	[smem:$0x3FB3] =	sst s8  }
0x11: {  	[smem:$0x3FB4] =	sst s9;
	s0 =	simm.s32 @!p0 $0x0  }
0x12: {  	s1 =	sld [smem:$0x3F9A];
	s0 =	simm.s32 @p0 $0x1  }
0x13: {  	[smem:$0x3FB5] =	sst s0;
	s0 =	simm.s32 @!p1 $0x0  }
0x14: {  	s2 =	sld [smem:$0x3F99];
	s0 =	simm.s32 @p1 $0x1  }
0x15: {  	[smem:$0x3FB6] =	sst s0;
	s0 =	simm.s32 @!p2 $0x0  }
0x16: {  	s3 =	sld [smem:$0x3FDB];
	s0 =	simm.s32 @p2 $0x1  }
0x17: {  	s4 =	simm.s32 $0x1BF5;
	[smem:$0x3FB8] =	sst s0  }
0x18: {  	s0 =	sld [smem:$0x3F9B];
	_ =	swait.ge [sflag:s4], $0x0  }
0x19: {  	s7 =	sld [smem:$0x3F9C]  }
0x1a: {  	s8 =	sadd.s32 $0xFFFFE003, lr  }
0x1b: {  	s9 =	sadd.s32 $0xFFFFFEF7, lr;
	s5 =	simm.s32 $0xFFFFFFFF;
	p2 =	slt.u32 s8, $0xFFFFF086  }
0x1c: {  	p1 =	slt.u32 s9, $0xF7A;
	s5 =	simm.s32 @!p2 $0x0  }
0x1d: {  	s5 =	simm.s32 @p1 $0x1;
	p0 =	seq.s32 s7, s2  }
0x1e: {  	s7 =	smul.u32 @!p0 $0xF7A, s2;
	p2 =	seq.s32 @!p0 s5, $0x0  }
0x1f: {  	s9 =	smul.u32 $0xF7A, s1;
	s8 =	simm.s32 @!p0 $0x1BF5;
	p2 =	por !p2, p0  }
0x20: {  	[sflag:s8] =	ssyncset.s32 @!p0 $0xFFFFF086;
	s6 =	sadd.s32 @!p0 s3, s7;
	s7 =	simm.s32 @!p0 $0x108  }
0x21: {  	s3 =	sadd.s32 s3, s9;
	s6 =	sadd.s32 @!p0 $0x88, s6;
	s7 =	simm.s32 @p2 $0x1082  }
0x22: {  	[simem:s7], [sflag:s8] =	dma.local @!p0 [hbm:s6], $0xF7A  }
0x23: {  	s9 =	sor.u32 $0xD0000000, s2;
	s6 =	simm.s32 $0x108;
	_ =	swait.ge @!p0 [sflag:s8], $0x0  }
0x24: {  	s3 =	sadd.s32 $0x88, s3;
	s6 =	simm.s32 @!p1 $0x1082;
	[sflag:s4] =	ssyncset.s32 $0xFFFFF086  }
0x25: {  	[simem:s6], [sflag:s4] =	dma.local [hbm:s3], $0xF7A  }
0x26: {  	[smem:$0x3F9C] =	sst s1;
	(tag) =	ssettag s2;
	_ =	strace s9  }
0x27: {  	s1 =	sld [smem:$0x3FAC]  }
0x28: {  	s2 =	sld [smem:$0x3FAD]  }
0x29: {  	s4 =	sld [smem:$0x3FAF]  }
0x2a: {  	p0 =	seq.s32 s5, $0x0;
	s5 =	sld [smem:$0x3FB0]  }
0x2b: {  	s6 =	sld [smem:$0x3FB1]  }
0x2c: {  	s7 =	sld [smem:$0x3FB2]  }
0x2d: {  	s3 =	simm.s32 $0x108;
	s8 =	sld [smem:$0x3FB3]  }
0x2e: {  	s3 =	simm.s32 @!p0 $0x1082;
	s9 =	sld [smem:$0x3FB4]  }
0x2f: {  	lr =	sadd.s32 s0, s3;
	s0 =	sld [smem:$0x3FAB]  }
0x30: {  	s3 =	sld [smem:$0x3FAE]  }
0x31: {  	[smem:$0x3FB7] =	sst s10  }
0x32: {  	s10 =	sld [smem:$0x3FB5];
	_ =	sdelay $0x3  }
0x33: {  	p0 =	seq.s32 s10, $0x1;
	s10 =	sld [smem:$0x3FB7];
	_ =	sdelay $0x3  }
0x34: {  	[smem:$0x3FB7] =	sst s10  }
0x35: {  	s10 =	sld [smem:$0x3FB6];
	_ =	sdelay $0x3  }
0x36: {  	p1 =	seq.s32 s10, $0x1;
	s10 =	sld [smem:$0x3FB7];
	_ =	sdelay $0x3  }
0x37: {  	[smem:$0x3FB7] =	sst s10  }
0x38: {  	s10 =	sld [smem:$0x3FB8]  }
0x39: {  	_ = 	snop;
	(pc) =	sbr.ind lr, $3  }
0x3a: {  	_ = 	snop  }
0x3b: {  	_ = 	snop  }
0x3c: {  	p2 =	seq.s32 s10, $0x1;
	s10 =	sld [smem:$0x3FB7]  }
0x3d: {  	_ =	shalt  }
0x3e: {  	_ =	shalt  }
0x3f: {  	_ =	shalt  }
0x40: {  	_ =	shalt  }
0x41: {  	_ =	shalt  }
0x42: {  	_ =	shalt  }
0x43: {  	_ =	shalt  }
0x44: {  	_ =	shalt  }
0x45: {  	_ =	shalt  }
0x46: {  	_ =	shalt  }
0x47: {  	_ =	shalt  }
0x48: {  	_ =	shalt  }
0x49: {  	_ =	shalt  }
0x4a: {  	_ =	shalt  }
0x4b: {  	_ =	shalt  }
0x4c: {  	_ =	shalt  }
0x4d: {  	_ =	shalt  }
0x4e: {  	_ =	shalt  }
0x4f: {  	_ =	shalt  }
0x50: {  	_ =	shalt  }
0x51: {  	_ =	shalt  }
0x52: {  	_ =	shalt  }
0x53: {  	_ =	shalt  }
0x54: {  	_ =	shalt  }
0x55: {  	_ =	shalt  }
0x56: {  	_ =	shalt  }
0x57: {  	_ =	shalt  }
0x58: {  	_ =	shalt  }
0x59: {  	_ =	shalt  }
0x5a: {  	_ =	shalt  }
0x5b: {  	_ =	shalt  }
0x5c: {  	_ =	shalt  }
0x5d: {  	_ =	shalt  }
0x5e: {  	_ =	shalt  }
0x5f: {  	_ =	shalt  }
0x60: {  	_ =	shalt  }
0x61: {  	_ =	shalt  }
0x62: {  	_ =	shalt  }
0x63: {  	_ =	shalt  }
0x64: {  	_ =	shalt  }
0x65: {  	_ =	shalt  }
0x66: {  	_ =	shalt  }
0x67: {  	_ =	shalt  }
0x68: {  	_ =	shalt  }
0x69: {  	_ =	shalt  }
0x6a: {  	_ =	shalt  }
0x6b: {  	_ =	shalt  }
0x6c: {  	_ =	shalt  }
0x6d: {  	_ =	shalt  }
0x6e: {  	_ =	shalt  }
0x6f: {  	_ =	shalt  }
0x70: {  	_ =	shalt  }
0x71: {  	_ =	shalt  }
0x72: {  	_ =	shalt  }
0x73: {  	_ =	shalt  }
0x74: {  	_ =	shalt  }
0x75: {  	_ =	shalt  }
0x76: {  	_ =	shalt  }
0x77: {  	_ =	shalt  }
0x78: {  	_ =	shalt  }
0x79: {  	_ =	shalt  }
0x7a: {  	_ =	shalt  }
0x7b: {  	_ =	shalt  }
0x7c: {  	_ =	shalt  }
0x7d: {  	_ =	shalt  }
0x7e: {  	_ =	shalt  }
0x7f: {  	_ =	shalt  }
0x80: {  	_ =	shalt  }
0x81: {  	_ =	shalt  }
0x82: {  	_ =	shalt  }
0x83: {  	_ =	shalt  }
0x84: {  	_ =	shalt  }
0x85: {  	_ =	shalt  }
0x86: {  	_ =	shalt  }
0x87: {  	_ =	shalt  }
.Lfunc_end0:
.L_simem_size_0:
called_computation_lowered:
.L_overlay_start_0:
0x88: {  	s2 =	sld [smem:$0x3FD9]  }
0x89: {  	s3 =	sld [smem:$0x3FFE];
	_ =	sdelay $0x1  }
0x8a: {  	s1 =	srdreg.scid  }
0x8b: {  	s0 =	sand.u32 $0x1, s1  }
0x8c: {  	s18 =	sshll.u32 s0, $0xA;
	s2 =	sadd.s32 s3, s2  }
0x8d: {  	s2 =	sadd.s32 s2, s18  }
0x8e: {  	[smem:$0x3FC3] =	sst s2  }
0x8f: {  	_ = 	snop  }
0x90: {  	s2 =	sld [smem:$0x3FC9]  }
0x91: {  	s19 =	sld [smem:$0x3FC8]  }
0x92: {  	s4 =	sld [smem:$0x3FC7]  }
0x93: {  	s5 =	sld [smem:$0x3FC6]  }
0x94: {  	s6 =	sld [smem:$0x3FC5]  }
0x95: {  	s7 =	sld [smem:$0x3FD0];
	(tm) =	ssettm $0x1  }
0x96: {  	s8 =	sld [smem:$0x3FFB];
	_ =	sdelay $0x3  }
0x97: {  	_ =	strace s8  }
0x98: {  	s8 =	sld [smem:$0x3FFC];
	_ =	sdelay $0x3  }
0x99: {  	_ =	strace s8  }
0x9a: {  	s8 =	sld [smem:$0x3FFD];
	_ =	sdelay $0x3  }
0x9b: {  	_ =	strace s8  }
0x9c: {  	_ =	strace $0x8FFFFFFF  }
0x9d: {  	s20 =	sld [smem:$0x3FDB];
	_ =	sdelay $0x1  }
0x9e: {  	s9 =	simm.s32 $_scs_section_size  }
0x9f: {  	s10 =	simm.s32 $_size__tile_overlayer_lowered;
	s11 =	simm.s32 $_tile_overlayer_lowered  }
0xa0: {  	s23 =	simm.s32 $0x1BFF;
	s22 =	sshll.u32 s11, $0x1;
	s8 =	sadd.s32 s9, s20  }
0xa1: {  	s12 =	simm.s32 $0x0;
	s21 =	sshll.u32 s10, $0x1;
	s10 =	sadd.s32 s22, s8  }
0xa2: {  	[timem:s12], [sflag:s23] =	dma.local [hbm:s10], s21  }
0xa3: {  	_ =	swait.ge [sflag:s23], s21  }
0xa4: {  	s9 =	ssub.s32 $0x0, s21;
	[sflag:s23] =	ssyncset.done $0x0  }
0xa5: {  	[sflag:s23] =	ssyncadd.s32 s9;
	_ =	sdelay $0x1  }
0xa6: {  	s24 =	simm.s32 $0x1B8B  }
0xa7: {  	_ =	swait.ge [sflag:s24], $0x1  }
0xa8: {  	[sflag:s24] =	ssyncset.done $0x0  }
0xa9: {  	s25 =	simm.s32 $0x1B8E;
	[sflag:s24] =	ssyncadd.s32 $0xFFFFFFFF  }
0xaa: {  	s26 =	simm.s32 $execute0_lowered;
	[smem:$0x3FD2] =	sst s25  }
0xab: {  	s9 =	sshll.u32 s26, $0x1;
	_ =	strace $0x80000046;
	[dreg:$0x1] =	wrdreg $0xFFFFFFFF  }
0xac: {  	s28 =	simm.s32 $_size_execute0_lowered;
	s8 =	sadd.s32 s8, s9;
	[dreg:$0x0] =	wrdreg $0x0  }
0xad: {  	s9 =	sshll.u32 s28, $0x1;
	[dreg:$0x2] =	wrdreg s8  }
0xae: {  	[dreg:$0x3] =	wrdreg s9  }
0xaf: {  	[dreg:$0x4] =	wrdreg $0xC0  }
0xb0: {  	_ =	task [dreg:s12], $0x5FFFF  }
0xb1: {  	[dreg:$0x1] =	wrdreg $0xFFFFFFFF  }
0xb2: {  	[dreg:$0x0] =	wrdreg $0x60  }
0xb3: {  	[dreg:$0x2] =	wrdreg s2  }
0xb4: {  	[dreg:$0x3] =	wrdreg s19  }
0xb5: {  	[dreg:$0x4] =	wrdreg s4  }
0xb6: {  	[dreg:$0x5] =	wrdreg s5  }
0xb7: {  	[dreg:$0x6] =	wrdreg s6  }
0xb8: {  	[dreg:$0x7] =	wrdreg s7  }
0xb9: {  	[dreg:$0x8] =	wrdreg $0x9  }
0xba: {  	_ =	task.clear_ibuf [dreg:s12], $0x9FFFF;
	_ =	strace $0x90000046  }
0xbb: {  	s29 =	simm.s32 $0x9;
	_ =	strace $0x80000048  }
0xbc: {  	_ =	swait.ge [sflag:s29], $0x1  }
0xbd: {  	[sflag:s29] =	ssyncadd.s32 $0xFFFFFFFF  }
0xbe: {  	_ =	strace $0x90000048  }
0xbf: {  	_ =	sfence  }
0xc0: {  	s30 =	sld [smem:$0x0];
	_ =	sdelay $0x2  }
0xc1: {  	s31 =	sshll.u32 s1, $0xD;
	s1 =	sshrl.u32 s1, $0x2  }
0xc2: {  	s3 =	sand.u32 $0x4000, s31;
	s1 =	sadd.s32 s1, s30  }
0xc3: {  	s0 =	sor.u32 s3, s0;
	s1 =	sshll.u32 s1, $0x11  }
0xc4: {  	s0 =	sor.u32 s1, s0  }
0xc5: {  	s0 =	sadd.s32 $0x8F2B, s0  }
0xc6: {  	[sflag:s0] =	ssyncadd.remote.s32 $0x1  }
0xc7: {  	_ =	sfence.sel $0xFFFF  }
0xc8: {  	[dreg:$0x0] =	wrdreg $0xFFFFFFFF;
	(pc) =	sbr.abs _section_cstart, $3  }
0xc9: {  	[dreg:$0x1] =	wrdreg $0xFFFFFFFF  }
0xca: {  	_ =	task.clear_ibuf [dreg:s12], $0x2FFFF;
	_ =	strace $0x9FFFFFFF  }
0xcb: {  	(tm) =	ssettm $0x7FFFFFFF  }
tec
execute0_lowered:
.L_overlay_start_1:
0x0: {  	(tag) =	ssettag $0x1  }
0x1: {  	s1 =	rddreg [dreg:$0x0]  }
0x2: {  	s0 =	rddreg [dreg:$0x1]  }
0x3: {  	s2 =	rddreg [dreg:$0x2]  }
0x4: {  	s5 =	rddreg [dreg:$0x5]  }
0x5: {  	s3 =	srdreg.scid;
	s4 =	stileid.u32;
	s6 =	simm.s32 $0x0  }
0x6: {  	s15 =	simm.s32 $0x2;
	s19 =	simm.s32 $0x400;
	s20 =	simm.s32 $0xC00  }
0x7: {  	s21 =	simm.s32 $0x1400;
	s22 =	simm.s32 $0x1C00;
	s23 =	simm.s32 $0x2400  }
0x8: {  	s28 =	simm.s32 $0x4400;
	s29 =	simm.s32 $0x4C00;
	s30 =	simm.s32 $0x5400  }
0x9: {  	s31 =	simm.s32 $0x5C00;
	s3 =	sand.u32 $0x1, s3;
	s4 =	sshll.u32 s4, $0x1  }
0xa: {  	[smem:$0x7FF] =	sst s6;
	s11 =	sadd.s32 $0x100, s0;
	s12 =	sadd.s32 $0x200, s0  }
0xb: {  	s8 =	ssub.s32 $0x2, s3;
	s3 =	sor.u32 s3, s4;
	_ =	strace $0x80000047  }
0xc: {  	s24 =	sshrl.u32 s8, $0x1;
	s7 =	smul.u32 $0xC000, s3;
	s3 =	sshll.u32 s3, $0x7  }
0xd: {  	s4 =	ssub.s32 s8, s24;
	s1 =	sadd.s32 s1, s3;
	s8 =	simm.s32 $0x6400  }
0xe: {  	s24 =	simm.s32 $0x2C00;
	[dreg:$0x7] =	wrdreg s1;
	s25 =	sshrl.u32 s7, $0x3  }
0xf: {  	v2 =	vlaneseq.u32;
	s9 =	sadd.s32 $0x6000, s7;
	s14 =	smax.u32 s4, $0x1;
	s1 =	simm.s32 $0x1  }
0x10: {  	vm0 =	vmmov $0xffff;
	v1 =	vshrl.u32 v2, $0x3;
	s10 =	sadd.s32 s2, s25;
	s26 =	sshrl.u32 s9, $0x3;
	s25 =	simm.s32 $0x3400  }
0x11: {  	v0 =	vand.u32 $0x7, v2;
	v2 =	vor.u32 $0x8, v2;
	v1 =	vmul.u32 $0x8, v1;
	s13 =	sadd.s32 s2, s26;
	s26 =	simm.s32 $0x3C00;
	s2 =	simm.s32 $0x0  }
.LBB2_1:
0x12: {  	s3 =	rddreg [dreg:$0x7]  }
0x13: {  	[tilespmem:s6], [sflag:$0x2] =	stream.linear.gather [hbm4b:s3+s6], $0x400, $0x38;
	[tilespmem:$0xCA00] =	vst v63  }
0x14: {  	_ =	swait.ge [sflag:s15], $0x400  }
0x15: {  	[sflag:s15] =	ssyncset.done $0x0  }
0x16: {  	[sflag:s15] =	ssyncadd.s32 $0xFFFFFC00  }
0x17: {  	s4 =	simm.s32 $0xC400;
	s16 =	rddreg [dreg:$0x3]  }
0x18: {  	[tilespmem:s4], [sflag:$0x2] =	stream.linear.gather [hbm4b:s16+s6], $0x300, $0x38;
	[tilespmem:$0xCA00] =	vst v63  }
0x19: {  	_ =	swait.ge [sflag:s15], $0x300  }
0x1a: {  	[sflag:s15] =	ssyncset.done $0x0  }
0x1b: {  	[sflag:s15] =	ssyncadd.s32 $0xFFFFFD00  }
0x1c: {  	s18 =	simm.s32 $0xC700;
	s17 =	rddreg [dreg:$0x4]  }
0x1d: {  	[tilespmem:s18], [sflag:$0x2] =	stream.linear.gather [hbm4b:s17+s6], $0x300, $0x38;
	[tilespmem:$0xCA00] =	vst v63  }
0x1e: {  	_ =	swait.ge [sflag:s15], $0x300  }
0x1f: {  	[sflag:s15] =	ssyncset.done $0x0  }
0x20: {  	[sflag:s15] =	ssyncadd.s32 $0xFFFFFD00  }
0x21: {  	[tilespmem:s8], [sflag:$0x2] =	stream.linear.gather [hbm4b:s10+s6], $0x6000, $0x38;
	[tilespmem:$0xCA00] =	vst v63  }
0x22: {  	_ =	swait.ge [sflag:s15], $0x6000  }
0x23: {  	[sflag:s15] =	ssyncset.done $0x0  }
0x24: {  	s3 =	simm.s32 $0x0;
	[sflag:s15] =	ssyncadd.s32 $0xFFFFA000  }
.LBB2_2:
0x25: {  	s4 =	sshll.u32 s3, $0x7  }
0x26: {  	s16 =	sand.u32 $0x3FFFFF80, s4  }
0x27: {  	v3 =	vld [tilespmem:s16+$0x0];
	_ =	sdelay $0x4  }
0x28: {  	v4 =	vshrl.u32 v3, $0x3  }
0x29: {  	v4 =	vmul.u32 $0x30, v4  }
0x2a: {  	v3 =	vand.u32 $0x7, v3  }
0x2b: {  	v3 =	vor.u32 v3, v4  }
0x2c: {  	v4 =	vperm.xlane v3, v0;
	_ =	sdelay $0x1  }
0x2d: {  	v4 =	vadd.s32 v1, v4;
	_ =	sdelay $0x3  }
0x2e: {  	s4 =	simm.s32 $0x0;
	v3 =	vperm.xlane v3, v2  }
0x2f: {  	[tilespmem:s19], [sflag:$0x1] =	stream.indirect_vreg.gather [hbm4b:s0+s4], $0x80, v4, vm0, $0xb8;
	[tilespmem:$0xCA00] =	vst v63  }
0x30: {  	v3 =	vadd.s32 v1, v3  }
0x31: {  	[tilespmem:s20], [sflag:$0x1] =	stream.indirect_vreg.gather [hbm4b:s11+s4], $0x80, v4, vm0, $0xb8;
	[tilespmem:$0xCA00] =	vst v63  }
0x32: {  	_ = 	snop  }
0x33: {  	[tilespmem:s21], [sflag:$0x1] =	stream.indirect_vreg.gather [hbm4b:s12+s4], $0x80, v4, vm0, $0xb8;
	[tilespmem:$0xCA00] =	vst v63  }
0x34: {  	_ = 	snop  }
0x35: {  	[tilespmem:s22], [sflag:$0x1] =	stream.indirect_vreg.gather [hbm4b:s0+s4], $0x80, v3, vm0, $0xb8;
	[tilespmem:$0xCA00] =	vst v63  }
0x36: {  	_ = 	snop  }
0x37: {  	[tilespmem:s23], [sflag:$0x1] =	stream.indirect_vreg.gather [hbm4b:s11+s4], $0x80, v3, vm0, $0xb8;
	[tilespmem:$0xCA00] =	vst v63  }
0x38: {  	_ = 	snop  }
0x39: {  	[tilespmem:s24], [sflag:$0x1] =	stream.indirect_vreg.gather [hbm4b:s12+s4], $0x80, v3, vm0, $0xb8;
	[tilespmem:$0xCA00] =	vst v63  }
0x3a: {  	v3 =	vld [tilespmem:s16+$0x10];
	_ =	sdelay $0x4  }
0x3b: {  	v63 =	vshrl.u32 v3, $0x3  }
0x3c: {  	v4 =	vmul.u32 $0x30, v63  }
0x3d: {  	v3 =	vand.u32 $0x7, v3  }
0x3e: {  	v3 =	vor.u32 v3, v4  }
0x3f: {  	v4 =	vperm.xlane v3, v0;
	_ =	sdelay $0x1  }
0x40: {  	v4 =	vadd.s32 v1, v4;
	_ =	sdelay $0x3  }
0x41: {  	v3 =	vperm.xlane v3, v2  }
0x42: {  	[tilespmem:s25], [sflag:$0x1] =	stream.indirect_vreg.gather [hbm4b:s0+s4], $0x80, v4, vm0, $0xb8;
	[tilespmem:$0xCA00] =	vst v63  }
0x43: {  	v3 =	vadd.s32 v1, v3  }
0x44: {  	[tilespmem:s26], [sflag:$0x1] =	stream.indirect_vreg.gather [hbm4b:s11+s4], $0x80, v4, vm0, $0xb8;
	[tilespmem:$0xCA00] =	vst v63  }
0x45: {  	_ = 	snop  }
0x46: {  	[tilespmem:s28], [sflag:$0x1] =	stream.indirect_vreg.gather [hbm4b:s12+s4], $0x80, v4, vm0, $0xb8;
	[tilespmem:$0xCA00] =	vst v63  }
0x47: {  	_ = 	snop  }
0x48: {  	[tilespmem:s29], [sflag:$0x1] =	stream.indirect_vreg.gather [hbm4b:s0+s4], $0x80, v3, vm0, $0xb8;
	[tilespmem:$0xCA00] =	vst v63  }
0x49: {  	_ = 	snop  }
0x4a: {  	[tilespmem:s30], [sflag:$0x1] =	stream.indirect_vreg.gather [hbm4b:s11+s4], $0x80, v3, vm0, $0xb8;
	[tilespmem:$0xCA00] =	vst v63  }
0x4b: {  	_ = 	snop  }
0x4c: {  	[tilespmem:s31], [sflag:$0x1] =	stream.indirect_vreg.gather [hbm4b:s12+s4], $0x80, v3, vm0, $0xb8;
	[tilespmem:$0xCA00] =	vst v63  }
0x4d: {  	_ =	swait.ge [sflag:s1], $0x6000  }
0x4e: {  	[sflag:s1] =	ssyncset.done $0x0  }
0x4f: {  	s16 =	simm.s32 $0x0;
	[sflag:s1] =	ssyncadd.s32 $0xFFFFA000  }
.LBB2_3:
0x50: {  	s17 =	sshrl.u32 s16, $0x3  }
0x51: {  	s17 =	smul.u32 $0x1800, s17  }
0x52: {  	s18 =	sand.u32 $0x380, s4  }
0x53: {  	s17 =	sor.u32 s18, s17  }
0x54: {  	v3 =	vld [tilespmem:s17+$0x400]  }
0x55: {  	v4 =	vld [tilespmem:s17+$0x6400]  }
0x56: {  	v5 =	vld [tilespmem:s17+$0x410]  }
0x57: {  	v6 =	vld [tilespmem:s17+$0x6410]  }
0x58: {  	v7 =	vld [tilespmem:s17+$0x420]  }
0x59: {  	v8 =	vld [tilespmem:s17+$0x6420]  }
0x5a: {  	v9 =	vld [tilespmem:s17+$0x430]  }
0x5b: {  	v10 =	vld [tilespmem:s17+$0x6430]  }
0x5c: {  	v11 =	vld [tilespmem:s17+$0x440]  }
0x5d: {  	v12 =	vld [tilespmem:s17+$0x6440]  }
0x5e: {  	v13 =	vld [tilespmem:s17+$0x450]  }
0x5f: {  	v14 =	vld [tilespmem:s17+$0x6450]  }
0x60: {  	v15 =	vld [tilespmem:s17+$0x460]  }
0x61: {  	v16 =	vld [tilespmem:s17+$0x6460]  }
0x62: {  	v17 =	vld [tilespmem:s17+$0x470]  }
0x63: {  	v18 =	vld [tilespmem:s17+$0x6470]  }
0x64: {  	v19 =	vld [tilespmem:s17+$0x800]  }
0x65: {  	v20 =	vld [tilespmem:s17+$0x6800]  }
0x66: {  	v21 =	vld [tilespmem:s17+$0x810]  }
0x67: {  	v22 =	vld [tilespmem:s17+$0x6810]  }
0x68: {  	v23 =	vld [tilespmem:s17+$0x820]  }
0x69: {  	v24 =	vld [tilespmem:s17+$0x6820]  }
0x6a: {  	v25 =	vld [tilespmem:s17+$0x830]  }
0x6b: {  	v26 =	vld [tilespmem:s17+$0x6830]  }
0x6c: {  	v27 =	vld [tilespmem:s17+$0x840]  }
0x6d: {  	v28 =	vld [tilespmem:s17+$0x6840]  }
0x6e: {  	v29 =	vld [tilespmem:s17+$0x850]  }
0x6f: {  	v30 =	vld [tilespmem:s17+$0x6850]  }
0x70: {  	v31 =	vld [tilespmem:s17+$0x860]  }
0x71: {  	v32 =	vld [tilespmem:s17+$0x6860]  }
0x72: {  	v33 =	vld [tilespmem:s17+$0x870]  }
0x73: {  	v34 =	vld [tilespmem:s17+$0x6870]  }
0x74: {  	v35 =	vld [tilespmem:s17+$0xC00]  }
0x75: {  	v36 =	vld [tilespmem:s17+$0x6C00]  }
0x76: {  	v37 =	vld [tilespmem:s17+$0xC10];
	v3 =	vadd.f32 v4, v3;
	v4 =	vadd.f32 v6, v5  }
0x77: {  	v38 =	vld [tilespmem:s17+$0x6C10];
	v6 =	vadd.f32 v8, v7;
	v5 =	vadd.f32 v12, v11  }
0x78: {  	v40 =	vld [tilespmem:s17+$0xC20];
	v7 =	vadd.f32 v10, v9;
	v8 =	vadd.f32 v14, v13  }
0x79: {  	v42 =	vld [tilespmem:s17+$0x6C20];
	v9 =	vadd.f32 v16, v15;
	v10 =	vadd.f32 v18, v17  }
0x7a: {  	v43 =	vld [tilespmem:s17+$0xC30];
	v11 =	vadd.f32 v20, v19;
	v12 =	vadd.f32 v22, v21  }
0x7b: {  	v45 =	vld [tilespmem:s17+$0x6C30];
	v13 =	vadd.f32 v24, v23;
	v14 =	vadd.f32 v26, v25  }
0x7c: {  	v46 =	vld [tilespmem:s17+$0xC40];
	v15 =	vadd.f32 v28, v27;
	v16 =	vadd.f32 v30, v29  }
0x7d: {  	v49 =	vld [tilespmem:s17+$0xC50];
	v18 =	vadd.f32 v34, v33;
	v19 =	vadd.f32 v36, v35  }
0x7e: {  	v50 =	vld [tilespmem:s17+$0x6C60];
	v21 =	vadd.f32 v42, v40;
	v39 =	vadd.f32 $0.0e+00, v3;
	v41 =	vmul.f32 v3, v3  }
0x7f: {  	v28 =	vld [tilespmem:s17+$0x1010];
	v62 =	vadd.f32 $0.0e+00, v4;
	v63 =	vmul.f32 v4, v4;
	v44 =	vadd.f32 $0.0e+00, v6  }
0x80: {  	v29 =	vld [tilespmem:s17+$0x7010];
	v51 =	vmul.f32 v5, v5;
	v52 =	vmul.f32 v6, v6;
	v53 =	vadd.f32 $0.0e+00, v7  }
0x81: {  	v27 =	vld [tilespmem:s17+$0x7000];
	v56 =	vmul.f32 v8, v8;
	v48 =	vmul.f32 v9, v9;
	v54 =	vadd.f32 v5, v39  }
0x82: {  	v33 =	vld [tilespmem:s17+$0x1030];
	v57 =	vmul.f32 v7, v7;
	v55 =	vadd.f32 v51, v41;
	v47 =	vadd.f32 v8, v62  }
0x83: {  	v34 =	vld [tilespmem:s17+$0x7030];
	v60 =	vmul.f32 v10, v10;
	v58 =	vadd.f32 v56, v63;
	v59 =	vadd.f32 v9, v44  }
0x84: {  	v36 =	vld [tilespmem:s17+$0x1040];
	v20 =	vadd.f32 v48, v52;
	v61 =	vadd.f32 v10, v53;
	v62 =	vmul.f32 v11, v11  }
0x85: {  	v24 =	vmul.f32 v12, v12;
	v41 =	vld [tilespmem:s17+$0x6C40];
	v17 =	vadd.f32 v60, v57;
	v28 =	vadd.f32 v29, v28  }
0x86: {  	v39 =	vld [tilespmem:s17+$0x6C50];
	v57 =	vmul.f32 v13, v13;
	v63 =	vadd.f32 v11, v54;
	v22 =	vadd.f32 v62, v55  }
0x87: {  	v44 =	vld [tilespmem:s17+$0xC60];
	v60 =	vmul.f32 v14, v14;
	v56 =	vadd.f32 v12, v47;
	v58 =	vadd.f32 v24, v58  }
0x88: {  	v51 =	vld [tilespmem:s17+$0xC70];
	v59 =	vadd.f32 v13, v59;
	v20 =	vadd.f32 v57, v20  }
0x89: {  	v52 =	vld [tilespmem:s17+$0x6C70];
	v62 =	vadd.f32 v60, v17;
	v17 =	vadd.f32 v32, v31  }
0x8a: {  	v48 =	vld [tilespmem:s17+$0x7020];
	v26 =	vadd.f32 v14, v61;
	v61 =	vmul.f32 v15, v15;
	v55 =	vmul.f32 v16, v16  }
0x8b: {  	v47 =	vld [tilespmem:s17+$0x1000];
	v63 =	vadd.f32 v15, v63;
	v23 =	vadd.f32 v16, v56;
	v56 =	vmul.f32 v17, v17  }
0x8c: {  	v53 =	vmul.f32 v19, v19;
	v31 =	vld [tilespmem:s17+$0x1020];
	v22 =	vadd.f32 v61, v22;
	v24 =	vadd.f32 v55, v58  }
0x8d: {  	v58 =	vmul.f32 v18, v18;
	v57 =	vadd.f32 v56, v20;
	v20 =	vadd.f32 v38, v37;
	v37 =	vld [tilespmem:s17+$0x7040]  }
0x8e: {  	v25 =	vadd.f32 v17, v59;
	v26 =	vadd.f32 v18, v26;
	v38 =	vld [tilespmem:s17+$0x1050]  }
0x8f: {  	v30 =	vadd.f32 v58, v62;
	v59 =	vadd.f32 v53, v22;
	v53 =	vld [tilespmem:s17+$0x7050]  }
0x90: {  	v32 =	vadd.f32 v19, v63;
	v22 =	vadd.f32 v45, v43;
	v43 =	vld [tilespmem:s17+$0x1060]  }
0x91: {  	v63 =	vadd.f32 v21, v25;
	v25 =	vadd.f32 v50, v44;
	v44 =	vld [tilespmem:s17+$0x1400]  }
0x92: {  	v55 =	vmul.f32 v21, v21;
	v50 =	vld [tilespmem:s17+$0x7400];
	v27 =	vadd.f32 v27, v47;
	v29 =	vadd.f32 v48, v31  }
0x93: {  	v47 =	vld [tilespmem:s17+$0x7410];
	v54 =	vadd.f32 v20, v23;
	v23 =	vadd.f32 v41, v46  }
0x94: {  	v48 =	vld [tilespmem:s17+$0x1430];
	v62 =	vmul.f32 v20, v20;
	v35 =	vadd.f32 v55, v57;
	v61 =	vadd.f32 v22, v26  }
0x95: {  	v60 =	vmul.f32 v22, v22;
	v26 =	vadd.f32 v52, v51;
	v45 =	vadd.f32 v25, v63;
	v52 =	vld [tilespmem:s17+$0x1420]  }
0x96: {  	v56 =	vmul.f32 v25, v25;
	v57 =	vld [tilespmem:s17+$0x7420];
	v42 =	vadd.f32 v62, v24;
	v24 =	vadd.f32 v39, v49  }
0x97: {  	v41 =	vld [tilespmem:s17+$0x7060];
	v30 =	vadd.f32 v60, v30;
	v32 =	vadd.f32 v23, v32  }
0x98: {  	v46 =	vld [tilespmem:s17+$0x1070];
	v62 =	vmul.f32 v23, v23;
	v35 =	vadd.f32 v56, v35;
	v55 =	vadd.f32 v26, v61  }
0x99: {  	v51 =	vld [tilespmem:s17+$0x1410];
	v63 =	vmul.f32 v26, v26;
	v45 =	vadd.f32 v29, v45;
	v31 =	vadd.f32 v37, v36  }
0x9a: {  	v39 =	vld [tilespmem:s17+$0x7070];
	v40 =	vadd.f32 v62, v59;
	v49 =	vmul.f32 v24, v24;
	v54 =	vadd.f32 v24, v54  }
0x9b: {  	v60 =	vmul.f32 v27, v27;
	v56 =	vld [tilespmem:s17+$0x7430];
	v58 =	vadd.f32 v27, v32;
	v37 =	vadd.f32 v57, v52  }
0x9c: {  	v32 =	vmul.f32 v29, v29;
	v59 =	vld [tilespmem:s17+$0x1440];
	v42 =	vadd.f32 v49, v42;
	v49 =	vadd.f32 v63, v30  }
0x9d: {  	v52 =	vld [tilespmem:s17+$0x1810];
	v40 =	vadd.f32 v60, v40;
	v54 =	vadd.f32 v28, v54  }
0x9e: {  	v57 =	vld [tilespmem:s17+$0x7820];
	v30 =	vadd.f32 v34, v33;
	v36 =	vadd.f32 v32, v35  }
0x9f: {  	v61 =	vmul.f32 v28, v28;
	v60 =	vld [tilespmem:s17+$0x7440];
	v33 =	vadd.f32 v53, v38;
	v32 =	vadd.f32 v41, v43  }
0xa0: {  	v62 =	vmul.f32 v31, v31;
	v41 =	vld [tilespmem:s17+$0x7450];
	v58 =	vadd.f32 v31, v58;
	v35 =	vadd.f32 v39, v46  }
0xa1: {  	v53 =	vld [tilespmem:s17+$0x1460];
	v38 =	vadd.f32 v56, v48;
	v42 =	vadd.f32 v61, v42;
	v34 =	vmul.f32 v30, v30  }
0xa2: {  	v48 =	vld [tilespmem:s17+$0x7800];
	v43 =	vadd.f32 v30, v55;
	v40 =	vadd.f32 v62, v40;
	v63 =	vmul.f32 v33, v33  }
0xa3: {  	v61 =	vld [tilespmem:s17+$0x1450];
	v62 =	vmul.f32 v32, v32;
	v54 =	vadd.f32 v33, v54;
	v45 =	vadd.f32 v32, v45  }
0xa4: {  	v55 =	vld [tilespmem:s17+$0x7460];
	v49 =	vadd.f32 v34, v49;
	v34 =	vadd.f32 v50, v44  }
0xa5: {  	v39 =	vmul.f32 v35, v35;
	v44 =	vld [tilespmem:s17+$0x1470];
	v42 =	vadd.f32 v63, v42;
	v46 =	vadd.f32 v62, v36  }
0xa6: {  	v50 =	vld [tilespmem:s17+$0x7470];
	v36 =	vadd.f32 v47, v51;
	v63 =	vmul.f32 v37, v37;
	v43 =	vadd.f32 v35, v43  }
0xa7: {  	v49 =	vadd.f32 v39, v49;
	v39 =	vadd.f32 v60, v59;
	v59 =	vld [tilespmem:s17+$0x7810]  }
0xa8: {  	v45 =	vadd.f32 v37, v45;
	v62 =	vmul.f32 v34, v34;
	v46 =	vadd.f32 v63, v46;
	v60 =	vld [tilespmem:s17+$0x1830]  }
0xa9: {  	v51 =	vmul.f32 v36, v36;
	v63 =	vld [tilespmem:s17+$0x7830];
	v58 =	vadd.f32 v34, v58;
	v54 =	vadd.f32 v36, v54  }
0xaa: {  	v47 =	vld [tilespmem:s17+$0x1800];
	v43 =	vadd.f32 v38, v43;
	v41 =	vadd.f32 v41, v61  }
0xab: {  	v40 =	vadd.f32 v62, v40;
	v62 =	vmul.f32 v38, v38;
	v42 =	vadd.f32 v51, v42;
	v51 =	vld [tilespmem:s17+$0x1820]  }
0xac: {  	v53 =	vadd.f32 v55, v53;
	v56 =	vmul.f32 v39, v39;
	v44 =	vadd.f32 v50, v44  }
0xad: {  	v61 =	vmul.f32 v41, v41;
	v49 =	vadd.f32 v62, v49;
	v50 =	vadd.f32 v59, v52;
	v52 =	vld [tilespmem:s17+$0x1840]  }
0xae: {  	v40 =	vadd.f32 v56, v40;
	v62 =	vmul.f32 v53, v53;
	v56 =	vadd.f32 v63, v60;
	v60 =	vld [tilespmem:s17+$0x1850]  }
0xaf: {  	v47 =	vadd.f32 v48, v47;
	v42 =	vadd.f32 v61, v42;
	v55 =	vmul.f32 v44, v44;
	v61 =	vld [tilespmem:s17+$0x7850]  }
0xb0: {  	v46 =	vadd.f32 v62, v46;
	v51 =	vadd.f32 v57, v51;
	v57 =	vld [tilespmem:s17+$0x7840]  }
0xb1: {  	v48 =	vmul.f32 v50, v50;
	v49 =	vadd.f32 v55, v49;
	v62 =	vmul.f32 v56, v56  }
0xb2: {  	v58 =	vadd.f32 v39, v58;
	v54 =	vadd.f32 v41, v54;
	v59 =	vmul.f32 v47, v47;
	v55 =	vld [tilespmem:s17+$0x1860]  }
0xb3: {  	v42 =	vadd.f32 v48, v42;
	v48 =	vadd.f32 v62, v49;
	v49 =	vld [tilespmem:s17+$0x7860]  }
0xb4: {  	v40 =	vadd.f32 v59, v40;
	v59 =	vadd.f32 v61, v60;
	v60 =	vld [tilespmem:s17+$0x7870]  }
0xb5: {  	v43 =	vadd.f32 v44, v43;
	v52 =	vadd.f32 v57, v52;
	v57 =	vld [tilespmem:s17+$0x1870]  }
0xb6: {  	v45 =	vadd.f32 v53, v45;
	v58 =	vadd.f32 v47, v58;
	v63 =	vmul.f32 v51, v51  }
0xb7: {  	v54 =	vadd.f32 v50, v54;
	v43 =	vadd.f32 v56, v43  }
0xb8: {  	v45 =	vadd.f32 v51, v45;
	v46 =	vadd.f32 v63, v46  }
0xb9: {  	v54 =	vadd.f32 v59, v54;
	v49 =	vadd.f32 v49, v55;
	v63 =	vmul.f32 v52, v52  }
0xba: {  	v58 =	vadd.f32 v52, v58;
	v57 =	vadd.f32 v60, v57;
	v60 =	vmul.f32 v59, v59  }
0xbb: {  	v40 =	vadd.f32 v63, v40;
	v45 =	vadd.f32 v49, v45;
	v55 =	vmul.f32 v49, v49  }
0xbc: {  	v43 =	vadd.f32 v57, v43;
	v42 =	vadd.f32 v60, v42;
	v60 =	vmul.f32 v57, v57  }
0xbd: {  	v54 =	vadd.f32 v54, v58;
	v61 =	vadd.f32 v55, v46  }
0xbe: {  	v43 =	vadd.f32 v43, v45;
	v62 =	vadd.f32 v60, v48  }
0xbf: {  	v40 =	vadd.f32 v42, v40  }
0xc0: {  	v43 =	vadd.f32 v43, v54;
	v63 =	vadd.f32 v62, v61;
	_ =	sdelay $0x1  }
0xc1: {  	[tilespmem:s17+$0x400] =	vst v3;
	v3 =	vadd.f32 v63, v40;
	(xrf2) =	vadd.scan.msk.f32 $0xffff, v43  }
0xc2: {  	[tilespmem:s17+$0x410] =	vst v4  }
0xc3: {  	[tilespmem:s17+$0x420] =	vst v6;
	(xrf2) =	vadd.scan.msk.f32 $0xffff, v3  }
0xc4: {  	[tilespmem:s17+$0x430] =	vst v7  }
0xc5: {  	[tilespmem:s17+$0x440] =	vst v5  }
0xc6: {  	[tilespmem:s17+$0x450] =	vst v8  }
0xc7: {  	[tilespmem:s17+$0x460] =	vst v9  }
0xc8: {  	[tilespmem:s17+$0x470] =	vst v10  }
0xc9: {  	[tilespmem:s17+$0x800] =	vst v11  }
0xca: {  	[tilespmem:s17+$0x810] =	vst v12  }
0xcb: {  	[tilespmem:s17+$0x820] =	vst v13;
	v3, _, _ =	vpop (xrf2)  }
0xcc: {  	[tilespmem:s17+$0x830] =	vst v14;
	v3 =	vmul.f32 $1.302083370e-03, v3  }
0xcd: {  	[tilespmem:s17+$0x840] =	vst v15;
	v15, _, _ =	vpop (xrf2)  }
0xce: {  	[tilespmem:s17+$0x850] =	vst v16;
	v4 =	vmul.f32 $1.302083370e-03, v15;
	v16 =	vmul.f32 v3, v3  }
0xcf: {  	[tilespmem:s17+$0x870] =	vst v18  }
0xd0: {  	[tilespmem:s17+$0xC00] =	vst v19;
	v4 =	vsub.f32 v4, v16  }
0xd1: {  	[tilespmem:s17+$0xC20] =	vst v21  }
0xd2: {  	[tilespmem:s17+$0x1010] =	vst v28;
	v4 =	vadd.f32 $9.999999960e-13, v4  }
0xd3: {  	[tilespmem:s17+$0x860] =	vst v17  }
0xd4: {  	[tilespmem:s17+$0xC10] =	vst v20;
	v4 =	vbroadcast v4, $0xF  }
0xd5: {  	[tilespmem:s17+$0xC30] =	vst v22  }
0xd6: {  	[tilespmem:s17+$0xC60] =	vst v25;
	v19 =	vshra.s32 v4, $0x1;
	v4 =	vmul.f32 $5.000000000e-01, v4  }
0xd7: {  	[tilespmem:s17+$0x1000] =	vst v27;
	v5 =	vsub.s32 $0x5F3759DF, v19  }
0xd8: {  	[tilespmem:s17+$0x1020] =	vst v29;
	v20 =	vmul.f32 v5, v4  }
0xd9: {  	[tilespmem:s17+$0xC40] =	vst v23  }
0xda: {  	[tilespmem:s17+$0xC70] =	vst v26;
	v6 =	vmul.f32 v5, v20  }
0xdb: {  	[tilespmem:s17+$0xC50] =	vst v24  }
0xdc: {  	[tilespmem:s17+$0x1040] =	vst v31;
	v6 =	vsub.f32 $1.500000000e+00, v6  }
0xdd: {  	[tilespmem:s17+$0x1420] =	vst v37  }
0xde: {  	[tilespmem:s17+$0x1030] =	vst v30;
	v5 =	vmul.f32 v5, v6  }
0xdf: {  	[tilespmem:s17+$0x1050] =	vst v33  }
0xe0: {  	[tilespmem:s17+$0x1060] =	vst v32;
	v6 =	vmul.f32 v5, v4  }
0xe1: {  	[tilespmem:s17+$0x1070] =	vst v35  }
0xe2: {  	[tilespmem:s17+$0x1430] =	vst v38;
	v6 =	vmul.f32 v6, v5  }
0xe3: {  	[tilespmem:s17+$0x1400] =	vst v34  }
0xe4: {  	[tilespmem:s17+$0x1410] =	vst v36;
	v6 =	vsub.f32 $1.500000000e+00, v6  }
0xe5: {  	[tilespmem:s17+$0x1440] =	vst v39  }
0xe6: {  	[tilespmem:s17+$0x1450] =	vst v41;
	v5 =	vmul.f32 v6, v5  }
0xe7: {  	[tilespmem:s17+$0x1460] =	vst v53  }
0xe8: {  	[tilespmem:s17+$0x1470] =	vst v44;
	v4 =	vmul.f32 v5, v4  }
0xe9: {  	[tilespmem:s17+$0x1800] =	vst v47  }
0xea: {  	[tilespmem:s17+$0x1810] =	vst v50;
	v4 =	vmul.f32 v4, v5  }
0xeb: {  	[tilespmem:s17+$0x1830] =	vst v56  }
0xec: {  	[tilespmem:s17+$0x1820] =	vst v51;
	v4 =	vsub.f32 $1.500000000e+00, v4  }
0xed: {  	v21 =	vld [tilespmem:s17+$0x400];
	[tilespmem:s17+$0x1850] =	vst v59  }
0xee: {  	[tilespmem:s17+$0x1840] =	vst v52;
	v22 =	vbroadcast v3, $0xF;
	v3 =	vmul.f32 v4, v5  }
0xef: {  	[tilespmem:s17+$0x1860] =	vst v49  }
0xf0: {  	[tilespmem:s17+$0x1870] =	vst v57;
	v4 =	vmul.f32 v3, v22  }
0xf1: {  	v23 =	vld [tilespmem:$0xC400]  }
0xf2: {  	v6 =	vmul.f32 v3, v21;
	v4 =	vsub.f32 $0.0e+00, v4  }
0xf3: {  	v24 =	vld [tilespmem:$0xC700]  }
0xf4: {  	v6 =	vadd.f32 v4, v6;
	_ =	sdelay $0x1  }
0xf5: {  	v5 =	vmul.f32 v6, v23  }
0xf6: {  	v25 =	vld [tilespmem:s17+$0x410]  }
0xf7: {  	v5 =	vadd.f32 v5, v24;
	_ =	sdelay $0x1  }
0xf8: {  	[tilespmem:s17+$0x400] =	vst v5  }
0xf9: {  	v5 =	vld [tilespmem:$0xC410]  }
0xfa: {  	v6 =	vmul.f32 v3, v25  }
0xfb: {  	v26 =	vld [tilespmem:$0xC710]  }
0xfc: {  	v6 =	vadd.f32 v4, v6;
	_ =	sdelay $0x1  }
0xfd: {  	v5 =	vmul.f32 v6, v5  }
0xfe: {  	v27 =	vld [tilespmem:s17+$0x420]  }
0xff: {  	v5 =	vadd.f32 v5, v26;
	_ =	sdelay $0x1  }
0x100: {  	[tilespmem:s17+$0x410] =	vst v5  }
0x101: {  	v5 =	vld [tilespmem:$0xC420]  }
0x102: {  	v6 =	vmul.f32 v3, v27  }
0x103: {  	v28 =	vld [tilespmem:$0xC720]  }
0x104: {  	v6 =	vadd.f32 v4, v6;
	_ =	sdelay $0x1  }
0x105: {  	v5 =	vmul.f32 v6, v5  }
0x106: {  	v29 =	vld [tilespmem:s17+$0x430]  }
0x107: {  	v5 =	vadd.f32 v5, v28;
	_ =	sdelay $0x1  }
0x108: {  	[tilespmem:s17+$0x420] =	vst v5  }
0x109: {  	v5 =	vld [tilespmem:$0xC430]  }
0x10a: {  	v6 =	vmul.f32 v3, v29  }
0x10b: {  	v30 =	vld [tilespmem:$0xC730]  }
0x10c: {  	v6 =	vadd.f32 v4, v6;
	_ =	sdelay $0x1  }
0x10d: {  	v5 =	vmul.f32 v6, v5  }
0x10e: {  	v31 =	vld [tilespmem:s17+$0x440]  }
0x10f: {  	v5 =	vadd.f32 v5, v30;
	_ =	sdelay $0x1  }
0x110: {  	[tilespmem:s17+$0x430] =	vst v5  }
0x111: {  	v5 =	vld [tilespmem:$0xC440]  }
0x112: {  	v6 =	vmul.f32 v3, v31  }
0x113: {  	v32 =	vld [tilespmem:$0xC740]  }
0x114: {  	v6 =	vadd.f32 v4, v6;
	_ =	sdelay $0x1  }
0x115: {  	v5 =	vmul.f32 v6, v5  }
0x116: {  	v33 =	vld [tilespmem:s17+$0x450]  }
0x117: {  	v5 =	vadd.f32 v5, v32;
	_ =	sdelay $0x1  }
0x118: {  	[tilespmem:s17+$0x440] =	vst v5  }
0x119: {  	v5 =	vld [tilespmem:$0xC450]  }
0x11a: {  	v6 =	vmul.f32 v3, v33  }
0x11b: {  	v34 =	vld [tilespmem:$0xC750]  }
0x11c: {  	v6 =	vadd.f32 v4, v6;
	_ =	sdelay $0x1  }
0x11d: {  	v5 =	vmul.f32 v6, v5  }
0x11e: {  	v35 =	vld [tilespmem:s17+$0x460]  }
0x11f: {  	v5 =	vadd.f32 v5, v34;
	_ =	sdelay $0x1  }
0x120: {  	[tilespmem:s17+$0x450] =	vst v5  }
0x121: {  	v5 =	vld [tilespmem:$0xC460]  }
0x122: {  	v6 =	vmul.f32 v3, v35  }
0x123: {  	v36 =	vld [tilespmem:$0xC760]  }
0x124: {  	v6 =	vadd.f32 v4, v6;
	_ =	sdelay $0x1  }
0x125: {  	v5 =	vmul.f32 v6, v5  }
0x126: {  	v37 =	vld [tilespmem:s17+$0x470]  }
0x127: {  	v5 =	vadd.f32 v5, v36;
	_ =	sdelay $0x1  }
0x128: {  	[tilespmem:s17+$0x460] =	vst v5  }
0x129: {  	v5 =	vld [tilespmem:$0xC470]  }
0x12a: {  	v6 =	vmul.f32 v37, v3  }
0x12b: {  	v38 =	vld [tilespmem:$0xC770]  }
0x12c: {  	v6 =	vadd.f32 v6, v4;
	_ =	sdelay $0x1  }
0x12d: {  	v5 =	vmul.f32 v6, v5  }
0x12e: {  	v39 =	vld [tilespmem:s17+$0x800]  }
0x12f: {  	v5 =	vadd.f32 v5, v38;
	_ =	sdelay $0x1  }
0x130: {  	[tilespmem:s17+$0x470] =	vst v5  }
0x131: {  	v5 =	vld [tilespmem:$0xC480]  }
0x132: {  	v6 =	vmul.f32 v39, v3  }
0x133: {  	v40 =	vld [tilespmem:$0xC780]  }
0x134: {  	v6 =	vadd.f32 v6, v4;
	_ =	sdelay $0x1  }
0x135: {  	v5 =	vmul.f32 v6, v5  }
0x136: {  	v41 =	vld [tilespmem:s17+$0x810]  }
0x137: {  	v5 =	vadd.f32 v5, v40;
	_ =	sdelay $0x1  }
0x138: {  	[tilespmem:s17+$0x800] =	vst v5  }
0x139: {  	v5 =	vld [tilespmem:$0xC490]  }
0x13a: {  	v6 =	vmul.f32 v41, v3  }
0x13b: {  	v42 =	vld [tilespmem:$0xC790]  }
0x13c: {  	v6 =	vadd.f32 v6, v4;
	_ =	sdelay $0x1  }
0x13d: {  	v5 =	vmul.f32 v6, v5  }
0x13e: {  	v43 =	vld [tilespmem:s17+$0x820]  }
0x13f: {  	v5 =	vadd.f32 v5, v42;
	_ =	sdelay $0x1  }
0x140: {  	[tilespmem:s17+$0x810] =	vst v5  }
0x141: {  	v5 =	vld [tilespmem:$0xC4A0]  }
0x142: {  	v6 =	vmul.f32 v43, v3  }
0x143: {  	v44 =	vld [tilespmem:$0xC7A0]  }
0x144: {  	v6 =	vadd.f32 v6, v4;
	_ =	sdelay $0x1  }
0x145: {  	v5 =	vmul.f32 v6, v5  }
0x146: {  	v45 =	vld [tilespmem:s17+$0x830]  }
0x147: {  	v5 =	vadd.f32 v5, v44;
	_ =	sdelay $0x1  }
0x148: {  	[tilespmem:s17+$0x820] =	vst v5  }
0x149: {  	v5 =	vld [tilespmem:$0xC4B0]  }
0x14a: {  	v6 =	vmul.f32 v45, v3  }
0x14b: {  	v46 =	vld [tilespmem:$0xC7B0]  }
0x14c: {  	v6 =	vadd.f32 v6, v4;
	_ =	sdelay $0x1  }
0x14d: {  	v5 =	vmul.f32 v6, v5  }
0x14e: {  	v47 =	vld [tilespmem:s17+$0x840]  }
0x14f: {  	v5 =	vadd.f32 v5, v46;
	_ =	sdelay $0x1  }
0x150: {  	[tilespmem:s17+$0x830] =	vst v5  }
0x151: {  	v5 =	vld [tilespmem:$0xC4C0]  }
0x152: {  	v6 =	vmul.f32 v47, v3  }
0x153: {  	v48 =	vld [tilespmem:$0xC7C0]  }
0x154: {  	v6 =	vadd.f32 v6, v4;
	_ =	sdelay $0x1  }
0x155: {  	v5 =	vmul.f32 v6, v5  }
0x156: {  	v49 =	vld [tilespmem:s17+$0x850]  }
0x157: {  	v5 =	vadd.f32 v5, v48;
	_ =	sdelay $0x1  }
0x158: {  	[tilespmem:s17+$0x840] =	vst v5  }
0x159: {  	v5 =	vld [tilespmem:$0xC4D0]  }
0x15a: {  	v6 =	vmul.f32 v49, v3  }
0x15b: {  	v50 =	vld [tilespmem:$0xC7D0]  }
0x15c: {  	v6 =	vadd.f32 v6, v4;
	_ =	sdelay $0x1  }
0x15d: {  	v5 =	vmul.f32 v6, v5  }
0x15e: {  	v51 =	vld [tilespmem:s17+$0x860]  }
0x15f: {  	v5 =	vadd.f32 v5, v50;
	_ =	sdelay $0x1  }
0x160: {  	[tilespmem:s17+$0x850] =	vst v5  }
0x161: {  	v5 =	vld [tilespmem:$0xC4E0]  }
0x162: {  	v6 =	vmul.f32 v51, v3  }
0x163: {  	v52 =	vld [tilespmem:$0xC7E0]  }
0x164: {  	v6 =	vadd.f32 v6, v4;
	_ =	sdelay $0x1  }
0x165: {  	v5 =	vmul.f32 v6, v5  }
0x166: {  	v53 =	vld [tilespmem:s17+$0x870]  }
0x167: {  	v5 =	vadd.f32 v5, v52;
	_ =	sdelay $0x1  }
0x168: {  	[tilespmem:s17+$0x860] =	vst v5  }
0x169: {  	v5 =	vld [tilespmem:$0xC4F0]  }
0x16a: {  	v6 =	vmul.f32 v53, v3  }
0x16b: {  	v54 =	vld [tilespmem:$0xC7F0]  }
0x16c: {  	v6 =	vadd.f32 v6, v4;
	_ =	sdelay $0x1  }
0x16d: {  	v5 =	vmul.f32 v6, v5  }
0x16e: {  	v55 =	vld [tilespmem:s17+$0xC00]  }
0x16f: {  	v5 =	vadd.f32 v5, v54;
	_ =	sdelay $0x1  }
0x170: {  	[tilespmem:s17+$0x870] =	vst v5  }
0x171: {  	v5 =	vld [tilespmem:$0xC500]  }
0x172: {  	v6 =	vmul.f32 v55, v3  }
0x173: {  	v56 =	vld [tilespmem:$0xC800]  }
0x174: {  	v6 =	vadd.f32 v6, v4;
	_ =	sdelay $0x1  }
0x175: {  	v5 =	vmul.f32 v6, v5  }
0x176: {  	v57 =	vld [tilespmem:s17+$0xC10]  }
0x177: {  	v5 =	vadd.f32 v5, v56;
	_ =	sdelay $0x1  }
0x178: {  	[tilespmem:s17+$0xC00] =	vst v5  }
0x179: {  	v5 =	vld [tilespmem:$0xC510]  }
0x17a: {  	v6 =	vmul.f32 v57, v3  }
0x17b: {  	v58 =	vld [tilespmem:$0xC810]  }
0x17c: {  	v6 =	vadd.f32 v6, v4;
	_ =	sdelay $0x1  }
0x17d: {  	v5 =	vmul.f32 v6, v5  }
0x17e: {  	v59 =	vld [tilespmem:s17+$0xC20]  }
0x17f: {  	v5 =	vadd.f32 v5, v58;
	_ =	sdelay $0x1  }
0x180: {  	[tilespmem:s17+$0xC10] =	vst v5  }
0x181: {  	v5 =	vld [tilespmem:$0xC520]  }
0x182: {  	v6 =	vmul.f32 v59, v3  }
0x183: {  	v60 =	vld [tilespmem:$0xC820]  }
0x184: {  	v6 =	vadd.f32 v6, v4;
	_ =	sdelay $0x1  }
0x185: {  	v5 =	vmul.f32 v6, v5  }
0x186: {  	v61 =	vld [tilespmem:s17+$0xC30]  }
0x187: {  	v5 =	vadd.f32 v5, v60;
	_ =	sdelay $0x1  }
0x188: {  	[tilespmem:s17+$0xC20] =	vst v5  }
0x189: {  	v5 =	vld [tilespmem:$0xC530]  }
0x18a: {  	v6 =	vmul.f32 v61, v3  }
0x18b: {  	v62 =	vld [tilespmem:$0xC830]  }
0x18c: {  	v6 =	vadd.f32 v6, v4;
	_ =	sdelay $0x1  }
0x18d: {  	v5 =	vmul.f32 v6, v5  }
0x18e: {  	v63 =	vld [tilespmem:s17+$0xC40]  }
0x18f: {  	v5 =	vadd.f32 v5, v62;
	_ =	sdelay $0x1  }
0x190: {  	[tilespmem:s17+$0xC30] =	vst v5  }
0x191: {  	v5 =	vld [tilespmem:$0xC540]  }
0x192: {  	v6 =	vmul.f32 v63, v3  }
0x193: {  	v9 =	vld [tilespmem:$0xC840]  }
0x194: {  	v6 =	vadd.f32 v6, v4;
	_ =	sdelay $0x1  }
0x195: {  	v5 =	vmul.f32 v6, v5  }
0x196: {  	v10 =	vld [tilespmem:s17+$0xC50]  }
0x197: {  	v5 =	vadd.f32 v5, v9;
	_ =	sdelay $0x1  }
0x198: {  	[tilespmem:s17+$0xC40] =	vst v5  }
0x199: {  	v5 =	vld [tilespmem:$0xC550]  }
0x19a: {  	v6 =	vmul.f32 v10, v3  }
0x19b: {  	v11 =	vld [tilespmem:$0xC850]  }
0x19c: {  	v6 =	vadd.f32 v6, v4;
	_ =	sdelay $0x1  }
0x19d: {  	v5 =	vmul.f32 v6, v5  }
0x19e: {  	v12 =	vld [tilespmem:s17+$0xC60]  }
0x19f: {  	v5 =	vadd.f32 v5, v11;
	_ =	sdelay $0x1  }
0x1a0: {  	[tilespmem:s17+$0xC50] =	vst v5  }
0x1a1: {  	v5 =	vld [tilespmem:$0xC560]  }
0x1a2: {  	v6 =	vmul.f32 v12, v3  }
0x1a3: {  	v13 =	vld [tilespmem:$0xC860]  }
0x1a4: {  	v6 =	vadd.f32 v6, v4;
	_ =	sdelay $0x1  }
0x1a5: {  	v5 =	vmul.f32 v6, v5  }
0x1a6: {  	v14 =	vld [tilespmem:s17+$0xC70]  }
0x1a7: {  	v5 =	vadd.f32 v5, v13;
	_ =	sdelay $0x1  }
0x1a8: {  	[tilespmem:s17+$0xC60] =	vst v5  }
0x1a9: {  	v5 =	vld [tilespmem:$0xC570]  }
0x1aa: {  	v6 =	vmul.f32 v14, v3  }
0x1ab: {  	v15 =	vld [tilespmem:$0xC870]  }
0x1ac: {  	v6 =	vadd.f32 v6, v4;
	_ =	sdelay $0x1  }
0x1ad: {  	v5 =	vmul.f32 v6, v5  }
0x1ae: {  	v16 =	vld [tilespmem:s17+$0x1000]  }
0x1af: {  	v5 =	vadd.f32 v5, v15;
	_ =	sdelay $0x1  }
0x1b0: {  	[tilespmem:s17+$0xC70] =	vst v5  }
0x1b1: {  	v5 =	vld [tilespmem:$0xC580]  }
0x1b2: {  	v6 =	vmul.f32 v16, v3  }
0x1b3: {  	v17 =	vld [tilespmem:$0xC880]  }
0x1b4: {  	v6 =	vadd.f32 v6, v4;
	_ =	sdelay $0x1  }
0x1b5: {  	v5 =	vmul.f32 v6, v5  }
0x1b6: {  	v18 =	vld [tilespmem:s17+$0x1010]  }
0x1b7: {  	v5 =	vadd.f32 v5, v17;
	_ =	sdelay $0x1  }
0x1b8: {  	[tilespmem:s17+$0x1000] =	vst v5  }
0x1b9: {  	v5 =	vld [tilespmem:$0xC590]  }
0x1ba: {  	v6 =	vmul.f32 v18, v3  }
0x1bb: {  	v19 =	vld [tilespmem:$0xC890]  }
0x1bc: {  	v6 =	vadd.f32 v6, v4;
	_ =	sdelay $0x1  }
0x1bd: {  	v5 =	vmul.f32 v6, v5  }
0x1be: {  	v20 =	vld [tilespmem:s17+$0x1020]  }
0x1bf: {  	v5 =	vadd.f32 v5, v19;
	_ =	sdelay $0x1  }
0x1c0: {  	[tilespmem:s17+$0x1010] =	vst v5  }
0x1c1: {  	v5 =	vld [tilespmem:$0xC5A0]  }
0x1c2: {  	v6 =	vmul.f32 v20, v3  }
0x1c3: {  	v21 =	vld [tilespmem:$0xC8A0]  }
0x1c4: {  	v6 =	vadd.f32 v6, v4;
	_ =	sdelay $0x1  }
0x1c5: {  	v5 =	vmul.f32 v6, v5  }
0x1c6: {  	v22 =	vld [tilespmem:s17+$0x1030]  }
0x1c7: {  	v5 =	vadd.f32 v5, v21;
	_ =	sdelay $0x1  }
0x1c8: {  	[tilespmem:s17+$0x1020] =	vst v5  }
0x1c9: {  	v5 =	vld [tilespmem:$0xC5B0]  }
0x1ca: {  	v6 =	vmul.f32 v22, v3  }
0x1cb: {  	v23 =	vld [tilespmem:$0xC8B0]  }
0x1cc: {  	v6 =	vadd.f32 v6, v4;
	_ =	sdelay $0x1  }
0x1cd: {  	v5 =	vmul.f32 v6, v5  }
0x1ce: {  	v24 =	vld [tilespmem:s17+$0x1040]  }
0x1cf: {  	v5 =	vadd.f32 v5, v23;
	_ =	sdelay $0x1  }
0x1d0: {  	[tilespmem:s17+$0x1030] =	vst v5  }
0x1d1: {  	v5 =	vld [tilespmem:$0xC5C0]  }
0x1d2: {  	v6 =	vmul.f32 v24, v3  }
0x1d3: {  	v25 =	vld [tilespmem:$0xC8C0]  }
0x1d4: {  	v6 =	vadd.f32 v6, v4;
	_ =	sdelay $0x1  }
0x1d5: {  	v5 =	vmul.f32 v6, v5  }
0x1d6: {  	v26 =	vld [tilespmem:s17+$0x1050]  }
0x1d7: {  	v5 =	vadd.f32 v5, v25;
	_ =	sdelay $0x1  }
0x1d8: {  	[tilespmem:s17+$0x1040] =	vst v5  }
0x1d9: {  	v5 =	vld [tilespmem:$0xC5D0]  }
0x1da: {  	v6 =	vmul.f32 v26, v3  }
0x1db: {  	v27 =	vld [tilespmem:$0xC8D0]  }
0x1dc: {  	v6 =	vadd.f32 v6, v4;
	_ =	sdelay $0x1  }
0x1dd: {  	v5 =	vmul.f32 v6, v5  }
0x1de: {  	v28 =	vld [tilespmem:s17+$0x1060]  }
0x1df: {  	v5 =	vadd.f32 v5, v27;
	_ =	sdelay $0x1  }
0x1e0: {  	[tilespmem:s17+$0x1050] =	vst v5  }
0x1e1: {  	v5 =	vld [tilespmem:$0xC5E0]  }
0x1e2: {  	v6 =	vmul.f32 v28, v3  }
0x1e3: {  	v29 =	vld [tilespmem:$0xC8E0]  }
0x1e4: {  	v6 =	vadd.f32 v6, v4;
	_ =	sdelay $0x1  }
0x1e5: {  	v5 =	vmul.f32 v6, v5  }
0x1e6: {  	v30 =	vld [tilespmem:s17+$0x1070]  }
0x1e7: {  	v5 =	vadd.f32 v5, v29;
	_ =	sdelay $0x1  }
0x1e8: {  	[tilespmem:s17+$0x1060] =	vst v5  }
0x1e9: {  	v5 =	vld [tilespmem:$0xC5F0]  }
0x1ea: {  	v6 =	vmul.f32 v30, v3  }
0x1eb: {  	v31 =	vld [tilespmem:$0xC8F0]  }
0x1ec: {  	v6 =	vadd.f32 v6, v4;
	_ =	sdelay $0x1  }
0x1ed: {  	v5 =	vmul.f32 v6, v5  }
0x1ee: {  	v32 =	vld [tilespmem:s17+$0x1400]  }
0x1ef: {  	v5 =	vadd.f32 v5, v31;
	_ =	sdelay $0x1  }
0x1f0: {  	[tilespmem:s17+$0x1070] =	vst v5  }
0x1f1: {  	v5 =	vld [tilespmem:$0xC600]  }
0x1f2: {  	v6 =	vmul.f32 v32, v3  }
0x1f3: {  	v33 =	vld [tilespmem:$0xC900]  }
0x1f4: {  	v6 =	vadd.f32 v6, v4;
	_ =	sdelay $0x1  }
0x1f5: {  	v5 =	vmul.f32 v6, v5  }
0x1f6: {  	v34 =	vld [tilespmem:s17+$0x1410]  }
0x1f7: {  	v5 =	vadd.f32 v5, v33;
	_ =	sdelay $0x1  }
0x1f8: {  	[tilespmem:s17+$0x1400] =	vst v5  }
0x1f9: {  	v5 =	vld [tilespmem:$0xC610]  }
0x1fa: {  	v6 =	vmul.f32 v34, v3  }
0x1fb: {  	v35 =	vld [tilespmem:$0xC910]  }
0x1fc: {  	v6 =	vadd.f32 v6, v4;
	_ =	sdelay $0x1  }
0x1fd: {  	v5 =	vmul.f32 v6, v5  }
0x1fe: {  	v36 =	vld [tilespmem:s17+$0x1420]  }
0x1ff: {  	v5 =	vadd.f32 v5, v35;
	_ =	sdelay $0x1  }
0x200: {  	[tilespmem:s17+$0x1410] =	vst v5  }
0x201: {  	v5 =	vld [tilespmem:$0xC620]  }
0x202: {  	v6 =	vmul.f32 v36, v3  }
0x203: {  	v37 =	vld [tilespmem:$0xC920]  }
0x204: {  	v6 =	vadd.f32 v6, v4;
	_ =	sdelay $0x1  }
0x205: {  	v5 =	vmul.f32 v6, v5  }
0x206: {  	v38 =	vld [tilespmem:s17+$0x1430]  }
0x207: {  	v5 =	vadd.f32 v5, v37;
	_ =	sdelay $0x1  }
0x208: {  	[tilespmem:s17+$0x1420] =	vst v5  }
0x209: {  	v5 =	vld [tilespmem:$0xC630]  }
0x20a: {  	v6 =	vmul.f32 v38, v3  }
0x20b: {  	v39 =	vld [tilespmem:$0xC930]  }
0x20c: {  	v6 =	vadd.f32 v6, v4;
	_ =	sdelay $0x1  }
0x20d: {  	v5 =	vmul.f32 v6, v5  }
0x20e: {  	v40 =	vld [tilespmem:s17+$0x1440]  }
0x20f: {  	v5 =	vadd.f32 v5, v39;
	_ =	sdelay $0x1  }
0x210: {  	[tilespmem:s17+$0x1430] =	vst v5  }
0x211: {  	v5 =	vld [tilespmem:$0xC640]  }
0x212: {  	v6 =	vmul.f32 v40, v3  }
0x213: {  	v41 =	vld [tilespmem:$0xC940]  }
0x214: {  	v6 =	vadd.f32 v6, v4;
	_ =	sdelay $0x1  }
0x215: {  	v5 =	vmul.f32 v6, v5  }
0x216: {  	v42 =	vld [tilespmem:s17+$0x1450]  }
0x217: {  	v5 =	vadd.f32 v5, v41;
	_ =	sdelay $0x1  }
0x218: {  	[tilespmem:s17+$0x1440] =	vst v5  }
0x219: {  	v5 =	vld [tilespmem:$0xC650]  }
0x21a: {  	v6 =	vmul.f32 v42, v3  }
0x21b: {  	v43 =	vld [tilespmem:$0xC950]  }
0x21c: {  	v6 =	vadd.f32 v6, v4;
	_ =	sdelay $0x1  }
0x21d: {  	v5 =	vmul.f32 v6, v5  }
0x21e: {  	v44 =	vld [tilespmem:s17+$0x1460]  }
0x21f: {  	v5 =	vadd.f32 v5, v43;
	_ =	sdelay $0x1  }
0x220: {  	[tilespmem:s17+$0x1450] =	vst v5  }
0x221: {  	v5 =	vld [tilespmem:$0xC660]  }
0x222: {  	v6 =	vmul.f32 v44, v3  }
0x223: {  	v45 =	vld [tilespmem:$0xC960]  }
0x224: {  	v6 =	vadd.f32 v6, v4;
	_ =	sdelay $0x1  }
0x225: {  	v5 =	vmul.f32 v6, v5  }
0x226: {  	v46 =	vld [tilespmem:s17+$0x1470]  }
0x227: {  	v5 =	vadd.f32 v5, v45;
	_ =	sdelay $0x1  }
0x228: {  	[tilespmem:s17+$0x1460] =	vst v5  }
0x229: {  	v5 =	vld [tilespmem:$0xC670]  }
0x22a: {  	v6 =	vmul.f32 v46, v3  }
0x22b: {  	v47 =	vld [tilespmem:$0xC970]  }
0x22c: {  	v6 =	vadd.f32 v6, v4;
	_ =	sdelay $0x1  }
0x22d: {  	v5 =	vmul.f32 v6, v5  }
0x22e: {  	v48 =	vld [tilespmem:s17+$0x1800]  }
0x22f: {  	v5 =	vadd.f32 v5, v47;
	_ =	sdelay $0x1  }
0x230: {  	[tilespmem:s17+$0x1470] =	vst v5  }
0x231: {  	v5 =	vld [tilespmem:$0xC680]  }
0x232: {  	v6 =	vmul.f32 v48, v3  }
0x233: {  	v49 =	vld [tilespmem:$0xC980]  }
0x234: {  	v6 =	vadd.f32 v6, v4;
	_ =	sdelay $0x1  }
0x235: {  	v5 =	vmul.f32 v6, v5  }
0x236: {  	v50 =	vld [tilespmem:s17+$0x1810]  }
0x237: {  	v5 =	vadd.f32 v5, v49;
	_ =	sdelay $0x1  }
0x238: {  	[tilespmem:s17+$0x1800] =	vst v5  }
0x239: {  	v5 =	vld [tilespmem:$0xC690]  }
0x23a: {  	v6 =	vmul.f32 v50, v3  }
0x23b: {  	v51 =	vld [tilespmem:$0xC990]  }
0x23c: {  	v6 =	vadd.f32 v6, v4;
	_ =	sdelay $0x1  }
0x23d: {  	v5 =	vmul.f32 v6, v5  }
0x23e: {  	v52 =	vld [tilespmem:s17+$0x1820]  }
0x23f: {  	v5 =	vadd.f32 v5, v51;
	_ =	sdelay $0x1  }
0x240: {  	[tilespmem:s17+$0x1810] =	vst v5  }
0x241: {  	v5 =	vld [tilespmem:$0xC6A0]  }
0x242: {  	v6 =	vmul.f32 v52, v3  }
0x243: {  	v53 =	vld [tilespmem:$0xC9A0]  }
0x244: {  	v6 =	vadd.f32 v6, v4;
	_ =	sdelay $0x1  }
0x245: {  	v5 =	vmul.f32 v6, v5  }
0x246: {  	v54 =	vld [tilespmem:s17+$0x1830]  }
0x247: {  	v5 =	vadd.f32 v5, v53;
	_ =	sdelay $0x1  }
0x248: {  	[tilespmem:s17+$0x1820] =	vst v5  }
0x249: {  	v5 =	vld [tilespmem:$0xC6B0]  }
0x24a: {  	v6 =	vmul.f32 v54, v3  }
0x24b: {  	v55 =	vld [tilespmem:$0xC9B0]  }
0x24c: {  	v6 =	vadd.f32 v6, v4;
	_ =	sdelay $0x1  }
0x24d: {  	v5 =	vmul.f32 v6, v5  }
0x24e: {  	v56 =	vld [tilespmem:s17+$0x1840]  }
0x24f: {  	v5 =	vadd.f32 v5, v55;
	_ =	sdelay $0x1  }
0x250: {  	[tilespmem:s17+$0x1830] =	vst v5  }
0x251: {  	v5 =	vld [tilespmem:$0xC6C0]  }
0x252: {  	v6 =	vmul.f32 v56, v3  }
0x253: {  	v57 =	vld [tilespmem:$0xC9C0]  }
0x254: {  	v6 =	vadd.f32 v6, v4;
	_ =	sdelay $0x1  }
0x255: {  	v5 =	vmul.f32 v6, v5  }
0x256: {  	v58 =	vld [tilespmem:s17+$0x1850]  }
0x257: {  	v5 =	vadd.f32 v5, v57;
	_ =	sdelay $0x1  }
0x258: {  	[tilespmem:s17+$0x1840] =	vst v5  }
0x259: {  	v5 =	vld [tilespmem:$0xC6D0]  }
0x25a: {  	v6 =	vmul.f32 v58, v3  }
0x25b: {  	v59 =	vld [tilespmem:$0xC9D0]  }
0x25c: {  	v6 =	vadd.f32 v6, v4;
	_ =	sdelay $0x1  }
0x25d: {  	v5 =	vmul.f32 v6, v5  }
0x25e: {  	v60 =	vld [tilespmem:s17+$0x1860]  }
0x25f: {  	v5 =	vadd.f32 v5, v59;
	_ =	sdelay $0x1  }
0x260: {  	[tilespmem:s17+$0x1850] =	vst v5  }
0x261: {  	v5 =	vld [tilespmem:$0xC6E0]  }
0x262: {  	v6 =	vmul.f32 v60, v3  }
0x263: {  	v61 =	vld [tilespmem:$0xC9E0]  }
0x264: {  	v6 =	vadd.f32 v6, v4;
	_ =	sdelay $0x1  }
0x265: {  	v5 =	vmul.f32 v6, v5  }
0x266: {  	v62 =	vld [tilespmem:s17+$0x1870]  }
0x267: {  	v5 =	vadd.f32 v5, v61;
	_ =	sdelay $0x1  }
0x268: {  	[tilespmem:s17+$0x1860] =	vst v5  }
0x269: {  	v5 =	vld [tilespmem:$0xC6F0]  }
0x26a: {  	v3 =	vmul.f32 v62, v3  }
0x26b: {  	v63 =	vld [tilespmem:$0xC9F0]  }
0x26c: {  	v3 =	vadd.f32 v3, v4  }
0x26d: {  	p0 =	sne.s32 s16, $0x1F  }
.Ltmp0:
0x26e: {  	v3 =	vmul.f32 v3, v5;
	(pc) =	sbr.rel @p0 .LBB2_3-.Ltmp0, $3  }
0x26f: {  	_ = 	snop  }
0x270: {  	v3 =	vadd.f32 v3, v63;
	_ =	sdelay $0x1  }
0x271: {  	s4 =	sadd.s32 $0x80, s4;
	s16 =	sadd.s32 $0x1, s16;
	[tilespmem:s17+$0x1870] =	vst v3  }
0x272: {  	s4 =	smul.u32 $0x180000, s3;
	_ =	sdelay $0x1  }
0x273: {  	s3 =	sadd.s32 $0x1, s3;
	s4 =	sadd.s32 s7, s4  }
0x274: {  	p0 =	sne.s32 s3, $0x4;
	s4 =	sshrl.u32 s4, $0x3  }
.Ltmp1:
0x275: {  	s4 =	sadd.s32 s5, s4;
	(pc) =	sbr.rel @p0 .LBB2_2-.Ltmp1, $4  }
0x276: {  	[hbm4b:s4+s6] =	stream.linear.scatter [tilespmem:s19], [sflag:$0x2], $0x6000, $0x38;
	[tilespmem:$0xCA00] =	vst v63  }
0x277: {  	_ =	swait.ge [sflag:s15], $0x6000  }
0x278: {  	[sflag:s15] =	ssyncset.done $0x0  }
0x279: {  	[sflag:s15] =	ssyncadd.s32 $0xFFFFA000  }
0x27a: {  	s3 =	simm.s32 $0x0  }
0x27b: {  	[tilespmem:s8], [sflag:$0x2] =	stream.linear.gather [hbm4b:s13+s3], $0x6000, $0x38;
	[tilespmem:$0xCA00] =	vst v63  }
0x27c: {  	_ =	swait.ge [sflag:s15], $0x6000  }
0x27d: {  	[sflag:s15] =	ssyncset.done $0x0  }
0x27e: {  	s4 =	simm.s32 $0x0;
	[sflag:s15] =	ssyncadd.s32 $0xFFFFA000  }
.LBB2_6:
0x27f: {  	s16 =	sshll.u32 s4, $0x7  }
0x280: {  	s16 =	sand.u32 $0x3FFFFF80, s16  }
0x281: {  	v3 =	vld [tilespmem:s16+$0x200];
	_ =	sdelay $0x4  }
0x282: {  	v4 =	vshrl.u32 v3, $0x3  }
0x283: {  	v4 =	vmul.u32 $0x30, v4  }
0x284: {  	v3 =	vand.u32 $0x7, v3  }
0x285: {  	v3 =	vor.u32 v3, v4  }
0x286: {  	v4 =	vperm.xlane v3, v0;
	_ =	sdelay $0x1  }
0x287: {  	v4 =	vadd.s32 v1, v4;
	_ =	sdelay $0x3  }
0x288: {  	v3 =	vperm.xlane v3, v2  }
0x289: {  	[tilespmem:s19], [sflag:$0x1] =	stream.indirect_vreg.gather [hbm4b:s0+s3], $0x80, v4, vm0, $0xb8;
	[tilespmem:$0xCA00] =	vst v63  }
0x28a: {  	v3 =	vadd.s32 v1, v3  }
0x28b: {  	[tilespmem:s20], [sflag:$0x1] =	stream.indirect_vreg.gather [hbm4b:s11+s3], $0x80, v4, vm0, $0xb8;
	[tilespmem:$0xCA00] =	vst v63  }
0x28c: {  	_ = 	snop  }
0x28d: {  	[tilespmem:s21], [sflag:$0x1] =	stream.indirect_vreg.gather [hbm4b:s12+s3], $0x80, v4, vm0, $0xb8;
	[tilespmem:$0xCA00] =	vst v63  }
0x28e: {  	_ = 	snop  }
0x28f: {  	[tilespmem:s22], [sflag:$0x1] =	stream.indirect_vreg.gather [hbm4b:s0+s3], $0x80, v3, vm0, $0xb8;
	[tilespmem:$0xCA00] =	vst v63  }
0x290: {  	_ = 	snop  }
0x291: {  	[tilespmem:s23], [sflag:$0x1] =	stream.indirect_vreg.gather [hbm4b:s11+s3], $0x80, v3, vm0, $0xb8;
	[tilespmem:$0xCA00] =	vst v63  }
0x292: {  	_ = 	snop  }
0x293: {  	[tilespmem:s24], [sflag:$0x1] =	stream.indirect_vreg.gather [hbm4b:s12+s3], $0x80, v3, vm0, $0xb8;
	[tilespmem:$0xCA00] =	vst v63  }
0x294: {  	v3 =	vld [tilespmem:s16+$0x210];
	_ =	sdelay $0x4  }
0x295: {  	v63 =	vshrl.u32 v3, $0x3  }
0x296: {  	v4 =	vmul.u32 $0x30, v63  }
0x297: {  	v3 =	vand.u32 $0x7, v3  }
0x298: {  	v3 =	vor.u32 v3, v4  }
0x299: {  	v4 =	vperm.xlane v3, v0;
	_ =	sdelay $0x1  }
0x29a: {  	v4 =	vadd.s32 v1, v4;
	_ =	sdelay $0x3  }
0x29b: {  	v3 =	vperm.xlane v3, v2  }
0x29c: {  	[tilespmem:s25], [sflag:$0x1] =	stream.indirect_vreg.gather [hbm4b:s0+s3], $0x80, v4, vm0, $0xb8;
	[tilespmem:$0xCA00] =	vst v63  }
0x29d: {  	v3 =	vadd.s32 v1, v3  }
0x29e: {  	[tilespmem:s26], [sflag:$0x1] =	stream.indirect_vreg.gather [hbm4b:s11+s3], $0x80, v4, vm0, $0xb8;
	[tilespmem:$0xCA00] =	vst v63  }
0x29f: {  	_ = 	snop  }
0x2a0: {  	[tilespmem:s28], [sflag:$0x1] =	stream.indirect_vreg.gather [hbm4b:s12+s3], $0x80, v4, vm0, $0xb8;
	[tilespmem:$0xCA00] =	vst v63  }
0x2a1: {  	_ = 	snop  }
0x2a2: {  	[tilespmem:s29], [sflag:$0x1] =	stream.indirect_vreg.gather [hbm4b:s0+s3], $0x80, v3, vm0, $0xb8;
	[tilespmem:$0xCA00] =	vst v63  }
0x2a3: {  	_ = 	snop  }
0x2a4: {  	[tilespmem:s30], [sflag:$0x1] =	stream.indirect_vreg.gather [hbm4b:s11+s3], $0x80, v3, vm0, $0xb8;
	[tilespmem:$0xCA00] =	vst v63  }
0x2a5: {  	_ = 	snop  }
0x2a6: {  	[tilespmem:s31], [sflag:$0x1] =	stream.indirect_vreg.gather [hbm4b:s12+s3], $0x80, v3, vm0, $0xb8;
	[tilespmem:$0xCA00] =	vst v63  }
0x2a7: {  	_ =	swait.ge [sflag:s1], $0x6000  }
0x2a8: {  	[sflag:s1] =	ssyncset.done $0x0  }
0x2a9: {  	s17 =	simm.s32 $0x0;
	s16 =	simm.s32 $0x0;
	[sflag:s1] =	ssyncadd.s32 $0xFFFFA000  }
.LBB2_7:
0x2aa: {  	s18 =	sshrl.u32 s17, $0x3  }
0x2ab: {  	s18 =	smul.u32 $0x1800, s18  }
0x2ac: {  	s8 =	sand.u32 $0x380, s16  }
0x2ad: {  	s18 =	sor.u32 s8, s18  }
0x2ae: {  	v3 =	vld [tilespmem:s18+$0x400]  }
0x2af: {  	v4 =	vld [tilespmem:s18+$0x6400]  }
0x2b0: {  	v5 =	vld [tilespmem:s18+$0x410]  }
0x2b1: {  	v6 =	vld [tilespmem:s18+$0x6410]  }
0x2b2: {  	v7 =	vld [tilespmem:s18+$0x420]  }
0x2b3: {  	v8 =	vld [tilespmem:s18+$0x6420]  }
0x2b4: {  	v9 =	vld [tilespmem:s18+$0x430]  }
0x2b5: {  	v10 =	vld [tilespmem:s18+$0x6430]  }
0x2b6: {  	v11 =	vld [tilespmem:s18+$0x440]  }
0x2b7: {  	v12 =	vld [tilespmem:s18+$0x6440]  }
0x2b8: {  	v13 =	vld [tilespmem:s18+$0x450]  }
0x2b9: {  	v14 =	vld [tilespmem:s18+$0x6450]  }
0x2ba: {  	v15 =	vld [tilespmem:s18+$0x460]  }
0x2bb: {  	v16 =	vld [tilespmem:s18+$0x6460]  }
0x2bc: {  	v17 =	vld [tilespmem:s18+$0x470]  }
0x2bd: {  	v18 =	vld [tilespmem:s18+$0x6470]  }
0x2be: {  	v19 =	vld [tilespmem:s18+$0x800]  }
0x2bf: {  	v20 =	vld [tilespmem:s18+$0x6800]  }
0x2c0: {  	v21 =	vld [tilespmem:s18+$0x810]  }
0x2c1: {  	v22 =	vld [tilespmem:s18+$0x6810]  }
0x2c2: {  	v23 =	vld [tilespmem:s18+$0x820]  }
0x2c3: {  	v24 =	vld [tilespmem:s18+$0x6820]  }
0x2c4: {  	v25 =	vld [tilespmem:s18+$0x830]  }
0x2c5: {  	v26 =	vld [tilespmem:s18+$0x6830]  }
0x2c6: {  	v27 =	vld [tilespmem:s18+$0x840]  }
0x2c7: {  	v28 =	vld [tilespmem:s18+$0x6840]  }
0x2c8: {  	v29 =	vld [tilespmem:s18+$0x850]  }
0x2c9: {  	v30 =	vld [tilespmem:s18+$0x6850]  }
0x2ca: {  	v31 =	vld [tilespmem:s18+$0x860]  }
0x2cb: {  	v32 =	vld [tilespmem:s18+$0x6860]  }
0x2cc: {  	v33 =	vld [tilespmem:s18+$0x870]  }
0x2cd: {  	v34 =	vld [tilespmem:s18+$0x6870]  }
0x2ce: {  	v35 =	vld [tilespmem:s18+$0xC00]  }
0x2cf: {  	v36 =	vld [tilespmem:s18+$0x6C00]  }
0x2d0: {  	v37 =	vld [tilespmem:s18+$0xC10];
	v3 =	vadd.f32 v4, v3;
	v4 =	vadd.f32 v6, v5  }
0x2d1: {  	v38 =	vld [tilespmem:s18+$0x6C10];
	v6 =	vadd.f32 v8, v7;
	v5 =	vadd.f32 v12, v11  }
0x2d2: {  	v40 =	vld [tilespmem:s18+$0xC20];
	v7 =	vadd.f32 v10, v9;
	v8 =	vadd.f32 v14, v13  }
0x2d3: {  	v42 =	vld [tilespmem:s18+$0x6C20];
	v9 =	vadd.f32 v16, v15;
	v10 =	vadd.f32 v18, v17  }
0x2d4: {  	v43 =	vld [tilespmem:s18+$0xC30];
	v11 =	vadd.f32 v20, v19;
	v12 =	vadd.f32 v22, v21  }
0x2d5: {  	v45 =	vld [tilespmem:s18+$0x6C30];
	v13 =	vadd.f32 v24, v23;
	v14 =	vadd.f32 v26, v25  }
0x2d6: {  	v46 =	vld [tilespmem:s18+$0xC40];
	v15 =	vadd.f32 v28, v27;
	v16 =	vadd.f32 v30, v29  }
0x2d7: {  	v49 =	vld [tilespmem:s18+$0xC50];
	v18 =	vadd.f32 v34, v33;
	v19 =	vadd.f32 v36, v35  }
0x2d8: {  	v50 =	vld [tilespmem:s18+$0x6C60];
	v21 =	vadd.f32 v42, v40;
	v39 =	vadd.f32 $0.0e+00, v3;
	v41 =	vmul.f32 v3, v3  }
0x2d9: {  	v28 =	vld [tilespmem:s18+$0x1010];
	v62 =	vadd.f32 $0.0e+00, v4;
	v63 =	vmul.f32 v4, v4;
	v44 =	vadd.f32 $0.0e+00, v6  }
0x2da: {  	v29 =	vld [tilespmem:s18+$0x7010];
	v51 =	vmul.f32 v5, v5;
	v52 =	vmul.f32 v6, v6;
	v53 =	vadd.f32 $0.0e+00, v7  }
0x2db: {  	v27 =	vld [tilespmem:s18+$0x7000];
	v56 =	vmul.f32 v8, v8;
	v48 =	vmul.f32 v9, v9;
	v54 =	vadd.f32 v5, v39  }
0x2dc: {  	v33 =	vld [tilespmem:s18+$0x1030];
	v57 =	vmul.f32 v7, v7;
	v55 =	vadd.f32 v51, v41;
	v47 =	vadd.f32 v8, v62  }
0x2dd: {  	v34 =	vld [tilespmem:s18+$0x7030];
	v60 =	vmul.f32 v10, v10;
	v58 =	vadd.f32 v56, v63;
	v59 =	vadd.f32 v9, v44  }
0x2de: {  	v36 =	vld [tilespmem:s18+$0x1040];
	v20 =	vadd.f32 v48, v52;
	v61 =	vadd.f32 v10, v53;
	v62 =	vmul.f32 v11, v11  }
0x2df: {  	v24 =	vmul.f32 v12, v12;
	v41 =	vld [tilespmem:s18+$0x6C40];
	v17 =	vadd.f32 v60, v57;
	v28 =	vadd.f32 v29, v28  }
0x2e0: {  	v39 =	vld [tilespmem:s18+$0x6C50];
	v57 =	vmul.f32 v13, v13;
	v63 =	vadd.f32 v11, v54;
	v22 =	vadd.f32 v62, v55  }
0x2e1: {  	v44 =	vld [tilespmem:s18+$0xC60];
	v60 =	vmul.f32 v14, v14;
	v56 =	vadd.f32 v12, v47;
	v58 =	vadd.f32 v24, v58  }
0x2e2: {  	v51 =	vld [tilespmem:s18+$0xC70];
	v59 =	vadd.f32 v13, v59;
	v20 =	vadd.f32 v57, v20  }
0x2e3: {  	v52 =	vld [tilespmem:s18+$0x6C70];
	v62 =	vadd.f32 v60, v17;
	v17 =	vadd.f32 v32, v31  }
0x2e4: {  	v48 =	vld [tilespmem:s18+$0x7020];
	v26 =	vadd.f32 v14, v61;
	v61 =	vmul.f32 v15, v15;
	v55 =	vmul.f32 v16, v16  }
0x2e5: {  	v47 =	vld [tilespmem:s18+$0x1000];
	v63 =	vadd.f32 v15, v63;
	v23 =	vadd.f32 v16, v56;
	v56 =	vmul.f32 v17, v17  }
0x2e6: {  	v53 =	vmul.f32 v19, v19;
	v31 =	vld [tilespmem:s18+$0x1020];
	v22 =	vadd.f32 v61, v22;
	v24 =	vadd.f32 v55, v58  }
0x2e7: {  	v58 =	vmul.f32 v18, v18;
	v57 =	vadd.f32 v56, v20;
	v20 =	vadd.f32 v38, v37;
	v37 =	vld [tilespmem:s18+$0x7040]  }
0x2e8: {  	v25 =	vadd.f32 v17, v59;
	v26 =	vadd.f32 v18, v26;
	v38 =	vld [tilespmem:s18+$0x1050]  }
0x2e9: {  	v30 =	vadd.f32 v58, v62;
	v59 =	vadd.f32 v53, v22;
	v53 =	vld [tilespmem:s18+$0x7050]  }
0x2ea: {  	v32 =	vadd.f32 v19, v63;
	v22 =	vadd.f32 v45, v43;
	v43 =	vld [tilespmem:s18+$0x1060]  }
0x2eb: {  	v63 =	vadd.f32 v21, v25;
	v25 =	vadd.f32 v50, v44;
	v44 =	vld [tilespmem:s18+$0x1400]  }
0x2ec: {  	v55 =	vmul.f32 v21, v21;
	v50 =	vld [tilespmem:s18+$0x7400];
	v27 =	vadd.f32 v27, v47;
	v29 =	vadd.f32 v48, v31  }
0x2ed: {  	v47 =	vld [tilespmem:s18+$0x7410];
	v54 =	vadd.f32 v20, v23;
	v23 =	vadd.f32 v41, v46  }
0x2ee: {  	v48 =	vld [tilespmem:s18+$0x1430];
	v62 =	vmul.f32 v20, v20;
	v35 =	vadd.f32 v55, v57;
	v61 =	vadd.f32 v22, v26  }
0x2ef: {  	v60 =	vmul.f32 v22, v22;
	v26 =	vadd.f32 v52, v51;
	v45 =	vadd.f32 v25, v63;
	v52 =	vld [tilespmem:s18+$0x1420]  }
0x2f0: {  	v56 =	vmul.f32 v25, v25;
	v57 =	vld [tilespmem:s18+$0x7420];
	v42 =	vadd.f32 v62, v24;
	v24 =	vadd.f32 v39, v49  }
0x2f1: {  	v41 =	vld [tilespmem:s18+$0x7060];
	v30 =	vadd.f32 v60, v30;
	v32 =	vadd.f32 v23, v32  }
0x2f2: {  	v46 =	vld [tilespmem:s18+$0x1070];
	v62 =	vmul.f32 v23, v23;
	v35 =	vadd.f32 v56, v35;
	v55 =	vadd.f32 v26, v61  }
0x2f3: {  	v51 =	vld [tilespmem:s18+$0x1410];
	v63 =	vmul.f32 v26, v26;
	v45 =	vadd.f32 v29, v45;
	v31 =	vadd.f32 v37, v36  }
0x2f4: {  	v39 =	vld [tilespmem:s18+$0x7070];
	v40 =	vadd.f32 v62, v59;
	v49 =	vmul.f32 v24, v24;
	v54 =	vadd.f32 v24, v54  }
0x2f5: {  	v60 =	vmul.f32 v27, v27;
	v56 =	vld [tilespmem:s18+$0x7430];
	v58 =	vadd.f32 v27, v32;
	v37 =	vadd.f32 v57, v52  }
0x2f6: {  	v32 =	vmul.f32 v29, v29;
	v59 =	vld [tilespmem:s18+$0x1440];
	v42 =	vadd.f32 v49, v42;
	v49 =	vadd.f32 v63, v30  }
0x2f7: {  	v52 =	vld [tilespmem:s18+$0x1810];
	v40 =	vadd.f32 v60, v40;
	v54 =	vadd.f32 v28, v54  }
0x2f8: {  	v57 =	vld [tilespmem:s18+$0x7820];
	v30 =	vadd.f32 v34, v33;
	v36 =	vadd.f32 v32, v35  }
0x2f9: {  	v61 =	vmul.f32 v28, v28;
	v60 =	vld [tilespmem:s18+$0x7440];
	v33 =	vadd.f32 v53, v38;
	v32 =	vadd.f32 v41, v43  }
0x2fa: {  	v62 =	vmul.f32 v31, v31;
	v41 =	vld [tilespmem:s18+$0x7450];
	v58 =	vadd.f32 v31, v58;
	v35 =	vadd.f32 v39, v46  }
0x2fb: {  	v53 =	vld [tilespmem:s18+$0x1460];
	v38 =	vadd.f32 v56, v48;
	v42 =	vadd.f32 v61, v42;
	v34 =	vmul.f32 v30, v30  }
0x2fc: {  	v48 =	vld [tilespmem:s18+$0x7800];
	v43 =	vadd.f32 v30, v55;
	v40 =	vadd.f32 v62, v40;
	v63 =	vmul.f32 v33, v33  }
0x2fd: {  	v61 =	vld [tilespmem:s18+$0x1450];
	v62 =	vmul.f32 v32, v32;
	v54 =	vadd.f32 v33, v54;
	v45 =	vadd.f32 v32, v45  }
0x2fe: {  	v55 =	vld [tilespmem:s18+$0x7460];
	v49 =	vadd.f32 v34, v49;
	v34 =	vadd.f32 v50, v44  }
0x2ff: {  	v39 =	vmul.f32 v35, v35;
	v44 =	vld [tilespmem:s18+$0x1470];
	v42 =	vadd.f32 v63, v42;
	v46 =	vadd.f32 v62, v36  }
0x300: {  	v50 =	vld [tilespmem:s18+$0x7470];
	v36 =	vadd.f32 v47, v51;
	v63 =	vmul.f32 v37, v37;
	v43 =	vadd.f32 v35, v43  }
0x301: {  	v49 =	vadd.f32 v39, v49;
	v39 =	vadd.f32 v60, v59;
	v59 =	vld [tilespmem:s18+$0x7810]  }
0x302: {  	v45 =	vadd.f32 v37, v45;
	v62 =	vmul.f32 v34, v34;
	v46 =	vadd.f32 v63, v46;
	v60 =	vld [tilespmem:s18+$0x1830]  }
0x303: {  	v51 =	vmul.f32 v36, v36;
	v63 =	vld [tilespmem:s18+$0x7830];
	v58 =	vadd.f32 v34, v58;
	v54 =	vadd.f32 v36, v54  }
0x304: {  	v47 =	vld [tilespmem:s18+$0x1800];
	v43 =	vadd.f32 v38, v43;
	v41 =	vadd.f32 v41, v61  }
0x305: {  	v40 =	vadd.f32 v62, v40;
	v62 =	vmul.f32 v38, v38;
	v42 =	vadd.f32 v51, v42;
	v51 =	vld [tilespmem:s18+$0x1820]  }
0x306: {  	v53 =	vadd.f32 v55, v53;
	v56 =	vmul.f32 v39, v39;
	v44 =	vadd.f32 v50, v44  }
0x307: {  	v61 =	vmul.f32 v41, v41;
	v49 =	vadd.f32 v62, v49;
	v50 =	vadd.f32 v59, v52;
	v52 =	vld [tilespmem:s18+$0x1840]  }
0x308: {  	v40 =	vadd.f32 v56, v40;
	v62 =	vmul.f32 v53, v53;
	v56 =	vadd.f32 v63, v60;
	v60 =	vld [tilespmem:s18+$0x1850]  }
0x309: {  	v47 =	vadd.f32 v48, v47;
	v42 =	vadd.f32 v61, v42;
	v55 =	vmul.f32 v44, v44;
	v61 =	vld [tilespmem:s18+$0x7850]  }
0x30a: {  	v46 =	vadd.f32 v62, v46;
	v51 =	vadd.f32 v57, v51;
	v57 =	vld [tilespmem:s18+$0x7840]  }
0x30b: {  	v48 =	vmul.f32 v50, v50;
	v49 =	vadd.f32 v55, v49;
	v62 =	vmul.f32 v56, v56  }
0x30c: {  	v58 =	vadd.f32 v39, v58;
	v54 =	vadd.f32 v41, v54;
	v59 =	vmul.f32 v47, v47;
	v55 =	vld [tilespmem:s18+$0x1860]  }
0x30d: {  	v42 =	vadd.f32 v48, v42;
	v48 =	vadd.f32 v62, v49;
	v49 =	vld [tilespmem:s18+$0x7860]  }
0x30e: {  	v40 =	vadd.f32 v59, v40;
	v59 =	vadd.f32 v61, v60;
	v60 =	vld [tilespmem:s18+$0x7870]  }
0x30f: {  	v43 =	vadd.f32 v44, v43;
	v52 =	vadd.f32 v57, v52;
	v57 =	vld [tilespmem:s18+$0x1870]  }
0x310: {  	v45 =	vadd.f32 v53, v45;
	v58 =	vadd.f32 v47, v58;
	v63 =	vmul.f32 v51, v51  }
0x311: {  	v54 =	vadd.f32 v50, v54;
	v43 =	vadd.f32 v56, v43  }
0x312: {  	v45 =	vadd.f32 v51, v45;
	v46 =	vadd.f32 v63, v46  }
0x313: {  	v54 =	vadd.f32 v59, v54;
	v49 =	vadd.f32 v49, v55;
	v63 =	vmul.f32 v52, v52  }
0x314: {  	v58 =	vadd.f32 v52, v58;
	v57 =	vadd.f32 v60, v57;
	v60 =	vmul.f32 v59, v59  }
0x315: {  	v40 =	vadd.f32 v63, v40;
	v45 =	vadd.f32 v49, v45;
	v55 =	vmul.f32 v49, v49  }
0x316: {  	v43 =	vadd.f32 v57, v43;
	v42 =	vadd.f32 v60, v42;
	v60 =	vmul.f32 v57, v57  }
0x317: {  	v54 =	vadd.f32 v54, v58;
	v61 =	vadd.f32 v55, v46  }
0x318: {  	v43 =	vadd.f32 v43, v45;
	v62 =	vadd.f32 v60, v48  }
0x319: {  	v40 =	vadd.f32 v42, v40  }
0x31a: {  	v43 =	vadd.f32 v43, v54;
	v63 =	vadd.f32 v62, v61;
	_ =	sdelay $0x1  }
0x31b: {  	[tilespmem:s18+$0x400] =	vst v3;
	v3 =	vadd.f32 v63, v40;
	(xrf2) =	vadd.scan.msk.f32 $0xffff, v43  }
0x31c: {  	[tilespmem:s18+$0x410] =	vst v4  }
0x31d: {  	[tilespmem:s18+$0x420] =	vst v6;
	(xrf2) =	vadd.scan.msk.f32 $0xffff, v3  }
0x31e: {  	[tilespmem:s18+$0x430] =	vst v7  }
0x31f: {  	[tilespmem:s18+$0x440] =	vst v5  }
0x320: {  	[tilespmem:s18+$0x450] =	vst v8  }
0x321: {  	[tilespmem:s18+$0x460] =	vst v9  }
0x322: {  	[tilespmem:s18+$0x470] =	vst v10  }
0x323: {  	[tilespmem:s18+$0x800] =	vst v11  }
0x324: {  	[tilespmem:s18+$0x810] =	vst v12  }
0x325: {  	[tilespmem:s18+$0x820] =	vst v13;
	v3, _, _ =	vpop (xrf2)  }
0x326: {  	[tilespmem:s18+$0x830] =	vst v14;
	v3 =	vmul.f32 $1.302083370e-03, v3  }
0x327: {  	[tilespmem:s18+$0x840] =	vst v15;
	v15, _, _ =	vpop (xrf2)  }
0x328: {  	[tilespmem:s18+$0x850] =	vst v16;
	v4 =	vmul.f32 $1.302083370e-03, v15;
	v16 =	vmul.f32 v3, v3  }
0x329: {  	[tilespmem:s18+$0x870] =	vst v18  }
0x32a: {  	[tilespmem:s18+$0xC00] =	vst v19;
	v4 =	vsub.f32 v4, v16  }
0x32b: {  	[tilespmem:s18+$0xC20] =	vst v21  }
0x32c: {  	[tilespmem:s18+$0x1010] =	vst v28;
	v4 =	vadd.f32 $9.999999960e-13, v4  }
0x32d: {  	[tilespmem:s18+$0x860] =	vst v17  }
0x32e: {  	[tilespmem:s18+$0xC10] =	vst v20;
	v4 =	vbroadcast v4, $0xF  }
0x32f: {  	[tilespmem:s18+$0xC30] =	vst v22  }
0x330: {  	[tilespmem:s18+$0xC60] =	vst v25;
	v19 =	vshra.s32 v4, $0x1;
	v4 =	vmul.f32 $5.000000000e-01, v4  }
0x331: {  	[tilespmem:s18+$0x1000] =	vst v27;
	v5 =	vsub.s32 $0x5F3759DF, v19  }
0x332: {  	[tilespmem:s18+$0x1020] =	vst v29;
	v20 =	vmul.f32 v5, v4  }
0x333: {  	[tilespmem:s18+$0xC40] =	vst v23  }
0x334: {  	[tilespmem:s18+$0xC70] =	vst v26;
	v6 =	vmul.f32 v5, v20  }
0x335: {  	[tilespmem:s18+$0xC50] =	vst v24  }
0x336: {  	[tilespmem:s18+$0x1040] =	vst v31;
	v6 =	vsub.f32 $1.500000000e+00, v6  }
0x337: {  	[tilespmem:s18+$0x1420] =	vst v37  }
0x338: {  	[tilespmem:s18+$0x1030] =	vst v30;
	v5 =	vmul.f32 v5, v6  }
0x339: {  	[tilespmem:s18+$0x1050] =	vst v33  }
0x33a: {  	[tilespmem:s18+$0x1060] =	vst v32;
	v6 =	vmul.f32 v5, v4  }
0x33b: {  	[tilespmem:s18+$0x1070] =	vst v35  }
0x33c: {  	[tilespmem:s18+$0x1430] =	vst v38;
	v6 =	vmul.f32 v6, v5  }
0x33d: {  	[tilespmem:s18+$0x1400] =	vst v34  }
0x33e: {  	[tilespmem:s18+$0x1410] =	vst v36;
	v6 =	vsub.f32 $1.500000000e+00, v6  }
0x33f: {  	[tilespmem:s18+$0x1440] =	vst v39  }
0x340: {  	[tilespmem:s18+$0x1450] =	vst v41;
	v5 =	vmul.f32 v6, v5  }
0x341: {  	[tilespmem:s18+$0x1460] =	vst v53  }
0x342: {  	[tilespmem:s18+$0x1470] =	vst v44;
	v4 =	vmul.f32 v5, v4  }
0x343: {  	[tilespmem:s18+$0x1800] =	vst v47  }
0x344: {  	[tilespmem:s18+$0x1810] =	vst v50;
	v4 =	vmul.f32 v4, v5  }
0x345: {  	[tilespmem:s18+$0x1830] =	vst v56  }
0x346: {  	[tilespmem:s18+$0x1820] =	vst v51;
	v4 =	vsub.f32 $1.500000000e+00, v4  }
0x347: {  	v21 =	vld [tilespmem:s18+$0x400];
	[tilespmem:s18+$0x1850] =	vst v59  }
0x348: {  	[tilespmem:s18+$0x1840] =	vst v52;
	v22 =	vbroadcast v3, $0xF;
	v3 =	vmul.f32 v4, v5  }
0x349: {  	[tilespmem:s18+$0x1860] =	vst v49  }
0x34a: {  	[tilespmem:s18+$0x1870] =	vst v57;
	v4 =	vmul.f32 v3, v22  }
0x34b: {  	v23 =	vld [tilespmem:$0xC400]  }
0x34c: {  	v6 =	vmul.f32 v3, v21;
	v4 =	vsub.f32 $0.0e+00, v4  }
0x34d: {  	v24 =	vld [tilespmem:$0xC700]  }
0x34e: {  	v6 =	vadd.f32 v4, v6;
	_ =	sdelay $0x1  }
0x34f: {  	v5 =	vmul.f32 v6, v23  }
0x350: {  	v25 =	vld [tilespmem:s18+$0x410]  }
0x351: {  	v5 =	vadd.f32 v5, v24;
	_ =	sdelay $0x1  }
0x352: {  	[tilespmem:s18+$0x400] =	vst v5  }
0x353: {  	v5 =	vld [tilespmem:$0xC410]  }
0x354: {  	v6 =	vmul.f32 v3, v25  }
0x355: {  	v26 =	vld [tilespmem:$0xC710]  }
0x356: {  	v6 =	vadd.f32 v4, v6;
	_ =	sdelay $0x1  }
0x357: {  	v5 =	vmul.f32 v6, v5  }
0x358: {  	v27 =	vld [tilespmem:s18+$0x420]  }
0x359: {  	v5 =	vadd.f32 v5, v26;
	_ =	sdelay $0x1  }
0x35a: {  	[tilespmem:s18+$0x410] =	vst v5  }
0x35b: {  	v5 =	vld [tilespmem:$0xC420]  }
0x35c: {  	v6 =	vmul.f32 v3, v27  }
0x35d: {  	v28 =	vld [tilespmem:$0xC720]  }
0x35e: {  	v6 =	vadd.f32 v4, v6;
	_ =	sdelay $0x1  }
0x35f: {  	v5 =	vmul.f32 v6, v5  }
0x360: {  	v29 =	vld [tilespmem:s18+$0x430]  }
0x361: {  	v5 =	vadd.f32 v5, v28;
	_ =	sdelay $0x1  }
0x362: {  	[tilespmem:s18+$0x420] =	vst v5  }
0x363: {  	v5 =	vld [tilespmem:$0xC430]  }
0x364: {  	v6 =	vmul.f32 v3, v29  }
0x365: {  	v30 =	vld [tilespmem:$0xC730]  }
0x366: {  	v6 =	vadd.f32 v4, v6;
	_ =	sdelay $0x1  }
0x367: {  	v5 =	vmul.f32 v6, v5  }
0x368: {  	v31 =	vld [tilespmem:s18+$0x440]  }
0x369: {  	v5 =	vadd.f32 v5, v30;
	_ =	sdelay $0x1  }
0x36a: {  	[tilespmem:s18+$0x430] =	vst v5  }
0x36b: {  	v5 =	vld [tilespmem:$0xC440]  }
0x36c: {  	v6 =	vmul.f32 v3, v31  }
0x36d: {  	v32 =	vld [tilespmem:$0xC740]  }
0x36e: {  	v6 =	vadd.f32 v4, v6;
	_ =	sdelay $0x1  }
0x36f: {  	v5 =	vmul.f32 v6, v5  }
0x370: {  	v33 =	vld [tilespmem:s18+$0x450]  }
0x371: {  	v5 =	vadd.f32 v5, v32;
	_ =	sdelay $0x1  }
0x372: {  	[tilespmem:s18+$0x440] =	vst v5  }
0x373: {  	v5 =	vld [tilespmem:$0xC450]  }
0x374: {  	v6 =	vmul.f32 v3, v33  }
0x375: {  	v34 =	vld [tilespmem:$0xC750]  }
0x376: {  	v6 =	vadd.f32 v4, v6;
	_ =	sdelay $0x1  }
0x377: {  	v5 =	vmul.f32 v6, v5  }
0x378: {  	v35 =	vld [tilespmem:s18+$0x460]  }
0x379: {  	v5 =	vadd.f32 v5, v34;
	_ =	sdelay $0x1  }
0x37a: {  	[tilespmem:s18+$0x450] =	vst v5  }
0x37b: {  	v5 =	vld [tilespmem:$0xC460]  }
0x37c: {  	v6 =	vmul.f32 v3, v35  }
0x37d: {  	v36 =	vld [tilespmem:$0xC760]  }
0x37e: {  	v6 =	vadd.f32 v4, v6;
	_ =	sdelay $0x1  }
0x37f: {  	v5 =	vmul.f32 v6, v5  }
0x380: {  	v37 =	vld [tilespmem:s18+$0x470]  }
0x381: {  	v5 =	vadd.f32 v5, v36;
	_ =	sdelay $0x1  }
0x382: {  	[tilespmem:s18+$0x460] =	vst v5  }
0x383: {  	v5 =	vld [tilespmem:$0xC470]  }
0x384: {  	v6 =	vmul.f32 v37, v3  }
0x385: {  	v38 =	vld [tilespmem:$0xC770]  }
0x386: {  	v6 =	vadd.f32 v6, v4;
	_ =	sdelay $0x1  }
0x387: {  	v5 =	vmul.f32 v6, v5  }
0x388: {  	v39 =	vld [tilespmem:s18+$0x800]  }
0x389: {  	v5 =	vadd.f32 v5, v38;
	_ =	sdelay $0x1  }
0x38a: {  	[tilespmem:s18+$0x470] =	vst v5  }
0x38b: {  	v5 =	vld [tilespmem:$0xC480]  }
0x38c: {  	v6 =	vmul.f32 v39, v3  }
0x38d: {  	v40 =	vld [tilespmem:$0xC780]  }
0x38e: {  	v6 =	vadd.f32 v6, v4;
	_ =	sdelay $0x1  }
0x38f: {  	v5 =	vmul.f32 v6, v5  }
0x390: {  	v41 =	vld [tilespmem:s18+$0x810]  }
0x391: {  	v5 =	vadd.f32 v5, v40;
	_ =	sdelay $0x1  }
0x392: {  	[tilespmem:s18+$0x800] =	vst v5  }
0x393: {  	v5 =	vld [tilespmem:$0xC490]  }
0x394: {  	v6 =	vmul.f32 v41, v3  }
0x395: {  	v42 =	vld [tilespmem:$0xC790]  }
0x396: {  	v6 =	vadd.f32 v6, v4;
	_ =	sdelay $0x1  }
0x397: {  	v5 =	vmul.f32 v6, v5  }
0x398: {  	v43 =	vld [tilespmem:s18+$0x820]  }
0x399: {  	v5 =	vadd.f32 v5, v42;
	_ =	sdelay $0x1  }
0x39a: {  	[tilespmem:s18+$0x810] =	vst v5  }
0x39b: {  	v5 =	vld [tilespmem:$0xC4A0]  }
0x39c: {  	v6 =	vmul.f32 v43, v3  }
0x39d: {  	v44 =	vld [tilespmem:$0xC7A0]  }
0x39e: {  	v6 =	vadd.f32 v6, v4;
	_ =	sdelay $0x1  }
0x39f: {  	v5 =	vmul.f32 v6, v5  }
0x3a0: {  	v45 =	vld [tilespmem:s18+$0x830]  }
0x3a1: {  	v5 =	vadd.f32 v5, v44;
	_ =	sdelay $0x1  }
0x3a2: {  	[tilespmem:s18+$0x820] =	vst v5  }
0x3a3: {  	v5 =	vld [tilespmem:$0xC4B0]  }
0x3a4: {  	v6 =	vmul.f32 v45, v3  }
0x3a5: {  	v46 =	vld [tilespmem:$0xC7B0]  }
0x3a6: {  	v6 =	vadd.f32 v6, v4;
	_ =	sdelay $0x1  }
0x3a7: {  	v5 =	vmul.f32 v6, v5  }
0x3a8: {  	v47 =	vld [tilespmem:s18+$0x840]  }
0x3a9: {  	v5 =	vadd.f32 v5, v46;
	_ =	sdelay $0x1  }
0x3aa: {  	[tilespmem:s18+$0x830] =	vst v5  }
0x3ab: {  	v5 =	vld [tilespmem:$0xC4C0]  }
0x3ac: {  	v6 =	vmul.f32 v47, v3  }
0x3ad: {  	v48 =	vld [tilespmem:$0xC7C0]  }
0x3ae: {  	v6 =	vadd.f32 v6, v4;
	_ =	sdelay $0x1  }
0x3af: {  	v5 =	vmul.f32 v6, v5  }
0x3b0: {  	v49 =	vld [tilespmem:s18+$0x850]  }
0x3b1: {  	v5 =	vadd.f32 v5, v48;
	_ =	sdelay $0x1  }
0x3b2: {  	[tilespmem:s18+$0x840] =	vst v5  }
0x3b3: {  	v5 =	vld [tilespmem:$0xC4D0]  }
0x3b4: {  	v6 =	vmul.f32 v49, v3  }
0x3b5: {  	v50 =	vld [tilespmem:$0xC7D0]  }
0x3b6: {  	v6 =	vadd.f32 v6, v4;
	_ =	sdelay $0x1  }
0x3b7: {  	v5 =	vmul.f32 v6, v5  }
0x3b8: {  	v51 =	vld [tilespmem:s18+$0x860]  }
0x3b9: {  	v5 =	vadd.f32 v5, v50;
	_ =	sdelay $0x1  }
0x3ba: {  	[tilespmem:s18+$0x850] =	vst v5  }
0x3bb: {  	v5 =	vld [tilespmem:$0xC4E0]  }
0x3bc: {  	v6 =	vmul.f32 v51, v3  }
0x3bd: {  	v52 =	vld [tilespmem:$0xC7E0]  }
0x3be: {  	v6 =	vadd.f32 v6, v4;
	_ =	sdelay $0x1  }
0x3bf: {  	v5 =	vmul.f32 v6, v5  }
0x3c0: {  	v53 =	vld [tilespmem:s18+$0x870]  }
0x3c1: {  	v5 =	vadd.f32 v5, v52;
	_ =	sdelay $0x1  }
0x3c2: {  	[tilespmem:s18+$0x860] =	vst v5  }
0x3c3: {  	v5 =	vld [tilespmem:$0xC4F0]  }
0x3c4: {  	v6 =	vmul.f32 v53, v3  }
0x3c5: {  	v54 =	vld [tilespmem:$0xC7F0]  }
0x3c6: {  	v6 =	vadd.f32 v6, v4;
	_ =	sdelay $0x1  }
0x3c7: {  	v5 =	vmul.f32 v6, v5  }
0x3c8: {  	v55 =	vld [tilespmem:s18+$0xC00]  }
0x3c9: {  	v5 =	vadd.f32 v5, v54;
	_ =	sdelay $0x1  }
0x3ca: {  	[tilespmem:s18+$0x870] =	vst v5  }
0x3cb: {  	v5 =	vld [tilespmem:$0xC500]  }
0x3cc: {  	v6 =	vmul.f32 v55, v3  }
0x3cd: {  	v56 =	vld [tilespmem:$0xC800]  }
0x3ce: {  	v6 =	vadd.f32 v6, v4;
	_ =	sdelay $0x1  }
0x3cf: {  	v5 =	vmul.f32 v6, v5  }
0x3d0: {  	v57 =	vld [tilespmem:s18+$0xC10]  }
0x3d1: {  	v5 =	vadd.f32 v5, v56;
	_ =	sdelay $0x1  }
0x3d2: {  	[tilespmem:s18+$0xC00] =	vst v5  }
0x3d3: {  	v5 =	vld [tilespmem:$0xC510]  }
0x3d4: {  	v6 =	vmul.f32 v57, v3  }
0x3d5: {  	v58 =	vld [tilespmem:$0xC810]  }
0x3d6: {  	v6 =	vadd.f32 v6, v4;
	_ =	sdelay $0x1  }
0x3d7: {  	v5 =	vmul.f32 v6, v5  }
0x3d8: {  	v59 =	vld [tilespmem:s18+$0xC20]  }
0x3d9: {  	v5 =	vadd.f32 v5, v58;
	_ =	sdelay $0x1  }
0x3da: {  	[tilespmem:s18+$0xC10] =	vst v5  }
0x3db: {  	v5 =	vld [tilespmem:$0xC520]  }
0x3dc: {  	v6 =	vmul.f32 v59, v3  }
0x3dd: {  	v60 =	vld [tilespmem:$0xC820]  }
0x3de: {  	v6 =	vadd.f32 v6, v4;
	_ =	sdelay $0x1  }
0x3df: {  	v5 =	vmul.f32 v6, v5  }
0x3e0: {  	v61 =	vld [tilespmem:s18+$0xC30]  }
0x3e1: {  	v5 =	vadd.f32 v5, v60;
	_ =	sdelay $0x1  }
0x3e2: {  	[tilespmem:s18+$0xC20] =	vst v5  }
0x3e3: {  	v5 =	vld [tilespmem:$0xC530]  }
0x3e4: {  	v6 =	vmul.f32 v61, v3  }
0x3e5: {  	v62 =	vld [tilespmem:$0xC830]  }
0x3e6: {  	v6 =	vadd.f32 v6, v4;
	_ =	sdelay $0x1  }
0x3e7: {  	v5 =	vmul.f32 v6, v5  }
0x3e8: {  	v63 =	vld [tilespmem:s18+$0xC40]  }
0x3e9: {  	v5 =	vadd.f32 v5, v62;
	_ =	sdelay $0x1  }
0x3ea: {  	[tilespmem:s18+$0xC30] =	vst v5  }
0x3eb: {  	v5 =	vld [tilespmem:$0xC540]  }
0x3ec: {  	v6 =	vmul.f32 v63, v3  }
0x3ed: {  	v9 =	vld [tilespmem:$0xC840]  }
0x3ee: {  	v6 =	vadd.f32 v6, v4;
	_ =	sdelay $0x1  }
0x3ef: {  	v5 =	vmul.f32 v6, v5  }
0x3f0: {  	v10 =	vld [tilespmem:s18+$0xC50]  }
0x3f1: {  	v5 =	vadd.f32 v5, v9;
	_ =	sdelay $0x1  }
0x3f2: {  	[tilespmem:s18+$0xC40] =	vst v5  }
0x3f3: {  	v5 =	vld [tilespmem:$0xC550]  }
0x3f4: {  	v6 =	vmul.f32 v10, v3  }
0x3f5: {  	v11 =	vld [tilespmem:$0xC850]  }
0x3f6: {  	v6 =	vadd.f32 v6, v4;
	_ =	sdelay $0x1  }
0x3f7: {  	v5 =	vmul.f32 v6, v5  }
0x3f8: {  	v12 =	vld [tilespmem:s18+$0xC60]  }
0x3f9: {  	v5 =	vadd.f32 v5, v11;
	_ =	sdelay $0x1  }
0x3fa: {  	[tilespmem:s18+$0xC50] =	vst v5  }
0x3fb: {  	v5 =	vld [tilespmem:$0xC560]  }
0x3fc: {  	v6 =	vmul.f32 v12, v3  }
0x3fd: {  	v13 =	vld [tilespmem:$0xC860]  }
0x3fe: {  	v6 =	vadd.f32 v6, v4;
	_ =	sdelay $0x1  }
0x3ff: {  	v5 =	vmul.f32 v6, v5  }
0x400: {  	v14 =	vld [tilespmem:s18+$0xC70]  }
0x401: {  	v5 =	vadd.f32 v5, v13;
	_ =	sdelay $0x1  }
0x402: {  	[tilespmem:s18+$0xC60] =	vst v5  }
0x403: {  	v5 =	vld [tilespmem:$0xC570]  }
0x404: {  	v6 =	vmul.f32 v14, v3  }
0x405: {  	v15 =	vld [tilespmem:$0xC870]  }
0x406: {  	v6 =	vadd.f32 v6, v4;
	_ =	sdelay $0x1  }
0x407: {  	v5 =	vmul.f32 v6, v5  }
0x408: {  	v16 =	vld [tilespmem:s18+$0x1000]  }
0x409: {  	v5 =	vadd.f32 v5, v15;
	_ =	sdelay $0x1  }
0x40a: {  	[tilespmem:s18+$0xC70] =	vst v5  }
0x40b: {  	v5 =	vld [tilespmem:$0xC580]  }
0x40c: {  	v6 =	vmul.f32 v16, v3  }
0x40d: {  	v17 =	vld [tilespmem:$0xC880]  }
0x40e: {  	v6 =	vadd.f32 v6, v4;
	_ =	sdelay $0x1  }
0x40f: {  	v5 =	vmul.f32 v6, v5  }
0x410: {  	v18 =	vld [tilespmem:s18+$0x1010]  }
0x411: {  	v5 =	vadd.f32 v5, v17;
	_ =	sdelay $0x1  }
0x412: {  	[tilespmem:s18+$0x1000] =	vst v5  }
0x413: {  	v5 =	vld [tilespmem:$0xC590]  }
0x414: {  	v6 =	vmul.f32 v18, v3  }
0x415: {  	v19 =	vld [tilespmem:$0xC890]  }
0x416: {  	v6 =	vadd.f32 v6, v4;
	_ =	sdelay $0x1  }
0x417: {  	v5 =	vmul.f32 v6, v5  }
0x418: {  	v20 =	vld [tilespmem:s18+$0x1020]  }
0x419: {  	v5 =	vadd.f32 v5, v19;
	_ =	sdelay $0x1  }
0x41a: {  	[tilespmem:s18+$0x1010] =	vst v5  }
0x41b: {  	v5 =	vld [tilespmem:$0xC5A0]  }
0x41c: {  	v6 =	vmul.f32 v20, v3  }
0x41d: {  	v21 =	vld [tilespmem:$0xC8A0]  }
0x41e: {  	v6 =	vadd.f32 v6, v4;
	_ =	sdelay $0x1  }
0x41f: {  	v5 =	vmul.f32 v6, v5  }
0x420: {  	v22 =	vld [tilespmem:s18+$0x1030]  }
0x421: {  	v5 =	vadd.f32 v5, v21;
	_ =	sdelay $0x1  }
0x422: {  	[tilespmem:s18+$0x1020] =	vst v5  }
0x423: {  	v5 =	vld [tilespmem:$0xC5B0]  }
0x424: {  	v6 =	vmul.f32 v22, v3  }
0x425: {  	v23 =	vld [tilespmem:$0xC8B0]  }
0x426: {  	v6 =	vadd.f32 v6, v4;
	_ =	sdelay $0x1  }
0x427: {  	v5 =	vmul.f32 v6, v5  }
0x428: {  	v24 =	vld [tilespmem:s18+$0x1040]  }
0x429: {  	v5 =	vadd.f32 v5, v23;
	_ =	sdelay $0x1  }
0x42a: {  	[tilespmem:s18+$0x1030] =	vst v5  }
0x42b: {  	v5 =	vld [tilespmem:$0xC5C0]  }
0x42c: {  	v6 =	vmul.f32 v24, v3  }
0x42d: {  	v25 =	vld [tilespmem:$0xC8C0]  }
0x42e: {  	v6 =	vadd.f32 v6, v4;
	_ =	sdelay $0x1  }
0x42f: {  	v5 =	vmul.f32 v6, v5  }
0x430: {  	v26 =	vld [tilespmem:s18+$0x1050]  }
0x431: {  	v5 =	vadd.f32 v5, v25;
	_ =	sdelay $0x1  }
0x432: {  	[tilespmem:s18+$0x1040] =	vst v5  }
0x433: {  	v5 =	vld [tilespmem:$0xC5D0]  }
0x434: {  	v6 =	vmul.f32 v26, v3  }
0x435: {  	v27 =	vld [tilespmem:$0xC8D0]  }
0x436: {  	v6 =	vadd.f32 v6, v4;
	_ =	sdelay $0x1  }
0x437: {  	v5 =	vmul.f32 v6, v5  }
0x438: {  	v28 =	vld [tilespmem:s18+$0x1060]  }
0x439: {  	v5 =	vadd.f32 v5, v27;
	_ =	sdelay $0x1  }
0x43a: {  	[tilespmem:s18+$0x1050] =	vst v5  }
0x43b: {  	v5 =	vld [tilespmem:$0xC5E0]  }
0x43c: {  	v6 =	vmul.f32 v28, v3  }
0x43d: {  	v29 =	vld [tilespmem:$0xC8E0]  }
0x43e: {  	v6 =	vadd.f32 v6, v4;
	_ =	sdelay $0x1  }
0x43f: {  	v5 =	vmul.f32 v6, v5  }
0x440: {  	v30 =	vld [tilespmem:s18+$0x1070]  }
0x441: {  	v5 =	vadd.f32 v5, v29;
	_ =	sdelay $0x1  }
0x442: {  	[tilespmem:s18+$0x1060] =	vst v5  }
0x443: {  	v5 =	vld [tilespmem:$0xC5F0]  }
0x444: {  	v6 =	vmul.f32 v30, v3  }
0x445: {  	v31 =	vld [tilespmem:$0xC8F0]  }
0x446: {  	v6 =	vadd.f32 v6, v4;
	_ =	sdelay $0x1  }
0x447: {  	v5 =	vmul.f32 v6, v5  }
0x448: {  	v32 =	vld [tilespmem:s18+$0x1400]  }
0x449: {  	v5 =	vadd.f32 v5, v31;
	_ =	sdelay $0x1  }
0x44a: {  	[tilespmem:s18+$0x1070] =	vst v5  }
0x44b: {  	v5 =	vld [tilespmem:$0xC600]  }
0x44c: {  	v6 =	vmul.f32 v32, v3  }
0x44d: {  	v33 =	vld [tilespmem:$0xC900]  }
0x44e: {  	v6 =	vadd.f32 v6, v4;
	_ =	sdelay $0x1  }
0x44f: {  	v5 =	vmul.f32 v6, v5  }
0x450: {  	v34 =	vld [tilespmem:s18+$0x1410]  }
0x451: {  	v5 =	vadd.f32 v5, v33;
	_ =	sdelay $0x1  }
0x452: {  	[tilespmem:s18+$0x1400] =	vst v5  }
0x453: {  	v5 =	vld [tilespmem:$0xC610]  }
0x454: {  	v6 =	vmul.f32 v34, v3  }
0x455: {  	v35 =	vld [tilespmem:$0xC910]  }
0x456: {  	v6 =	vadd.f32 v6, v4;
	_ =	sdelay $0x1  }
0x457: {  	v5 =	vmul.f32 v6, v5  }
0x458: {  	v36 =	vld [tilespmem:s18+$0x1420]  }
0x459: {  	v5 =	vadd.f32 v5, v35;
	_ =	sdelay $0x1  }
0x45a: {  	[tilespmem:s18+$0x1410] =	vst v5  }
0x45b: {  	v5 =	vld [tilespmem:$0xC620]  }
0x45c: {  	v6 =	vmul.f32 v36, v3  }
0x45d: {  	v37 =	vld [tilespmem:$0xC920]  }
0x45e: {  	v6 =	vadd.f32 v6, v4;
	_ =	sdelay $0x1  }
0x45f: {  	v5 =	vmul.f32 v6, v5  }
0x460: {  	v38 =	vld [tilespmem:s18+$0x1430]  }
0x461: {  	v5 =	vadd.f32 v5, v37;
	_ =	sdelay $0x1  }
0x462: {  	[tilespmem:s18+$0x1420] =	vst v5  }
0x463: {  	v5 =	vld [tilespmem:$0xC630]  }
0x464: {  	v6 =	vmul.f32 v38, v3  }
0x465: {  	v39 =	vld [tilespmem:$0xC930]  }
0x466: {  	v6 =	vadd.f32 v6, v4;
	_ =	sdelay $0x1  }
0x467: {  	v5 =	vmul.f32 v6, v5  }
0x468: {  	v40 =	vld [tilespmem:s18+$0x1440]  }
0x469: {  	v5 =	vadd.f32 v5, v39;
	_ =	sdelay $0x1  }
0x46a: {  	[tilespmem:s18+$0x1430] =	vst v5  }
0x46b: {  	v5 =	vld [tilespmem:$0xC640]  }
0x46c: {  	v6 =	vmul.f32 v40, v3  }
0x46d: {  	v41 =	vld [tilespmem:$0xC940]  }
0x46e: {  	v6 =	vadd.f32 v6, v4;
	_ =	sdelay $0x1  }
0x46f: {  	v5 =	vmul.f32 v6, v5  }
0x470: {  	v42 =	vld [tilespmem:s18+$0x1450]  }
0x471: {  	v5 =	vadd.f32 v5, v41;
	_ =	sdelay $0x1  }
0x472: {  	[tilespmem:s18+$0x1440] =	vst v5  }
0x473: {  	v5 =	vld [tilespmem:$0xC650]  }
0x474: {  	v6 =	vmul.f32 v42, v3  }
0x475: {  	v43 =	vld [tilespmem:$0xC950]  }
0x476: {  	v6 =	vadd.f32 v6, v4;
	_ =	sdelay $0x1  }
0x477: {  	v5 =	vmul.f32 v6, v5  }
0x478: {  	v44 =	vld [tilespmem:s18+$0x1460]  }
0x479: {  	v5 =	vadd.f32 v5, v43;
	_ =	sdelay $0x1  }
0x47a: {  	[tilespmem:s18+$0x1450] =	vst v5  }
0x47b: {  	v5 =	vld [tilespmem:$0xC660]  }
0x47c: {  	v6 =	vmul.f32 v44, v3  }
0x47d: {  	v45 =	vld [tilespmem:$0xC960]  }
0x47e: {  	v6 =	vadd.f32 v6, v4;
	_ =	sdelay $0x1  }
0x47f: {  	v5 =	vmul.f32 v6, v5  }
0x480: {  	v46 =	vld [tilespmem:s18+$0x1470]  }
0x481: {  	v5 =	vadd.f32 v5, v45;
	_ =	sdelay $0x1  }
0x482: {  	[tilespmem:s18+$0x1460] =	vst v5  }
0x483: {  	v5 =	vld [tilespmem:$0xC670]  }
0x484: {  	v6 =	vmul.f32 v46, v3  }
0x485: {  	v47 =	vld [tilespmem:$0xC970]  }
0x486: {  	v6 =	vadd.f32 v6, v4;
	_ =	sdelay $0x1  }
0x487: {  	v5 =	vmul.f32 v6, v5  }
0x488: {  	v48 =	vld [tilespmem:s18+$0x1800]  }
0x489: {  	v5 =	vadd.f32 v5, v47;
	_ =	sdelay $0x1  }
0x48a: {  	[tilespmem:s18+$0x1470] =	vst v5  }
0x48b: {  	v5 =	vld [tilespmem:$0xC680]  }
0x48c: {  	v6 =	vmul.f32 v48, v3  }
0x48d: {  	v49 =	vld [tilespmem:$0xC980]  }
0x48e: {  	v6 =	vadd.f32 v6, v4;
	_ =	sdelay $0x1  }
0x48f: {  	v5 =	vmul.f32 v6, v5  }
0x490: {  	v50 =	vld [tilespmem:s18+$0x1810]  }
0x491: {  	v5 =	vadd.f32 v5, v49;
	_ =	sdelay $0x1  }
0x492: {  	[tilespmem:s18+$0x1800] =	vst v5  }
0x493: {  	v5 =	vld [tilespmem:$0xC690]  }
0x494: {  	v6 =	vmul.f32 v50, v3  }
0x495: {  	v51 =	vld [tilespmem:$0xC990]  }
0x496: {  	v6 =	vadd.f32 v6, v4;
	_ =	sdelay $0x1  }
0x497: {  	v5 =	vmul.f32 v6, v5  }
0x498: {  	v52 =	vld [tilespmem:s18+$0x1820]  }
0x499: {  	v5 =	vadd.f32 v5, v51;
	_ =	sdelay $0x1  }
0x49a: {  	[tilespmem:s18+$0x1810] =	vst v5  }
0x49b: {  	v5 =	vld [tilespmem:$0xC6A0]  }
0x49c: {  	v6 =	vmul.f32 v52, v3  }
0x49d: {  	v53 =	vld [tilespmem:$0xC9A0]  }
0x49e: {  	v6 =	vadd.f32 v6, v4;
	_ =	sdelay $0x1  }
0x49f: {  	v5 =	vmul.f32 v6, v5  }
0x4a0: {  	v54 =	vld [tilespmem:s18+$0x1830]  }
0x4a1: {  	v5 =	vadd.f32 v5, v53;
	_ =	sdelay $0x1  }
0x4a2: {  	[tilespmem:s18+$0x1820] =	vst v5  }
0x4a3: {  	v5 =	vld [tilespmem:$0xC6B0]  }
0x4a4: {  	v6 =	vmul.f32 v54, v3  }
0x4a5: {  	v55 =	vld [tilespmem:$0xC9B0]  }
0x4a6: {  	v6 =	vadd.f32 v6, v4;
	_ =	sdelay $0x1  }
0x4a7: {  	v5 =	vmul.f32 v6, v5  }
0x4a8: {  	v56 =	vld [tilespmem:s18+$0x1840]  }
0x4a9: {  	v5 =	vadd.f32 v5, v55;
	_ =	sdelay $0x1  }
0x4aa: {  	[tilespmem:s18+$0x1830] =	vst v5  }
0x4ab: {  	v5 =	vld [tilespmem:$0xC6C0]  }
0x4ac: {  	v6 =	vmul.f32 v56, v3  }
0x4ad: {  	v57 =	vld [tilespmem:$0xC9C0]  }
0x4ae: {  	v6 =	vadd.f32 v6, v4;
	_ =	sdelay $0x1  }
0x4af: {  	v5 =	vmul.f32 v6, v5  }
0x4b0: {  	v58 =	vld [tilespmem:s18+$0x1850]  }
0x4b1: {  	v5 =	vadd.f32 v5, v57;
	_ =	sdelay $0x1  }
0x4b2: {  	[tilespmem:s18+$0x1840] =	vst v5  }
0x4b3: {  	v5 =	vld [tilespmem:$0xC6D0]  }
0x4b4: {  	v6 =	vmul.f32 v58, v3  }
0x4b5: {  	v59 =	vld [tilespmem:$0xC9D0]  }
0x4b6: {  	v6 =	vadd.f32 v6, v4;
	_ =	sdelay $0x1  }
0x4b7: {  	v5 =	vmul.f32 v6, v5  }
0x4b8: {  	v60 =	vld [tilespmem:s18+$0x1860]  }
0x4b9: {  	v5 =	vadd.f32 v5, v59;
	_ =	sdelay $0x1  }
0x4ba: {  	[tilespmem:s18+$0x1850] =	vst v5  }
0x4bb: {  	v5 =	vld [tilespmem:$0xC6E0]  }
0x4bc: {  	v6 =	vmul.f32 v60, v3  }
0x4bd: {  	v61 =	vld [tilespmem:$0xC9E0]  }
0x4be: {  	v6 =	vadd.f32 v6, v4;
	_ =	sdelay $0x1  }
0x4bf: {  	v5 =	vmul.f32 v6, v5  }
0x4c0: {  	v62 =	vld [tilespmem:s18+$0x1870]  }
0x4c1: {  	v5 =	vadd.f32 v5, v61;
	_ =	sdelay $0x1  }
0x4c2: {  	[tilespmem:s18+$0x1860] =	vst v5  }
0x4c3: {  	v5 =	vld [tilespmem:$0xC6F0]  }
0x4c4: {  	v3 =	vmul.f32 v62, v3  }
0x4c5: {  	v63 =	vld [tilespmem:$0xC9F0]  }
0x4c6: {  	v3 =	vadd.f32 v3, v4  }
0x4c7: {  	p0 =	sne.s32 s17, $0x1F  }
.Ltmp2:
0x4c8: {  	v3 =	vmul.f32 v3, v5;
	(pc) =	sbr.rel @p0 .LBB2_7-.Ltmp2, $3  }
0x4c9: {  	_ = 	snop  }
0x4ca: {  	v3 =	vadd.f32 v3, v63;
	_ =	sdelay $0x1  }
0x4cb: {  	s16 =	sadd.s32 $0x80, s16;
	s17 =	sadd.s32 $0x1, s17;
	[tilespmem:s18+$0x1870] =	vst v3  }
0x4cc: {  	s8 =	smul.u32 $0x180000, s4;
	_ =	sdelay $0x1  }
0x4cd: {  	s4 =	sadd.s32 $0x1, s4;
	s8 =	sadd.s32 s9, s8  }
0x4ce: {  	p0 =	sne.s32 s4, $0x4;
	s8 =	sshrl.u32 s8, $0x3  }
.Ltmp3:
0x4cf: {  	s8 =	sadd.s32 s5, s8;
	(pc) =	sbr.rel @p0 .LBB2_6-.Ltmp3, $4  }
0x4d0: {  	[hbm4b:s8+s6] =	stream.linear.scatter [tilespmem:s19], [sflag:$0x2], $0x6000, $0x38;
	[tilespmem:$0xCA00] =	vst v63  }
0x4d1: {  	_ =	swait.ge [sflag:s15], $0x6000  }
0x4d2: {  	[sflag:s15] =	ssyncset.done $0x0  }
0x4d3: {  	[sflag:s15] =	ssyncadd.s32 $0xFFFFA000  }
0x4d4: {  	s2 =	sadd.s32 $0x1, s2  }
0x4d5: {  	p0 =	sne.s32 s2, s14  }
.Ltmp4:
0x4d6: {  	_ = 	snop;
	(pc) =	sbr.rel @p0 .LBB2_1-.Ltmp4, $2  }
0x4d7: {  	_ =	sdelay $0x2  }
0x4d8: {  	s8 =	simm.s32 $0x6400  }
0x4d9: {  	_ =	sfence.sel $0x180000  }
0x4da: {  	[bflag:$0x0] =	sbarrier.arrive $0xFFFF  }
0x4db: {  	_ =	strace $0x90000047  }
0x4dc: {  	s0 =	stileid.u32;
	[bflag:$0x2] =	sbarrier.arrive $0xFFFF  }
0x4dd: {  	p0 =	sne.s32 s0, $0x0;
	s0 =	rddreg [dreg:$0x6]  }
0x4de: {  	s0 =	sadd.s32 @!p0 $0x100000, s0  }
0x4df: {  	[sflag:s0] =	ssyncadd.tile.s32 @!p0 $0x1;
	_ =	shalt  }
.Lfunc_end2:
_tile_overlayer_lowered:
.L_overlay_start_2:
0x4e0: {  	(tag) =	ssettag $0x2  }
0x4e1: {  	s0 =	rddreg [dreg:$0x0];
	s2 =	stileid.u32  }
0x4e2: {  	s1 =	rddreg [dreg:$0x1];
	p0 =	sne.s32 s2, $0x0  }
0x4e3: {  	s3 =	rddreg [dreg:$0x2];
	[bflag:$0x3] =	sbarrier.arrive $0xFFFF;
	s2 =	simm.s32 @!p0 $0x1C02  }
0x4e4: {  	[timem:s3], [sflag:s2] =	dma.local @!p0 [hbm:s0], s1  }
0x4e5: {  	s0 =	simm.s32 @!p0 $0x2  }
0x4e6: {  	_ =	swait.ge @!p0 [sflag:s0], s1  }
0x4e7: {  	s1 =	ssub.s32 @!p0 $0x0, s1;
	[sflag:s0] =	ssyncset.done @!p0 $0x0  }
0x4e8: {  	[sflag:s0] =	ssyncadd.s32 @!p0 s1  }
0x4e9: {  	[bflag:$0x3] =	sbarrier.arrive $0xFFFF  }
0x4ea: {  	_ =	shalt  }

</sc_bundles>
